<compile_context>
chip_gen: v7x
topology: tpu7x:2x2x1
jax: 0.10.2.dev20260603
libtpu: 0.0.44.dev20260713+nightly
codegen_flags: <defaults>
</compile_context>

<pallas_src>
import functools

import numpy as np
import jax
import jax.numpy as jnp
from jax import lax
from jax.experimental import pallas as pl
from jax.experimental.pallas import tpu as pltpu
from jax.experimental.pallas import tpu_sc as plsc

RADIUS = 0.4
K = 64
B, N, S, C = 4, 8192, 1024, 128
NW = N // 16
NG = NW // 16
CH = C + 3
ROWS = B * S
PAIRS = ROWS // 2
S2 = S // 2
XROWS = B * 3 * S2
S_BLK = 128
R2 = RADIUS * RADIUS
TS = 16
TSK = TS * K


def _seg_matrix() -> np.ndarray:
    i = np.arange(N)
    w = np.arange(NW)
    segf = np.where((i[:, None] // 16) == w[None, :],
                    (2.0 ** (i % 16))[:, None], 0.0).astype(np.float32)
    return segf.astype(jnp.bfloat16)


_SEG = _seg_matrix()


def _pack_body(nx_ref, xyzT_ref, seg_ref, out_ref):
    nx = nx_ref[0]
    p = xyzT_ref[0]
    acc = None
    for c in range(3):
        qc = nx[:, c:c + 1]
        pc = p[c:c + 1, :]
        d = qc - pc
        acc = d * d if acc is None else acc + d * d
    m = (acc < R2).astype(jnp.bfloat16)
    w = lax.dot_general(m, seg_ref[...], (((1,), (0,)), ((), ())),
                        preferred_element_type=jnp.float32)
    out_ref[...] = w.astype(jnp.int32)


def _pack_words(new_xyz, xyzT, seg):
    return pl.pallas_call(
        _pack_body,
        grid=(B, S // S_BLK),
        in_specs=[
            pl.BlockSpec((1, S_BLK, 3), lambda b, sb: (b, sb, 0)),
            pl.BlockSpec((1, 3, N), lambda b, sb: (b, 0, 0)),
            pl.BlockSpec((N, NW), lambda b, sb: (0, 0)),
        ],
        out_specs=pl.BlockSpec((S_BLK, NW),
                               lambda b, sb: (b * (S // S_BLK) + sb, 0)),
        out_shape=jax.ShapeDtypeStruct((ROWS, NW), jnp.int32),
    )(new_xyz, xyzT, seg)


@functools.cache
def _sc_group():
    mesh = plsc.VectorSubcoreMesh(core_axis_name="c", subcore_axis_name="s")
    nwork = mesh.num_cores * mesh.num_subcores
    ppw = PAIRS // nwork
    qpw = ppw * 2

    def body(words_hbm, nxp_hbm, xyzp_hbm, feat_hbm, stag_hbm,
             wv, idxv, lidxv0, lidxv1, lidxv2, lidxv3,
             gidxv0, gidxv1, gidxv2, gidxv3, xv, gv0, gv1, gv2, gv3,
             xyzv0, xyzv1, xyzv2, xyzv3, nxav, xiv0, xiv1, xiv2, xiv3,
             semg0, semg1, semg2, semg3, sems):
        lidxvs = (lidxv0, lidxv1, lidxv2, lidxv3)
        gidxvs = (gidxv0, gidxv1, gidxv2, gidxv3)
        gvs = (gv0, gv1, gv2, gv3)
        xyzvs = (xyzv0, xyzv1, xyzv2, xyzv3)
        xivs = (xiv0, xiv1, xiv2, xiv3)
        semgs = (semg0, semg1, semg2, semg3)
        iota16 = lax.iota(jnp.int32, 16)
        wid = lax.axis_index("s") * mesh.num_cores + lax.axis_index("c")
        batch = (wid * qpw) // S
        bn = batch * N
        hx = pltpu.async_copy(xyzp_hbm.at[pl.ds(batch * N * 4, N * 4)], xv,
                              semg0)
        hn = pltpu.async_copy(nxp_hbm.at[pl.ds(wid * qpw * 16, qpw * 16)],
                              nxav, semg1)
        hx.wait()
        hn.wait()

        def select(q, lidxv):
            idxv[q, pl.ds(0, 16)] = jnp.zeros((16,), jnp.int32)

            def sel_cond(carry):
                g, ws, cnt = carry
                return (g < NG) & (cnt < K)

            def sel_body(carry):
                g, ws, cnt = carry
                nz = ws != 0
                nzp = plsc.all_reduce_population_count(nz)[0]
                wlv = plsc.all_reduce_ffs(nz)
                wl_safe = jnp.minimum(wlv, 15)
                wb = plsc.load_gather(wv, [jnp.full((16,), q, jnp.int32),
                                           16 * g + wl_safe])
                bits = (wb >> iota16) & 1
                msk = (bits == 1) & (nzp > 0)
                vals = (g * 16 + wlv) * 16 + iota16
                plsc.store_compressed(idxv.at[q].at[pl.ds(cnt, 16)],
                                      vals, mask=msk)
                cnt = cnt + plsc.all_reduce_population_count(msk)[0]
                ws = jnp.where(iota16 == wlv, 0, ws)
                adv = plsc.all_reduce_population_count(ws != 0)[0] == 0
                gn = g + jnp.where(adv, jnp.int32(1), jnp.int32(0))
                wsl = wv[q, pl.ds(16 * jnp.minimum(gn, NG - 1), 16)]
                ws = jnp.where(adv, wsl, ws)
                return gn, ws, cnt

            ws0 = wv[q, pl.ds(0, 16)]
            _, _, cnt = lax.while_loop(
                sel_cond, sel_body, (jnp.int32(0), ws0, jnp.int32(0)))

            idx0 = idxv[q, pl.ds(0, 16)]
            first = idx0[0]
            qh = q % 2
            for j in range(K // 16):
                v = idxv[q, pl.ds(16 * j, 16)]
                pos = 16 * j + iota16
                lidxv[pl.ds(qh * K + 16 * j, 16)] = jnp.where(
                    pos < cnt, v, first)

        def xyz_chan(u, pair_off, lidxv, xyzv, xiv):
            pair = wid * ppw + 4 * u + pair_off
            q0 = (4 * u + pair_off) * 2
            xbase = ROWS * K + batch * 3 * S2 + pair % S2
            xiv[...] = jnp.where(iota16 < 3, xbase + iota16 * S2,
                                 ROWS * K + XROWS + (iota16 - 3))
            nx0 = nxav[pl.ds(q0 * 16, 16)]
            nx1 = nxav[pl.ds(q0 * 16 + 16, 16)]
            for c in range(3):
                for j in range(8):
                    sub = nx0[c] if j < 4 else nx1[c]
                    rows = lidxv[pl.ds(16 * j, 16)]
                    vals = plsc.load_gather(xv, [rows * 4 + c])
                    xyzv[c, pl.ds(16 * j, 16)] = vals * (1.0 / RADIUS) - sub

        def u_body(u, _):
            pair0 = wid * ppw + 4 * u
            pltpu.sync_copy(words_hbm.at[pl.ds(pair0 * 2, 8)], wv)

            hgs = []
            for t in range(4):
                select(2 * t, lidxvs[t])
                select(2 * t + 1, lidxvs[t])
                for j in range(8):
                    gidxvs[t][pl.ds(16 * j, 16)] = (
                        lidxvs[t][pl.ds(16 * j, 16)] + bn)
                hgs.append(pltpu.async_copy(feat_hbm.at[gidxvs[t]],
                                            gvs[t], semgs[t]))

            hws = []
            for t in range(4):
                xyz_chan(u, t, lidxvs[t], xyzvs[t], xivs[t])
                hws.append(pltpu.async_copy(xyzvs[t], stag_hbm.at[xivs[t]],
                                            sems))
            for t in range(4):
                hgs[t].wait()
                hws.append(pltpu.async_copy(
                    gvs[t], stag_hbm.at[pl.ds((pair0 + t) * 128, 128)],
                    sems))
            for h in hws:
                h.wait()
            return 0

        lax.fori_loop(0, ppw // 4, u_body, 0)

    return pl.kernel(
        body,
        out_type=jax.ShapeDtypeStruct((ROWS * K + XROWS + 16, C),
                                      jnp.float32),
        mesh=mesh,
        compiler_params=pltpu.CompilerParams(needs_layout_passes=False),
        scratch_types=(
            [pltpu.VMEM((8, NW), jnp.int32),
             pltpu.VMEM((8, 96), jnp.int32)]
            + [pltpu.VMEM((2 * K,), jnp.int32)] * 8
            + [pltpu.VMEM((N * 4,), jnp.float32)]
            + [pltpu.VMEM((2 * K, C), jnp.float32)] * 4
            + [pltpu.VMEM((16, 2 * K), jnp.float32)] * 4
            + [pltpu.VMEM((PAIRS // nwork * 32,), jnp.float32)]
            + [pltpu.VMEM((16,), jnp.int32)] * 4
            + [pltpu.SemaphoreType.DMA] * 5
        ),
    )


def _asm_body(stag_ref, xyzc_ref, out_ref):
    x = stag_ref[0]
    out_ref[0, 0:3, :] = xyzc_ref[0]
    out_ref[0, 3:CH, :] = jnp.swapaxes(x, 0, 1)


def _assemble(stag, xyzc):
    stag3 = stag.reshape(B, S * K, C)
    xyz3 = xyzc.reshape(B, 3, S * K)
    return pl.pallas_call(
        _asm_body,
        grid=(B, (S * K) // TSK),
        in_specs=[
            pl.BlockSpec((1, TSK, C), lambda b, t: (b, t, 0)),
            pl.BlockSpec((1, 3, TSK), lambda b, t: (b, 0, t)),
        ],
        out_specs=pl.BlockSpec((1, CH, TSK), lambda b, t: (b, 0, t)),
        out_shape=jax.ShapeDtypeStruct((B, CH, S * K), jnp.float32),
    )(stag3, xyz3)


@jax.jit
def _pipeline(xyz, new_xyz, features):
    xyzT = jnp.transpose(xyz, (0, 2, 1))
    words = _pack_words(new_xyz, xyzT, jnp.asarray(_SEG))
    featT = jnp.transpose(features, (0, 2, 1)).reshape(B * N, C)
    xyzp = jnp.concatenate(
        [xyz, jnp.zeros((B, N, 1), jnp.float32)], axis=-1).reshape(-1)
    nxp = jnp.pad(new_xyz.reshape(ROWS, 3) * (1.0 / RADIUS),
                  ((0, 0), (0, 13))).reshape(-1)
    merged = _sc_group()(words, nxp, xyzp, featT)
    stagf = merged[:ROWS * K].reshape(B, S, K, C)
    featc = jnp.transpose(stagf, (0, 3, 1, 2))
    xyzc = merged[ROWS * K:ROWS * K + XROWS].reshape(B, 3, S, K)
    return jnp.concatenate([xyzc, featc], axis=1)


def kernel(xyz, new_xyz, features):
    return _pipeline(xyz, new_xyz, features)

# --- scband reference (transcript-rebuilt; emitter-appended) ---
"""Pipeline reference for scband-query-and-group-pn-49804440764924 (READ-ONLY COPY).

The authoritative reference and input builder live on the scoring server;
editing this copy changes nothing except your own understanding.
"""

import jax, jax.numpy as jnp
import numpy as np

RADIUS = 0.4
NSAMPLE = 64


def setup_inputs(seed: int = 0) -> dict:
    key = jax.random.key(seed)
    k1, k2, k3 = jax.random.split(key, 3)
    xyz = jax.random.normal(k1, (4, 8192, 3), dtype=jnp.float32)
    new_xyz = jax.random.normal(k2, (4, 1024, 3), dtype=jnp.float32)
    features = jax.random.normal(k3, (4, 128, 8192), dtype=jnp.float32)
    return {"xyz": xyz, "new_xyz": new_xyz, "features": features}


def _ball_query(radius, nsample, xyz, new_xyz):
    # xyz (B, N, 3), new_xyz (B, S, 3) -> idx (B, S, nsample) int32
    N = xyz.shape[1]
    d2 = jnp.sum((new_xyz[:, :, None, :] - xyz[:, None, :, :]) ** 2, axis=-1)
    mask = d2 < (radius * radius)
    # smallest in-ball indices first (CUDA ball_query semantics)
    val = jnp.where(mask, -jnp.arange(N, dtype=jnp.int32)[None, None, :], jnp.int32(-(N + 1)))
    _, idx = jax.lax.top_k(val, nsample)
    cnt = jnp.sum(mask, axis=-1, keepdims=True)
    valid = jnp.arange(nsample, dtype=jnp.int32)[None, None, :] < cnt
    # pad with the first found index (0 if none found)
    idx = jnp.where(valid, idx, idx[..., 0:1])
    return idx


def _knn_gather(x, idx):
    # x (B, N, C), idx (B, S, K) -> (B, S, K, C)
    return jax.vmap(lambda xb, ib: xb[ib])(x, idx)


def reference(xyz, new_xyz, features):
    idx = _ball_query(RADIUS, NSAMPLE, xyz, new_xyz)
    grouped_xyz = _knn_gather(xyz, idx)  # (B, S, K, 3)
    grouped_xyz = jnp.transpose(grouped_xyz, (0, 3, 1, 2))  # (B, 3, S, K)
    grouped_xyz = grouped_xyz - jnp.transpose(new_xyz, (0, 2, 1))[..., None]
    grouped_features = _knn_gather(jnp.transpose(features, (0, 2, 1)), idx)  # (B, S, K, C)
    grouped_features = jnp.transpose(grouped_features, (0, 3, 1, 2))  # (B, C, S, K)
    xyz_feature = grouped_xyz / RADIUS
    new_features = jnp.concatenate([xyz_feature, grouped_features], axis=1)
    return new_features

if __name__ == "__main__":
    import jax
    _d = setup_inputs()
    print(jax.jit(kernel)(*tuple(_d.values())))

</pallas_src>

<mosaic_0001>
#map = affine_map<(d0, d1) -> (0, 0)>
#map1 = affine_map<(d0, d1) -> (0)>
module attributes {stable_mosaic.version = 14 : i64} {
  func.func @body(%arg0: i32, %arg1: i32, %arg2: memref<4096x512xi32, #tpu.memory_space<hbm>>, %arg3: memref<65536xf32, #tpu.memory_space<hbm>>, %arg4: memref<131072xf32, #tpu.memory_space<hbm>>, %arg5: memref<32768x128xf32, #tpu.memory_space<hbm>>, %arg6: memref<268304x128xf32, #tpu.memory_space<hbm>>, %arg7: memref<8x512xi32, #tpu.memory_space<vmem>>, %arg8: memref<8x96xi32, #tpu.memory_space<vmem>>, %arg9: memref<128xi32, #tpu.memory_space<vmem>>, %arg10: memref<128xi32, #tpu.memory_space<vmem>>, %arg11: memref<128xi32, #tpu.memory_space<vmem>>, %arg12: memref<128xi32, #tpu.memory_space<vmem>>, %arg13: memref<128xi32, #tpu.memory_space<vmem>>, %arg14: memref<128xi32, #tpu.memory_space<vmem>>, %arg15: memref<128xi32, #tpu.memory_space<vmem>>, %arg16: memref<128xi32, #tpu.memory_space<vmem>>, %arg17: memref<32768xf32, #tpu.memory_space<vmem>>, %arg18: memref<128x128xf32, #tpu.memory_space<vmem>>, %arg19: memref<128x128xf32, #tpu.memory_space<vmem>>, %arg20: memref<128x128xf32, #tpu.memory_space<vmem>>, %arg21: memref<128x128xf32, #tpu.memory_space<vmem>>, %arg22: memref<16x128xf32, #tpu.memory_space<vmem>>, %arg23: memref<16x128xf32, #tpu.memory_space<vmem>>, %arg24: memref<16x128xf32, #tpu.memory_space<vmem>>, %arg25: memref<16x128xf32, #tpu.memory_space<vmem>>, %arg26: memref<2048xf32, #tpu.memory_space<vmem>>, %arg27: memref<16xi32, #tpu.memory_space<vmem>>, %arg28: memref<16xi32, #tpu.memory_space<vmem>>, %arg29: memref<16xi32, #tpu.memory_space<vmem>>, %arg30: memref<16xi32, #tpu.memory_space<vmem>>, %arg31: memref<!tpu.dma_semaphore, #tpu.memory_space<semaphore_mem>>, %arg32: memref<!tpu.dma_semaphore, #tpu.memory_space<semaphore_mem>>, %arg33: memref<!tpu.dma_semaphore, #tpu.memory_space<semaphore_mem>>, %arg34: memref<!tpu.dma_semaphore, #tpu.memory_space<semaphore_mem>>, %arg35: memref<!tpu.dma_semaphore, #tpu.memory_space<semaphore_mem>>) attributes {dimension_semantics = [#tpu.dimension_semantics<core_parallel>, #tpu.dimension_semantics<subcore_parallel>], iteration_bounds = array<i64: 2, 16>, scalar_prefetch = 0 : i64, scratch_operands = 29 : i64, tpu.core_type = #tpu.core_type<sc_vector_subcore>, window_params = [{transform_indices = #map}, {transform_indices = #map1}, {transform_indices = #map1}, {transform_indices = #map}, {transform_indices = #map}]} {
    %iota3A = tpu.iota {dimensions = array<i32: 0>} : vector<16xi32>
    %mul3A = arith.constant 2 : i32
    %mul3A_0 = arith.muli %arg1, %mul3A : i32
    %add3A = arith.addi %mul3A_0, %arg0 : i32
    %mul3A_1 = arith.constant 128 : i32
    %mul3A_2 = arith.muli %add3A, %mul3A_1 : i32
    %jit3A = arith.constant 1024 : i32
    %div3A = arith.divsi %mul3A_2, %jit3A : i32
    %sign3A = arith.constant 0 : i32
    %sign3A_3 = arith.cmpi sgt, %mul3A_2, %sign3A : i32
    %sign3A_4 = arith.extui %sign3A_3 : i1 to i32
    %sign3A_5 = arith.constant 0 : i32
    %sign3A_6 = arith.cmpi slt, %mul3A_2, %sign3A_5 : i32
    %sign3A_7 = arith.extui %sign3A_6 : i1 to i32
    %sign3A_8 = arith.subi %sign3A_4, %sign3A_7 : i32
    %sign3A_9 = arith.constant 0 : i32
    %sign3A_10 = arith.cmpi sgt, %jit3A, %sign3A_9 : i32
    %sign3A_11 = arith.extui %sign3A_10 : i1 to i32
    %sign3A_12 = arith.constant 0 : i32
    %sign3A_13 = arith.cmpi slt, %jit3A, %sign3A_12 : i32
    %sign3A_14 = arith.extui %sign3A_13 : i1 to i32
    %sign3A_15 = arith.subi %sign3A_11, %sign3A_14 : i32
    %ne3A = arith.cmpi ne, %sign3A_8, %sign3A_15 : i32
    %rem3A = arith.remsi %mul3A_2, %jit3A : i32
    %ne3A_16 = arith.constant 0 : i32
    %ne3A_17 = arith.cmpi ne, %rem3A, %ne3A_16 : i32
    %and3A = arith.andi %ne3A, %ne3A_17 : i1
    %sub3A = arith.constant 1 : i32
    %sub3A_18 = arith.subi %div3A, %sub3A : i32
    %select_n3A = arith.select %and3A, %sub3A_18, %div3A : i32
    %mul3A_19 = arith.constant 8192 : i32
    %mul3A_20 = arith.muli %select_n3A, %mul3A_19 : i32
    %mul3A_21 = arith.constant 8192 : i32
    %mul3A_22 = arith.muli %select_n3A, %mul3A_21 : i32
    %mul3A_23 = arith.constant 4 : i32
    %mul3A_24 = arith.muli %mul3A_22, %mul3A_23 : i32
    %dma_start3A = tpu.memref_slice %arg4[%mul3A_24] : memref<131072xf32, #tpu.memory_space<hbm>> -> memref<32768xf32, #tpu.memory_space<hbm>>
    %dma_start3A_25 = tpu.memref_slice %arg4[%mul3A_24] : memref<131072xf32, #tpu.memory_space<hbm>> -> memref<32768xf32, #tpu.memory_space<hbm>>
    tpu.enqueue_dma source(%dma_start3A_25 : memref<32768xf32, #tpu.memory_space<hbm>>) target(%arg17 : memref<32768xf32, #tpu.memory_space<vmem>>) target_semaphore(%arg31 : memref<!tpu.dma_semaphore, #tpu.memory_space<semaphore_mem>>)
    %mul3A_26 = arith.constant 128 : i32
    %mul3A_27 = arith.muli %add3A, %mul3A_26 : i32
    %mul3A_28 = arith.constant 16 : i32
    %mul3A_29 = arith.muli %mul3A_27, %mul3A_28 : i32
    %dma_start3A_30 = tpu.memref_slice %arg3[%mul3A_29] : memref<65536xf32, #tpu.memory_space<hbm>> -> memref<2048xf32, #tpu.memory_space<hbm>>
    %dma_start3A_31 = tpu.memref_slice %arg3[%mul3A_29] : memref<65536xf32, #tpu.memory_space<hbm>> -> memref<2048xf32, #tpu.memory_space<hbm>>
    tpu.enqueue_dma source(%dma_start3A_31 : memref<2048xf32, #tpu.memory_space<hbm>>) target(%arg26 : memref<2048xf32, #tpu.memory_space<vmem>>) target_semaphore(%arg32 : memref<!tpu.dma_semaphore, #tpu.memory_space<semaphore_mem>>)
    %dma_wait3A = tpu.memref_slice %arg4[%mul3A_24] : memref<131072xf32, #tpu.memory_space<hbm>> -> memref<32768xf32, #tpu.memory_space<hbm>>
    %dma_wait3A_32 = tpu.memref_slice %arg4[%mul3A_24] : memref<131072xf32, #tpu.memory_space<hbm>> -> memref<32768xf32, #tpu.memory_space<hbm>>
    tpu.wait_dma2 semaphore(%arg31 : memref<!tpu.dma_semaphore, #tpu.memory_space<semaphore_mem>>) src(%dma_wait3A_32 : memref<32768xf32, #tpu.memory_space<hbm>>) dst(%arg17 : memref<32768xf32, #tpu.memory_space<vmem>>)
    %dma_wait3A_33 = tpu.memref_slice %arg3[%mul3A_29] : memref<65536xf32, #tpu.memory_space<hbm>> -> memref<2048xf32, #tpu.memory_space<hbm>>
    %dma_wait3A_34 = tpu.memref_slice %arg3[%mul3A_29] : memref<65536xf32, #tpu.memory_space<hbm>> -> memref<2048xf32, #tpu.memory_space<hbm>>
    tpu.wait_dma2 semaphore(%arg32 : memref<!tpu.dma_semaphore, #tpu.memory_space<semaphore_mem>>) src(%dma_wait3A_34 : memref<2048xf32, #tpu.memory_space<hbm>>) dst(%arg26 : memref<2048xf32, #tpu.memory_space<vmem>>)
    %scan3A = arith.constant 0 : i32
    %scan3A_35 = arith.constant 0 : i32
    %scan3A_36 = arith.constant 16 : i32
    %scan3A_37 = arith.addi %scan3A_35, %scan3A_36 : i32
    %scan3A_38 = arith.constant 1 : i32
    %scan3A_39 = scf.for %scan3A_41 = %scan3A_35 to %scan3A_37 step %scan3A_38 iter_args(%scan3A_42 = %scan3A) -> (i32)  : i32 {
      %mul3A_43 = arith.constant 64 : i32
      %mul3A_44 = arith.muli %add3A, %mul3A_43 : i32
      %mul3A_45 = arith.constant 4 : i32
      %mul3A_46 = arith.muli %mul3A_45, %scan3A_41 : i32
      %add3A_47 = arith.addi %mul3A_44, %mul3A_46 : i32
      %mul3A_48 = arith.constant 2 : i32
      %mul3A_49 = arith.muli %add3A_47, %mul3A_48 : i32
      "tpu.region"() ({
        %run_scoped3A = tpu.sem_alloc : memref<!tpu.dma_semaphore, #tpu.memory_space<semaphore_mem>>
        %dma_start3A_3070 = arith.constant 0 : i32
        %dma_start3A_3071 = tpu.memref_slice %arg2[%mul3A_49, %dma_start3A_3070] : memref<4096x512xi32, #tpu.memory_space<hbm>> -> memref<8x512xi32, #tpu.memory_space<hbm>>
        %dma_start3A_3072 = arith.constant 0 : i32
        %dma_start3A_3073 = tpu.memref_slice %arg2[%mul3A_49, %dma_start3A_3072] : memref<4096x512xi32, #tpu.memory_space<hbm>> -> memref<8x512xi32, #tpu.memory_space<hbm>>
        tpu.enqueue_dma source(%dma_start3A_3073 : memref<8x512xi32, #tpu.memory_space<hbm>>) target(%arg7 : memref<8x512xi32, #tpu.memory_space<vmem>>) target_semaphore(%run_scoped3A : memref<!tpu.dma_semaphore, #tpu.memory_space<semaphore_mem>>)
        %dma_wait3A_3074 = arith.constant 0 : i32
        %dma_wait3A_3075 = tpu.memref_slice %arg2[%mul3A_49, %dma_wait3A_3074] : memref<4096x512xi32, #tpu.memory_space<hbm>> -> memref<8x512xi32, #tpu.memory_space<hbm>>
        %dma_wait3A_3076 = arith.constant 0 : i32
        %dma_wait3A_3077 = tpu.memref_slice %arg2[%mul3A_49, %dma_wait3A_3076] : memref<4096x512xi32, #tpu.memory_space<hbm>> -> memref<8x512xi32, #tpu.memory_space<hbm>>
        tpu.wait_dma2 semaphore(%run_scoped3A : memref<!tpu.dma_semaphore, #tpu.memory_space<semaphore_mem>>) src(%dma_wait3A_3077 : memref<8x512xi32, #tpu.memory_space<hbm>>) dst(%arg7 : memref<8x512xi32, #tpu.memory_space<vmem>>)
        tpu.yield
      }) : () -> ()
      %broadcast_in_dim3A = arith.constant 0 : i32
      %broadcast_in_dim3A_50 = vector.broadcast %broadcast_in_dim3A : i32 to vector<16xi32>
      %swap3A = arith.constant 0 : i32
      %swap3A_51 = arith.index_cast %swap3A : i32 to index
      %swap3A_52 = arith.constant 0 : index
      %swap3A_53 = tpu.vector_load %arg8[%swap3A_51, %swap3A_52] {strides = array<i32>} : memref<8x96xi32, #tpu.memory_space<vmem>>, vector<16xi32>,
      tpu.vector_store %arg8[%swap3A_51, %swap3A_52], %broadcast_in_dim3A_50 {strides = array<i32>} : memref<8x96xi32, #tpu.memory_space<vmem>>, vector<16xi32>,
      %get3A = arith.constant 0 : i32
      %get3A_54 = arith.index_cast %get3A : i32 to index
      %get3A_55 = arith.constant 0 : index
      %get3A_56 = tpu.vector_load %arg7[%get3A_54, %get3A_55] {strides = array<i32>} : memref<8x512xi32, #tpu.memory_space<vmem>>, vector<16xi32>,
      %while3A = arith.constant 0 : i32
      %while3A_57 = arith.constant 0 : i32
      %while3A_58:3 = scf.while (%while3A_3070 = %while3A, %while3A_3071 = %get3A_56, %while3A_3072 = %while3A_57) : (i32, vector<16xi32>, i32) -> (i32, vector<16xi32>, i32) {
        %lt3A_3073 = arith.constant 32 : i32
        %lt3A_3074 = arith.cmpi slt, %while3A_3070, %lt3A_3073 : i32
        %lt3A_3075 = arith.constant 64 : i32
        %lt3A_3076 = arith.cmpi slt, %while3A_3072, %lt3A_3075 : i32
        %and3A_3077 = arith.andi %lt3A_3074, %lt3A_3076 : i1
        scf.condition(%and3A_3077) %while3A_3070, %while3A_3071, %while3A_3072 : i32, vector<16xi32>, i32
      } do {
      ^bb0(%while3A_3070: i32, %while3A_3071: vector<16xi32>, %while3A_3072: i32):
        %ne3A_3073 = arith.constant 0 : i32
        %ne3A_3074 = vector.broadcast %ne3A_3073 : i32 to vector<16xi32>
        %ne3A_3075 = arith.cmpi ne, %while3A_3071, %ne3A_3074 : vector<16xi32>
        %all_reduce_population_count3A = tpu.all_reduce %ne3A_3075 {dim = 0 : i64, kind = #tpu.reduction_kind<sum>} : vector<16xi1> -> vector<16xi32>
        %slice3A_3076 = vector.extract_strided_slice %all_reduce_population_count3A {offsets = [0], sizes = [1], strides = [1]} : vector<16xi32> to vector<1xi32>
        %squeeze3A_3077 = vector.extract %slice3A_3076[0] : i32 from vector<1xi32>
        %all_reduce_ffs3A = tpu.all_reduce %ne3A_3075 {dim = 0 : i64, kind = #tpu.reduction_kind<find_first_set>} : vector<16xi1> -> vector<16xi32>
        %min3A = arith.constant 15 : i32
        %min3A_3078 = vector.broadcast %min3A : i32 to vector<16xi32>
        %min3A_3079 = arith.minsi %all_reduce_ffs3A, %min3A_3078 : vector<16xi32>
        %broadcast_in_dim3A_3080 = arith.constant 0 : i32
        %broadcast_in_dim3A_3081 = vector.broadcast %broadcast_in_dim3A_3080 : i32 to vector<16xi32>
        %mul3A_3082 = arith.constant 16 : i32
        %mul3A_3083 = arith.muli %mul3A_3082, %while3A_3070 : i32
        %add3A_3084 = vector.broadcast %mul3A_3083 : i32 to vector<16xi32>
        %add3A_3085 = arith.addi %add3A_3084, %min3A_3079 : vector<16xi32>
        %gather3A_3086 = tpu.vector_load_idx %arg7[%broadcast_in_dim3A_3081, %add3A_3085] : memref<8x512xi32, #tpu.memory_space<vmem>>[vector<16xi32>, vector<16xi32>], vector<16xi32>,
        %shift_right_arithmetic3A = arith.shrsi %gather3A_3086, %iota3A : vector<16xi32>
        %and3A_3087 = arith.constant 1 : i32
        %and3A_3088 = vector.broadcast %and3A_3087 : i32 to vector<16xi32>
        %and3A_3089 = arith.andi %shift_right_arithmetic3A, %and3A_3088 : vector<16xi32>
        %eq3A_3090 = arith.constant 1 : i32
        %eq3A_3091 = vector.broadcast %eq3A_3090 : i32 to vector<16xi32>
        %eq3A_3092 = arith.cmpi eq, %and3A_3089, %eq3A_3091 : vector<16xi32>
        %gt3A = arith.constant 0 : i32
        %gt3A_3093 = arith.cmpi sgt, %squeeze3A_3077, %gt3A : i32
        %and3A_3094 = vector.broadcast %gt3A_3093 : i1 to vector<16xi1>
        %and3A_3095 = arith.andi %eq3A_3092, %and3A_3094 : vector<16xi1>
        %mul3A_3096 = arith.constant 16 : i32
        %mul3A_3097 = arith.muli %while3A_3070, %mul3A_3096 : i32
        %add3A_3098 = vector.broadcast %mul3A_3097 : i32 to vector<16xi32>
        %add3A_3099 = arith.addi %add3A_3098, %all_reduce_ffs3A : vector<16xi32>
        %mul3A_3100 = arith.constant 16 : i32
        %mul3A_3101 = vector.broadcast %mul3A_3100 : i32 to vector<16xi32>
        %mul3A_3102 = arith.muli %add3A_3099, %mul3A_3101 : vector<16xi32>
        %add3A_3103 = arith.addi %mul3A_3102, %iota3A : vector<16xi32>
        %swap3A_3104 = arith.constant 0 : i32
        %swap3A_3105 = arith.constant 0 : i32
        %swap3A_3106 = tpu.memref_slice %arg8[%swap3A_3104, %swap3A_3105] : memref<8x96xi32, #tpu.memory_space<vmem>> -> memref<1x96xi32, #tpu.memory_space<vmem>>
        %swap3A_3107 = tpu.memref_squeeze %swap3A_3106 : memref<1x96xi32, #tpu.memory_space<vmem>> -> memref<96xi32, #tpu.memory_space<vmem>>
        %swap3A_3108 = arith.index_cast %while3A_3072 : i32 to index
        %swap3A_3109 = tpu.vector_load %swap3A_3107[%swap3A_3108] masked %and3A_3095 {strides = array<i32>} : memref<96xi32, #tpu.memory_space<vmem>>, vector<16xi32>, vector<16xi1>
        tpu.vector_store %swap3A_3107[%swap3A_3108], %add3A_3103 masked %and3A_3095 {strides = array<i32>} : memref<96xi32, #tpu.memory_space<vmem>>, vector<16xi32>, vector<16xi1>
        %all_reduce_population_count3A_3110 = tpu.all_reduce %and3A_3095 {dim = 0 : i64, kind = #tpu.reduction_kind<sum>} : vector<16xi1> -> vector<16xi32>
        %slice3A_3111 = vector.extract_strided_slice %all_reduce_population_count3A_3110 {offsets = [0], sizes = [1], strides = [1]} : vector<16xi32> to vector<1xi32>
        %squeeze3A_3112 = vector.extract %slice3A_3111[0] : i32 from vector<1xi32>
        %add3A_3113 = arith.addi %while3A_3072, %squeeze3A_3112 : i32
        %eq3A_3114 = arith.cmpi eq, %iota3A, %all_reduce_ffs3A : vector<16xi32>
        %jit3A_3115 = arith.constant 0 : i32
        %broadcast_in_dim3A_3116 = vector.broadcast %jit3A_3115 : i32 to vector<16xi32>
        %select_n3A_3117 = arith.select %eq3A_3114, %broadcast_in_dim3A_3116, %while3A_3071 : vector<16xi1>, vector<16xi32>
        %ne3A_3118 = arith.constant 0 : i32
        %ne3A_3119 = vector.broadcast %ne3A_3118 : i32 to vector<16xi32>
        %ne3A_3120 = arith.cmpi ne, %select_n3A_3117, %ne3A_3119 : vector<16xi32>
        %all_reduce_population_count3A_3121 = tpu.all_reduce %ne3A_3120 {dim = 0 : i64, kind = #tpu.reduction_kind<sum>} : vector<16xi1> -> vector<16xi32>
        %slice3A_3122 = vector.extract_strided_slice %all_reduce_population_count3A_3121 {offsets = [0], sizes = [1], strides = [1]} : vector<16xi32> to vector<1xi32>
        %squeeze3A_3123 = vector.extract %slice3A_3122[0] : i32 from vector<1xi32>
        %eq3A_3124 = arith.constant 0 : i32
        %eq3A_3125 = arith.cmpi eq, %squeeze3A_3123, %eq3A_3124 : i32
        %jit3A_3126 = arith.constant 1 : i32
        %jit3A_3127 = arith.constant 0 : i32
        %select_n3A_3128 = arith.select %eq3A_3125, %jit3A_3126, %jit3A_3127 : i32
        %add3A_3129 = arith.addi %while3A_3070, %select_n3A_3128 : i32
        %min3A_3130 = arith.constant 31 : i32
        %min3A_3131 = arith.minsi %add3A_3129, %min3A_3130 : i32
        %mul3A_3132 = arith.constant 16 : i32
        %mul3A_3133 = arith.muli %mul3A_3132, %min3A_3131 : i32
        %get3A_3134 = arith.constant 0 : i32
        %get3A_3135 = arith.index_cast %get3A_3134 : i32 to index
        %get3A_3136 = arith.index_cast %mul3A_3133 : i32 to index
        %get3A_3137 = tpu.vector_load %arg7[%get3A_3135, %get3A_3136] {strides = array<i32>} : memref<8x512xi32, #tpu.memory_space<vmem>>, vector<16xi32>,
        %select_n3A_3138 = arith.select %eq3A_3125, %get3A_3137, %select_n3A_3117 : vector<16xi32>
        scf.yield %add3A_3129, %select_n3A_3138, %add3A_3113 : i32, vector<16xi32>, i32
      }
      %get3A_59 = arith.constant 0 : i32
      %get3A_60 = arith.index_cast %get3A_59 : i32 to index
      %get3A_61 = arith.constant 0 : index
      %get3A_62 = tpu.vector_load %arg8[%get3A_60, %get3A_61] {strides = array<i32>} : memref<8x96xi32, #tpu.memory_space<vmem>>, vector<16xi32>,
      %slice3A = vector.extract_strided_slice %get3A_62 {offsets = [0], sizes = [1], strides = [1]} : vector<16xi32> to vector<1xi32>
      %squeeze3A = vector.extract %slice3A[0] : i32 from vector<1xi32>
      %get3A_63 = arith.constant 0 : i32
      %get3A_64 = arith.index_cast %get3A_63 : i32 to index
      %get3A_65 = arith.constant 0 : index
      %get3A_66 = tpu.vector_load %arg8[%get3A_64, %get3A_65] {strides = array<i32>} : memref<8x96xi32, #tpu.memory_space<vmem>>, vector<16xi32>,
      %add3A_67 = arith.constant 0 : i32
      %add3A_68 = vector.broadcast %add3A_67 : i32 to vector<16xi32>
      %add3A_69 = arith.addi %add3A_68, %iota3A : vector<16xi32>
      %lt3A = vector.broadcast %while3A_58#2 : i32 to vector<16xi32>
      %lt3A_70 = arith.cmpi slt, %add3A_69, %lt3A : vector<16xi32>
      %broadcast_in_dim3A_71 = vector.broadcast %squeeze3A : i32 to vector<16xi32>
      %select_n3A_72 = arith.select %lt3A_70, %get3A_66, %broadcast_in_dim3A_71 : vector<16xi1>, vector<16xi32>
      %swap3A_73 = arith.constant 0 : index
      %swap3A_74 = tpu.vector_load %arg9[%swap3A_73] {strides = array<i32>} : memref<128xi32, #tpu.memory_space<vmem>>, vector<16xi32>,
      tpu.vector_store %arg9[%swap3A_73], %select_n3A_72 {strides = array<i32>} : memref<128xi32, #tpu.memory_space<vmem>>, vector<16xi32>,
      %get3A_75 = arith.constant 0 : i32
      %get3A_76 = arith.index_cast %get3A_75 : i32 to index
      %get3A_77 = arith.constant 16 : index
      %get3A_78 = tpu.vector_load %arg8[%get3A_76, %get3A_77] {strides = array<i32>} : memref<8x96xi32, #tpu.memory_space<vmem>>, vector<16xi32>,
      %add3A_79 = arith.constant 16 : i32
      %add3A_80 = vector.broadcast %add3A_79 : i32 to vector<16xi32>
      %add3A_81 = arith.addi %add3A_80, %iota3A : vector<16xi32>
      %lt3A_82 = vector.broadcast %while3A_58#2 : i32 to vector<16xi32>
      %lt3A_83 = arith.cmpi slt, %add3A_81, %lt3A_82 : vector<16xi32>
      %broadcast_in_dim3A_84 = vector.broadcast %squeeze3A : i32 to vector<16xi32>
      %select_n3A_85 = arith.select %lt3A_83, %get3A_78, %broadcast_in_dim3A_84 : vector<16xi1>, vector<16xi32>
      %swap3A_86 = arith.constant 16 : index
      %swap3A_87 = tpu.vector_load %arg9[%swap3A_86] {strides = array<i32>} : memref<128xi32, #tpu.memory_space<vmem>>, vector<16xi32>,
      tpu.vector_store %arg9[%swap3A_86], %select_n3A_85 {strides = array<i32>} : memref<128xi32, #tpu.memory_space<vmem>>, vector<16xi32>,
      %get3A_88 = arith.constant 0 : i32
      %get3A_89 = arith.index_cast %get3A_88 : i32 to index
      %get3A_90 = arith.constant 32 : index
      %get3A_91 = tpu.vector_load %arg8[%get3A_89, %get3A_90] {strides = array<i32>} : memref<8x96xi32, #tpu.memory_space<vmem>>, vector<16xi32>,
      %add3A_92 = arith.constant 32 : i32
      %add3A_93 = vector.broadcast %add3A_92 : i32 to vector<16xi32>
      %add3A_94 = arith.addi %add3A_93, %iota3A : vector<16xi32>
      %lt3A_95 = vector.broadcast %while3A_58#2 : i32 to vector<16xi32>
      %lt3A_96 = arith.cmpi slt, %add3A_94, %lt3A_95 : vector<16xi32>
      %broadcast_in_dim3A_97 = vector.broadcast %squeeze3A : i32 to vector<16xi32>
      %select_n3A_98 = arith.select %lt3A_96, %get3A_91, %broadcast_in_dim3A_97 : vector<16xi1>, vector<16xi32>
      %swap3A_99 = arith.constant 32 : index
      %swap3A_100 = tpu.vector_load %arg9[%swap3A_99] {strides = array<i32>} : memref<128xi32, #tpu.memory_space<vmem>>, vector<16xi32>,
      tpu.vector_store %arg9[%swap3A_99], %select_n3A_98 {strides = array<i32>} : memref<128xi32, #tpu.memory_space<vmem>>, vector<16xi32>,
      %get3A_101 = arith.constant 0 : i32
      %get3A_102 = arith.index_cast %get3A_101 : i32 to index
      %get3A_103 = arith.constant 48 : index
      %get3A_104 = tpu.vector_load %arg8[%get3A_102, %get3A_103] {strides = array<i32>} : memref<8x96xi32, #tpu.memory_space<vmem>>, vector<16xi32>,
      %add3A_105 = arith.constant 48 : i32
      %add3A_106 = vector.broadcast %add3A_105 : i32 to vector<16xi32>
      %add3A_107 = arith.addi %add3A_106, %iota3A : vector<16xi32>
      %lt3A_108 = vector.broadcast %while3A_58#2 : i32 to vector<16xi32>
      %lt3A_109 = arith.cmpi slt, %add3A_107, %lt3A_108 : vector<16xi32>
      %broadcast_in_dim3A_110 = vector.broadcast %squeeze3A : i32 to vector<16xi32>
      %select_n3A_111 = arith.select %lt3A_109, %get3A_104, %broadcast_in_dim3A_110 : vector<16xi1>, vector<16xi32>
      %swap3A_112 = arith.constant 48 : index
      %swap3A_113 = tpu.vector_load %arg9[%swap3A_112] {strides = array<i32>} : memref<128xi32, #tpu.memory_space<vmem>>, vector<16xi32>,
      tpu.vector_store %arg9[%swap3A_112], %select_n3A_111 {strides = array<i32>} : memref<128xi32, #tpu.memory_space<vmem>>, vector<16xi32>,
      %broadcast_in_dim3A_114 = arith.constant 0 : i32
      %broadcast_in_dim3A_115 = vector.broadcast %broadcast_in_dim3A_114 : i32 to vector<16xi32>
      %swap3A_116 = arith.constant 1 : i32
      %swap3A_117 = arith.index_cast %swap3A_116 : i32 to index
      %swap3A_118 = arith.constant 0 : index
      %swap3A_119 = tpu.vector_load %arg8[%swap3A_117, %swap3A_118] {strides = array<i32>} : memref<8x96xi32, #tpu.memory_space<vmem>>, vector<16xi32>,
      tpu.vector_store %arg8[%swap3A_117, %swap3A_118], %broadcast_in_dim3A_115 {strides = array<i32>} : memref<8x96xi32, #tpu.memory_space<vmem>>, vector<16xi32>,
      %get3A_120 = arith.constant 1 : i32
      %get3A_121 = arith.index_cast %get3A_120 : i32 to index
      %get3A_122 = arith.constant 0 : index
      %get3A_123 = tpu.vector_load %arg7[%get3A_121, %get3A_122] {strides = array<i32>} : memref<8x512xi32, #tpu.memory_space<vmem>>, vector<16xi32>,
      %while3A_124 = arith.constant 0 : i32
      %while3A_125 = arith.constant 0 : i32
      %while3A_126:3 = scf.while (%while3A_3070 = %while3A_124, %while3A_3071 = %get3A_123, %while3A_3072 = %while3A_125) : (i32, vector<16xi32>, i32) -> (i32, vector<16xi32>, i32) {
        %lt3A_3073 = arith.constant 32 : i32
        %lt3A_3074 = arith.cmpi slt, %while3A_3070, %lt3A_3073 : i32
        %lt3A_3075 = arith.constant 64 : i32
        %lt3A_3076 = arith.cmpi slt, %while3A_3072, %lt3A_3075 : i32
        %and3A_3077 = arith.andi %lt3A_3074, %lt3A_3076 : i1
        scf.condition(%and3A_3077) %while3A_3070, %while3A_3071, %while3A_3072 : i32, vector<16xi32>, i32
      } do {
      ^bb0(%while3A_3070: i32, %while3A_3071: vector<16xi32>, %while3A_3072: i32):
        %ne3A_3073 = arith.constant 0 : i32
        %ne3A_3074 = vector.broadcast %ne3A_3073 : i32 to vector<16xi32>
        %ne3A_3075 = arith.cmpi ne, %while3A_3071, %ne3A_3074 : vector<16xi32>
        %all_reduce_population_count3A = tpu.all_reduce %ne3A_3075 {dim = 0 : i64, kind = #tpu.reduction_kind<sum>} : vector<16xi1> -> vector<16xi32>
        %slice3A_3076 = vector.extract_strided_slice %all_reduce_population_count3A {offsets = [0], sizes = [1], strides = [1]} : vector<16xi32> to vector<1xi32>
        %squeeze3A_3077 = vector.extract %slice3A_3076[0] : i32 from vector<1xi32>
        %all_reduce_ffs3A = tpu.all_reduce %ne3A_3075 {dim = 0 : i64, kind = #tpu.reduction_kind<find_first_set>} : vector<16xi1> -> vector<16xi32>
        %min3A = arith.constant 15 : i32
        %min3A_3078 = vector.broadcast %min3A : i32 to vector<16xi32>
        %min3A_3079 = arith.minsi %all_reduce_ffs3A, %min3A_3078 : vector<16xi32>
        %broadcast_in_dim3A_3080 = arith.constant 1 : i32
        %broadcast_in_dim3A_3081 = vector.broadcast %broadcast_in_dim3A_3080 : i32 to vector<16xi32>
        %mul3A_3082 = arith.constant 16 : i32
        %mul3A_3083 = arith.muli %mul3A_3082, %while3A_3070 : i32
        %add3A_3084 = vector.broadcast %mul3A_3083 : i32 to vector<16xi32>
        %add3A_3085 = arith.addi %add3A_3084, %min3A_3079 : vector<16xi32>
        %gather3A_3086 = tpu.vector_load_idx %arg7[%broadcast_in_dim3A_3081, %add3A_3085] : memref<8x512xi32, #tpu.memory_space<vmem>>[vector<16xi32>, vector<16xi32>], vector<16xi32>,
        %shift_right_arithmetic3A = arith.shrsi %gather3A_3086, %iota3A : vector<16xi32>
        %and3A_3087 = arith.constant 1 : i32
        %and3A_3088 = vector.broadcast %and3A_3087 : i32 to vector<16xi32>
        %and3A_3089 = arith.andi %shift_right_arithmetic3A, %and3A_3088 : vector<16xi32>
        %eq3A_3090 = arith.constant 1 : i32
        %eq3A_3091 = vector.broadcast %eq3A_3090 : i32 to vector<16xi32>
        %eq3A_3092 = arith.cmpi eq, %and3A_3089, %eq3A_3091 : vector<16xi32>
        %gt3A = arith.constant 0 : i32
        %gt3A_3093 = arith.cmpi sgt, %squeeze3A_3077, %gt3A : i32
        %and3A_3094 = vector.broadcast %gt3A_3093 : i1 to vector<16xi1>
        %and3A_3095 = arith.andi %eq3A_3092, %and3A_3094 : vector<16xi1>
        %mul3A_3096 = arith.constant 16 : i32
        %mul3A_3097 = arith.muli %while3A_3070, %mul3A_3096 : i32
        %add3A_3098 = vector.broadcast %mul3A_3097 : i32 to vector<16xi32>
        %add3A_3099 = arith.addi %add3A_3098, %all_reduce_ffs3A : vector<16xi32>
        %mul3A_3100 = arith.constant 16 : i32
        %mul3A_3101 = vector.broadcast %mul3A_3100 : i32 to vector<16xi32>
        %mul3A_3102 = arith.muli %add3A_3099, %mul3A_3101 : vector<16xi32>
        %add3A_3103 = arith.addi %mul3A_3102, %iota3A : vector<16xi32>
        %swap3A_3104 = arith.constant 1 : i32
        %swap3A_3105 = arith.constant 0 : i32
        %swap3A_3106 = tpu.memref_slice %arg8[%swap3A_3104, %swap3A_3105] : memref<8x96xi32, #tpu.memory_space<vmem>> -> memref<1x96xi32, #tpu.memory_space<vmem>>
        %swap3A_3107 = tpu.memref_squeeze %swap3A_3106 : memref<1x96xi32, #tpu.memory_space<vmem>> -> memref<96xi32, #tpu.memory_space<vmem>>
        %swap3A_3108 = arith.index_cast %while3A_3072 : i32 to index
        %swap3A_3109 = tpu.vector_load %swap3A_3107[%swap3A_3108] masked %and3A_3095 {strides = array<i32>} : memref<96xi32, #tpu.memory_space<vmem>>, vector<16xi32>, vector<16xi1>
        tpu.vector_store %swap3A_3107[%swap3A_3108], %add3A_3103 masked %and3A_3095 {strides = array<i32>} : memref<96xi32, #tpu.memory_space<vmem>>, vector<16xi32>, vector<16xi1>
        %all_reduce_population_count3A_3110 = tpu.all_reduce %and3A_3095 {dim = 0 : i64, kind = #tpu.reduction_kind<sum>} : vector<16xi1> -> vector<16xi32>
        %slice3A_3111 = vector.extract_strided_slice %all_reduce_population_count3A_3110 {offsets = [0], sizes = [1], strides = [1]} : vector<16xi32> to vector<1xi32>
        %squeeze3A_3112 = vector.extract %slice3A_3111[0] : i32 from vector<1xi32>
        %add3A_3113 = arith.addi %while3A_3072, %squeeze3A_3112 : i32
        %eq3A_3114 = arith.cmpi eq, %iota3A, %all_reduce_ffs3A : vector<16xi32>
        %jit3A_3115 = arith.constant 0 : i32
        %broadcast_in_dim3A_3116 = vector.broadcast %jit3A_3115 : i32 to vector<16xi32>
        %select_n3A_3117 = arith.select %eq3A_3114, %broadcast_in_dim3A_3116, %while3A_3071 : vector<16xi1>, vector<16xi32>
        %ne3A_3118 = arith.constant 0 : i32
        %ne3A_3119 = vector.broadcast %ne3A_3118 : i32 to vector<16xi32>
        %ne3A_3120 = arith.cmpi ne, %select_n3A_3117, %ne3A_3119 : vector<16xi32>
        %all_reduce_population_count3A_3121 = tpu.all_reduce %ne3A_3120 {dim = 0 : i64, kind = #tpu.reduction_kind<sum>} : vector<16xi1> -> vector<16xi32>
        %slice3A_3122 = vector.extract_strided_slice %all_reduce_population_count3A_3121 {offsets = [0], sizes = [1], strides = [1]} : vector<16xi32> to vector<1xi32>
        %squeeze3A_3123 = vector.extract %slice3A_3122[0] : i32 from vector<1xi32>
        %eq3A_3124 = arith.constant 0 : i32
        %eq3A_3125 = arith.cmpi eq, %squeeze3A_3123, %eq3A_3124 : i32
        %jit3A_3126 = arith.constant 1 : i32
        %jit3A_3127 = arith.constant 0 : i32
        %select_n3A_3128 = arith.select %eq3A_3125, %jit3A_3126, %jit3A_3127 : i32
        %add3A_3129 = arith.addi %while3A_3070, %select_n3A_3128 : i32
        %min3A_3130 = arith.constant 31 : i32
        %min3A_3131 = arith.minsi %add3A_3129, %min3A_3130 : i32
        %mul3A_3132 = arith.constant 16 : i32
        %mul3A_3133 = arith.muli %mul3A_3132, %min3A_3131 : i32
        %get3A_3134 = arith.constant 1 : i32
        %get3A_3135 = arith.index_cast %get3A_3134 : i32 to index
        %get3A_3136 = arith.index_cast %mul3A_3133 : i32 to index
        %get3A_3137 = tpu.vector_load %arg7[%get3A_3135, %get3A_3136] {strides = array<i32>} : memref<8x512xi32, #tpu.memory_space<vmem>>, vector<16xi32>,
        %select_n3A_3138 = arith.select %eq3A_3125, %get3A_3137, %select_n3A_3117 : vector<16xi32>
        scf.yield %add3A_3129, %select_n3A_3138, %add3A_3113 : i32, vector<16xi32>, i32
      }
      %get3A_127 = arith.constant 1 : i32
      %get3A_128 = arith.index_cast %get3A_127 : i32 to index
      %get3A_129 = arith.constant 0 : index
      %get3A_130 = tpu.vector_load %arg8[%get3A_128, %get3A_129] {strides = array<i32>} : memref<8x96xi32, #tpu.memory_space<vmem>>, vector<16xi32>,
      %slice3A_131 = vector.extract_strided_slice %get3A_130 {offsets = [0], sizes = [1], strides = [1]} : vector<16xi32> to vector<1xi32>
      %squeeze3A_132 = vector.extract %slice3A_131[0] : i32 from vector<1xi32>
      %get3A_133 = arith.constant 1 : i32
      %get3A_134 = arith.index_cast %get3A_133 : i32 to index
      %get3A_135 = arith.constant 0 : index
      %get3A_136 = tpu.vector_load %arg8[%get3A_134, %get3A_135] {strides = array<i32>} : memref<8x96xi32, #tpu.memory_space<vmem>>, vector<16xi32>,
      %add3A_137 = arith.constant 0 : i32
      %add3A_138 = vector.broadcast %add3A_137 : i32 to vector<16xi32>
      %add3A_139 = arith.addi %add3A_138, %iota3A : vector<16xi32>
      %lt3A_140 = vector.broadcast %while3A_126#2 : i32 to vector<16xi32>
      %lt3A_141 = arith.cmpi slt, %add3A_139, %lt3A_140 : vector<16xi32>
      %broadcast_in_dim3A_142 = vector.broadcast %squeeze3A_132 : i32 to vector<16xi32>
      %select_n3A_143 = arith.select %lt3A_141, %get3A_136, %broadcast_in_dim3A_142 : vector<16xi1>, vector<16xi32>
      %swap3A_144 = arith.constant 64 : index
      %swap3A_145 = tpu.vector_load %arg9[%swap3A_144] {strides = array<i32>} : memref<128xi32, #tpu.memory_space<vmem>>, vector<16xi32>,
      tpu.vector_store %arg9[%swap3A_144], %select_n3A_143 {strides = array<i32>} : memref<128xi32, #tpu.memory_space<vmem>>, vector<16xi32>,
      %get3A_146 = arith.constant 1 : i32
      %get3A_147 = arith.index_cast %get3A_146 : i32 to index
      %get3A_148 = arith.constant 16 : index
      %get3A_149 = tpu.vector_load %arg8[%get3A_147, %get3A_148] {strides = array<i32>} : memref<8x96xi32, #tpu.memory_space<vmem>>, vector<16xi32>,
      %add3A_150 = arith.constant 16 : i32
      %add3A_151 = vector.broadcast %add3A_150 : i32 to vector<16xi32>
      %add3A_152 = arith.addi %add3A_151, %iota3A : vector<16xi32>
      %lt3A_153 = vector.broadcast %while3A_126#2 : i32 to vector<16xi32>
      %lt3A_154 = arith.cmpi slt, %add3A_152, %lt3A_153 : vector<16xi32>
      %broadcast_in_dim3A_155 = vector.broadcast %squeeze3A_132 : i32 to vector<16xi32>
      %select_n3A_156 = arith.select %lt3A_154, %get3A_149, %broadcast_in_dim3A_155 : vector<16xi1>, vector<16xi32>
      %swap3A_157 = arith.constant 80 : index
      %swap3A_158 = tpu.vector_load %arg9[%swap3A_157] {strides = array<i32>} : memref<128xi32, #tpu.memory_space<vmem>>, vector<16xi32>,
      tpu.vector_store %arg9[%swap3A_157], %select_n3A_156 {strides = array<i32>} : memref<128xi32, #tpu.memory_space<vmem>>, vector<16xi32>,
      %get3A_159 = arith.constant 1 : i32
      %get3A_160 = arith.index_cast %get3A_159 : i32 to index
      %get3A_161 = arith.constant 32 : index
      %get3A_162 = tpu.vector_load %arg8[%get3A_160, %get3A_161] {strides = array<i32>} : memref<8x96xi32, #tpu.memory_space<vmem>>, vector<16xi32>,
      %add3A_163 = arith.constant 32 : i32
      %add3A_164 = vector.broadcast %add3A_163 : i32 to vector<16xi32>
      %add3A_165 = arith.addi %add3A_164, %iota3A : vector<16xi32>
      %lt3A_166 = vector.broadcast %while3A_126#2 : i32 to vector<16xi32>
      %lt3A_167 = arith.cmpi slt, %add3A_165, %lt3A_166 : vector<16xi32>
      %broadcast_in_dim3A_168 = vector.broadcast %squeeze3A_132 : i32 to vector<16xi32>
      %select_n3A_169 = arith.select %lt3A_167, %get3A_162, %broadcast_in_dim3A_168 : vector<16xi1>, vector<16xi32>
      %swap3A_170 = arith.constant 96 : index
      %swap3A_171 = tpu.vector_load %arg9[%swap3A_170] {strides = array<i32>} : memref<128xi32, #tpu.memory_space<vmem>>, vector<16xi32>,
      tpu.vector_store %arg9[%swap3A_170], %select_n3A_169 {strides = array<i32>} : memref<128xi32, #tpu.memory_space<vmem>>, vector<16xi32>,
      %get3A_172 = arith.constant 1 : i32
      %get3A_173 = arith.index_cast %get3A_172 : i32 to index
      %get3A_174 = arith.constant 48 : index
      %get3A_175 = tpu.vector_load %arg8[%get3A_173, %get3A_174] {strides = array<i32>} : memref<8x96xi32, #tpu.memory_space<vmem>>, vector<16xi32>,
      %add3A_176 = arith.constant 48 : i32
      %add3A_177 = vector.broadcast %add3A_176 : i32 to vector<16xi32>
      %add3A_178 = arith.addi %add3A_177, %iota3A : vector<16xi32>
      %lt3A_179 = vector.broadcast %while3A_126#2 : i32 to vector<16xi32>
      %lt3A_180 = arith.cmpi slt, %add3A_178, %lt3A_179 : vector<16xi32>
      %broadcast_in_dim3A_181 = vector.broadcast %squeeze3A_132 : i32 to vector<16xi32>
      %select_n3A_182 = arith.select %lt3A_180, %get3A_175, %broadcast_in_dim3A_181 : vector<16xi1>, vector<16xi32>
      %swap3A_183 = arith.constant 112 : index
      %swap3A_184 = tpu.vector_load %arg9[%swap3A_183] {strides = array<i32>} : memref<128xi32, #tpu.memory_space<vmem>>, vector<16xi32>,
      tpu.vector_store %arg9[%swap3A_183], %select_n3A_182 {strides = array<i32>} : memref<128xi32, #tpu.memory_space<vmem>>, vector<16xi32>,
      %get3A_185 = arith.constant 0 : index
      %get3A_186 = tpu.vector_load %arg9[%get3A_185] {strides = array<i32>} : memref<128xi32, #tpu.memory_space<vmem>>, vector<16xi32>,
      %add3A_187 = vector.broadcast %mul3A_20 : i32 to vector<16xi32>
      %add3A_188 = arith.addi %get3A_186, %add3A_187 : vector<16xi32>
      %swap3A_189 = arith.constant 0 : index
      %swap3A_190 = tpu.vector_load %arg13[%swap3A_189] {strides = array<i32>} : memref<128xi32, #tpu.memory_space<vmem>>, vector<16xi32>,
      tpu.vector_store %arg13[%swap3A_189], %add3A_188 {strides = array<i32>} : memref<128xi32, #tpu.memory_space<vmem>>, vector<16xi32>,
      %get3A_191 = arith.constant 16 : index
      %get3A_192 = tpu.vector_load %arg9[%get3A_191] {strides = array<i32>} : memref<128xi32, #tpu.memory_space<vmem>>, vector<16xi32>,
      %add3A_193 = vector.broadcast %mul3A_20 : i32 to vector<16xi32>
      %add3A_194 = arith.addi %get3A_192, %add3A_193 : vector<16xi32>
      %swap3A_195 = arith.constant 16 : index
      %swap3A_196 = tpu.vector_load %arg13[%swap3A_195] {strides = array<i32>} : memref<128xi32, #tpu.memory_space<vmem>>, vector<16xi32>,
      tpu.vector_store %arg13[%swap3A_195], %add3A_194 {strides = array<i32>} : memref<128xi32, #tpu.memory_space<vmem>>, vector<16xi32>,
      %get3A_197 = arith.constant 32 : index
      %get3A_198 = tpu.vector_load %arg9[%get3A_197] {strides = array<i32>} : memref<128xi32, #tpu.memory_space<vmem>>, vector<16xi32>,
      %add3A_199 = vector.broadcast %mul3A_20 : i32 to vector<16xi32>
      %add3A_200 = arith.addi %get3A_198, %add3A_199 : vector<16xi32>
      %swap3A_201 = arith.constant 32 : index
      %swap3A_202 = tpu.vector_load %arg13[%swap3A_201] {strides = array<i32>} : memref<128xi32, #tpu.memory_space<vmem>>, vector<16xi32>,
      tpu.vector_store %arg13[%swap3A_201], %add3A_200 {strides = array<i32>} : memref<128xi32, #tpu.memory_space<vmem>>, vector<16xi32>,
      %get3A_203 = arith.constant 48 : index
      %get3A_204 = tpu.vector_load %arg9[%get3A_203] {strides = array<i32>} : memref<128xi32, #tpu.memory_space<vmem>>, vector<16xi32>,
      %add3A_205 = vector.broadcast %mul3A_20 : i32 to vector<16xi32>
      %add3A_206 = arith.addi %get3A_204, %add3A_205 : vector<16xi32>
      %swap3A_207 = arith.constant 48 : index
      %swap3A_208 = tpu.vector_load %arg13[%swap3A_207] {strides = array<i32>} : memref<128xi32, #tpu.memory_space<vmem>>, vector<16xi32>,
      tpu.vector_store %arg13[%swap3A_207], %add3A_206 {strides = array<i32>} : memref<128xi32, #tpu.memory_space<vmem>>, vector<16xi32>,
      %get3A_209 = arith.constant 64 : index
      %get3A_210 = tpu.vector_load %arg9[%get3A_209] {strides = array<i32>} : memref<128xi32, #tpu.memory_space<vmem>>, vector<16xi32>,
      %add3A_211 = vector.broadcast %mul3A_20 : i32 to vector<16xi32>
      %add3A_212 = arith.addi %get3A_210, %add3A_211 : vector<16xi32>
      %swap3A_213 = arith.constant 64 : index
      %swap3A_214 = tpu.vector_load %arg13[%swap3A_213] {strides = array<i32>} : memref<128xi32, #tpu.memory_space<vmem>>, vector<16xi32>,
      tpu.vector_store %arg13[%swap3A_213], %add3A_212 {strides = array<i32>} : memref<128xi32, #tpu.memory_space<vmem>>, vector<16xi32>,
      %get3A_215 = arith.constant 80 : index
      %get3A_216 = tpu.vector_load %arg9[%get3A_215] {strides = array<i32>} : memref<128xi32, #tpu.memory_space<vmem>>, vector<16xi32>,
      %add3A_217 = vector.broadcast %mul3A_20 : i32 to vector<16xi32>
      %add3A_218 = arith.addi %get3A_216, %add3A_217 : vector<16xi32>
      %swap3A_219 = arith.constant 80 : index
      %swap3A_220 = tpu.vector_load %arg13[%swap3A_219] {strides = array<i32>} : memref<128xi32, #tpu.memory_space<vmem>>, vector<16xi32>,
      tpu.vector_store %arg13[%swap3A_219], %add3A_218 {strides = array<i32>} : memref<128xi32, #tpu.memory_space<vmem>>, vector<16xi32>,
      %get3A_221 = arith.constant 96 : index
      %get3A_222 = tpu.vector_load %arg9[%get3A_221] {strides = array<i32>} : memref<128xi32, #tpu.memory_space<vmem>>, vector<16xi32>,
      %add3A_223 = vector.broadcast %mul3A_20 : i32 to vector<16xi32>
      %add3A_224 = arith.addi %get3A_222, %add3A_223 : vector<16xi32>
      %swap3A_225 = arith.constant 96 : index
      %swap3A_226 = tpu.vector_load %arg13[%swap3A_225] {strides = array<i32>} : memref<128xi32, #tpu.memory_space<vmem>>, vector<16xi32>,
      tpu.vector_store %arg13[%swap3A_225], %add3A_224 {strides = array<i32>} : memref<128xi32, #tpu.memory_space<vmem>>, vector<16xi32>,
      %get3A_227 = arith.constant 112 : index
      %get3A_228 = tpu.vector_load %arg9[%get3A_227] {strides = array<i32>} : memref<128xi32, #tpu.memory_space<vmem>>, vector<16xi32>,
      %add3A_229 = vector.broadcast %mul3A_20 : i32 to vector<16xi32>
      %add3A_230 = arith.addi %get3A_228, %add3A_229 : vector<16xi32>
      %swap3A_231 = arith.constant 112 : index
      %swap3A_232 = tpu.vector_load %arg13[%swap3A_231] {strides = array<i32>} : memref<128xi32, #tpu.memory_space<vmem>>, vector<16xi32>,
      tpu.vector_store %arg13[%swap3A_231], %add3A_230 {strides = array<i32>} : memref<128xi32, #tpu.memory_space<vmem>>, vector<16xi32>,
      %dma_start3A_233 = arith.constant 0 : i32
      %dma_start3A_234 = arith.constant 0 : i32
      %dma_start3A_235 = tpu.memref_slice %arg5[%dma_start3A_233, %dma_start3A_234] : memref<32768x128xf32, #tpu.memory_space<hbm>> -> memref<32768x128xf32, #tpu.memory_space<hbm>>
      tpu.enqueue_indirect_dma source(%dma_start3A_235 : memref<32768x128xf32, #tpu.memory_space<hbm>>) target(%arg18 : memref<128x128xf32, #tpu.memory_space<vmem>>) offsets(%arg13 : memref<128xi32, #tpu.memory_space<vmem>>) semaphore(%arg31 : memref<!tpu.dma_semaphore, #tpu.memory_space<semaphore_mem>>)
      %broadcast_in_dim3A_236 = arith.constant 0 : i32
      %broadcast_in_dim3A_237 = vector.broadcast %broadcast_in_dim3A_236 : i32 to vector<16xi32>
      %swap3A_238 = arith.constant 2 : i32
      %swap3A_239 = arith.index_cast %swap3A_238 : i32 to index
      %swap3A_240 = arith.constant 0 : index
      %swap3A_241 = tpu.vector_load %arg8[%swap3A_239, %swap3A_240] {strides = array<i32>} : memref<8x96xi32, #tpu.memory_space<vmem>>, vector<16xi32>,
      tpu.vector_store %arg8[%swap3A_239, %swap3A_240], %broadcast_in_dim3A_237 {strides = array<i32>} : memref<8x96xi32, #tpu.memory_space<vmem>>, vector<16xi32>,
      %get3A_242 = arith.constant 2 : i32
      %get3A_243 = arith.index_cast %get3A_242 : i32 to index
      %get3A_244 = arith.constant 0 : index
      %get3A_245 = tpu.vector_load %arg7[%get3A_243, %get3A_244] {strides = array<i32>} : memref<8x512xi32, #tpu.memory_space<vmem>>, vector<16xi32>,
      %while3A_246 = arith.constant 0 : i32
      %while3A_247 = arith.constant 0 : i32
      %while3A_248:3 = scf.while (%while3A_3070 = %while3A_246, %while3A_3071 = %get3A_245, %while3A_3072 = %while3A_247) : (i32, vector<16xi32>, i32) -> (i32, vector<16xi32>, i32) {
        %lt3A_3073 = arith.constant 32 : i32
        %lt3A_3074 = arith.cmpi slt, %while3A_3070, %lt3A_3073 : i32
        %lt3A_3075 = arith.constant 64 : i32
        %lt3A_3076 = arith.cmpi slt, %while3A_3072, %lt3A_3075 : i32
        %and3A_3077 = arith.andi %lt3A_3074, %lt3A_3076 : i1
        scf.condition(%and3A_3077) %while3A_3070, %while3A_3071, %while3A_3072 : i32, vector<16xi32>, i32
      } do {
      ^bb0(%while3A_3070: i32, %while3A_3071: vector<16xi32>, %while3A_3072: i32):
        %ne3A_3073 = arith.constant 0 : i32
        %ne3A_3074 = vector.broadcast %ne3A_3073 : i32 to vector<16xi32>
        %ne3A_3075 = arith.cmpi ne, %while3A_3071, %ne3A_3074 : vector<16xi32>
        %all_reduce_population_count3A = tpu.all_reduce %ne3A_3075 {dim = 0 : i64, kind = #tpu.reduction_kind<sum>} : vector<16xi1> -> vector<16xi32>
        %slice3A_3076 = vector.extract_strided_slice %all_reduce_population_count3A {offsets = [0], sizes = [1], strides = [1]} : vector<16xi32> to vector<1xi32>
        %squeeze3A_3077 = vector.extract %slice3A_3076[0] : i32 from vector<1xi32>
        %all_reduce_ffs3A = tpu.all_reduce %ne3A_3075 {dim = 0 : i64, kind = #tpu.reduction_kind<find_first_set>} : vector<16xi1> -> vector<16xi32>
        %min3A = arith.constant 15 : i32
        %min3A_3078 = vector.broadcast %min3A : i32 to vector<16xi32>
        %min3A_3079 = arith.minsi %all_reduce_ffs3A, %min3A_3078 : vector<16xi32>
        %broadcast_in_dim3A_3080 = arith.constant 2 : i32
        %broadcast_in_dim3A_3081 = vector.broadcast %broadcast_in_dim3A_3080 : i32 to vector<16xi32>
        %mul3A_3082 = arith.constant 16 : i32
        %mul3A_3083 = arith.muli %mul3A_3082, %while3A_3070 : i32
        %add3A_3084 = vector.broadcast %mul3A_3083 : i32 to vector<16xi32>
        %add3A_3085 = arith.addi %add3A_3084, %min3A_3079 : vector<16xi32>
        %gather3A_3086 = tpu.vector_load_idx %arg7[%broadcast_in_dim3A_3081, %add3A_3085] : memref<8x512xi32, #tpu.memory_space<vmem>>[vector<16xi32>, vector<16xi32>], vector<16xi32>,
        %shift_right_arithmetic3A = arith.shrsi %gather3A_3086, %iota3A : vector<16xi32>
        %and3A_3087 = arith.constant 1 : i32
        %and3A_3088 = vector.broadcast %and3A_3087 : i32 to vector<16xi32>
        %and3A_3089 = arith.andi %shift_right_arithmetic3A, %and3A_3088 : vector<16xi32>
        %eq3A_3090 = arith.constant 1 : i32
        %eq3A_3091 = vector.broadcast %eq3A_3090 : i32 to vector<16xi32>
        %eq3A_3092 = arith.cmpi eq, %and3A_3089, %eq3A_3091 : vector<16xi32>
        %gt3A = arith.constant 0 : i32
        %gt3A_3093 = arith.cmpi sgt, %squeeze3A_3077, %gt3A : i32
        %and3A_3094 = vector.broadcast %gt3A_3093 : i1 to vector<16xi1>
        %and3A_3095 = arith.andi %eq3A_3092, %and3A_3094 : vector<16xi1>
        %mul3A_3096 = arith.constant 16 : i32
        %mul3A_3097 = arith.muli %while3A_3070, %mul3A_3096 : i32
        %add3A_3098 = vector.broadcast %mul3A_3097 : i32 to vector<16xi32>
        %add3A_3099 = arith.addi %add3A_3098, %all_reduce_ffs3A : vector<16xi32>
        %mul3A_3100 = arith.constant 16 : i32
        %mul3A_3101 = vector.broadcast %mul3A_3100 : i32 to vector<16xi32>
        %mul3A_3102 = arith.muli %add3A_3099, %mul3A_3101 : vector<16xi32>
        %add3A_3103 = arith.addi %mul3A_3102, %iota3A : vector<16xi32>
        %swap3A_3104 = arith.constant 2 : i32
        %swap3A_3105 = arith.constant 0 : i32
        %swap3A_3106 = tpu.memref_slice %arg8[%swap3A_3104, %swap3A_3105] : memref<8x96xi32, #tpu.memory_space<vmem>> -> memref<1x96xi32, #tpu.memory_space<vmem>>
        %swap3A_3107 = tpu.memref_squeeze %swap3A_3106 : memref<1x96xi32, #tpu.memory_space<vmem>> -> memref<96xi32, #tpu.memory_space<vmem>>
        %swap3A_3108 = arith.index_cast %while3A_3072 : i32 to index
        %swap3A_3109 = tpu.vector_load %swap3A_3107[%swap3A_3108] masked %and3A_3095 {strides = array<i32>} : memref<96xi32, #tpu.memory_space<vmem>>, vector<16xi32>, vector<16xi1>
        tpu.vector_store %swap3A_3107[%swap3A_3108], %add3A_3103 masked %and3A_3095 {strides = array<i32>} : memref<96xi32, #tpu.memory_space<vmem>>, vector<16xi32>, vector<16xi1>
        %all_reduce_population_count3A_3110 = tpu.all_reduce %and3A_3095 {dim = 0 : i64, kind = #tpu.reduction_kind<sum>} : vector<16xi1> -> vector<16xi32>
        %slice3A_3111 = vector.extract_strided_slice %all_reduce_population_count3A_3110 {offsets = [0], sizes = [1], strides = [1]} : vector<16xi32> to vector<1xi32>
        %squeeze3A_3112 = vector.extract %slice3A_3111[0] : i32 from vector<1xi32>
        %add3A_3113 = arith.addi %while3A_3072, %squeeze3A_3112 : i32
        %eq3A_3114 = arith.cmpi eq, %iota3A, %all_reduce_ffs3A : vector<16xi32>
        %jit3A_3115 = arith.constant 0 : i32
        %broadcast_in_dim3A_3116 = vector.broadcast %jit3A_3115 : i32 to vector<16xi32>
        %select_n3A_3117 = arith.select %eq3A_3114, %broadcast_in_dim3A_3116, %while3A_3071 : vector<16xi1>, vector<16xi32>
        %ne3A_3118 = arith.constant 0 : i32
        %ne3A_3119 = vector.broadcast %ne3A_3118 : i32 to vector<16xi32>
        %ne3A_3120 = arith.cmpi ne, %select_n3A_3117, %ne3A_3119 : vector<16xi32>
        %all_reduce_population_count3A_3121 = tpu.all_reduce %ne3A_3120 {dim = 0 : i64, kind = #tpu.reduction_kind<sum>} : vector<16xi1> -> vector<16xi32>
        %slice3A_3122 = vector.extract_strided_slice %all_reduce_population_count3A_3121 {offsets = [0], sizes = [1], strides = [1]} : vector<16xi32> to vector<1xi32>
        %squeeze3A_3123 = vector.extract %slice3A_3122[0] : i32 from vector<1xi32>
        %eq3A_3124 = arith.constant 0 : i32
        %eq3A_3125 = arith.cmpi eq, %squeeze3A_3123, %eq3A_3124 : i32
        %jit3A_3126 = arith.constant 1 : i32
        %jit3A_3127 = arith.constant 0 : i32
        %select_n3A_3128 = arith.select %eq3A_3125, %jit3A_3126, %jit3A_3127 : i32
        %add3A_3129 = arith.addi %while3A_3070, %select_n3A_3128 : i32
        %min3A_3130 = arith.constant 31 : i32
        %min3A_3131 = arith.minsi %add3A_3129, %min3A_3130 : i32
        %mul3A_3132 = arith.constant 16 : i32
        %mul3A_3133 = arith.muli %mul3A_3132, %min3A_3131 : i32
        %get3A_3134 = arith.constant 2 : i32
        %get3A_3135 = arith.index_cast %get3A_3134 : i32 to index
        %get3A_3136 = arith.index_cast %mul3A_3133 : i32 to index
        %get3A_3137 = tpu.vector_load %arg7[%get3A_3135, %get3A_3136] {strides = array<i32>} : memref<8x512xi32, #tpu.memory_space<vmem>>, vector<16xi32>,
        %select_n3A_3138 = arith.select %eq3A_3125, %get3A_3137, %select_n3A_3117 : vector<16xi32>
        scf.yield %add3A_3129, %select_n3A_3138, %add3A_3113 : i32, vector<16xi32>, i32
      }
      %get3A_249 = arith.constant 2 : i32
      %get3A_250 = arith.index_cast %get3A_249 : i32 to index
      %get3A_251 = arith.constant 0 : index
      %get3A_252 = tpu.vector_load %arg8[%get3A_250, %get3A_251] {strides = array<i32>} : memref<8x96xi32, #tpu.memory_space<vmem>>, vector<16xi32>,
      %slice3A_253 = vector.extract_strided_slice %get3A_252 {offsets = [0], sizes = [1], strides = [1]} : vector<16xi32> to vector<1xi32>
      %squeeze3A_254 = vector.extract %slice3A_253[0] : i32 from vector<1xi32>
      %get3A_255 = arith.constant 2 : i32
      %get3A_256 = arith.index_cast %get3A_255 : i32 to index
      %get3A_257 = arith.constant 0 : index
      %get3A_258 = tpu.vector_load %arg8[%get3A_256, %get3A_257] {strides = array<i32>} : memref<8x96xi32, #tpu.memory_space<vmem>>, vector<16xi32>,
      %add3A_259 = arith.constant 0 : i32
      %add3A_260 = vector.broadcast %add3A_259 : i32 to vector<16xi32>
      %add3A_261 = arith.addi %add3A_260, %iota3A : vector<16xi32>
      %lt3A_262 = vector.broadcast %while3A_248#2 : i32 to vector<16xi32>
      %lt3A_263 = arith.cmpi slt, %add3A_261, %lt3A_262 : vector<16xi32>
      %broadcast_in_dim3A_264 = vector.broadcast %squeeze3A_254 : i32 to vector<16xi32>
      %select_n3A_265 = arith.select %lt3A_263, %get3A_258, %broadcast_in_dim3A_264 : vector<16xi1>, vector<16xi32>
      %swap3A_266 = arith.constant 0 : index
      %swap3A_267 = tpu.vector_load %arg10[%swap3A_266] {strides = array<i32>} : memref<128xi32, #tpu.memory_space<vmem>>, vector<16xi32>,
      tpu.vector_store %arg10[%swap3A_266], %select_n3A_265 {strides = array<i32>} : memref<128xi32, #tpu.memory_space<vmem>>, vector<16xi32>,
      %get3A_268 = arith.constant 2 : i32
      %get3A_269 = arith.index_cast %get3A_268 : i32 to index
      %get3A_270 = arith.constant 16 : index
      %get3A_271 = tpu.vector_load %arg8[%get3A_269, %get3A_270] {strides = array<i32>} : memref<8x96xi32, #tpu.memory_space<vmem>>, vector<16xi32>,
      %add3A_272 = arith.constant 16 : i32
      %add3A_273 = vector.broadcast %add3A_272 : i32 to vector<16xi32>
      %add3A_274 = arith.addi %add3A_273, %iota3A : vector<16xi32>
      %lt3A_275 = vector.broadcast %while3A_248#2 : i32 to vector<16xi32>
      %lt3A_276 = arith.cmpi slt, %add3A_274, %lt3A_275 : vector<16xi32>
      %broadcast_in_dim3A_277 = vector.broadcast %squeeze3A_254 : i32 to vector<16xi32>
      %select_n3A_278 = arith.select %lt3A_276, %get3A_271, %broadcast_in_dim3A_277 : vector<16xi1>, vector<16xi32>
      %swap3A_279 = arith.constant 16 : index
      %swap3A_280 = tpu.vector_load %arg10[%swap3A_279] {strides = array<i32>} : memref<128xi32, #tpu.memory_space<vmem>>, vector<16xi32>,
      tpu.vector_store %arg10[%swap3A_279], %select_n3A_278 {strides = array<i32>} : memref<128xi32, #tpu.memory_space<vmem>>, vector<16xi32>,
      %get3A_281 = arith.constant 2 : i32
      %get3A_282 = arith.index_cast %get3A_281 : i32 to index
      %get3A_283 = arith.constant 32 : index
      %get3A_284 = tpu.vector_load %arg8[%get3A_282, %get3A_283] {strides = array<i32>} : memref<8x96xi32, #tpu.memory_space<vmem>>, vector<16xi32>,
      %add3A_285 = arith.constant 32 : i32
      %add3A_286 = vector.broadcast %add3A_285 : i32 to vector<16xi32>
      %add3A_287 = arith.addi %add3A_286, %iota3A : vector<16xi32>
      %lt3A_288 = vector.broadcast %while3A_248#2 : i32 to vector<16xi32>
      %lt3A_289 = arith.cmpi slt, %add3A_287, %lt3A_288 : vector<16xi32>
      %broadcast_in_dim3A_290 = vector.broadcast %squeeze3A_254 : i32 to vector<16xi32>
      %select_n3A_291 = arith.select %lt3A_289, %get3A_284, %broadcast_in_dim3A_290 : vector<16xi1>, vector<16xi32>
      %swap3A_292 = arith.constant 32 : index
      %swap3A_293 = tpu.vector_load %arg10[%swap3A_292] {strides = array<i32>} : memref<128xi32, #tpu.memory_space<vmem>>, vector<16xi32>,
      tpu.vector_store %arg10[%swap3A_292], %select_n3A_291 {strides = array<i32>} : memref<128xi32, #tpu.memory_space<vmem>>, vector<16xi32>,
      %get3A_294 = arith.constant 2 : i32
      %get3A_295 = arith.index_cast %get3A_294 : i32 to index
      %get3A_296 = arith.constant 48 : index
      %get3A_297 = tpu.vector_load %arg8[%get3A_295, %get3A_296] {strides = array<i32>} : memref<8x96xi32, #tpu.memory_space<vmem>>, vector<16xi32>,
      %add3A_298 = arith.constant 48 : i32
      %add3A_299 = vector.broadcast %add3A_298 : i32 to vector<16xi32>
      %add3A_300 = arith.addi %add3A_299, %iota3A : vector<16xi32>
      %lt3A_301 = vector.broadcast %while3A_248#2 : i32 to vector<16xi32>
      %lt3A_302 = arith.cmpi slt, %add3A_300, %lt3A_301 : vector<16xi32>
      %broadcast_in_dim3A_303 = vector.broadcast %squeeze3A_254 : i32 to vector<16xi32>
      %select_n3A_304 = arith.select %lt3A_302, %get3A_297, %broadcast_in_dim3A_303 : vector<16xi1>, vector<16xi32>
      %swap3A_305 = arith.constant 48 : index
      %swap3A_306 = tpu.vector_load %arg10[%swap3A_305] {strides = array<i32>} : memref<128xi32, #tpu.memory_space<vmem>>, vector<16xi32>,
      tpu.vector_store %arg10[%swap3A_305], %select_n3A_304 {strides = array<i32>} : memref<128xi32, #tpu.memory_space<vmem>>, vector<16xi32>,
      %broadcast_in_dim3A_307 = arith.constant 0 : i32
      %broadcast_in_dim3A_308 = vector.broadcast %broadcast_in_dim3A_307 : i32 to vector<16xi32>
      %swap3A_309 = arith.constant 3 : i32
      %swap3A_310 = arith.index_cast %swap3A_309 : i32 to index
      %swap3A_311 = arith.constant 0 : index
      %swap3A_312 = tpu.vector_load %arg8[%swap3A_310, %swap3A_311] {strides = array<i32>} : memref<8x96xi32, #tpu.memory_space<vmem>>, vector<16xi32>,
      tpu.vector_store %arg8[%swap3A_310, %swap3A_311], %broadcast_in_dim3A_308 {strides = array<i32>} : memref<8x96xi32, #tpu.memory_space<vmem>>, vector<16xi32>,
      %get3A_313 = arith.constant 3 : i32
      %get3A_314 = arith.index_cast %get3A_313 : i32 to index
      %get3A_315 = arith.constant 0 : index
      %get3A_316 = tpu.vector_load %arg7[%get3A_314, %get3A_315] {strides = array<i32>} : memref<8x512xi32, #tpu.memory_space<vmem>>, vector<16xi32>,
      %while3A_317 = arith.constant 0 : i32
      %while3A_318 = arith.constant 0 : i32
      %while3A_319:3 = scf.while (%while3A_3070 = %while3A_317, %while3A_3071 = %get3A_316, %while3A_3072 = %while3A_318) : (i32, vector<16xi32>, i32) -> (i32, vector<16xi32>, i32) {
        %lt3A_3073 = arith.constant 32 : i32
        %lt3A_3074 = arith.cmpi slt, %while3A_3070, %lt3A_3073 : i32
        %lt3A_3075 = arith.constant 64 : i32
        %lt3A_3076 = arith.cmpi slt, %while3A_3072, %lt3A_3075 : i32
        %and3A_3077 = arith.andi %lt3A_3074, %lt3A_3076 : i1
        scf.condition(%and3A_3077) %while3A_3070, %while3A_3071, %while3A_3072 : i32, vector<16xi32>, i32
      } do {
      ^bb0(%while3A_3070: i32, %while3A_3071: vector<16xi32>, %while3A_3072: i32):
        %ne3A_3073 = arith.constant 0 : i32
        %ne3A_3074 = vector.broadcast %ne3A_3073 : i32 to vector<16xi32>
        %ne3A_3075 = arith.cmpi ne, %while3A_3071, %ne3A_3074 : vector<16xi32>
        %all_reduce_population_count3A = tpu.all_reduce %ne3A_3075 {dim = 0 : i64, kind = #tpu.reduction_kind<sum>} : vector<16xi1> -> vector<16xi32>
        %slice3A_3076 = vector.extract_strided_slice %all_reduce_population_count3A {offsets = [0], sizes = [1], strides = [1]} : vector<16xi32> to vector<1xi32>
        %squeeze3A_3077 = vector.extract %slice3A_3076[0] : i32 from vector<1xi32>
        %all_reduce_ffs3A = tpu.all_reduce %ne3A_3075 {dim = 0 : i64, kind = #tpu.reduction_kind<find_first_set>} : vector<16xi1> -> vector<16xi32>
        %min3A = arith.constant 15 : i32
        %min3A_3078 = vector.broadcast %min3A : i32 to vector<16xi32>
        %min3A_3079 = arith.minsi %all_reduce_ffs3A, %min3A_3078 : vector<16xi32>
        %broadcast_in_dim3A_3080 = arith.constant 3 : i32
        %broadcast_in_dim3A_3081 = vector.broadcast %broadcast_in_dim3A_3080 : i32 to vector<16xi32>
        %mul3A_3082 = arith.constant 16 : i32
        %mul3A_3083 = arith.muli %mul3A_3082, %while3A_3070 : i32
        %add3A_3084 = vector.broadcast %mul3A_3083 : i32 to vector<16xi32>
        %add3A_3085 = arith.addi %add3A_3084, %min3A_3079 : vector<16xi32>
        %gather3A_3086 = tpu.vector_load_idx %arg7[%broadcast_in_dim3A_3081, %add3A_3085] : memref<8x512xi32, #tpu.memory_space<vmem>>[vector<16xi32>, vector<16xi32>], vector<16xi32>,
        %shift_right_arithmetic3A = arith.shrsi %gather3A_3086, %iota3A : vector<16xi32>
        %and3A_3087 = arith.constant 1 : i32
        %and3A_3088 = vector.broadcast %and3A_3087 : i32 to vector<16xi32>
        %and3A_3089 = arith.andi %shift_right_arithmetic3A, %and3A_3088 : vector<16xi32>
        %eq3A_3090 = arith.constant 1 : i32
        %eq3A_3091 = vector.broadcast %eq3A_3090 : i32 to vector<16xi32>
        %eq3A_3092 = arith.cmpi eq, %and3A_3089, %eq3A_3091 : vector<16xi32>
        %gt3A = arith.constant 0 : i32
        %gt3A_3093 = arith.cmpi sgt, %squeeze3A_3077, %gt3A : i32
        %and3A_3094 = vector.broadcast %gt3A_3093 : i1 to vector<16xi1>
        %and3A_3095 = arith.andi %eq3A_3092, %and3A_3094 : vector<16xi1>
        %mul3A_3096 = arith.constant 16 : i32
        %mul3A_3097 = arith.muli %while3A_3070, %mul3A_3096 : i32
        %add3A_3098 = vector.broadcast %mul3A_3097 : i32 to vector<16xi32>
        %add3A_3099 = arith.addi %add3A_3098, %all_reduce_ffs3A : vector<16xi32>
        %mul3A_3100 = arith.constant 16 : i32
        %mul3A_3101 = vector.broadcast %mul3A_3100 : i32 to vector<16xi32>
        %mul3A_3102 = arith.muli %add3A_3099, %mul3A_3101 : vector<16xi32>
        %add3A_3103 = arith.addi %mul3A_3102, %iota3A : vector<16xi32>
        %swap3A_3104 = arith.constant 3 : i32
        %swap3A_3105 = arith.constant 0 : i32
        %swap3A_3106 = tpu.memref_slice %arg8[%swap3A_3104, %swap3A_3105] : memref<8x96xi32, #tpu.memory_space<vmem>> -> memref<1x96xi32, #tpu.memory_space<vmem>>
        %swap3A_3107 = tpu.memref_squeeze %swap3A_3106 : memref<1x96xi32, #tpu.memory_space<vmem>> -> memref<96xi32, #tpu.memory_space<vmem>>
        %swap3A_3108 = arith.index_cast %while3A_3072 : i32 to index
        %swap3A_3109 = tpu.vector_load %swap3A_3107[%swap3A_3108] masked %and3A_3095 {strides = array<i32>} : memref<96xi32, #tpu.memory_space<vmem>>, vector<16xi32>, vector<16xi1>
        tpu.vector_store %swap3A_3107[%swap3A_3108], %add3A_3103 masked %and3A_3095 {strides = array<i32>} : memref<96xi32, #tpu.memory_space<vmem>>, vector<16xi32>, vector<16xi1>
        %all_reduce_population_count3A_3110 = tpu.all_reduce %and3A_3095 {dim = 0 : i64, kind = #tpu.reduction_kind<sum>} : vector<16xi1> -> vector<16xi32>
        %slice3A_3111 = vector.extract_strided_slice %all_reduce_population_count3A_3110 {offsets = [0], sizes = [1], strides = [1]} : vector<16xi32> to vector<1xi32>
        %squeeze3A_3112 = vector.extract %slice3A_3111[0] : i32 from vector<1xi32>
        %add3A_3113 = arith.addi %while3A_3072, %squeeze3A_3112 : i32
        %eq3A_3114 = arith.cmpi eq, %iota3A, %all_reduce_ffs3A : vector<16xi32>
        %jit3A_3115 = arith.constant 0 : i32
        %broadcast_in_dim3A_3116 = vector.broadcast %jit3A_3115 : i32 to vector<16xi32>
        %select_n3A_3117 = arith.select %eq3A_3114, %broadcast_in_dim3A_3116, %while3A_3071 : vector<16xi1>, vector<16xi32>
        %ne3A_3118 = arith.constant 0 : i32
        %ne3A_3119 = vector.broadcast %ne3A_3118 : i32 to vector<16xi32>
        %ne3A_3120 = arith.cmpi ne, %select_n3A_3117, %ne3A_3119 : vector<16xi32>
        %all_reduce_population_count3A_3121 = tpu.all_reduce %ne3A_3120 {dim = 0 : i64, kind = #tpu.reduction_kind<sum>} : vector<16xi1> -> vector<16xi32>
        %slice3A_3122 = vector.extract_strided_slice %all_reduce_population_count3A_3121 {offsets = [0], sizes = [1], strides = [1]} : vector<16xi32> to vector<1xi32>
        %squeeze3A_3123 = vector.extract %slice3A_3122[0] : i32 from vector<1xi32>
        %eq3A_3124 = arith.constant 0 : i32
        %eq3A_3125 = arith.cmpi eq, %squeeze3A_3123, %eq3A_3124 : i32
        %jit3A_3126 = arith.constant 1 : i32
        %jit3A_3127 = arith.constant 0 : i32
        %select_n3A_3128 = arith.select %eq3A_3125, %jit3A_3126, %jit3A_3127 : i32
        %add3A_3129 = arith.addi %while3A_3070, %select_n3A_3128 : i32
        %min3A_3130 = arith.constant 31 : i32
        %min3A_3131 = arith.minsi %add3A_3129, %min3A_3130 : i32
        %mul3A_3132 = arith.constant 16 : i32
        %mul3A_3133 = arith.muli %mul3A_3132, %min3A_3131 : i32
        %get3A_3134 = arith.constant 3 : i32
        %get3A_3135 = arith.index_cast %get3A_3134 : i32 to index
        %get3A_3136 = arith.index_cast %mul3A_3133 : i32 to index
        %get3A_3137 = tpu.vector_load %arg7[%get3A_3135, %get3A_3136] {strides = array<i32>} : memref<8x512xi32, #tpu.memory_space<vmem>>, vector<16xi32>,
        %select_n3A_3138 = arith.select %eq3A_3125, %get3A_3137, %select_n3A_3117 : vector<16xi32>
        scf.yield %add3A_3129, %select_n3A_3138, %add3A_3113 : i32, vector<16xi32>, i32
      }
      %get3A_320 = arith.constant 3 : i32
      %get3A_321 = arith.index_cast %get3A_320 : i32 to index
      %get3A_322 = arith.constant 0 : index
      %get3A_323 = tpu.vector_load %arg8[%get3A_321, %get3A_322] {strides = array<i32>} : memref<8x96xi32, #tpu.memory_space<vmem>>, vector<16xi32>,
      %slice3A_324 = vector.extract_strided_slice %get3A_323 {offsets = [0], sizes = [1], strides = [1]} : vector<16xi32> to vector<1xi32>
      %squeeze3A_325 = vector.extract %slice3A_324[0] : i32 from vector<1xi32>
      %get3A_326 = arith.constant 3 : i32
      %get3A_327 = arith.index_cast %get3A_326 : i32 to index
      %get3A_328 = arith.constant 0 : index
      %get3A_329 = tpu.vector_load %arg8[%get3A_327, %get3A_328] {strides = array<i32>} : memref<8x96xi32, #tpu.memory_space<vmem>>, vector<16xi32>,
      %add3A_330 = arith.constant 0 : i32
      %add3A_331 = vector.broadcast %add3A_330 : i32 to vector<16xi32>
      %add3A_332 = arith.addi %add3A_331, %iota3A : vector<16xi32>
      %lt3A_333 = vector.broadcast %while3A_319#2 : i32 to vector<16xi32>
      %lt3A_334 = arith.cmpi slt, %add3A_332, %lt3A_333 : vector<16xi32>
      %broadcast_in_dim3A_335 = vector.broadcast %squeeze3A_325 : i32 to vector<16xi32>
      %select_n3A_336 = arith.select %lt3A_334, %get3A_329, %broadcast_in_dim3A_335 : vector<16xi1>, vector<16xi32>
      %swap3A_337 = arith.constant 64 : index
      %swap3A_338 = tpu.vector_load %arg10[%swap3A_337] {strides = array<i32>} : memref<128xi32, #tpu.memory_space<vmem>>, vector<16xi32>,
      tpu.vector_store %arg10[%swap3A_337], %select_n3A_336 {strides = array<i32>} : memref<128xi32, #tpu.memory_space<vmem>>, vector<16xi32>,
      %get3A_339 = arith.constant 3 : i32
      %get3A_340 = arith.index_cast %get3A_339 : i32 to index
      %get3A_341 = arith.constant 16 : index
      %get3A_342 = tpu.vector_load %arg8[%get3A_340, %get3A_341] {strides = array<i32>} : memref<8x96xi32, #tpu.memory_space<vmem>>, vector<16xi32>,
      %add3A_343 = arith.constant 16 : i32
      %add3A_344 = vector.broadcast %add3A_343 : i32 to vector<16xi32>
      %add3A_345 = arith.addi %add3A_344, %iota3A : vector<16xi32>
      %lt3A_346 = vector.broadcast %while3A_319#2 : i32 to vector<16xi32>
      %lt3A_347 = arith.cmpi slt, %add3A_345, %lt3A_346 : vector<16xi32>
      %broadcast_in_dim3A_348 = vector.broadcast %squeeze3A_325 : i32 to vector<16xi32>
      %select_n3A_349 = arith.select %lt3A_347, %get3A_342, %broadcast_in_dim3A_348 : vector<16xi1>, vector<16xi32>
      %swap3A_350 = arith.constant 80 : index
      %swap3A_351 = tpu.vector_load %arg10[%swap3A_350] {strides = array<i32>} : memref<128xi32, #tpu.memory_space<vmem>>, vector<16xi32>,
      tpu.vector_store %arg10[%swap3A_350], %select_n3A_349 {strides = array<i32>} : memref<128xi32, #tpu.memory_space<vmem>>, vector<16xi32>,
      %get3A_352 = arith.constant 3 : i32
      %get3A_353 = arith.index_cast %get3A_352 : i32 to index
      %get3A_354 = arith.constant 32 : index
      %get3A_355 = tpu.vector_load %arg8[%get3A_353, %get3A_354] {strides = array<i32>} : memref<8x96xi32, #tpu.memory_space<vmem>>, vector<16xi32>,
      %add3A_356 = arith.constant 32 : i32
      %add3A_357 = vector.broadcast %add3A_356 : i32 to vector<16xi32>
      %add3A_358 = arith.addi %add3A_357, %iota3A : vector<16xi32>
      %lt3A_359 = vector.broadcast %while3A_319#2 : i32 to vector<16xi32>
      %lt3A_360 = arith.cmpi slt, %add3A_358, %lt3A_359 : vector<16xi32>
      %broadcast_in_dim3A_361 = vector.broadcast %squeeze3A_325 : i32 to vector<16xi32>
      %select_n3A_362 = arith.select %lt3A_360, %get3A_355, %broadcast_in_dim3A_361 : vector<16xi1>, vector<16xi32>
      %swap3A_363 = arith.constant 96 : index
      %swap3A_364 = tpu.vector_load %arg10[%swap3A_363] {strides = array<i32>} : memref<128xi32, #tpu.memory_space<vmem>>, vector<16xi32>,
      tpu.vector_store %arg10[%swap3A_363], %select_n3A_362 {strides = array<i32>} : memref<128xi32, #tpu.memory_space<vmem>>, vector<16xi32>,
      %get3A_365 = arith.constant 3 : i32
      %get3A_366 = arith.index_cast %get3A_365 : i32 to index
      %get3A_367 = arith.constant 48 : index
      %get3A_368 = tpu.vector_load %arg8[%get3A_366, %get3A_367] {strides = array<i32>} : memref<8x96xi32, #tpu.memory_space<vmem>>, vector<16xi32>,
      %add3A_369 = arith.constant 48 : i32
      %add3A_370 = vector.broadcast %add3A_369 : i32 to vector<16xi32>
      %add3A_371 = arith.addi %add3A_370, %iota3A : vector<16xi32>
      %lt3A_372 = vector.broadcast %while3A_319#2 : i32 to vector<16xi32>
      %lt3A_373 = arith.cmpi slt, %add3A_371, %lt3A_372 : vector<16xi32>
      %broadcast_in_dim3A_374 = vector.broadcast %squeeze3A_325 : i32 to vector<16xi32>
      %select_n3A_375 = arith.select %lt3A_373, %get3A_368, %broadcast_in_dim3A_374 : vector<16xi1>, vector<16xi32>
      %swap3A_376 = arith.constant 112 : index
      %swap3A_377 = tpu.vector_load %arg10[%swap3A_376] {strides = array<i32>} : memref<128xi32, #tpu.memory_space<vmem>>, vector<16xi32>,
      tpu.vector_store %arg10[%swap3A_376], %select_n3A_375 {strides = array<i32>} : memref<128xi32, #tpu.memory_space<vmem>>, vector<16xi32>,
      %get3A_378 = arith.constant 0 : index
      %get3A_379 = tpu.vector_load %arg10[%get3A_378] {strides = array<i32>} : memref<128xi32, #tpu.memory_space<vmem>>, vector<16xi32>,
      %add3A_380 = vector.broadcast %mul3A_20 : i32 to vector<16xi32>
      %add3A_381 = arith.addi %get3A_379, %add3A_380 : vector<16xi32>
      %swap3A_382 = arith.constant 0 : index
      %swap3A_383 = tpu.vector_load %arg14[%swap3A_382] {strides = array<i32>} : memref<128xi32, #tpu.memory_space<vmem>>, vector<16xi32>,
      tpu.vector_store %arg14[%swap3A_382], %add3A_381 {strides = array<i32>} : memref<128xi32, #tpu.memory_space<vmem>>, vector<16xi32>,
      %get3A_384 = arith.constant 16 : index
      %get3A_385 = tpu.vector_load %arg10[%get3A_384] {strides = array<i32>} : memref<128xi32, #tpu.memory_space<vmem>>, vector<16xi32>,
      %add3A_386 = vector.broadcast %mul3A_20 : i32 to vector<16xi32>
      %add3A_387 = arith.addi %get3A_385, %add3A_386 : vector<16xi32>
      %swap3A_388 = arith.constant 16 : index
      %swap3A_389 = tpu.vector_load %arg14[%swap3A_388] {strides = array<i32>} : memref<128xi32, #tpu.memory_space<vmem>>, vector<16xi32>,
      tpu.vector_store %arg14[%swap3A_388], %add3A_387 {strides = array<i32>} : memref<128xi32, #tpu.memory_space<vmem>>, vector<16xi32>,
      %get3A_390 = arith.constant 32 : index
      %get3A_391 = tpu.vector_load %arg10[%get3A_390] {strides = array<i32>} : memref<128xi32, #tpu.memory_space<vmem>>, vector<16xi32>,
      %add3A_392 = vector.broadcast %mul3A_20 : i32 to vector<16xi32>
      %add3A_393 = arith.addi %get3A_391, %add3A_392 : vector<16xi32>
      %swap3A_394 = arith.constant 32 : index
      %swap3A_395 = tpu.vector_load %arg14[%swap3A_394] {strides = array<i32>} : memref<128xi32, #tpu.memory_space<vmem>>, vector<16xi32>,
      tpu.vector_store %arg14[%swap3A_394], %add3A_393 {strides = array<i32>} : memref<128xi32, #tpu.memory_space<vmem>>, vector<16xi32>,
      %get3A_396 = arith.constant 48 : index
      %get3A_397 = tpu.vector_load %arg10[%get3A_396] {strides = array<i32>} : memref<128xi32, #tpu.memory_space<vmem>>, vector<16xi32>,
      %add3A_398 = vector.broadcast %mul3A_20 : i32 to vector<16xi32>
      %add3A_399 = arith.addi %get3A_397, %add3A_398 : vector<16xi32>
      %swap3A_400 = arith.constant 48 : index
      %swap3A_401 = tpu.vector_load %arg14[%swap3A_400] {strides = array<i32>} : memref<128xi32, #tpu.memory_space<vmem>>, vector<16xi32>,
      tpu.vector_store %arg14[%swap3A_400], %add3A_399 {strides = array<i32>} : memref<128xi32, #tpu.memory_space<vmem>>, vector<16xi32>,
      %get3A_402 = arith.constant 64 : index
      %get3A_403 = tpu.vector_load %arg10[%get3A_402] {strides = array<i32>} : memref<128xi32, #tpu.memory_space<vmem>>, vector<16xi32>,
      %add3A_404 = vector.broadcast %mul3A_20 : i32 to vector<16xi32>
      %add3A_405 = arith.addi %get3A_403, %add3A_404 : vector<16xi32>
      %swap3A_406 = arith.constant 64 : index
      %swap3A_407 = tpu.vector_load %arg14[%swap3A_406] {strides = array<i32>} : memref<128xi32, #tpu.memory_space<vmem>>, vector<16xi32>,
      tpu.vector_store %arg14[%swap3A_406], %add3A_405 {strides = array<i32>} : memref<128xi32, #tpu.memory_space<vmem>>, vector<16xi32>,
      %get3A_408 = arith.constant 80 : index
      %get3A_409 = tpu.vector_load %arg10[%get3A_408] {strides = array<i32>} : memref<128xi32, #tpu.memory_space<vmem>>, vector<16xi32>,
      %add3A_410 = vector.broadcast %mul3A_20 : i32 to vector<16xi32>
      %add3A_411 = arith.addi %get3A_409, %add3A_410 : vector<16xi32>
      %swap3A_412 = arith.constant 80 : index
      %swap3A_413 = tpu.vector_load %arg14[%swap3A_412] {strides = array<i32>} : memref<128xi32, #tpu.memory_space<vmem>>, vector<16xi32>,
      tpu.vector_store %arg14[%swap3A_412], %add3A_411 {strides = array<i32>} : memref<128xi32, #tpu.memory_space<vmem>>, vector<16xi32>,
      %get3A_414 = arith.constant 96 : index
      %get3A_415 = tpu.vector_load %arg10[%get3A_414] {strides = array<i32>} : memref<128xi32, #tpu.memory_space<vmem>>, vector<16xi32>,
      %add3A_416 = vector.broadcast %mul3A_20 : i32 to vector<16xi32>
      %add3A_417 = arith.addi %get3A_415, %add3A_416 : vector<16xi32>
      %swap3A_418 = arith.constant 96 : index
      %swap3A_419 = tpu.vector_load %arg14[%swap3A_418] {strides = array<i32>} : memref<128xi32, #tpu.memory_space<vmem>>, vector<16xi32>,
      tpu.vector_store %arg14[%swap3A_418], %add3A_417 {strides = array<i32>} : memref<128xi32, #tpu.memory_space<vmem>>, vector<16xi32>,
      %get3A_420 = arith.constant 112 : index
      %get3A_421 = tpu.vector_load %arg10[%get3A_420] {strides = array<i32>} : memref<128xi32, #tpu.memory_space<vmem>>, vector<16xi32>,
      %add3A_422 = vector.broadcast %mul3A_20 : i32 to vector<16xi32>
      %add3A_423 = arith.addi %get3A_421, %add3A_422 : vector<16xi32>
      %swap3A_424 = arith.constant 112 : index
      %swap3A_425 = tpu.vector_load %arg14[%swap3A_424] {strides = array<i32>} : memref<128xi32, #tpu.memory_space<vmem>>, vector<16xi32>,
      tpu.vector_store %arg14[%swap3A_424], %add3A_423 {strides = array<i32>} : memref<128xi32, #tpu.memory_space<vmem>>, vector<16xi32>,
      %dma_start3A_426 = arith.constant 0 : i32
      %dma_start3A_427 = arith.constant 0 : i32
      %dma_start3A_428 = tpu.memref_slice %arg5[%dma_start3A_426, %dma_start3A_427] : memref<32768x128xf32, #tpu.memory_space<hbm>> -> memref<32768x128xf32, #tpu.memory_space<hbm>>
      tpu.enqueue_indirect_dma source(%dma_start3A_428 : memref<32768x128xf32, #tpu.memory_space<hbm>>) target(%arg19 : memref<128x128xf32, #tpu.memory_space<vmem>>) offsets(%arg14 : memref<128xi32, #tpu.memory_space<vmem>>) semaphore(%arg32 : memref<!tpu.dma_semaphore, #tpu.memory_space<semaphore_mem>>)
      %broadcast_in_dim3A_429 = arith.constant 0 : i32
      %broadcast_in_dim3A_430 = vector.broadcast %broadcast_in_dim3A_429 : i32 to vector<16xi32>
      %swap3A_431 = arith.constant 4 : i32
      %swap3A_432 = arith.index_cast %swap3A_431 : i32 to index
      %swap3A_433 = arith.constant 0 : index
      %swap3A_434 = tpu.vector_load %arg8[%swap3A_432, %swap3A_433] {strides = array<i32>} : memref<8x96xi32, #tpu.memory_space<vmem>>, vector<16xi32>,
      tpu.vector_store %arg8[%swap3A_432, %swap3A_433], %broadcast_in_dim3A_430 {strides = array<i32>} : memref<8x96xi32, #tpu.memory_space<vmem>>, vector<16xi32>,
      %get3A_435 = arith.constant 4 : i32
      %get3A_436 = arith.index_cast %get3A_435 : i32 to index
      %get3A_437 = arith.constant 0 : index
      %get3A_438 = tpu.vector_load %arg7[%get3A_436, %get3A_437] {strides = array<i32>} : memref<8x512xi32, #tpu.memory_space<vmem>>, vector<16xi32>,
      %while3A_439 = arith.constant 0 : i32
      %while3A_440 = arith.constant 0 : i32
      %while3A_441:3 = scf.while (%while3A_3070 = %while3A_439, %while3A_3071 = %get3A_438, %while3A_3072 = %while3A_440) : (i32, vector<16xi32>, i32) -> (i32, vector<16xi32>, i32) {
        %lt3A_3073 = arith.constant 32 : i32
        %lt3A_3074 = arith.cmpi slt, %while3A_3070, %lt3A_3073 : i32
        %lt3A_3075 = arith.constant 64 : i32
        %lt3A_3076 = arith.cmpi slt, %while3A_3072, %lt3A_3075 : i32
        %and3A_3077 = arith.andi %lt3A_3074, %lt3A_3076 : i1
        scf.condition(%and3A_3077) %while3A_3070, %while3A_3071, %while3A_3072 : i32, vector<16xi32>, i32
      } do {
      ^bb0(%while3A_3070: i32, %while3A_3071: vector<16xi32>, %while3A_3072: i32):
        %ne3A_3073 = arith.constant 0 : i32
        %ne3A_3074 = vector.broadcast %ne3A_3073 : i32 to vector<16xi32>
        %ne3A_3075 = arith.cmpi ne, %while3A_3071, %ne3A_3074 : vector<16xi32>
        %all_reduce_population_count3A = tpu.all_reduce %ne3A_3075 {dim = 0 : i64, kind = #tpu.reduction_kind<sum>} : vector<16xi1> -> vector<16xi32>
        %slice3A_3076 = vector.extract_strided_slice %all_reduce_population_count3A {offsets = [0], sizes = [1], strides = [1]} : vector<16xi32> to vector<1xi32>
        %squeeze3A_3077 = vector.extract %slice3A_3076[0] : i32 from vector<1xi32>
        %all_reduce_ffs3A = tpu.all_reduce %ne3A_3075 {dim = 0 : i64, kind = #tpu.reduction_kind<find_first_set>} : vector<16xi1> -> vector<16xi32>
        %min3A = arith.constant 15 : i32
        %min3A_3078 = vector.broadcast %min3A : i32 to vector<16xi32>
        %min3A_3079 = arith.minsi %all_reduce_ffs3A, %min3A_3078 : vector<16xi32>
        %broadcast_in_dim3A_3080 = arith.constant 4 : i32
        %broadcast_in_dim3A_3081 = vector.broadcast %broadcast_in_dim3A_3080 : i32 to vector<16xi32>
        %mul3A_3082 = arith.constant 16 : i32
        %mul3A_3083 = arith.muli %mul3A_3082, %while3A_3070 : i32
        %add3A_3084 = vector.broadcast %mul3A_3083 : i32 to vector<16xi32>
        %add3A_3085 = arith.addi %add3A_3084, %min3A_3079 : vector<16xi32>
        %gather3A_3086 = tpu.vector_load_idx %arg7[%broadcast_in_dim3A_3081, %add3A_3085] : memref<8x512xi32, #tpu.memory_space<vmem>>[vector<16xi32>, vector<16xi32>], vector<16xi32>,
        %shift_right_arithmetic3A = arith.shrsi %gather3A_3086, %iota3A : vector<16xi32>
        %and3A_3087 = arith.constant 1 : i32
        %and3A_3088 = vector.broadcast %and3A_3087 : i32 to vector<16xi32>
        %and3A_3089 = arith.andi %shift_right_arithmetic3A, %and3A_3088 : vector<16xi32>
        %eq3A_3090 = arith.constant 1 : i32
        %eq3A_3091 = vector.broadcast %eq3A_3090 : i32 to vector<16xi32>
        %eq3A_3092 = arith.cmpi eq, %and3A_3089, %eq3A_3091 : vector<16xi32>
        %gt3A = arith.constant 0 : i32
        %gt3A_3093 = arith.cmpi sgt, %squeeze3A_3077, %gt3A : i32
        %and3A_3094 = vector.broadcast %gt3A_3093 : i1 to vector<16xi1>
        %and3A_3095 = arith.andi %eq3A_3092, %and3A_3094 : vector<16xi1>
        %mul3A_3096 = arith.constant 16 : i32
        %mul3A_3097 = arith.muli %while3A_3070, %mul3A_3096 : i32
        %add3A_3098 = vector.broadcast %mul3A_3097 : i32 to vector<16xi32>
        %add3A_3099 = arith.addi %add3A_3098, %all_reduce_ffs3A : vector<16xi32>
        %mul3A_3100 = arith.constant 16 : i32
        %mul3A_3101 = vector.broadcast %mul3A_3100 : i32 to vector<16xi32>
        %mul3A_3102 = arith.muli %add3A_3099, %mul3A_3101 : vector<16xi32>
        %add3A_3103 = arith.addi %mul3A_3102, %iota3A : vector<16xi32>
        %swap3A_3104 = arith.constant 4 : i32
        %swap3A_3105 = arith.constant 0 : i32
        %swap3A_3106 = tpu.memref_slice %arg8[%swap3A_3104, %swap3A_3105] : memref<8x96xi32, #tpu.memory_space<vmem>> -> memref<1x96xi32, #tpu.memory_space<vmem>>
        %swap3A_3107 = tpu.memref_squeeze %swap3A_3106 : memref<1x96xi32, #tpu.memory_space<vmem>> -> memref<96xi32, #tpu.memory_space<vmem>>
        %swap3A_3108 = arith.index_cast %while3A_3072 : i32 to index
        %swap3A_3109 = tpu.vector_load %swap3A_3107[%swap3A_3108] masked %and3A_3095 {strides = array<i32>} : memref<96xi32, #tpu.memory_space<vmem>>, vector<16xi32>, vector<16xi1>
        tpu.vector_store %swap3A_3107[%swap3A_3108], %add3A_3103 masked %and3A_3095 {strides = array<i32>} : memref<96xi32, #tpu.memory_space<vmem>>, vector<16xi32>, vector<16xi1>
        %all_reduce_population_count3A_3110 = tpu.all_reduce %and3A_3095 {dim = 0 : i64, kind = #tpu.reduction_kind<sum>} : vector<16xi1> -> vector<16xi32>
        %slice3A_3111 = vector.extract_strided_slice %all_reduce_population_count3A_3110 {offsets = [0], sizes = [1], strides = [1]} : vector<16xi32> to vector<1xi32>
        %squeeze3A_3112 = vector.extract %slice3A_3111[0] : i32 from vector<1xi32>
        %add3A_3113 = arith.addi %while3A_3072, %squeeze3A_3112 : i32
        %eq3A_3114 = arith.cmpi eq, %iota3A, %all_reduce_ffs3A : vector<16xi32>
        %jit3A_3115 = arith.constant 0 : i32
        %broadcast_in_dim3A_3116 = vector.broadcast %jit3A_3115 : i32 to vector<16xi32>
        %select_n3A_3117 = arith.select %eq3A_3114, %broadcast_in_dim3A_3116, %while3A_3071 : vector<16xi1>, vector<16xi32>
        %ne3A_3118 = arith.constant 0 : i32
        %ne3A_3119 = vector.broadcast %ne3A_3118 : i32 to vector<16xi32>
        %ne3A_3120 = arith.cmpi ne, %select_n3A_3117, %ne3A_3119 : vector<16xi32>
        %all_reduce_population_count3A_3121 = tpu.all_reduce %ne3A_3120 {dim = 0 : i64, kind = #tpu.reduction_kind<sum>} : vector<16xi1> -> vector<16xi32>
        %slice3A_3122 = vector.extract_strided_slice %all_reduce_population_count3A_3121 {offsets = [0], sizes = [1], strides = [1]} : vector<16xi32> to vector<1xi32>
        %squeeze3A_3123 = vector.extract %slice3A_3122[0] : i32 from vector<1xi32>
        %eq3A_3124 = arith.constant 0 : i32
        %eq3A_3125 = arith.cmpi eq, %squeeze3A_3123, %eq3A_3124 : i32
        %jit3A_3126 = arith.constant 1 : i32
        %jit3A_3127 = arith.constant 0 : i32
        %select_n3A_3128 = arith.select %eq3A_3125, %jit3A_3126, %jit3A_3127 : i32
        %add3A_3129 = arith.addi %while3A_3070, %select_n3A_3128 : i32
        %min3A_3130 = arith.constant 31 : i32
        %min3A_3131 = arith.minsi %add3A_3129, %min3A_3130 : i32
        %mul3A_3132 = arith.constant 16 : i32
        %mul3A_3133 = arith.muli %mul3A_3132, %min3A_3131 : i32
        %get3A_3134 = arith.constant 4 : i32
        %get3A_3135 = arith.index_cast %get3A_3134 : i32 to index
        %get3A_3136 = arith.index_cast %mul3A_3133 : i32 to index
        %get3A_3137 = tpu.vector_load %arg7[%get3A_3135, %get3A_3136] {strides = array<i32>} : memref<8x512xi32, #tpu.memory_space<vmem>>, vector<16xi32>,
        %select_n3A_3138 = arith.select %eq3A_3125, %get3A_3137, %select_n3A_3117 : vector<16xi32>
        scf.yield %add3A_3129, %select_n3A_3138, %add3A_3113 : i32, vector<16xi32>, i32
      }
      %get3A_442 = arith.constant 4 : i32
      %get3A_443 = arith.index_cast %get3A_442 : i32 to index
      %get3A_444 = arith.constant 0 : index
      %get3A_445 = tpu.vector_load %arg8[%get3A_443, %get3A_444] {strides = array<i32>} : memref<8x96xi32, #tpu.memory_space<vmem>>, vector<16xi32>,
      %slice3A_446 = vector.extract_strided_slice %get3A_445 {offsets = [0], sizes = [1], strides = [1]} : vector<16xi32> to vector<1xi32>
      %squeeze3A_447 = vector.extract %slice3A_446[0] : i32 from vector<1xi32>
      %get3A_448 = arith.constant 4 : i32
      %get3A_449 = arith.index_cast %get3A_448 : i32 to index
      %get3A_450 = arith.constant 0 : index
      %get3A_451 = tpu.vector_load %arg8[%get3A_449, %get3A_450] {strides = array<i32>} : memref<8x96xi32, #tpu.memory_space<vmem>>, vector<16xi32>,
      %add3A_452 = arith.constant 0 : i32
      %add3A_453 = vector.broadcast %add3A_452 : i32 to vector<16xi32>
      %add3A_454 = arith.addi %add3A_453, %iota3A : vector<16xi32>
      %lt3A_455 = vector.broadcast %while3A_441#2 : i32 to vector<16xi32>
      %lt3A_456 = arith.cmpi slt, %add3A_454, %lt3A_455 : vector<16xi32>
      %broadcast_in_dim3A_457 = vector.broadcast %squeeze3A_447 : i32 to vector<16xi32>
      %select_n3A_458 = arith.select %lt3A_456, %get3A_451, %broadcast_in_dim3A_457 : vector<16xi1>, vector<16xi32>
      %swap3A_459 = arith.constant 0 : index
      %swap3A_460 = tpu.vector_load %arg11[%swap3A_459] {strides = array<i32>} : memref<128xi32, #tpu.memory_space<vmem>>, vector<16xi32>,
      tpu.vector_store %arg11[%swap3A_459], %select_n3A_458 {strides = array<i32>} : memref<128xi32, #tpu.memory_space<vmem>>, vector<16xi32>,
      %get3A_461 = arith.constant 4 : i32
      %get3A_462 = arith.index_cast %get3A_461 : i32 to index
      %get3A_463 = arith.constant 16 : index
      %get3A_464 = tpu.vector_load %arg8[%get3A_462, %get3A_463] {strides = array<i32>} : memref<8x96xi32, #tpu.memory_space<vmem>>, vector<16xi32>,
      %add3A_465 = arith.constant 16 : i32
      %add3A_466 = vector.broadcast %add3A_465 : i32 to vector<16xi32>
      %add3A_467 = arith.addi %add3A_466, %iota3A : vector<16xi32>
      %lt3A_468 = vector.broadcast %while3A_441#2 : i32 to vector<16xi32>
      %lt3A_469 = arith.cmpi slt, %add3A_467, %lt3A_468 : vector<16xi32>
      %broadcast_in_dim3A_470 = vector.broadcast %squeeze3A_447 : i32 to vector<16xi32>
      %select_n3A_471 = arith.select %lt3A_469, %get3A_464, %broadcast_in_dim3A_470 : vector<16xi1>, vector<16xi32>
      %swap3A_472 = arith.constant 16 : index
      %swap3A_473 = tpu.vector_load %arg11[%swap3A_472] {strides = array<i32>} : memref<128xi32, #tpu.memory_space<vmem>>, vector<16xi32>,
      tpu.vector_store %arg11[%swap3A_472], %select_n3A_471 {strides = array<i32>} : memref<128xi32, #tpu.memory_space<vmem>>, vector<16xi32>,
      %get3A_474 = arith.constant 4 : i32
      %get3A_475 = arith.index_cast %get3A_474 : i32 to index
      %get3A_476 = arith.constant 32 : index
      %get3A_477 = tpu.vector_load %arg8[%get3A_475, %get3A_476] {strides = array<i32>} : memref<8x96xi32, #tpu.memory_space<vmem>>, vector<16xi32>,
      %add3A_478 = arith.constant 32 : i32
      %add3A_479 = vector.broadcast %add3A_478 : i32 to vector<16xi32>
      %add3A_480 = arith.addi %add3A_479, %iota3A : vector<16xi32>
      %lt3A_481 = vector.broadcast %while3A_441#2 : i32 to vector<16xi32>
      %lt3A_482 = arith.cmpi slt, %add3A_480, %lt3A_481 : vector<16xi32>
      %broadcast_in_dim3A_483 = vector.broadcast %squeeze3A_447 : i32 to vector<16xi32>
      %select_n3A_484 = arith.select %lt3A_482, %get3A_477, %broadcast_in_dim3A_483 : vector<16xi1>, vector<16xi32>
      %swap3A_485 = arith.constant 32 : index
      %swap3A_486 = tpu.vector_load %arg11[%swap3A_485] {strides = array<i32>} : memref<128xi32, #tpu.memory_space<vmem>>, vector<16xi32>,
      tpu.vector_store %arg11[%swap3A_485], %select_n3A_484 {strides = array<i32>} : memref<128xi32, #tpu.memory_space<vmem>>, vector<16xi32>,
      %get3A_487 = arith.constant 4 : i32
      %get3A_488 = arith.index_cast %get3A_487 : i32 to index
      %get3A_489 = arith.constant 48 : index
      %get3A_490 = tpu.vector_load %arg8[%get3A_488, %get3A_489] {strides = array<i32>} : memref<8x96xi32, #tpu.memory_space<vmem>>, vector<16xi32>,
      %add3A_491 = arith.constant 48 : i32
      %add3A_492 = vector.broadcast %add3A_491 : i32 to vector<16xi32>
      %add3A_493 = arith.addi %add3A_492, %iota3A : vector<16xi32>
      %lt3A_494 = vector.broadcast %while3A_441#2 : i32 to vector<16xi32>
      %lt3A_495 = arith.cmpi slt, %add3A_493, %lt3A_494 : vector<16xi32>
      %broadcast_in_dim3A_496 = vector.broadcast %squeeze3A_447 : i32 to vector<16xi32>
      %select_n3A_497 = arith.select %lt3A_495, %get3A_490, %broadcast_in_dim3A_496 : vector<16xi1>, vector<16xi32>
      %swap3A_498 = arith.constant 48 : index
      %swap3A_499 = tpu.vector_load %arg11[%swap3A_498] {strides = array<i32>} : memref<128xi32, #tpu.memory_space<vmem>>, vector<16xi32>,
      tpu.vector_store %arg11[%swap3A_498], %select_n3A_497 {strides = array<i32>} : memref<128xi32, #tpu.memory_space<vmem>>, vector<16xi32>,
      %broadcast_in_dim3A_500 = arith.constant 0 : i32
      %broadcast_in_dim3A_501 = vector.broadcast %broadcast_in_dim3A_500 : i32 to vector<16xi32>
      %swap3A_502 = arith.constant 5 : i32
      %swap3A_503 = arith.index_cast %swap3A_502 : i32 to index
      %swap3A_504 = arith.constant 0 : index
      %swap3A_505 = tpu.vector_load %arg8[%swap3A_503, %swap3A_504] {strides = array<i32>} : memref<8x96xi32, #tpu.memory_space<vmem>>, vector<16xi32>,
      tpu.vector_store %arg8[%swap3A_503, %swap3A_504], %broadcast_in_dim3A_501 {strides = array<i32>} : memref<8x96xi32, #tpu.memory_space<vmem>>, vector<16xi32>,
      %get3A_506 = arith.constant 5 : i32
      %get3A_507 = arith.index_cast %get3A_506 : i32 to index
      %get3A_508 = arith.constant 0 : index
      %get3A_509 = tpu.vector_load %arg7[%get3A_507, %get3A_508] {strides = array<i32>} : memref<8x512xi32, #tpu.memory_space<vmem>>, vector<16xi32>,
      %while3A_510 = arith.constant 0 : i32
      %while3A_511 = arith.constant 0 : i32
      %while3A_512:3 = scf.while (%while3A_3070 = %while3A_510, %while3A_3071 = %get3A_509, %while3A_3072 = %while3A_511) : (i32, vector<16xi32>, i32) -> (i32, vector<16xi32>, i32) {
        %lt3A_3073 = arith.constant 32 : i32
        %lt3A_3074 = arith.cmpi slt, %while3A_3070, %lt3A_3073 : i32
        %lt3A_3075 = arith.constant 64 : i32
        %lt3A_3076 = arith.cmpi slt, %while3A_3072, %lt3A_3075 : i32
        %and3A_3077 = arith.andi %lt3A_3074, %lt3A_3076 : i1
        scf.condition(%and3A_3077) %while3A_3070, %while3A_3071, %while3A_3072 : i32, vector<16xi32>, i32
      } do {
      ^bb0(%while3A_3070: i32, %while3A_3071: vector<16xi32>, %while3A_3072: i32):
        %ne3A_3073 = arith.constant 0 : i32
        %ne3A_3074 = vector.broadcast %ne3A_3073 : i32 to vector<16xi32>
        %ne3A_3075 = arith.cmpi ne, %while3A_3071, %ne3A_3074 : vector<16xi32>
        %all_reduce_population_count3A = tpu.all_reduce %ne3A_3075 {dim = 0 : i64, kind = #tpu.reduction_kind<sum>} : vector<16xi1> -> vector<16xi32>
        %slice3A_3076 = vector.extract_strided_slice %all_reduce_population_count3A {offsets = [0], sizes = [1], strides = [1]} : vector<16xi32> to vector<1xi32>
        %squeeze3A_3077 = vector.extract %slice3A_3076[0] : i32 from vector<1xi32>
        %all_reduce_ffs3A = tpu.all_reduce %ne3A_3075 {dim = 0 : i64, kind = #tpu.reduction_kind<find_first_set>} : vector<16xi1> -> vector<16xi32>
        %min3A = arith.constant 15 : i32
        %min3A_3078 = vector.broadcast %min3A : i32 to vector<16xi32>
        %min3A_3079 = arith.minsi %all_reduce_ffs3A, %min3A_3078 : vector<16xi32>
        %broadcast_in_dim3A_3080 = arith.constant 5 : i32
        %broadcast_in_dim3A_3081 = vector.broadcast %broadcast_in_dim3A_3080 : i32 to vector<16xi32>
        %mul3A_3082 = arith.constant 16 : i32
        %mul3A_3083 = arith.muli %mul3A_3082, %while3A_3070 : i32
        %add3A_3084 = vector.broadcast %mul3A_3083 : i32 to vector<16xi32>
        %add3A_3085 = arith.addi %add3A_3084, %min3A_3079 : vector<16xi32>
        %gather3A_3086 = tpu.vector_load_idx %arg7[%broadcast_in_dim3A_3081, %add3A_3085] : memref<8x512xi32, #tpu.memory_space<vmem>>[vector<16xi32>, vector<16xi32>], vector<16xi32>,
        %shift_right_arithmetic3A = arith.shrsi %gather3A_3086, %iota3A : vector<16xi32>
        %and3A_3087 = arith.constant 1 : i32
        %and3A_3088 = vector.broadcast %and3A_3087 : i32 to vector<16xi32>
        %and3A_3089 = arith.andi %shift_right_arithmetic3A, %and3A_3088 : vector<16xi32>
        %eq3A_3090 = arith.constant 1 : i32
        %eq3A_3091 = vector.broadcast %eq3A_3090 : i32 to vector<16xi32>
        %eq3A_3092 = arith.cmpi eq, %and3A_3089, %eq3A_3091 : vector<16xi32>
        %gt3A = arith.constant 0 : i32
        %gt3A_3093 = arith.cmpi sgt, %squeeze3A_3077, %gt3A : i32
        %and3A_3094 = vector.broadcast %gt3A_3093 : i1 to vector<16xi1>
        %and3A_3095 = arith.andi %eq3A_3092, %and3A_3094 : vector<16xi1>
        %mul3A_3096 = arith.constant 16 : i32
        %mul3A_3097 = arith.muli %while3A_3070, %mul3A_3096 : i32
        %add3A_3098 = vector.broadcast %mul3A_3097 : i32 to vector<16xi32>
        %add3A_3099 = arith.addi %add3A_3098, %all_reduce_ffs3A : vector<16xi32>
        %mul3A_3100 = arith.constant 16 : i32
        %mul3A_3101 = vector.broadcast %mul3A_3100 : i32 to vector<16xi32>
        %mul3A_3102 = arith.muli %add3A_3099, %mul3A_3101 : vector<16xi32>
        %add3A_3103 = arith.addi %mul3A_3102, %iota3A : vector<16xi32>
        %swap3A_3104 = arith.constant 5 : i32
        %swap3A_3105 = arith.constant 0 : i32
        %swap3A_3106 = tpu.memref_slice %arg8[%swap3A_3104, %swap3A_3105] : memref<8x96xi32, #tpu.memory_space<vmem>> -> memref<1x96xi32, #tpu.memory_space<vmem>>
        %swap3A_3107 = tpu.memref_squeeze %swap3A_3106 : memref<1x96xi32, #tpu.memory_space<vmem>> -> memref<96xi32, #tpu.memory_space<vmem>>
        %swap3A_3108 = arith.index_cast %while3A_3072 : i32 to index
        %swap3A_3109 = tpu.vector_load %swap3A_3107[%swap3A_3108] masked %and3A_3095 {strides = array<i32>} : memref<96xi32, #tpu.memory_space<vmem>>, vector<16xi32>, vector<16xi1>
        tpu.vector_store %swap3A_3107[%swap3A_3108], %add3A_3103 masked %and3A_3095 {strides = array<i32>} : memref<96xi32, #tpu.memory_space<vmem>>, vector<16xi32>, vector<16xi1>
        %all_reduce_population_count3A_3110 = tpu.all_reduce %and3A_3095 {dim = 0 : i64, kind = #tpu.reduction_kind<sum>} : vector<16xi1> -> vector<16xi32>
        %slice3A_3111 = vector.extract_strided_slice %all_reduce_population_count3A_3110 {offsets = [0], sizes = [1], strides = [1]} : vector<16xi32> to vector<1xi32>
        %squeeze3A_3112 = vector.extract %slice3A_3111[0] : i32 from vector<1xi32>
        %add3A_3113 = arith.addi %while3A_3072, %squeeze3A_3112 : i32
        %eq3A_3114 = arith.cmpi eq, %iota3A, %all_reduce_ffs3A : vector<16xi32>
        %jit3A_3115 = arith.constant 0 : i32
        %broadcast_in_dim3A_3116 = vector.broadcast %jit3A_3115 : i32 to vector<16xi32>
        %select_n3A_3117 = arith.select %eq3A_3114, %broadcast_in_dim3A_3116, %while3A_3071 : vector<16xi1>, vector<16xi32>
        %ne3A_3118 = arith.constant 0 : i32
        %ne3A_3119 = vector.broadcast %ne3A_3118 : i32 to vector<16xi32>
        %ne3A_3120 = arith.cmpi ne, %select_n3A_3117, %ne3A_3119 : vector<16xi32>
        %all_reduce_population_count3A_3121 = tpu.all_reduce %ne3A_3120 {dim = 0 : i64, kind = #tpu.reduction_kind<sum>} : vector<16xi1> -> vector<16xi32>
        %slice3A_3122 = vector.extract_strided_slice %all_reduce_population_count3A_3121 {offsets = [0], sizes = [1], strides = [1]} : vector<16xi32> to vector<1xi32>
        %squeeze3A_3123 = vector.extract %slice3A_3122[0] : i32 from vector<1xi32>
        %eq3A_3124 = arith.constant 0 : i32
        %eq3A_3125 = arith.cmpi eq, %squeeze3A_3123, %eq3A_3124 : i32
        %jit3A_3126 = arith.constant 1 : i32
        %jit3A_3127 = arith.constant 0 : i32
        %select_n3A_3128 = arith.select %eq3A_3125, %jit3A_3126, %jit3A_3127 : i32
        %add3A_3129 = arith.addi %while3A_3070, %select_n3A_3128 : i32
        %min3A_3130 = arith.constant 31 : i32
        %min3A_3131 = arith.minsi %add3A_3129, %min3A_3130 : i32
        %mul3A_3132 = arith.constant 16 : i32
        %mul3A_3133 = arith.muli %mul3A_3132, %min3A_3131 : i32
        %get3A_3134 = arith.constant 5 : i32
        %get3A_3135 = arith.index_cast %get3A_3134 : i32 to index
        %get3A_3136 = arith.index_cast %mul3A_3133 : i32 to index
        %get3A_3137 = tpu.vector_load %arg7[%get3A_3135, %get3A_3136] {strides = array<i32>} : memref<8x512xi32, #tpu.memory_space<vmem>>, vector<16xi32>,
        %select_n3A_3138 = arith.select %eq3A_3125, %get3A_3137, %select_n3A_3117 : vector<16xi32>
        scf.yield %add3A_3129, %select_n3A_3138, %add3A_3113 : i32, vector<16xi32>, i32
      }
      %get3A_513 = arith.constant 5 : i32
      %get3A_514 = arith.index_cast %get3A_513 : i32 to index
      %get3A_515 = arith.constant 0 : index
      %get3A_516 = tpu.vector_load %arg8[%get3A_514, %get3A_515] {strides = array<i32>} : memref<8x96xi32, #tpu.memory_space<vmem>>, vector<16xi32>,
      %slice3A_517 = vector.extract_strided_slice %get3A_516 {offsets = [0], sizes = [1], strides = [1]} : vector<16xi32> to vector<1xi32>
      %squeeze3A_518 = vector.extract %slice3A_517[0] : i32 from vector<1xi32>
      %get3A_519 = arith.constant 5 : i32
      %get3A_520 = arith.index_cast %get3A_519 : i32 to index
      %get3A_521 = arith.constant 0 : index
      %get3A_522 = tpu.vector_load %arg8[%get3A_520, %get3A_521] {strides = array<i32>} : memref<8x96xi32, #tpu.memory_space<vmem>>, vector<16xi32>,
      %add3A_523 = arith.constant 0 : i32
      %add3A_524 = vector.broadcast %add3A_523 : i32 to vector<16xi32>
      %add3A_525 = arith.addi %add3A_524, %iota3A : vector<16xi32>
      %lt3A_526 = vector.broadcast %while3A_512#2 : i32 to vector<16xi32>
      %lt3A_527 = arith.cmpi slt, %add3A_525, %lt3A_526 : vector<16xi32>
      %broadcast_in_dim3A_528 = vector.broadcast %squeeze3A_518 : i32 to vector<16xi32>
      %select_n3A_529 = arith.select %lt3A_527, %get3A_522, %broadcast_in_dim3A_528 : vector<16xi1>, vector<16xi32>
      %swap3A_530 = arith.constant 64 : index
      %swap3A_531 = tpu.vector_load %arg11[%swap3A_530] {strides = array<i32>} : memref<128xi32, #tpu.memory_space<vmem>>, vector<16xi32>,
      tpu.vector_store %arg11[%swap3A_530], %select_n3A_529 {strides = array<i32>} : memref<128xi32, #tpu.memory_space<vmem>>, vector<16xi32>,
      %get3A_532 = arith.constant 5 : i32
      %get3A_533 = arith.index_cast %get3A_532 : i32 to index
      %get3A_534 = arith.constant 16 : index
      %get3A_535 = tpu.vector_load %arg8[%get3A_533, %get3A_534] {strides = array<i32>} : memref<8x96xi32, #tpu.memory_space<vmem>>, vector<16xi32>,
      %add3A_536 = arith.constant 16 : i32
      %add3A_537 = vector.broadcast %add3A_536 : i32 to vector<16xi32>
      %add3A_538 = arith.addi %add3A_537, %iota3A : vector<16xi32>
      %lt3A_539 = vector.broadcast %while3A_512#2 : i32 to vector<16xi32>
      %lt3A_540 = arith.cmpi slt, %add3A_538, %lt3A_539 : vector<16xi32>
      %broadcast_in_dim3A_541 = vector.broadcast %squeeze3A_518 : i32 to vector<16xi32>
      %select_n3A_542 = arith.select %lt3A_540, %get3A_535, %broadcast_in_dim3A_541 : vector<16xi1>, vector<16xi32>
      %swap3A_543 = arith.constant 80 : index
      %swap3A_544 = tpu.vector_load %arg11[%swap3A_543] {strides = array<i32>} : memref<128xi32, #tpu.memory_space<vmem>>, vector<16xi32>,
      tpu.vector_store %arg11[%swap3A_543], %select_n3A_542 {strides = array<i32>} : memref<128xi32, #tpu.memory_space<vmem>>, vector<16xi32>,
      %get3A_545 = arith.constant 5 : i32
      %get3A_546 = arith.index_cast %get3A_545 : i32 to index
      %get3A_547 = arith.constant 32 : index
      %get3A_548 = tpu.vector_load %arg8[%get3A_546, %get3A_547] {strides = array<i32>} : memref<8x96xi32, #tpu.memory_space<vmem>>, vector<16xi32>,
      %add3A_549 = arith.constant 32 : i32
      %add3A_550 = vector.broadcast %add3A_549 : i32 to vector<16xi32>
      %add3A_551 = arith.addi %add3A_550, %iota3A : vector<16xi32>
      %lt3A_552 = vector.broadcast %while3A_512#2 : i32 to vector<16xi32>
      %lt3A_553 = arith.cmpi slt, %add3A_551, %lt3A_552 : vector<16xi32>
      %broadcast_in_dim3A_554 = vector.broadcast %squeeze3A_518 : i32 to vector<16xi32>
      %select_n3A_555 = arith.select %lt3A_553, %get3A_548, %broadcast_in_dim3A_554 : vector<16xi1>, vector<16xi32>
      %swap3A_556 = arith.constant 96 : index
      %swap3A_557 = tpu.vector_load %arg11[%swap3A_556] {strides = array<i32>} : memref<128xi32, #tpu.memory_space<vmem>>, vector<16xi32>,
      tpu.vector_store %arg11[%swap3A_556], %select_n3A_555 {strides = array<i32>} : memref<128xi32, #tpu.memory_space<vmem>>, vector<16xi32>,
      %get3A_558 = arith.constant 5 : i32
      %get3A_559 = arith.index_cast %get3A_558 : i32 to index
      %get3A_560 = arith.constant 48 : index
      %get3A_561 = tpu.vector_load %arg8[%get3A_559, %get3A_560] {strides = array<i32>} : memref<8x96xi32, #tpu.memory_space<vmem>>, vector<16xi32>,
      %add3A_562 = arith.constant 48 : i32
      %add3A_563 = vector.broadcast %add3A_562 : i32 to vector<16xi32>
      %add3A_564 = arith.addi %add3A_563, %iota3A : vector<16xi32>
      %lt3A_565 = vector.broadcast %while3A_512#2 : i32 to vector<16xi32>
      %lt3A_566 = arith.cmpi slt, %add3A_564, %lt3A_565 : vector<16xi32>
      %broadcast_in_dim3A_567 = vector.broadcast %squeeze3A_518 : i32 to vector<16xi32>
      %select_n3A_568 = arith.select %lt3A_566, %get3A_561, %broadcast_in_dim3A_567 : vector<16xi1>, vector<16xi32>
      %swap3A_569 = arith.constant 112 : index
      %swap3A_570 = tpu.vector_load %arg11[%swap3A_569] {strides = array<i32>} : memref<128xi32, #tpu.memory_space<vmem>>, vector<16xi32>,
      tpu.vector_store %arg11[%swap3A_569], %select_n3A_568 {strides = array<i32>} : memref<128xi32, #tpu.memory_space<vmem>>, vector<16xi32>,
      %get3A_571 = arith.constant 0 : index
      %get3A_572 = tpu.vector_load %arg11[%get3A_571] {strides = array<i32>} : memref<128xi32, #tpu.memory_space<vmem>>, vector<16xi32>,
      %add3A_573 = vector.broadcast %mul3A_20 : i32 to vector<16xi32>
      %add3A_574 = arith.addi %get3A_572, %add3A_573 : vector<16xi32>
      %swap3A_575 = arith.constant 0 : index
      %swap3A_576 = tpu.vector_load %arg15[%swap3A_575] {strides = array<i32>} : memref<128xi32, #tpu.memory_space<vmem>>, vector<16xi32>,
      tpu.vector_store %arg15[%swap3A_575], %add3A_574 {strides = array<i32>} : memref<128xi32, #tpu.memory_space<vmem>>, vector<16xi32>,
      %get3A_577 = arith.constant 16 : index
      %get3A_578 = tpu.vector_load %arg11[%get3A_577] {strides = array<i32>} : memref<128xi32, #tpu.memory_space<vmem>>, vector<16xi32>,
      %add3A_579 = vector.broadcast %mul3A_20 : i32 to vector<16xi32>
      %add3A_580 = arith.addi %get3A_578, %add3A_579 : vector<16xi32>
      %swap3A_581 = arith.constant 16 : index
      %swap3A_582 = tpu.vector_load %arg15[%swap3A_581] {strides = array<i32>} : memref<128xi32, #tpu.memory_space<vmem>>, vector<16xi32>,
      tpu.vector_store %arg15[%swap3A_581], %add3A_580 {strides = array<i32>} : memref<128xi32, #tpu.memory_space<vmem>>, vector<16xi32>,
      %get3A_583 = arith.constant 32 : index
      %get3A_584 = tpu.vector_load %arg11[%get3A_583] {strides = array<i32>} : memref<128xi32, #tpu.memory_space<vmem>>, vector<16xi32>,
      %add3A_585 = vector.broadcast %mul3A_20 : i32 to vector<16xi32>
      %add3A_586 = arith.addi %get3A_584, %add3A_585 : vector<16xi32>
      %swap3A_587 = arith.constant 32 : index
      %swap3A_588 = tpu.vector_load %arg15[%swap3A_587] {strides = array<i32>} : memref<128xi32, #tpu.memory_space<vmem>>, vector<16xi32>,
      tpu.vector_store %arg15[%swap3A_587], %add3A_586 {strides = array<i32>} : memref<128xi32, #tpu.memory_space<vmem>>, vector<16xi32>,
      %get3A_589 = arith.constant 48 : index
      %get3A_590 = tpu.vector_load %arg11[%get3A_589] {strides = array<i32>} : memref<128xi32, #tpu.memory_space<vmem>>, vector<16xi32>,
      %add3A_591 = vector.broadcast %mul3A_20 : i32 to vector<16xi32>
      %add3A_592 = arith.addi %get3A_590, %add3A_591 : vector<16xi32>
      %swap3A_593 = arith.constant 48 : index
      %swap3A_594 = tpu.vector_load %arg15[%swap3A_593] {strides = array<i32>} : memref<128xi32, #tpu.memory_space<vmem>>, vector<16xi32>,
      tpu.vector_store %arg15[%swap3A_593], %add3A_592 {strides = array<i32>} : memref<128xi32, #tpu.memory_space<vmem>>, vector<16xi32>,
      %get3A_595 = arith.constant 64 : index
      %get3A_596 = tpu.vector_load %arg11[%get3A_595] {strides = array<i32>} : memref<128xi32, #tpu.memory_space<vmem>>, vector<16xi32>,
      %add3A_597 = vector.broadcast %mul3A_20 : i32 to vector<16xi32>
      %add3A_598 = arith.addi %get3A_596, %add3A_597 : vector<16xi32>
      %swap3A_599 = arith.constant 64 : index
      %swap3A_600 = tpu.vector_load %arg15[%swap3A_599] {strides = array<i32>} : memref<128xi32, #tpu.memory_space<vmem>>, vector<16xi32>,
      tpu.vector_store %arg15[%swap3A_599], %add3A_598 {strides = array<i32>} : memref<128xi32, #tpu.memory_space<vmem>>, vector<16xi32>,
      %get3A_601 = arith.constant 80 : index
      %get3A_602 = tpu.vector_load %arg11[%get3A_601] {strides = array<i32>} : memref<128xi32, #tpu.memory_space<vmem>>, vector<16xi32>,
      %add3A_603 = vector.broadcast %mul3A_20 : i32 to vector<16xi32>
      %add3A_604 = arith.addi %get3A_602, %add3A_603 : vector<16xi32>
      %swap3A_605 = arith.constant 80 : index
      %swap3A_606 = tpu.vector_load %arg15[%swap3A_605] {strides = array<i32>} : memref<128xi32, #tpu.memory_space<vmem>>, vector<16xi32>,
      tpu.vector_store %arg15[%swap3A_605], %add3A_604 {strides = array<i32>} : memref<128xi32, #tpu.memory_space<vmem>>, vector<16xi32>,
      %get3A_607 = arith.constant 96 : index
      %get3A_608 = tpu.vector_load %arg11[%get3A_607] {strides = array<i32>} : memref<128xi32, #tpu.memory_space<vmem>>, vector<16xi32>,
      %add3A_609 = vector.broadcast %mul3A_20 : i32 to vector<16xi32>
      %add3A_610 = arith.addi %get3A_608, %add3A_609 : vector<16xi32>
      %swap3A_611 = arith.constant 96 : index
      %swap3A_612 = tpu.vector_load %arg15[%swap3A_611] {strides = array<i32>} : memref<128xi32, #tpu.memory_space<vmem>>, vector<16xi32>,
      tpu.vector_store %arg15[%swap3A_611], %add3A_610 {strides = array<i32>} : memref<128xi32, #tpu.memory_space<vmem>>, vector<16xi32>,
      %get3A_613 = arith.constant 112 : index
      %get3A_614 = tpu.vector_load %arg11[%get3A_613] {strides = array<i32>} : memref<128xi32, #tpu.memory_space<vmem>>, vector<16xi32>,
      %add3A_615 = vector.broadcast %mul3A_20 : i32 to vector<16xi32>
      %add3A_616 = arith.addi %get3A_614, %add3A_615 : vector<16xi32>
      %swap3A_617 = arith.constant 112 : index
      %swap3A_618 = tpu.vector_load %arg15[%swap3A_617] {strides = array<i32>} : memref<128xi32, #tpu.memory_space<vmem>>, vector<16xi32>,
      tpu.vector_store %arg15[%swap3A_617], %add3A_616 {strides = array<i32>} : memref<128xi32, #tpu.memory_space<vmem>>, vector<16xi32>,
      %dma_start3A_619 = arith.constant 0 : i32
      %dma_start3A_620 = arith.constant 0 : i32
      %dma_start3A_621 = tpu.memref_slice %arg5[%dma_start3A_619, %dma_start3A_620] : memref<32768x128xf32, #tpu.memory_space<hbm>> -> memref<32768x128xf32, #tpu.memory_space<hbm>>
      tpu.enqueue_indirect_dma source(%dma_start3A_621 : memref<32768x128xf32, #tpu.memory_space<hbm>>) target(%arg20 : memref<128x128xf32, #tpu.memory_space<vmem>>) offsets(%arg15 : memref<128xi32, #tpu.memory_space<vmem>>) semaphore(%arg33 : memref<!tpu.dma_semaphore, #tpu.memory_space<semaphore_mem>>)
      %broadcast_in_dim3A_622 = arith.constant 0 : i32
      %broadcast_in_dim3A_623 = vector.broadcast %broadcast_in_dim3A_622 : i32 to vector<16xi32>
      %swap3A_624 = arith.constant 6 : i32
      %swap3A_625 = arith.index_cast %swap3A_624 : i32 to index
      %swap3A_626 = arith.constant 0 : index
      %swap3A_627 = tpu.vector_load %arg8[%swap3A_625, %swap3A_626] {strides = array<i32>} : memref<8x96xi32, #tpu.memory_space<vmem>>, vector<16xi32>,
      tpu.vector_store %arg8[%swap3A_625, %swap3A_626], %broadcast_in_dim3A_623 {strides = array<i32>} : memref<8x96xi32, #tpu.memory_space<vmem>>, vector<16xi32>,
      %get3A_628 = arith.constant 6 : i32
      %get3A_629 = arith.index_cast %get3A_628 : i32 to index
      %get3A_630 = arith.constant 0 : index
      %get3A_631 = tpu.vector_load %arg7[%get3A_629, %get3A_630] {strides = array<i32>} : memref<8x512xi32, #tpu.memory_space<vmem>>, vector<16xi32>,
      %while3A_632 = arith.constant 0 : i32
      %while3A_633 = arith.constant 0 : i32
      %while3A_634:3 = scf.while (%while3A_3070 = %while3A_632, %while3A_3071 = %get3A_631, %while3A_3072 = %while3A_633) : (i32, vector<16xi32>, i32) -> (i32, vector<16xi32>, i32) {
        %lt3A_3073 = arith.constant 32 : i32
        %lt3A_3074 = arith.cmpi slt, %while3A_3070, %lt3A_3073 : i32
        %lt3A_3075 = arith.constant 64 : i32
        %lt3A_3076 = arith.cmpi slt, %while3A_3072, %lt3A_3075 : i32
        %and3A_3077 = arith.andi %lt3A_3074, %lt3A_3076 : i1
        scf.condition(%and3A_3077) %while3A_3070, %while3A_3071, %while3A_3072 : i32, vector<16xi32>, i32
      } do {
      ^bb0(%while3A_3070: i32, %while3A_3071: vector<16xi32>, %while3A_3072: i32):
        %ne3A_3073 = arith.constant 0 : i32
        %ne3A_3074 = vector.broadcast %ne3A_3073 : i32 to vector<16xi32>
        %ne3A_3075 = arith.cmpi ne, %while3A_3071, %ne3A_3074 : vector<16xi32>
        %all_reduce_population_count3A = tpu.all_reduce %ne3A_3075 {dim = 0 : i64, kind = #tpu.reduction_kind<sum>} : vector<16xi1> -> vector<16xi32>
        %slice3A_3076 = vector.extract_strided_slice %all_reduce_population_count3A {offsets = [0], sizes = [1], strides = [1]} : vector<16xi32> to vector<1xi32>
        %squeeze3A_3077 = vector.extract %slice3A_3076[0] : i32 from vector<1xi32>
        %all_reduce_ffs3A = tpu.all_reduce %ne3A_3075 {dim = 0 : i64, kind = #tpu.reduction_kind<find_first_set>} : vector<16xi1> -> vector<16xi32>
        %min3A = arith.constant 15 : i32
        %min3A_3078 = vector.broadcast %min3A : i32 to vector<16xi32>
        %min3A_3079 = arith.minsi %all_reduce_ffs3A, %min3A_3078 : vector<16xi32>
        %broadcast_in_dim3A_3080 = arith.constant 6 : i32
        %broadcast_in_dim3A_3081 = vector.broadcast %broadcast_in_dim3A_3080 : i32 to vector<16xi32>
        %mul3A_3082 = arith.constant 16 : i32
        %mul3A_3083 = arith.muli %mul3A_3082, %while3A_3070 : i32
        %add3A_3084 = vector.broadcast %mul3A_3083 : i32 to vector<16xi32>
        %add3A_3085 = arith.addi %add3A_3084, %min3A_3079 : vector<16xi32>
        %gather3A_3086 = tpu.vector_load_idx %arg7[%broadcast_in_dim3A_3081, %add3A_3085] : memref<8x512xi32, #tpu.memory_space<vmem>>[vector<16xi32>, vector<16xi32>], vector<16xi32>,
        %shift_right_arithmetic3A = arith.shrsi %gather3A_3086, %iota3A : vector<16xi32>
        %and3A_3087 = arith.constant 1 : i32
        %and3A_3088 = vector.broadcast %and3A_3087 : i32 to vector<16xi32>
        %and3A_3089 = arith.andi %shift_right_arithmetic3A, %and3A_3088 : vector<16xi32>
        %eq3A_3090 = arith.constant 1 : i32
        %eq3A_3091 = vector.broadcast %eq3A_3090 : i32 to vector<16xi32>
        %eq3A_3092 = arith.cmpi eq, %and3A_3089, %eq3A_3091 : vector<16xi32>
        %gt3A = arith.constant 0 : i32
        %gt3A_3093 = arith.cmpi sgt, %squeeze3A_3077, %gt3A : i32
        %and3A_3094 = vector.broadcast %gt3A_3093 : i1 to vector<16xi1>
        %and3A_3095 = arith.andi %eq3A_3092, %and3A_3094 : vector<16xi1>
        %mul3A_3096 = arith.constant 16 : i32
        %mul3A_3097 = arith.muli %while3A_3070, %mul3A_3096 : i32
        %add3A_3098 = vector.broadcast %mul3A_3097 : i32 to vector<16xi32>
        %add3A_3099 = arith.addi %add3A_3098, %all_reduce_ffs3A : vector<16xi32>
        %mul3A_3100 = arith.constant 16 : i32
        %mul3A_3101 = vector.broadcast %mul3A_3100 : i32 to vector<16xi32>
        %mul3A_3102 = arith.muli %add3A_3099, %mul3A_3101 : vector<16xi32>
        %add3A_3103 = arith.addi %mul3A_3102, %iota3A : vector<16xi32>
        %swap3A_3104 = arith.constant 6 : i32
        %swap3A_3105 = arith.constant 0 : i32
        %swap3A_3106 = tpu.memref_slice %arg8[%swap3A_3104, %swap3A_3105] : memref<8x96xi32, #tpu.memory_space<vmem>> -> memref<1x96xi32, #tpu.memory_space<vmem>>
        %swap3A_3107 = tpu.memref_squeeze %swap3A_3106 : memref<1x96xi32, #tpu.memory_space<vmem>> -> memref<96xi32, #tpu.memory_space<vmem>>
        %swap3A_3108 = arith.index_cast %while3A_3072 : i32 to index
        %swap3A_3109 = tpu.vector_load %swap3A_3107[%swap3A_3108] masked %and3A_3095 {strides = array<i32>} : memref<96xi32, #tpu.memory_space<vmem>>, vector<16xi32>, vector<16xi1>
        tpu.vector_store %swap3A_3107[%swap3A_3108], %add3A_3103 masked %and3A_3095 {strides = array<i32>} : memref<96xi32, #tpu.memory_space<vmem>>, vector<16xi32>, vector<16xi1>
        %all_reduce_population_count3A_3110 = tpu.all_reduce %and3A_3095 {dim = 0 : i64, kind = #tpu.reduction_kind<sum>} : vector<16xi1> -> vector<16xi32>
        %slice3A_3111 = vector.extract_strided_slice %all_reduce_population_count3A_3110 {offsets = [0], sizes = [1], strides = [1]} : vector<16xi32> to vector<1xi32>
        %squeeze3A_3112 = vector.extract %slice3A_3111[0] : i32 from vector<1xi32>
        %add3A_3113 = arith.addi %while3A_3072, %squeeze3A_3112 : i32
        %eq3A_3114 = arith.cmpi eq, %iota3A, %all_reduce_ffs3A : vector<16xi32>
        %jit3A_3115 = arith.constant 0 : i32
        %broadcast_in_dim3A_3116 = vector.broadcast %jit3A_3115 : i32 to vector<16xi32>
        %select_n3A_3117 = arith.select %eq3A_3114, %broadcast_in_dim3A_3116, %while3A_3071 : vector<16xi1>, vector<16xi32>
        %ne3A_3118 = arith.constant 0 : i32
        %ne3A_3119 = vector.broadcast %ne3A_3118 : i32 to vector<16xi32>
        %ne3A_3120 = arith.cmpi ne, %select_n3A_3117, %ne3A_3119 : vector<16xi32>
        %all_reduce_population_count3A_3121 = tpu.all_reduce %ne3A_3120 {dim = 0 : i64, kind = #tpu.reduction_kind<sum>} : vector<16xi1> -> vector<16xi32>
        %slice3A_3122 = vector.extract_strided_slice %all_reduce_population_count3A_3121 {offsets = [0], sizes = [1], strides = [1]} : vector<16xi32> to vector<1xi32>
        %squeeze3A_3123 = vector.extract %slice3A_3122[0] : i32 from vector<1xi32>
        %eq3A_3124 = arith.constant 0 : i32
        %eq3A_3125 = arith.cmpi eq, %squeeze3A_3123, %eq3A_3124 : i32
        %jit3A_3126 = arith.constant 1 : i32
        %jit3A_3127 = arith.constant 0 : i32
        %select_n3A_3128 = arith.select %eq3A_3125, %jit3A_3126, %jit3A_3127 : i32
        %add3A_3129 = arith.addi %while3A_3070, %select_n3A_3128 : i32
        %min3A_3130 = arith.constant 31 : i32
        %min3A_3131 = arith.minsi %add3A_3129, %min3A_3130 : i32
        %mul3A_3132 = arith.constant 16 : i32
        %mul3A_3133 = arith.muli %mul3A_3132, %min3A_3131 : i32
        %get3A_3134 = arith.constant 6 : i32
        %get3A_3135 = arith.index_cast %get3A_3134 : i32 to index
        %get3A_3136 = arith.index_cast %mul3A_3133 : i32 to index
        %get3A_3137 = tpu.vector_load %arg7[%get3A_3135, %get3A_3136] {strides = array<i32>} : memref<8x512xi32, #tpu.memory_space<vmem>>, vector<16xi32>,
        %select_n3A_3138 = arith.select %eq3A_3125, %get3A_3137, %select_n3A_3117 : vector<16xi32>
        scf.yield %add3A_3129, %select_n3A_3138, %add3A_3113 : i32, vector<16xi32>, i32
      }
      %get3A_635 = arith.constant 6 : i32
      %get3A_636 = arith.index_cast %get3A_635 : i32 to index
      %get3A_637 = arith.constant 0 : index
      %get3A_638 = tpu.vector_load %arg8[%get3A_636, %get3A_637] {strides = array<i32>} : memref<8x96xi32, #tpu.memory_space<vmem>>, vector<16xi32>,
      %slice3A_639 = vector.extract_strided_slice %get3A_638 {offsets = [0], sizes = [1], strides = [1]} : vector<16xi32> to vector<1xi32>
      %squeeze3A_640 = vector.extract %slice3A_639[0] : i32 from vector<1xi32>
      %get3A_641 = arith.constant 6 : i32
      %get3A_642 = arith.index_cast %get3A_641 : i32 to index
      %get3A_643 = arith.constant 0 : index
      %get3A_644 = tpu.vector_load %arg8[%get3A_642, %get3A_643] {strides = array<i32>} : memref<8x96xi32, #tpu.memory_space<vmem>>, vector<16xi32>,
      %add3A_645 = arith.constant 0 : i32
      %add3A_646 = vector.broadcast %add3A_645 : i32 to vector<16xi32>
      %add3A_647 = arith.addi %add3A_646, %iota3A : vector<16xi32>
      %lt3A_648 = vector.broadcast %while3A_634#2 : i32 to vector<16xi32>
      %lt3A_649 = arith.cmpi slt, %add3A_647, %lt3A_648 : vector<16xi32>
      %broadcast_in_dim3A_650 = vector.broadcast %squeeze3A_640 : i32 to vector<16xi32>
      %select_n3A_651 = arith.select %lt3A_649, %get3A_644, %broadcast_in_dim3A_650 : vector<16xi1>, vector<16xi32>
      %swap3A_652 = arith.constant 0 : index
      %swap3A_653 = tpu.vector_load %arg12[%swap3A_652] {strides = array<i32>} : memref<128xi32, #tpu.memory_space<vmem>>, vector<16xi32>,
      tpu.vector_store %arg12[%swap3A_652], %select_n3A_651 {strides = array<i32>} : memref<128xi32, #tpu.memory_space<vmem>>, vector<16xi32>,
      %get3A_654 = arith.constant 6 : i32
      %get3A_655 = arith.index_cast %get3A_654 : i32 to index
      %get3A_656 = arith.constant 16 : index
      %get3A_657 = tpu.vector_load %arg8[%get3A_655, %get3A_656] {strides = array<i32>} : memref<8x96xi32, #tpu.memory_space<vmem>>, vector<16xi32>,
      %add3A_658 = arith.constant 16 : i32
      %add3A_659 = vector.broadcast %add3A_658 : i32 to vector<16xi32>
      %add3A_660 = arith.addi %add3A_659, %iota3A : vector<16xi32>
      %lt3A_661 = vector.broadcast %while3A_634#2 : i32 to vector<16xi32>
      %lt3A_662 = arith.cmpi slt, %add3A_660, %lt3A_661 : vector<16xi32>
      %broadcast_in_dim3A_663 = vector.broadcast %squeeze3A_640 : i32 to vector<16xi32>
      %select_n3A_664 = arith.select %lt3A_662, %get3A_657, %broadcast_in_dim3A_663 : vector<16xi1>, vector<16xi32>
      %swap3A_665 = arith.constant 16 : index
      %swap3A_666 = tpu.vector_load %arg12[%swap3A_665] {strides = array<i32>} : memref<128xi32, #tpu.memory_space<vmem>>, vector<16xi32>,
      tpu.vector_store %arg12[%swap3A_665], %select_n3A_664 {strides = array<i32>} : memref<128xi32, #tpu.memory_space<vmem>>, vector<16xi32>,
      %get3A_667 = arith.constant 6 : i32
      %get3A_668 = arith.index_cast %get3A_667 : i32 to index
      %get3A_669 = arith.constant 32 : index
      %get3A_670 = tpu.vector_load %arg8[%get3A_668, %get3A_669] {strides = array<i32>} : memref<8x96xi32, #tpu.memory_space<vmem>>, vector<16xi32>,
      %add3A_671 = arith.constant 32 : i32
      %add3A_672 = vector.broadcast %add3A_671 : i32 to vector<16xi32>
      %add3A_673 = arith.addi %add3A_672, %iota3A : vector<16xi32>
      %lt3A_674 = vector.broadcast %while3A_634#2 : i32 to vector<16xi32>
      %lt3A_675 = arith.cmpi slt, %add3A_673, %lt3A_674 : vector<16xi32>
      %broadcast_in_dim3A_676 = vector.broadcast %squeeze3A_640 : i32 to vector<16xi32>
      %select_n3A_677 = arith.select %lt3A_675, %get3A_670, %broadcast_in_dim3A_676 : vector<16xi1>, vector<16xi32>
      %swap3A_678 = arith.constant 32 : index
      %swap3A_679 = tpu.vector_load %arg12[%swap3A_678] {strides = array<i32>} : memref<128xi32, #tpu.memory_space<vmem>>, vector<16xi32>,
      tpu.vector_store %arg12[%swap3A_678], %select_n3A_677 {strides = array<i32>} : memref<128xi32, #tpu.memory_space<vmem>>, vector<16xi32>,
      %get3A_680 = arith.constant 6 : i32
      %get3A_681 = arith.index_cast %get3A_680 : i32 to index
      %get3A_682 = arith.constant 48 : index
      %get3A_683 = tpu.vector_load %arg8[%get3A_681, %get3A_682] {strides = array<i32>} : memref<8x96xi32, #tpu.memory_space<vmem>>, vector<16xi32>,
      %add3A_684 = arith.constant 48 : i32
      %add3A_685 = vector.broadcast %add3A_684 : i32 to vector<16xi32>
      %add3A_686 = arith.addi %add3A_685, %iota3A : vector<16xi32>
      %lt3A_687 = vector.broadcast %while3A_634#2 : i32 to vector<16xi32>
      %lt3A_688 = arith.cmpi slt, %add3A_686, %lt3A_687 : vector<16xi32>
      %broadcast_in_dim3A_689 = vector.broadcast %squeeze3A_640 : i32 to vector<16xi32>
      %select_n3A_690 = arith.select %lt3A_688, %get3A_683, %broadcast_in_dim3A_689 : vector<16xi1>, vector<16xi32>
      %swap3A_691 = arith.constant 48 : index
      %swap3A_692 = tpu.vector_load %arg12[%swap3A_691] {strides = array<i32>} : memref<128xi32, #tpu.memory_space<vmem>>, vector<16xi32>,
      tpu.vector_store %arg12[%swap3A_691], %select_n3A_690 {strides = array<i32>} : memref<128xi32, #tpu.memory_space<vmem>>, vector<16xi32>,
      %broadcast_in_dim3A_693 = arith.constant 0 : i32
      %broadcast_in_dim3A_694 = vector.broadcast %broadcast_in_dim3A_693 : i32 to vector<16xi32>
      %swap3A_695 = arith.constant 7 : i32
      %swap3A_696 = arith.index_cast %swap3A_695 : i32 to index
      %swap3A_697 = arith.constant 0 : index
      %swap3A_698 = tpu.vector_load %arg8[%swap3A_696, %swap3A_697] {strides = array<i32>} : memref<8x96xi32, #tpu.memory_space<vmem>>, vector<16xi32>,
      tpu.vector_store %arg8[%swap3A_696, %swap3A_697], %broadcast_in_dim3A_694 {strides = array<i32>} : memref<8x96xi32, #tpu.memory_space<vmem>>, vector<16xi32>,
      %get3A_699 = arith.constant 7 : i32
      %get3A_700 = arith.index_cast %get3A_699 : i32 to index
      %get3A_701 = arith.constant 0 : index
      %get3A_702 = tpu.vector_load %arg7[%get3A_700, %get3A_701] {strides = array<i32>} : memref<8x512xi32, #tpu.memory_space<vmem>>, vector<16xi32>,
      %while3A_703 = arith.constant 0 : i32
      %while3A_704 = arith.constant 0 : i32
      %while3A_705:3 = scf.while (%while3A_3070 = %while3A_703, %while3A_3071 = %get3A_702, %while3A_3072 = %while3A_704) : (i32, vector<16xi32>, i32) -> (i32, vector<16xi32>, i32) {
        %lt3A_3073 = arith.constant 32 : i32
        %lt3A_3074 = arith.cmpi slt, %while3A_3070, %lt3A_3073 : i32
        %lt3A_3075 = arith.constant 64 : i32
        %lt3A_3076 = arith.cmpi slt, %while3A_3072, %lt3A_3075 : i32
        %and3A_3077 = arith.andi %lt3A_3074, %lt3A_3076 : i1
        scf.condition(%and3A_3077) %while3A_3070, %while3A_3071, %while3A_3072 : i32, vector<16xi32>, i32
      } do {
      ^bb0(%while3A_3070: i32, %while3A_3071: vector<16xi32>, %while3A_3072: i32):
        %ne3A_3073 = arith.constant 0 : i32
        %ne3A_3074 = vector.broadcast %ne3A_3073 : i32 to vector<16xi32>
        %ne3A_3075 = arith.cmpi ne, %while3A_3071, %ne3A_3074 : vector<16xi32>
        %all_reduce_population_count3A = tpu.all_reduce %ne3A_3075 {dim = 0 : i64, kind = #tpu.reduction_kind<sum>} : vector<16xi1> -> vector<16xi32>
        %slice3A_3076 = vector.extract_strided_slice %all_reduce_population_count3A {offsets = [0], sizes = [1], strides = [1]} : vector<16xi32> to vector<1xi32>
        %squeeze3A_3077 = vector.extract %slice3A_3076[0] : i32 from vector<1xi32>
        %all_reduce_ffs3A = tpu.all_reduce %ne3A_3075 {dim = 0 : i64, kind = #tpu.reduction_kind<find_first_set>} : vector<16xi1> -> vector<16xi32>
        %min3A = arith.constant 15 : i32
        %min3A_3078 = vector.broadcast %min3A : i32 to vector<16xi32>
        %min3A_3079 = arith.minsi %all_reduce_ffs3A, %min3A_3078 : vector<16xi32>
        %broadcast_in_dim3A_3080 = arith.constant 7 : i32
        %broadcast_in_dim3A_3081 = vector.broadcast %broadcast_in_dim3A_3080 : i32 to vector<16xi32>
        %mul3A_3082 = arith.constant 16 : i32
        %mul3A_3083 = arith.muli %mul3A_3082, %while3A_3070 : i32
        %add3A_3084 = vector.broadcast %mul3A_3083 : i32 to vector<16xi32>
        %add3A_3085 = arith.addi %add3A_3084, %min3A_3079 : vector<16xi32>
        %gather3A_3086 = tpu.vector_load_idx %arg7[%broadcast_in_dim3A_3081, %add3A_3085] : memref<8x512xi32, #tpu.memory_space<vmem>>[vector<16xi32>, vector<16xi32>], vector<16xi32>,
        %shift_right_arithmetic3A = arith.shrsi %gather3A_3086, %iota3A : vector<16xi32>
        %and3A_3087 = arith.constant 1 : i32
        %and3A_3088 = vector.broadcast %and3A_3087 : i32 to vector<16xi32>
        %and3A_3089 = arith.andi %shift_right_arithmetic3A, %and3A_3088 : vector<16xi32>
        %eq3A_3090 = arith.constant 1 : i32
        %eq3A_3091 = vector.broadcast %eq3A_3090 : i32 to vector<16xi32>
        %eq3A_3092 = arith.cmpi eq, %and3A_3089, %eq3A_3091 : vector<16xi32>
        %gt3A = arith.constant 0 : i32
        %gt3A_3093 = arith.cmpi sgt, %squeeze3A_3077, %gt3A : i32
        %and3A_3094 = vector.broadcast %gt3A_3093 : i1 to vector<16xi1>
        %and3A_3095 = arith.andi %eq3A_3092, %and3A_3094 : vector<16xi1>
        %mul3A_3096 = arith.constant 16 : i32
        %mul3A_3097 = arith.muli %while3A_3070, %mul3A_3096 : i32
        %add3A_3098 = vector.broadcast %mul3A_3097 : i32 to vector<16xi32>
        %add3A_3099 = arith.addi %add3A_3098, %all_reduce_ffs3A : vector<16xi32>
        %mul3A_3100 = arith.constant 16 : i32
        %mul3A_3101 = vector.broadcast %mul3A_3100 : i32 to vector<16xi32>
        %mul3A_3102 = arith.muli %add3A_3099, %mul3A_3101 : vector<16xi32>
        %add3A_3103 = arith.addi %mul3A_3102, %iota3A : vector<16xi32>
        %swap3A_3104 = arith.constant 7 : i32
        %swap3A_3105 = arith.constant 0 : i32
        %swap3A_3106 = tpu.memref_slice %arg8[%swap3A_3104, %swap3A_3105] : memref<8x96xi32, #tpu.memory_space<vmem>> -> memref<1x96xi32, #tpu.memory_space<vmem>>
        %swap3A_3107 = tpu.memref_squeeze %swap3A_3106 : memref<1x96xi32, #tpu.memory_space<vmem>> -> memref<96xi32, #tpu.memory_space<vmem>>
        %swap3A_3108 = arith.index_cast %while3A_3072 : i32 to index
        %swap3A_3109 = tpu.vector_load %swap3A_3107[%swap3A_3108] masked %and3A_3095 {strides = array<i32>} : memref<96xi32, #tpu.memory_space<vmem>>, vector<16xi32>, vector<16xi1>
        tpu.vector_store %swap3A_3107[%swap3A_3108], %add3A_3103 masked %and3A_3095 {strides = array<i32>} : memref<96xi32, #tpu.memory_space<vmem>>, vector<16xi32>, vector<16xi1>
        %all_reduce_population_count3A_3110 = tpu.all_reduce %and3A_3095 {dim = 0 : i64, kind = #tpu.reduction_kind<sum>} : vector<16xi1> -> vector<16xi32>
        %slice3A_3111 = vector.extract_strided_slice %all_reduce_population_count3A_3110 {offsets = [0], sizes = [1], strides = [1]} : vector<16xi32> to vector<1xi32>
        %squeeze3A_3112 = vector.extract %slice3A_3111[0] : i32 from vector<1xi32>
        %add3A_3113 = arith.addi %while3A_3072, %squeeze3A_3112 : i32
        %eq3A_3114 = arith.cmpi eq, %iota3A, %all_reduce_ffs3A : vector<16xi32>
        %jit3A_3115 = arith.constant 0 : i32
        %broadcast_in_dim3A_3116 = vector.broadcast %jit3A_3115 : i32 to vector<16xi32>
        %select_n3A_3117 = arith.select %eq3A_3114, %broadcast_in_dim3A_3116, %while3A_3071 : vector<16xi1>, vector<16xi32>
        %ne3A_3118 = arith.constant 0 : i32
        %ne3A_3119 = vector.broadcast %ne3A_3118 : i32 to vector<16xi32>
        %ne3A_3120 = arith.cmpi ne, %select_n3A_3117, %ne3A_3119 : vector<16xi32>
        %all_reduce_population_count3A_3121 = tpu.all_reduce %ne3A_3120 {dim = 0 : i64, kind = #tpu.reduction_kind<sum>} : vector<16xi1> -> vector<16xi32>
        %slice3A_3122 = vector.extract_strided_slice %all_reduce_population_count3A_3121 {offsets = [0], sizes = [1], strides = [1]} : vector<16xi32> to vector<1xi32>
        %squeeze3A_3123 = vector.extract %slice3A_3122[0] : i32 from vector<1xi32>
        %eq3A_3124 = arith.constant 0 : i32
        %eq3A_3125 = arith.cmpi eq, %squeeze3A_3123, %eq3A_3124 : i32
        %jit3A_3126 = arith.constant 1 : i32
        %jit3A_3127 = arith.constant 0 : i32
        %select_n3A_3128 = arith.select %eq3A_3125, %jit3A_3126, %jit3A_3127 : i32
        %add3A_3129 = arith.addi %while3A_3070, %select_n3A_3128 : i32
        %min3A_3130 = arith.constant 31 : i32
        %min3A_3131 = arith.minsi %add3A_3129, %min3A_3130 : i32
        %mul3A_3132 = arith.constant 16 : i32
        %mul3A_3133 = arith.muli %mul3A_3132, %min3A_3131 : i32
        %get3A_3134 = arith.constant 7 : i32
        %get3A_3135 = arith.index_cast %get3A_3134 : i32 to index
        %get3A_3136 = arith.index_cast %mul3A_3133 : i32 to index
        %get3A_3137 = tpu.vector_load %arg7[%get3A_3135, %get3A_3136] {strides = array<i32>} : memref<8x512xi32, #tpu.memory_space<vmem>>, vector<16xi32>,
        %select_n3A_3138 = arith.select %eq3A_3125, %get3A_3137, %select_n3A_3117 : vector<16xi32>
        scf.yield %add3A_3129, %select_n3A_3138, %add3A_3113 : i32, vector<16xi32>, i32
      }
      %get3A_706 = arith.constant 7 : i32
      %get3A_707 = arith.index_cast %get3A_706 : i32 to index
      %get3A_708 = arith.constant 0 : index
      %get3A_709 = tpu.vector_load %arg8[%get3A_707, %get3A_708] {strides = array<i32>} : memref<8x96xi32, #tpu.memory_space<vmem>>, vector<16xi32>,
      %slice3A_710 = vector.extract_strided_slice %get3A_709 {offsets = [0], sizes = [1], strides = [1]} : vector<16xi32> to vector<1xi32>
      %squeeze3A_711 = vector.extract %slice3A_710[0] : i32 from vector<1xi32>
      %get3A_712 = arith.constant 7 : i32
      %get3A_713 = arith.index_cast %get3A_712 : i32 to index
      %get3A_714 = arith.constant 0 : index
      %get3A_715 = tpu.vector_load %arg8[%get3A_713, %get3A_714] {strides = array<i32>} : memref<8x96xi32, #tpu.memory_space<vmem>>, vector<16xi32>,
      %add3A_716 = arith.constant 0 : i32
      %add3A_717 = vector.broadcast %add3A_716 : i32 to vector<16xi32>
      %add3A_718 = arith.addi %add3A_717, %iota3A : vector<16xi32>
      %lt3A_719 = vector.broadcast %while3A_705#2 : i32 to vector<16xi32>
      %lt3A_720 = arith.cmpi slt, %add3A_718, %lt3A_719 : vector<16xi32>
      %broadcast_in_dim3A_721 = vector.broadcast %squeeze3A_711 : i32 to vector<16xi32>
      %select_n3A_722 = arith.select %lt3A_720, %get3A_715, %broadcast_in_dim3A_721 : vector<16xi1>, vector<16xi32>
      %swap3A_723 = arith.constant 64 : index
      %swap3A_724 = tpu.vector_load %arg12[%swap3A_723] {strides = array<i32>} : memref<128xi32, #tpu.memory_space<vmem>>, vector<16xi32>,
      tpu.vector_store %arg12[%swap3A_723], %select_n3A_722 {strides = array<i32>} : memref<128xi32, #tpu.memory_space<vmem>>, vector<16xi32>,
      %get3A_725 = arith.constant 7 : i32
      %get3A_726 = arith.index_cast %get3A_725 : i32 to index
      %get3A_727 = arith.constant 16 : index
      %get3A_728 = tpu.vector_load %arg8[%get3A_726, %get3A_727] {strides = array<i32>} : memref<8x96xi32, #tpu.memory_space<vmem>>, vector<16xi32>,
      %add3A_729 = arith.constant 16 : i32
      %add3A_730 = vector.broadcast %add3A_729 : i32 to vector<16xi32>
      %add3A_731 = arith.addi %add3A_730, %iota3A : vector<16xi32>
      %lt3A_732 = vector.broadcast %while3A_705#2 : i32 to vector<16xi32>
      %lt3A_733 = arith.cmpi slt, %add3A_731, %lt3A_732 : vector<16xi32>
      %broadcast_in_dim3A_734 = vector.broadcast %squeeze3A_711 : i32 to vector<16xi32>
      %select_n3A_735 = arith.select %lt3A_733, %get3A_728, %broadcast_in_dim3A_734 : vector<16xi1>, vector<16xi32>
      %swap3A_736 = arith.constant 80 : index
      %swap3A_737 = tpu.vector_load %arg12[%swap3A_736] {strides = array<i32>} : memref<128xi32, #tpu.memory_space<vmem>>, vector<16xi32>,
      tpu.vector_store %arg12[%swap3A_736], %select_n3A_735 {strides = array<i32>} : memref<128xi32, #tpu.memory_space<vmem>>, vector<16xi32>,
      %get3A_738 = arith.constant 7 : i32
      %get3A_739 = arith.index_cast %get3A_738 : i32 to index
      %get3A_740 = arith.constant 32 : index
      %get3A_741 = tpu.vector_load %arg8[%get3A_739, %get3A_740] {strides = array<i32>} : memref<8x96xi32, #tpu.memory_space<vmem>>, vector<16xi32>,
      %add3A_742 = arith.constant 32 : i32
      %add3A_743 = vector.broadcast %add3A_742 : i32 to vector<16xi32>
      %add3A_744 = arith.addi %add3A_743, %iota3A : vector<16xi32>
      %lt3A_745 = vector.broadcast %while3A_705#2 : i32 to vector<16xi32>
      %lt3A_746 = arith.cmpi slt, %add3A_744, %lt3A_745 : vector<16xi32>
      %broadcast_in_dim3A_747 = vector.broadcast %squeeze3A_711 : i32 to vector<16xi32>
      %select_n3A_748 = arith.select %lt3A_746, %get3A_741, %broadcast_in_dim3A_747 : vector<16xi1>, vector<16xi32>
      %swap3A_749 = arith.constant 96 : index
      %swap3A_750 = tpu.vector_load %arg12[%swap3A_749] {strides = array<i32>} : memref<128xi32, #tpu.memory_space<vmem>>, vector<16xi32>,
      tpu.vector_store %arg12[%swap3A_749], %select_n3A_748 {strides = array<i32>} : memref<128xi32, #tpu.memory_space<vmem>>, vector<16xi32>,
      %get3A_751 = arith.constant 7 : i32
      %get3A_752 = arith.index_cast %get3A_751 : i32 to index
      %get3A_753 = arith.constant 48 : index
      %get3A_754 = tpu.vector_load %arg8[%get3A_752, %get3A_753] {strides = array<i32>} : memref<8x96xi32, #tpu.memory_space<vmem>>, vector<16xi32>,
      %add3A_755 = arith.constant 48 : i32
      %add3A_756 = vector.broadcast %add3A_755 : i32 to vector<16xi32>
      %add3A_757 = arith.addi %add3A_756, %iota3A : vector<16xi32>
      %lt3A_758 = vector.broadcast %while3A_705#2 : i32 to vector<16xi32>
      %lt3A_759 = arith.cmpi slt, %add3A_757, %lt3A_758 : vector<16xi32>
      %broadcast_in_dim3A_760 = vector.broadcast %squeeze3A_711 : i32 to vector<16xi32>
      %select_n3A_761 = arith.select %lt3A_759, %get3A_754, %broadcast_in_dim3A_760 : vector<16xi1>, vector<16xi32>
      %swap3A_762 = arith.constant 112 : index
      %swap3A_763 = tpu.vector_load %arg12[%swap3A_762] {strides = array<i32>} : memref<128xi32, #tpu.memory_space<vmem>>, vector<16xi32>,
      tpu.vector_store %arg12[%swap3A_762], %select_n3A_761 {strides = array<i32>} : memref<128xi32, #tpu.memory_space<vmem>>, vector<16xi32>,
      %get3A_764 = arith.constant 0 : index
      %get3A_765 = tpu.vector_load %arg12[%get3A_764] {strides = array<i32>} : memref<128xi32, #tpu.memory_space<vmem>>, vector<16xi32>,
      %add3A_766 = vector.broadcast %mul3A_20 : i32 to vector<16xi32>
      %add3A_767 = arith.addi %get3A_765, %add3A_766 : vector<16xi32>
      %swap3A_768 = arith.constant 0 : index
      %swap3A_769 = tpu.vector_load %arg16[%swap3A_768] {strides = array<i32>} : memref<128xi32, #tpu.memory_space<vmem>>, vector<16xi32>,
      tpu.vector_store %arg16[%swap3A_768], %add3A_767 {strides = array<i32>} : memref<128xi32, #tpu.memory_space<vmem>>, vector<16xi32>,
      %get3A_770 = arith.constant 16 : index
      %get3A_771 = tpu.vector_load %arg12[%get3A_770] {strides = array<i32>} : memref<128xi32, #tpu.memory_space<vmem>>, vector<16xi32>,
      %add3A_772 = vector.broadcast %mul3A_20 : i32 to vector<16xi32>
      %add3A_773 = arith.addi %get3A_771, %add3A_772 : vector<16xi32>
      %swap3A_774 = arith.constant 16 : index
      %swap3A_775 = tpu.vector_load %arg16[%swap3A_774] {strides = array<i32>} : memref<128xi32, #tpu.memory_space<vmem>>, vector<16xi32>,
      tpu.vector_store %arg16[%swap3A_774], %add3A_773 {strides = array<i32>} : memref<128xi32, #tpu.memory_space<vmem>>, vector<16xi32>,
      %get3A_776 = arith.constant 32 : index
      %get3A_777 = tpu.vector_load %arg12[%get3A_776] {strides = array<i32>} : memref<128xi32, #tpu.memory_space<vmem>>, vector<16xi32>,
      %add3A_778 = vector.broadcast %mul3A_20 : i32 to vector<16xi32>
      %add3A_779 = arith.addi %get3A_777, %add3A_778 : vector<16xi32>
      %swap3A_780 = arith.constant 32 : index
      %swap3A_781 = tpu.vector_load %arg16[%swap3A_780] {strides = array<i32>} : memref<128xi32, #tpu.memory_space<vmem>>, vector<16xi32>,
      tpu.vector_store %arg16[%swap3A_780], %add3A_779 {strides = array<i32>} : memref<128xi32, #tpu.memory_space<vmem>>, vector<16xi32>,
      %get3A_782 = arith.constant 48 : index
      %get3A_783 = tpu.vector_load %arg12[%get3A_782] {strides = array<i32>} : memref<128xi32, #tpu.memory_space<vmem>>, vector<16xi32>,
      %add3A_784 = vector.broadcast %mul3A_20 : i32 to vector<16xi32>
      %add3A_785 = arith.addi %get3A_783, %add3A_784 : vector<16xi32>
      %swap3A_786 = arith.constant 48 : index
      %swap3A_787 = tpu.vector_load %arg16[%swap3A_786] {strides = array<i32>} : memref<128xi32, #tpu.memory_space<vmem>>, vector<16xi32>,
      tpu.vector_store %arg16[%swap3A_786], %add3A_785 {strides = array<i32>} : memref<128xi32, #tpu.memory_space<vmem>>, vector<16xi32>,
      %get3A_788 = arith.constant 64 : index
      %get3A_789 = tpu.vector_load %arg12[%get3A_788] {strides = array<i32>} : memref<128xi32, #tpu.memory_space<vmem>>, vector<16xi32>,
      %add3A_790 = vector.broadcast %mul3A_20 : i32 to vector<16xi32>
      %add3A_791 = arith.addi %get3A_789, %add3A_790 : vector<16xi32>
      %swap3A_792 = arith.constant 64 : index
      %swap3A_793 = tpu.vector_load %arg16[%swap3A_792] {strides = array<i32>} : memref<128xi32, #tpu.memory_space<vmem>>, vector<16xi32>,
      tpu.vector_store %arg16[%swap3A_792], %add3A_791 {strides = array<i32>} : memref<128xi32, #tpu.memory_space<vmem>>, vector<16xi32>,
      %get3A_794 = arith.constant 80 : index
      %get3A_795 = tpu.vector_load %arg12[%get3A_794] {strides = array<i32>} : memref<128xi32, #tpu.memory_space<vmem>>, vector<16xi32>,
      %add3A_796 = vector.broadcast %mul3A_20 : i32 to vector<16xi32>
      %add3A_797 = arith.addi %get3A_795, %add3A_796 : vector<16xi32>
      %swap3A_798 = arith.constant 80 : index
      %swap3A_799 = tpu.vector_load %arg16[%swap3A_798] {strides = array<i32>} : memref<128xi32, #tpu.memory_space<vmem>>, vector<16xi32>,
      tpu.vector_store %arg16[%swap3A_798], %add3A_797 {strides = array<i32>} : memref<128xi32, #tpu.memory_space<vmem>>, vector<16xi32>,
      %get3A_800 = arith.constant 96 : index
      %get3A_801 = tpu.vector_load %arg12[%get3A_800] {strides = array<i32>} : memref<128xi32, #tpu.memory_space<vmem>>, vector<16xi32>,
      %add3A_802 = vector.broadcast %mul3A_20 : i32 to vector<16xi32>
      %add3A_803 = arith.addi %get3A_801, %add3A_802 : vector<16xi32>
      %swap3A_804 = arith.constant 96 : index
      %swap3A_805 = tpu.vector_load %arg16[%swap3A_804] {strides = array<i32>} : memref<128xi32, #tpu.memory_space<vmem>>, vector<16xi32>,
      tpu.vector_store %arg16[%swap3A_804], %add3A_803 {strides = array<i32>} : memref<128xi32, #tpu.memory_space<vmem>>, vector<16xi32>,
      %get3A_806 = arith.constant 112 : index
      %get3A_807 = tpu.vector_load %arg12[%get3A_806] {strides = array<i32>} : memref<128xi32, #tpu.memory_space<vmem>>, vector<16xi32>,
      %add3A_808 = vector.broadcast %mul3A_20 : i32 to vector<16xi32>
      %add3A_809 = arith.addi %get3A_807, %add3A_808 : vector<16xi32>
      %swap3A_810 = arith.constant 112 : index
      %swap3A_811 = tpu.vector_load %arg16[%swap3A_810] {strides = array<i32>} : memref<128xi32, #tpu.memory_space<vmem>>, vector<16xi32>,
      tpu.vector_store %arg16[%swap3A_810], %add3A_809 {strides = array<i32>} : memref<128xi32, #tpu.memory_space<vmem>>, vector<16xi32>,
      %dma_start3A_812 = arith.constant 0 : i32
      %dma_start3A_813 = arith.constant 0 : i32
      %dma_start3A_814 = tpu.memref_slice %arg5[%dma_start3A_812, %dma_start3A_813] : memref<32768x128xf32, #tpu.memory_space<hbm>> -> memref<32768x128xf32, #tpu.memory_space<hbm>>
      tpu.enqueue_indirect_dma source(%dma_start3A_814 : memref<32768x128xf32, #tpu.memory_space<hbm>>) target(%arg21 : memref<128x128xf32, #tpu.memory_space<vmem>>) offsets(%arg16 : memref<128xi32, #tpu.memory_space<vmem>>) semaphore(%arg34 : memref<!tpu.dma_semaphore, #tpu.memory_space<semaphore_mem>>)
      %mul3A_815 = arith.constant 64 : i32
      %mul3A_816 = arith.muli %add3A, %mul3A_815 : i32
      %mul3A_817 = arith.constant 4 : i32
      %mul3A_818 = arith.muli %mul3A_817, %scan3A_41 : i32
      %add3A_819 = arith.addi %mul3A_816, %mul3A_818 : i32
      %add3A_820 = arith.constant 0 : i32
      %add3A_821 = arith.addi %add3A_819, %add3A_820 : i32
      %mul3A_822 = arith.constant 4 : i32
      %mul3A_823 = arith.muli %mul3A_822, %scan3A_41 : i32
      %add3A_824 = arith.constant 0 : i32
      %add3A_825 = arith.addi %mul3A_823, %add3A_824 : i32
      %mul3A_826 = arith.constant 2 : i32
      %mul3A_827 = arith.muli %add3A_825, %mul3A_826 : i32
      %mul3A_828 = arith.constant 3 : i32
      %mul3A_829 = arith.muli %select_n3A, %mul3A_828 : i32
      %mul3A_830 = arith.constant 512 : i32
      %mul3A_831 = arith.muli %mul3A_829, %mul3A_830 : i32
      %add3A_832 = arith.constant 262144 : i32
      %add3A_833 = arith.addi %add3A_832, %mul3A_831 : i32
      %jit3A_834 = arith.constant 512 : i32
      %eq3A = arith.constant 0 : i32
      %eq3A_835 = arith.cmpi eq, %jit3A_834, %eq3A : i32
      %jit3A_836 = arith.constant 1 : i32
      %select_n3A_837 = arith.select %eq3A_835, %jit3A_836, %jit3A_834 : i32
      %rem3A_838 = arith.remsi %add3A_821, %select_n3A_837 : i32
      %ne3A_839 = arith.constant 0 : i32
      %ne3A_840 = arith.cmpi ne, %rem3A_838, %ne3A_839 : i32
      %lt3A_841 = arith.constant 0 : i32
      %lt3A_842 = arith.cmpi slt, %rem3A_838, %lt3A_841 : i32
      %lt3A_843 = arith.constant 0 : i32
      %lt3A_844 = arith.cmpi slt, %select_n3A_837, %lt3A_843 : i32
      %ne3A_845 = arith.xori %lt3A_842, %lt3A_844 : i1
      %and3A_846 = arith.andi %ne3A_845, %ne3A_840 : i1
      %add3A_847 = arith.addi %rem3A_838, %select_n3A_837 : i32
      %select_n3A_848 = arith.select %and3A_846, %add3A_847, %rem3A_838 : i32
      %add3A_849 = arith.addi %add3A_833, %select_n3A_848 : i32
      %lt3A_850 = arith.constant 3 : i32
      %lt3A_851 = vector.broadcast %lt3A_850 : i32 to vector<16xi32>
      %lt3A_852 = arith.cmpi slt, %iota3A, %lt3A_851 : vector<16xi32>
      %mul3A_853 = arith.constant 512 : i32
      %mul3A_854 = vector.broadcast %mul3A_853 : i32 to vector<16xi32>
      %mul3A_855 = arith.muli %iota3A, %mul3A_854 : vector<16xi32>
      %add3A_856 = vector.broadcast %add3A_849 : i32 to vector<16xi32>
      %add3A_857 = arith.addi %add3A_856, %mul3A_855 : vector<16xi32>
      %sub3A_858 = arith.constant 3 : i32
      %sub3A_859 = vector.broadcast %sub3A_858 : i32 to vector<16xi32>
      %sub3A_860 = arith.subi %iota3A, %sub3A_859 : vector<16xi32>
      %add3A_861 = arith.constant 268288 : i32
      %add3A_862 = vector.broadcast %add3A_861 : i32 to vector<16xi32>
      %add3A_863 = arith.addi %add3A_862, %sub3A_860 : vector<16xi32>
      %select_n3A_864 = arith.select %lt3A_852, %add3A_857, %add3A_863 : vector<16xi1>, vector<16xi32>
      %swap3A_865 = arith.constant 0 : index
      %swap3A_866 = tpu.vector_load %arg27[%swap3A_865] {strides = array<i32>} : memref<16xi32, #tpu.memory_space<vmem>>, vector<16xi32>,
      tpu.vector_store %arg27[%swap3A_865], %select_n3A_864 {strides = array<i32>} : memref<16xi32, #tpu.memory_space<vmem>>, vector<16xi32>,
      %mul3A_867 = arith.constant 16 : i32
      %mul3A_868 = arith.muli %mul3A_827, %mul3A_867 : i32
      %get3A_869 = arith.index_cast %mul3A_868 : i32 to index
      %get3A_870 = tpu.vector_load %arg26[%get3A_869] {strides = array<i32>} : memref<2048xf32, #tpu.memory_space<vmem>>, vector<16xf32>,
      %mul3A_871 = arith.constant 16 : i32
      %mul3A_872 = arith.muli %mul3A_827, %mul3A_871 : i32
      %add3A_873 = arith.constant 16 : i32
      %add3A_874 = arith.addi %mul3A_872, %add3A_873 : i32
      %get3A_875 = arith.index_cast %add3A_874 : i32 to index
      %get3A_876 = tpu.vector_load %arg26[%get3A_875] {strides = array<i32>} : memref<2048xf32, #tpu.memory_space<vmem>>, vector<16xf32>,
      %slice3A_877 = vector.extract_strided_slice %get3A_870 {offsets = [0], sizes = [1], strides = [1]} : vector<16xf32> to vector<1xf32>
      %squeeze3A_878 = vector.extract %slice3A_877[0] : f32 from vector<1xf32>
      %get3A_879 = arith.constant 0 : index
      %get3A_880 = tpu.vector_load %arg9[%get3A_879] {strides = array<i32>} : memref<128xi32, #tpu.memory_space<vmem>>, vector<16xi32>,
      %mul3A_881 = arith.constant 4 : i32
      %mul3A_882 = vector.broadcast %mul3A_881 : i32 to vector<16xi32>
      %mul3A_883 = arith.muli %get3A_880, %mul3A_882 : vector<16xi32>
      %add3A_884 = arith.constant 0 : i32
      %add3A_885 = vector.broadcast %add3A_884 : i32 to vector<16xi32>
      %add3A_886 = arith.addi %mul3A_883, %add3A_885 : vector<16xi32>
      %gather3A = tpu.vector_load_idx %arg17[%add3A_886] : memref<32768xf32, #tpu.memory_space<vmem>>[vector<16xi32>], vector<16xf32>,
      %mul3A_887 = arith.constant 2.500000e+00 : f32
      %mul3A_888 = vector.broadcast %mul3A_887 : f32 to vector<16xf32>
      %mul3A_889 = arith.mulf %gather3A, %mul3A_888 : vector<16xf32>
      %sub3A_890 = vector.broadcast %squeeze3A_878 : f32 to vector<16xf32>
      %sub3A_891 = arith.subf %mul3A_889, %sub3A_890 : vector<16xf32>
      %swap3A_892 = arith.constant 0 : i32
      %swap3A_893 = arith.index_cast %swap3A_892 : i32 to index
      %swap3A_894 = arith.constant 0 : index
      %swap3A_895 = tpu.vector_load %arg22[%swap3A_893, %swap3A_894] {strides = array<i32>} : memref<16x128xf32, #tpu.memory_space<vmem>>, vector<16xf32>,
      tpu.vector_store %arg22[%swap3A_893, %swap3A_894], %sub3A_891 {strides = array<i32>} : memref<16x128xf32, #tpu.memory_space<vmem>>, vector<16xf32>,
      %slice3A_896 = vector.extract_strided_slice %get3A_870 {offsets = [0], sizes = [1], strides = [1]} : vector<16xf32> to vector<1xf32>
      %squeeze3A_897 = vector.extract %slice3A_896[0] : f32 from vector<1xf32>
      %get3A_898 = arith.constant 16 : index
      %get3A_899 = tpu.vector_load %arg9[%get3A_898] {strides = array<i32>} : memref<128xi32, #tpu.memory_space<vmem>>, vector<16xi32>,
      %mul3A_900 = arith.constant 4 : i32
      %mul3A_901 = vector.broadcast %mul3A_900 : i32 to vector<16xi32>
      %mul3A_902 = arith.muli %get3A_899, %mul3A_901 : vector<16xi32>
      %add3A_903 = arith.constant 0 : i32
      %add3A_904 = vector.broadcast %add3A_903 : i32 to vector<16xi32>
      %add3A_905 = arith.addi %mul3A_902, %add3A_904 : vector<16xi32>
      %gather3A_906 = tpu.vector_load_idx %arg17[%add3A_905] : memref<32768xf32, #tpu.memory_space<vmem>>[vector<16xi32>], vector<16xf32>,
      %mul3A_907 = arith.constant 2.500000e+00 : f32
      %mul3A_908 = vector.broadcast %mul3A_907 : f32 to vector<16xf32>
      %mul3A_909 = arith.mulf %gather3A_906, %mul3A_908 : vector<16xf32>
      %sub3A_910 = vector.broadcast %squeeze3A_897 : f32 to vector<16xf32>
      %sub3A_911 = arith.subf %mul3A_909, %sub3A_910 : vector<16xf32>
      %swap3A_912 = arith.constant 0 : i32
      %swap3A_913 = arith.index_cast %swap3A_912 : i32 to index
      %swap3A_914 = arith.constant 16 : index
      %swap3A_915 = tpu.vector_load %arg22[%swap3A_913, %swap3A_914] {strides = array<i32>} : memref<16x128xf32, #tpu.memory_space<vmem>>, vector<16xf32>,
      tpu.vector_store %arg22[%swap3A_913, %swap3A_914], %sub3A_911 {strides = array<i32>} : memref<16x128xf32, #tpu.memory_space<vmem>>, vector<16xf32>,
      %slice3A_916 = vector.extract_strided_slice %get3A_870 {offsets = [0], sizes = [1], strides = [1]} : vector<16xf32> to vector<1xf32>
      %squeeze3A_917 = vector.extract %slice3A_916[0] : f32 from vector<1xf32>
      %get3A_918 = arith.constant 32 : index
      %get3A_919 = tpu.vector_load %arg9[%get3A_918] {strides = array<i32>} : memref<128xi32, #tpu.memory_space<vmem>>, vector<16xi32>,
      %mul3A_920 = arith.constant 4 : i32
      %mul3A_921 = vector.broadcast %mul3A_920 : i32 to vector<16xi32>
      %mul3A_922 = arith.muli %get3A_919, %mul3A_921 : vector<16xi32>
      %add3A_923 = arith.constant 0 : i32
      %add3A_924 = vector.broadcast %add3A_923 : i32 to vector<16xi32>
      %add3A_925 = arith.addi %mul3A_922, %add3A_924 : vector<16xi32>
      %gather3A_926 = tpu.vector_load_idx %arg17[%add3A_925] : memref<32768xf32, #tpu.memory_space<vmem>>[vector<16xi32>], vector<16xf32>,
      %mul3A_927 = arith.constant 2.500000e+00 : f32
      %mul3A_928 = vector.broadcast %mul3A_927 : f32 to vector<16xf32>
      %mul3A_929 = arith.mulf %gather3A_926, %mul3A_928 : vector<16xf32>
      %sub3A_930 = vector.broadcast %squeeze3A_917 : f32 to vector<16xf32>
      %sub3A_931 = arith.subf %mul3A_929, %sub3A_930 : vector<16xf32>
      %swap3A_932 = arith.constant 0 : i32
      %swap3A_933 = arith.index_cast %swap3A_932 : i32 to index
      %swap3A_934 = arith.constant 32 : index
      %swap3A_935 = tpu.vector_load %arg22[%swap3A_933, %swap3A_934] {strides = array<i32>} : memref<16x128xf32, #tpu.memory_space<vmem>>, vector<16xf32>,
      tpu.vector_store %arg22[%swap3A_933, %swap3A_934], %sub3A_931 {strides = array<i32>} : memref<16x128xf32, #tpu.memory_space<vmem>>, vector<16xf32>,
      %slice3A_936 = vector.extract_strided_slice %get3A_870 {offsets = [0], sizes = [1], strides = [1]} : vector<16xf32> to vector<1xf32>
      %squeeze3A_937 = vector.extract %slice3A_936[0] : f32 from vector<1xf32>
      %get3A_938 = arith.constant 48 : index
      %get3A_939 = tpu.vector_load %arg9[%get3A_938] {strides = array<i32>} : memref<128xi32, #tpu.memory_space<vmem>>, vector<16xi32>,
      %mul3A_940 = arith.constant 4 : i32
      %mul3A_941 = vector.broadcast %mul3A_940 : i32 to vector<16xi32>
      %mul3A_942 = arith.muli %get3A_939, %mul3A_941 : vector<16xi32>
      %add3A_943 = arith.constant 0 : i32
      %add3A_944 = vector.broadcast %add3A_943 : i32 to vector<16xi32>
      %add3A_945 = arith.addi %mul3A_942, %add3A_944 : vector<16xi32>
      %gather3A_946 = tpu.vector_load_idx %arg17[%add3A_945] : memref<32768xf32, #tpu.memory_space<vmem>>[vector<16xi32>], vector<16xf32>,
      %mul3A_947 = arith.constant 2.500000e+00 : f32
      %mul3A_948 = vector.broadcast %mul3A_947 : f32 to vector<16xf32>
      %mul3A_949 = arith.mulf %gather3A_946, %mul3A_948 : vector<16xf32>
      %sub3A_950 = vector.broadcast %squeeze3A_937 : f32 to vector<16xf32>
      %sub3A_951 = arith.subf %mul3A_949, %sub3A_950 : vector<16xf32>
      %swap3A_952 = arith.constant 0 : i32
      %swap3A_953 = arith.index_cast %swap3A_952 : i32 to index
      %swap3A_954 = arith.constant 48 : index
      %swap3A_955 = tpu.vector_load %arg22[%swap3A_953, %swap3A_954] {strides = array<i32>} : memref<16x128xf32, #tpu.memory_space<vmem>>, vector<16xf32>,
      tpu.vector_store %arg22[%swap3A_953, %swap3A_954], %sub3A_951 {strides = array<i32>} : memref<16x128xf32, #tpu.memory_space<vmem>>, vector<16xf32>,
      %slice3A_956 = vector.extract_strided_slice %get3A_876 {offsets = [0], sizes = [1], strides = [1]} : vector<16xf32> to vector<1xf32>
      %squeeze3A_957 = vector.extract %slice3A_956[0] : f32 from vector<1xf32>
      %get3A_958 = arith.constant 64 : index
      %get3A_959 = tpu.vector_load %arg9[%get3A_958] {strides = array<i32>} : memref<128xi32, #tpu.memory_space<vmem>>, vector<16xi32>,
      %mul3A_960 = arith.constant 4 : i32
      %mul3A_961 = vector.broadcast %mul3A_960 : i32 to vector<16xi32>
      %mul3A_962 = arith.muli %get3A_959, %mul3A_961 : vector<16xi32>
      %add3A_963 = arith.constant 0 : i32
      %add3A_964 = vector.broadcast %add3A_963 : i32 to vector<16xi32>
      %add3A_965 = arith.addi %mul3A_962, %add3A_964 : vector<16xi32>
      %gather3A_966 = tpu.vector_load_idx %arg17[%add3A_965] : memref<32768xf32, #tpu.memory_space<vmem>>[vector<16xi32>], vector<16xf32>,
      %mul3A_967 = arith.constant 2.500000e+00 : f32
      %mul3A_968 = vector.broadcast %mul3A_967 : f32 to vector<16xf32>
      %mul3A_969 = arith.mulf %gather3A_966, %mul3A_968 : vector<16xf32>
      %sub3A_970 = vector.broadcast %squeeze3A_957 : f32 to vector<16xf32>
      %sub3A_971 = arith.subf %mul3A_969, %sub3A_970 : vector<16xf32>
      %swap3A_972 = arith.constant 0 : i32
      %swap3A_973 = arith.index_cast %swap3A_972 : i32 to index
      %swap3A_974 = arith.constant 64 : index
      %swap3A_975 = tpu.vector_load %arg22[%swap3A_973, %swap3A_974] {strides = array<i32>} : memref<16x128xf32, #tpu.memory_space<vmem>>, vector<16xf32>,
      tpu.vector_store %arg22[%swap3A_973, %swap3A_974], %sub3A_971 {strides = array<i32>} : memref<16x128xf32, #tpu.memory_space<vmem>>, vector<16xf32>,
      %slice3A_976 = vector.extract_strided_slice %get3A_876 {offsets = [0], sizes = [1], strides = [1]} : vector<16xf32> to vector<1xf32>
      %squeeze3A_977 = vector.extract %slice3A_976[0] : f32 from vector<1xf32>
      %get3A_978 = arith.constant 80 : index
      %get3A_979 = tpu.vector_load %arg9[%get3A_978] {strides = array<i32>} : memref<128xi32, #tpu.memory_space<vmem>>, vector<16xi32>,
      %mul3A_980 = arith.constant 4 : i32
      %mul3A_981 = vector.broadcast %mul3A_980 : i32 to vector<16xi32>
      %mul3A_982 = arith.muli %get3A_979, %mul3A_981 : vector<16xi32>
      %add3A_983 = arith.constant 0 : i32
      %add3A_984 = vector.broadcast %add3A_983 : i32 to vector<16xi32>
      %add3A_985 = arith.addi %mul3A_982, %add3A_984 : vector<16xi32>
      %gather3A_986 = tpu.vector_load_idx %arg17[%add3A_985] : memref<32768xf32, #tpu.memory_space<vmem>>[vector<16xi32>], vector<16xf32>,
      %mul3A_987 = arith.constant 2.500000e+00 : f32
      %mul3A_988 = vector.broadcast %mul3A_987 : f32 to vector<16xf32>
      %mul3A_989 = arith.mulf %gather3A_986, %mul3A_988 : vector<16xf32>
      %sub3A_990 = vector.broadcast %squeeze3A_977 : f32 to vector<16xf32>
      %sub3A_991 = arith.subf %mul3A_989, %sub3A_990 : vector<16xf32>
      %swap3A_992 = arith.constant 0 : i32
      %swap3A_993 = arith.index_cast %swap3A_992 : i32 to index
      %swap3A_994 = arith.constant 80 : index
      %swap3A_995 = tpu.vector_load %arg22[%swap3A_993, %swap3A_994] {strides = array<i32>} : memref<16x128xf32, #tpu.memory_space<vmem>>, vector<16xf32>,
      tpu.vector_store %arg22[%swap3A_993, %swap3A_994], %sub3A_991 {strides = array<i32>} : memref<16x128xf32, #tpu.memory_space<vmem>>, vector<16xf32>,
      %slice3A_996 = vector.extract_strided_slice %get3A_876 {offsets = [0], sizes = [1], strides = [1]} : vector<16xf32> to vector<1xf32>
      %squeeze3A_997 = vector.extract %slice3A_996[0] : f32 from vector<1xf32>
      %get3A_998 = arith.constant 96 : index
      %get3A_999 = tpu.vector_load %arg9[%get3A_998] {strides = array<i32>} : memref<128xi32, #tpu.memory_space<vmem>>, vector<16xi32>,
      %mul3A_1000 = arith.constant 4 : i32
      %mul3A_1001 = vector.broadcast %mul3A_1000 : i32 to vector<16xi32>
      %mul3A_1002 = arith.muli %get3A_999, %mul3A_1001 : vector<16xi32>
      %add3A_1003 = arith.constant 0 : i32
      %add3A_1004 = vector.broadcast %add3A_1003 : i32 to vector<16xi32>
      %add3A_1005 = arith.addi %mul3A_1002, %add3A_1004 : vector<16xi32>
      %gather3A_1006 = tpu.vector_load_idx %arg17[%add3A_1005] : memref<32768xf32, #tpu.memory_space<vmem>>[vector<16xi32>], vector<16xf32>,
      %mul3A_1007 = arith.constant 2.500000e+00 : f32
      %mul3A_1008 = vector.broadcast %mul3A_1007 : f32 to vector<16xf32>
      %mul3A_1009 = arith.mulf %gather3A_1006, %mul3A_1008 : vector<16xf32>
      %sub3A_1010 = vector.broadcast %squeeze3A_997 : f32 to vector<16xf32>
      %sub3A_1011 = arith.subf %mul3A_1009, %sub3A_1010 : vector<16xf32>
      %swap3A_1012 = arith.constant 0 : i32
      %swap3A_1013 = arith.index_cast %swap3A_1012 : i32 to index
      %swap3A_1014 = arith.constant 96 : index
      %swap3A_1015 = tpu.vector_load %arg22[%swap3A_1013, %swap3A_1014] {strides = array<i32>} : memref<16x128xf32, #tpu.memory_space<vmem>>, vector<16xf32>,
      tpu.vector_store %arg22[%swap3A_1013, %swap3A_1014], %sub3A_1011 {strides = array<i32>} : memref<16x128xf32, #tpu.memory_space<vmem>>, vector<16xf32>,
      %slice3A_1016 = vector.extract_strided_slice %get3A_876 {offsets = [0], sizes = [1], strides = [1]} : vector<16xf32> to vector<1xf32>
      %squeeze3A_1017 = vector.extract %slice3A_1016[0] : f32 from vector<1xf32>
      %get3A_1018 = arith.constant 112 : index
      %get3A_1019 = tpu.vector_load %arg9[%get3A_1018] {strides = array<i32>} : memref<128xi32, #tpu.memory_space<vmem>>, vector<16xi32>,
      %mul3A_1020 = arith.constant 4 : i32
      %mul3A_1021 = vector.broadcast %mul3A_1020 : i32 to vector<16xi32>
      %mul3A_1022 = arith.muli %get3A_1019, %mul3A_1021 : vector<16xi32>
      %add3A_1023 = arith.constant 0 : i32
      %add3A_1024 = vector.broadcast %add3A_1023 : i32 to vector<16xi32>
      %add3A_1025 = arith.addi %mul3A_1022, %add3A_1024 : vector<16xi32>
      %gather3A_1026 = tpu.vector_load_idx %arg17[%add3A_1025] : memref<32768xf32, #tpu.memory_space<vmem>>[vector<16xi32>], vector<16xf32>,
      %mul3A_1027 = arith.constant 2.500000e+00 : f32
      %mul3A_1028 = vector.broadcast %mul3A_1027 : f32 to vector<16xf32>
      %mul3A_1029 = arith.mulf %gather3A_1026, %mul3A_1028 : vector<16xf32>
      %sub3A_1030 = vector.broadcast %squeeze3A_1017 : f32 to vector<16xf32>
      %sub3A_1031 = arith.subf %mul3A_1029, %sub3A_1030 : vector<16xf32>
      %swap3A_1032 = arith.constant 0 : i32
      %swap3A_1033 = arith.index_cast %swap3A_1032 : i32 to index
      %swap3A_1034 = arith.constant 112 : index
      %swap3A_1035 = tpu.vector_load %arg22[%swap3A_1033, %swap3A_1034] {strides = array<i32>} : memref<16x128xf32, #tpu.memory_space<vmem>>, vector<16xf32>,
      tpu.vector_store %arg22[%swap3A_1033, %swap3A_1034], %sub3A_1031 {strides = array<i32>} : memref<16x128xf32, #tpu.memory_space<vmem>>, vector<16xf32>,
      %slice3A_1036 = vector.extract_strided_slice %get3A_870 {offsets = [1], sizes = [1], strides = [1]} : vector<16xf32> to vector<1xf32>
      %squeeze3A_1037 = vector.extract %slice3A_1036[0] : f32 from vector<1xf32>
      %get3A_1038 = arith.constant 0 : index
      %get3A_1039 = tpu.vector_load %arg9[%get3A_1038] {strides = array<i32>} : memref<128xi32, #tpu.memory_space<vmem>>, vector<16xi32>,
      %mul3A_1040 = arith.constant 4 : i32
      %mul3A_1041 = vector.broadcast %mul3A_1040 : i32 to vector<16xi32>
      %mul3A_1042 = arith.muli %get3A_1039, %mul3A_1041 : vector<16xi32>
      %add3A_1043 = arith.constant 1 : i32
      %add3A_1044 = vector.broadcast %add3A_1043 : i32 to vector<16xi32>
      %add3A_1045 = arith.addi %mul3A_1042, %add3A_1044 : vector<16xi32>
      %gather3A_1046 = tpu.vector_load_idx %arg17[%add3A_1045] : memref<32768xf32, #tpu.memory_space<vmem>>[vector<16xi32>], vector<16xf32>,
      %mul3A_1047 = arith.constant 2.500000e+00 : f32
      %mul3A_1048 = vector.broadcast %mul3A_1047 : f32 to vector<16xf32>
      %mul3A_1049 = arith.mulf %gather3A_1046, %mul3A_1048 : vector<16xf32>
      %sub3A_1050 = vector.broadcast %squeeze3A_1037 : f32 to vector<16xf32>
      %sub3A_1051 = arith.subf %mul3A_1049, %sub3A_1050 : vector<16xf32>
      %swap3A_1052 = arith.constant 1 : i32
      %swap3A_1053 = arith.index_cast %swap3A_1052 : i32 to index
      %swap3A_1054 = arith.constant 0 : index
      %swap3A_1055 = tpu.vector_load %arg22[%swap3A_1053, %swap3A_1054] {strides = array<i32>} : memref<16x128xf32, #tpu.memory_space<vmem>>, vector<16xf32>,
      tpu.vector_store %arg22[%swap3A_1053, %swap3A_1054], %sub3A_1051 {strides = array<i32>} : memref<16x128xf32, #tpu.memory_space<vmem>>, vector<16xf32>,
      %slice3A_1056 = vector.extract_strided_slice %get3A_870 {offsets = [1], sizes = [1], strides = [1]} : vector<16xf32> to vector<1xf32>
      %squeeze3A_1057 = vector.extract %slice3A_1056[0] : f32 from vector<1xf32>
      %get3A_1058 = arith.constant 16 : index
      %get3A_1059 = tpu.vector_load %arg9[%get3A_1058] {strides = array<i32>} : memref<128xi32, #tpu.memory_space<vmem>>, vector<16xi32>,
      %mul3A_1060 = arith.constant 4 : i32
      %mul3A_1061 = vector.broadcast %mul3A_1060 : i32 to vector<16xi32>
      %mul3A_1062 = arith.muli %get3A_1059, %mul3A_1061 : vector<16xi32>
      %add3A_1063 = arith.constant 1 : i32
      %add3A_1064 = vector.broadcast %add3A_1063 : i32 to vector<16xi32>
      %add3A_1065 = arith.addi %mul3A_1062, %add3A_1064 : vector<16xi32>
      %gather3A_1066 = tpu.vector_load_idx %arg17[%add3A_1065] : memref<32768xf32, #tpu.memory_space<vmem>>[vector<16xi32>], vector<16xf32>,
      %mul3A_1067 = arith.constant 2.500000e+00 : f32
      %mul3A_1068 = vector.broadcast %mul3A_1067 : f32 to vector<16xf32>
      %mul3A_1069 = arith.mulf %gather3A_1066, %mul3A_1068 : vector<16xf32>
      %sub3A_1070 = vector.broadcast %squeeze3A_1057 : f32 to vector<16xf32>
      %sub3A_1071 = arith.subf %mul3A_1069, %sub3A_1070 : vector<16xf32>
      %swap3A_1072 = arith.constant 1 : i32
      %swap3A_1073 = arith.index_cast %swap3A_1072 : i32 to index
      %swap3A_1074 = arith.constant 16 : index
      %swap3A_1075 = tpu.vector_load %arg22[%swap3A_1073, %swap3A_1074] {strides = array<i32>} : memref<16x128xf32, #tpu.memory_space<vmem>>, vector<16xf32>,
      tpu.vector_store %arg22[%swap3A_1073, %swap3A_1074], %sub3A_1071 {strides = array<i32>} : memref<16x128xf32, #tpu.memory_space<vmem>>, vector<16xf32>,
      %slice3A_1076 = vector.extract_strided_slice %get3A_870 {offsets = [1], sizes = [1], strides = [1]} : vector<16xf32> to vector<1xf32>
      %squeeze3A_1077 = vector.extract %slice3A_1076[0] : f32 from vector<1xf32>
      %get3A_1078 = arith.constant 32 : index
      %get3A_1079 = tpu.vector_load %arg9[%get3A_1078] {strides = array<i32>} : memref<128xi32, #tpu.memory_space<vmem>>, vector<16xi32>,
      %mul3A_1080 = arith.constant 4 : i32
      %mul3A_1081 = vector.broadcast %mul3A_1080 : i32 to vector<16xi32>
      %mul3A_1082 = arith.muli %get3A_1079, %mul3A_1081 : vector<16xi32>
      %add3A_1083 = arith.constant 1 : i32
      %add3A_1084 = vector.broadcast %add3A_1083 : i32 to vector<16xi32>
      %add3A_1085 = arith.addi %mul3A_1082, %add3A_1084 : vector<16xi32>
      %gather3A_1086 = tpu.vector_load_idx %arg17[%add3A_1085] : memref<32768xf32, #tpu.memory_space<vmem>>[vector<16xi32>], vector<16xf32>,
      %mul3A_1087 = arith.constant 2.500000e+00 : f32
      %mul3A_1088 = vector.broadcast %mul3A_1087 : f32 to vector<16xf32>
      %mul3A_1089 = arith.mulf %gather3A_1086, %mul3A_1088 : vector<16xf32>
      %sub3A_1090 = vector.broadcast %squeeze3A_1077 : f32 to vector<16xf32>
      %sub3A_1091 = arith.subf %mul3A_1089, %sub3A_1090 : vector<16xf32>
      %swap3A_1092 = arith.constant 1 : i32
      %swap3A_1093 = arith.index_cast %swap3A_1092 : i32 to index
      %swap3A_1094 = arith.constant 32 : index
      %swap3A_1095 = tpu.vector_load %arg22[%swap3A_1093, %swap3A_1094] {strides = array<i32>} : memref<16x128xf32, #tpu.memory_space<vmem>>, vector<16xf32>,
      tpu.vector_store %arg22[%swap3A_1093, %swap3A_1094], %sub3A_1091 {strides = array<i32>} : memref<16x128xf32, #tpu.memory_space<vmem>>, vector<16xf32>,
      %slice3A_1096 = vector.extract_strided_slice %get3A_870 {offsets = [1], sizes = [1], strides = [1]} : vector<16xf32> to vector<1xf32>
      %squeeze3A_1097 = vector.extract %slice3A_1096[0] : f32 from vector<1xf32>
      %get3A_1098 = arith.constant 48 : index
      %get3A_1099 = tpu.vector_load %arg9[%get3A_1098] {strides = array<i32>} : memref<128xi32, #tpu.memory_space<vmem>>, vector<16xi32>,
      %mul3A_1100 = arith.constant 4 : i32
      %mul3A_1101 = vector.broadcast %mul3A_1100 : i32 to vector<16xi32>
      %mul3A_1102 = arith.muli %get3A_1099, %mul3A_1101 : vector<16xi32>
      %add3A_1103 = arith.constant 1 : i32
      %add3A_1104 = vector.broadcast %add3A_1103 : i32 to vector<16xi32>
      %add3A_1105 = arith.addi %mul3A_1102, %add3A_1104 : vector<16xi32>
      %gather3A_1106 = tpu.vector_load_idx %arg17[%add3A_1105] : memref<32768xf32, #tpu.memory_space<vmem>>[vector<16xi32>], vector<16xf32>,
      %mul3A_1107 = arith.constant 2.500000e+00 : f32
      %mul3A_1108 = vector.broadcast %mul3A_1107 : f32 to vector<16xf32>
      %mul3A_1109 = arith.mulf %gather3A_1106, %mul3A_1108 : vector<16xf32>
      %sub3A_1110 = vector.broadcast %squeeze3A_1097 : f32 to vector<16xf32>
      %sub3A_1111 = arith.subf %mul3A_1109, %sub3A_1110 : vector<16xf32>
      %swap3A_1112 = arith.constant 1 : i32
      %swap3A_1113 = arith.index_cast %swap3A_1112 : i32 to index
      %swap3A_1114 = arith.constant 48 : index
      %swap3A_1115 = tpu.vector_load %arg22[%swap3A_1113, %swap3A_1114] {strides = array<i32>} : memref<16x128xf32, #tpu.memory_space<vmem>>, vector<16xf32>,
      tpu.vector_store %arg22[%swap3A_1113, %swap3A_1114], %sub3A_1111 {strides = array<i32>} : memref<16x128xf32, #tpu.memory_space<vmem>>, vector<16xf32>,
      %slice3A_1116 = vector.extract_strided_slice %get3A_876 {offsets = [1], sizes = [1], strides = [1]} : vector<16xf32> to vector<1xf32>
      %squeeze3A_1117 = vector.extract %slice3A_1116[0] : f32 from vector<1xf32>
      %get3A_1118 = arith.constant 64 : index
      %get3A_1119 = tpu.vector_load %arg9[%get3A_1118] {strides = array<i32>} : memref<128xi32, #tpu.memory_space<vmem>>, vector<16xi32>,
      %mul3A_1120 = arith.constant 4 : i32
      %mul3A_1121 = vector.broadcast %mul3A_1120 : i32 to vector<16xi32>
      %mul3A_1122 = arith.muli %get3A_1119, %mul3A_1121 : vector<16xi32>
      %add3A_1123 = arith.constant 1 : i32
      %add3A_1124 = vector.broadcast %add3A_1123 : i32 to vector<16xi32>
      %add3A_1125 = arith.addi %mul3A_1122, %add3A_1124 : vector<16xi32>
      %gather3A_1126 = tpu.vector_load_idx %arg17[%add3A_1125] : memref<32768xf32, #tpu.memory_space<vmem>>[vector<16xi32>], vector<16xf32>,
      %mul3A_1127 = arith.constant 2.500000e+00 : f32
      %mul3A_1128 = vector.broadcast %mul3A_1127 : f32 to vector<16xf32>
      %mul3A_1129 = arith.mulf %gather3A_1126, %mul3A_1128 : vector<16xf32>
      %sub3A_1130 = vector.broadcast %squeeze3A_1117 : f32 to vector<16xf32>
      %sub3A_1131 = arith.subf %mul3A_1129, %sub3A_1130 : vector<16xf32>
      %swap3A_1132 = arith.constant 1 : i32
      %swap3A_1133 = arith.index_cast %swap3A_1132 : i32 to index
      %swap3A_1134 = arith.constant 64 : index
      %swap3A_1135 = tpu.vector_load %arg22[%swap3A_1133, %swap3A_1134] {strides = array<i32>} : memref<16x128xf32, #tpu.memory_space<vmem>>, vector<16xf32>,
      tpu.vector_store %arg22[%swap3A_1133, %swap3A_1134], %sub3A_1131 {strides = array<i32>} : memref<16x128xf32, #tpu.memory_space<vmem>>, vector<16xf32>,
      %slice3A_1136 = vector.extract_strided_slice %get3A_876 {offsets = [1], sizes = [1], strides = [1]} : vector<16xf32> to vector<1xf32>
      %squeeze3A_1137 = vector.extract %slice3A_1136[0] : f32 from vector<1xf32>
      %get3A_1138 = arith.constant 80 : index
      %get3A_1139 = tpu.vector_load %arg9[%get3A_1138] {strides = array<i32>} : memref<128xi32, #tpu.memory_space<vmem>>, vector<16xi32>,
      %mul3A_1140 = arith.constant 4 : i32
      %mul3A_1141 = vector.broadcast %mul3A_1140 : i32 to vector<16xi32>
      %mul3A_1142 = arith.muli %get3A_1139, %mul3A_1141 : vector<16xi32>
      %add3A_1143 = arith.constant 1 : i32
      %add3A_1144 = vector.broadcast %add3A_1143 : i32 to vector<16xi32>
      %add3A_1145 = arith.addi %mul3A_1142, %add3A_1144 : vector<16xi32>
      %gather3A_1146 = tpu.vector_load_idx %arg17[%add3A_1145] : memref<32768xf32, #tpu.memory_space<vmem>>[vector<16xi32>], vector<16xf32>,
      %mul3A_1147 = arith.constant 2.500000e+00 : f32
      %mul3A_1148 = vector.broadcast %mul3A_1147 : f32 to vector<16xf32>
      %mul3A_1149 = arith.mulf %gather3A_1146, %mul3A_1148 : vector<16xf32>
      %sub3A_1150 = vector.broadcast %squeeze3A_1137 : f32 to vector<16xf32>
      %sub3A_1151 = arith.subf %mul3A_1149, %sub3A_1150 : vector<16xf32>
      %swap3A_1152 = arith.constant 1 : i32
      %swap3A_1153 = arith.index_cast %swap3A_1152 : i32 to index
      %swap3A_1154 = arith.constant 80 : index
      %swap3A_1155 = tpu.vector_load %arg22[%swap3A_1153, %swap3A_1154] {strides = array<i32>} : memref<16x128xf32, #tpu.memory_space<vmem>>, vector<16xf32>,
      tpu.vector_store %arg22[%swap3A_1153, %swap3A_1154], %sub3A_1151 {strides = array<i32>} : memref<16x128xf32, #tpu.memory_space<vmem>>, vector<16xf32>,
      %slice3A_1156 = vector.extract_strided_slice %get3A_876 {offsets = [1], sizes = [1], strides = [1]} : vector<16xf32> to vector<1xf32>
      %squeeze3A_1157 = vector.extract %slice3A_1156[0] : f32 from vector<1xf32>
      %get3A_1158 = arith.constant 96 : index
      %get3A_1159 = tpu.vector_load %arg9[%get3A_1158] {strides = array<i32>} : memref<128xi32, #tpu.memory_space<vmem>>, vector<16xi32>,
      %mul3A_1160 = arith.constant 4 : i32
      %mul3A_1161 = vector.broadcast %mul3A_1160 : i32 to vector<16xi32>
      %mul3A_1162 = arith.muli %get3A_1159, %mul3A_1161 : vector<16xi32>
      %add3A_1163 = arith.constant 1 : i32
      %add3A_1164 = vector.broadcast %add3A_1163 : i32 to vector<16xi32>
      %add3A_1165 = arith.addi %mul3A_1162, %add3A_1164 : vector<16xi32>
      %gather3A_1166 = tpu.vector_load_idx %arg17[%add3A_1165] : memref<32768xf32, #tpu.memory_space<vmem>>[vector<16xi32>], vector<16xf32>,
      %mul3A_1167 = arith.constant 2.500000e+00 : f32
      %mul3A_1168 = vector.broadcast %mul3A_1167 : f32 to vector<16xf32>
      %mul3A_1169 = arith.mulf %gather3A_1166, %mul3A_1168 : vector<16xf32>
      %sub3A_1170 = vector.broadcast %squeeze3A_1157 : f32 to vector<16xf32>
      %sub3A_1171 = arith.subf %mul3A_1169, %sub3A_1170 : vector<16xf32>
      %swap3A_1172 = arith.constant 1 : i32
      %swap3A_1173 = arith.index_cast %swap3A_1172 : i32 to index
      %swap3A_1174 = arith.constant 96 : index
      %swap3A_1175 = tpu.vector_load %arg22[%swap3A_1173, %swap3A_1174] {strides = array<i32>} : memref<16x128xf32, #tpu.memory_space<vmem>>, vector<16xf32>,
      tpu.vector_store %arg22[%swap3A_1173, %swap3A_1174], %sub3A_1171 {strides = array<i32>} : memref<16x128xf32, #tpu.memory_space<vmem>>, vector<16xf32>,
      %slice3A_1176 = vector.extract_strided_slice %get3A_876 {offsets = [1], sizes = [1], strides = [1]} : vector<16xf32> to vector<1xf32>
      %squeeze3A_1177 = vector.extract %slice3A_1176[0] : f32 from vector<1xf32>
      %get3A_1178 = arith.constant 112 : index
      %get3A_1179 = tpu.vector_load %arg9[%get3A_1178] {strides = array<i32>} : memref<128xi32, #tpu.memory_space<vmem>>, vector<16xi32>,
      %mul3A_1180 = arith.constant 4 : i32
      %mul3A_1181 = vector.broadcast %mul3A_1180 : i32 to vector<16xi32>
      %mul3A_1182 = arith.muli %get3A_1179, %mul3A_1181 : vector<16xi32>
      %add3A_1183 = arith.constant 1 : i32
      %add3A_1184 = vector.broadcast %add3A_1183 : i32 to vector<16xi32>
      %add3A_1185 = arith.addi %mul3A_1182, %add3A_1184 : vector<16xi32>
      %gather3A_1186 = tpu.vector_load_idx %arg17[%add3A_1185] : memref<32768xf32, #tpu.memory_space<vmem>>[vector<16xi32>], vector<16xf32>,
      %mul3A_1187 = arith.constant 2.500000e+00 : f32
      %mul3A_1188 = vector.broadcast %mul3A_1187 : f32 to vector<16xf32>
      %mul3A_1189 = arith.mulf %gather3A_1186, %mul3A_1188 : vector<16xf32>
      %sub3A_1190 = vector.broadcast %squeeze3A_1177 : f32 to vector<16xf32>
      %sub3A_1191 = arith.subf %mul3A_1189, %sub3A_1190 : vector<16xf32>
      %swap3A_1192 = arith.constant 1 : i32
      %swap3A_1193 = arith.index_cast %swap3A_1192 : i32 to index
      %swap3A_1194 = arith.constant 112 : index
      %swap3A_1195 = tpu.vector_load %arg22[%swap3A_1193, %swap3A_1194] {strides = array<i32>} : memref<16x128xf32, #tpu.memory_space<vmem>>, vector<16xf32>,
      tpu.vector_store %arg22[%swap3A_1193, %swap3A_1194], %sub3A_1191 {strides = array<i32>} : memref<16x128xf32, #tpu.memory_space<vmem>>, vector<16xf32>,
      %slice3A_1196 = vector.extract_strided_slice %get3A_870 {offsets = [2], sizes = [1], strides = [1]} : vector<16xf32> to vector<1xf32>
      %squeeze3A_1197 = vector.extract %slice3A_1196[0] : f32 from vector<1xf32>
      %get3A_1198 = arith.constant 0 : index
      %get3A_1199 = tpu.vector_load %arg9[%get3A_1198] {strides = array<i32>} : memref<128xi32, #tpu.memory_space<vmem>>, vector<16xi32>,
      %mul3A_1200 = arith.constant 4 : i32
      %mul3A_1201 = vector.broadcast %mul3A_1200 : i32 to vector<16xi32>
      %mul3A_1202 = arith.muli %get3A_1199, %mul3A_1201 : vector<16xi32>
      %add3A_1203 = arith.constant 2 : i32
      %add3A_1204 = vector.broadcast %add3A_1203 : i32 to vector<16xi32>
      %add3A_1205 = arith.addi %mul3A_1202, %add3A_1204 : vector<16xi32>
      %gather3A_1206 = tpu.vector_load_idx %arg17[%add3A_1205] : memref<32768xf32, #tpu.memory_space<vmem>>[vector<16xi32>], vector<16xf32>,
      %mul3A_1207 = arith.constant 2.500000e+00 : f32
      %mul3A_1208 = vector.broadcast %mul3A_1207 : f32 to vector<16xf32>
      %mul3A_1209 = arith.mulf %gather3A_1206, %mul3A_1208 : vector<16xf32>
      %sub3A_1210 = vector.broadcast %squeeze3A_1197 : f32 to vector<16xf32>
      %sub3A_1211 = arith.subf %mul3A_1209, %sub3A_1210 : vector<16xf32>
      %swap3A_1212 = arith.constant 2 : i32
      %swap3A_1213 = arith.index_cast %swap3A_1212 : i32 to index
      %swap3A_1214 = arith.constant 0 : index
      %swap3A_1215 = tpu.vector_load %arg22[%swap3A_1213, %swap3A_1214] {strides = array<i32>} : memref<16x128xf32, #tpu.memory_space<vmem>>, vector<16xf32>,
      tpu.vector_store %arg22[%swap3A_1213, %swap3A_1214], %sub3A_1211 {strides = array<i32>} : memref<16x128xf32, #tpu.memory_space<vmem>>, vector<16xf32>,
      %slice3A_1216 = vector.extract_strided_slice %get3A_870 {offsets = [2], sizes = [1], strides = [1]} : vector<16xf32> to vector<1xf32>
      %squeeze3A_1217 = vector.extract %slice3A_1216[0] : f32 from vector<1xf32>
      %get3A_1218 = arith.constant 16 : index
      %get3A_1219 = tpu.vector_load %arg9[%get3A_1218] {strides = array<i32>} : memref<128xi32, #tpu.memory_space<vmem>>, vector<16xi32>,
      %mul3A_1220 = arith.constant 4 : i32
      %mul3A_1221 = vector.broadcast %mul3A_1220 : i32 to vector<16xi32>
      %mul3A_1222 = arith.muli %get3A_1219, %mul3A_1221 : vector<16xi32>
      %add3A_1223 = arith.constant 2 : i32
      %add3A_1224 = vector.broadcast %add3A_1223 : i32 to vector<16xi32>
      %add3A_1225 = arith.addi %mul3A_1222, %add3A_1224 : vector<16xi32>
      %gather3A_1226 = tpu.vector_load_idx %arg17[%add3A_1225] : memref<32768xf32, #tpu.memory_space<vmem>>[vector<16xi32>], vector<16xf32>,
      %mul3A_1227 = arith.constant 2.500000e+00 : f32
      %mul3A_1228 = vector.broadcast %mul3A_1227 : f32 to vector<16xf32>
      %mul3A_1229 = arith.mulf %gather3A_1226, %mul3A_1228 : vector<16xf32>
      %sub3A_1230 = vector.broadcast %squeeze3A_1217 : f32 to vector<16xf32>
      %sub3A_1231 = arith.subf %mul3A_1229, %sub3A_1230 : vector<16xf32>
      %swap3A_1232 = arith.constant 2 : i32
      %swap3A_1233 = arith.index_cast %swap3A_1232 : i32 to index
      %swap3A_1234 = arith.constant 16 : index
      %swap3A_1235 = tpu.vector_load %arg22[%swap3A_1233, %swap3A_1234] {strides = array<i32>} : memref<16x128xf32, #tpu.memory_space<vmem>>, vector<16xf32>,
      tpu.vector_store %arg22[%swap3A_1233, %swap3A_1234], %sub3A_1231 {strides = array<i32>} : memref<16x128xf32, #tpu.memory_space<vmem>>, vector<16xf32>,
      %slice3A_1236 = vector.extract_strided_slice %get3A_870 {offsets = [2], sizes = [1], strides = [1]} : vector<16xf32> to vector<1xf32>
      %squeeze3A_1237 = vector.extract %slice3A_1236[0] : f32 from vector<1xf32>
      %get3A_1238 = arith.constant 32 : index
      %get3A_1239 = tpu.vector_load %arg9[%get3A_1238] {strides = array<i32>} : memref<128xi32, #tpu.memory_space<vmem>>, vector<16xi32>,
      %mul3A_1240 = arith.constant 4 : i32
      %mul3A_1241 = vector.broadcast %mul3A_1240 : i32 to vector<16xi32>
      %mul3A_1242 = arith.muli %get3A_1239, %mul3A_1241 : vector<16xi32>
      %add3A_1243 = arith.constant 2 : i32
      %add3A_1244 = vector.broadcast %add3A_1243 : i32 to vector<16xi32>
      %add3A_1245 = arith.addi %mul3A_1242, %add3A_1244 : vector<16xi32>
      %gather3A_1246 = tpu.vector_load_idx %arg17[%add3A_1245] : memref<32768xf32, #tpu.memory_space<vmem>>[vector<16xi32>], vector<16xf32>,
      %mul3A_1247 = arith.constant 2.500000e+00 : f32
      %mul3A_1248 = vector.broadcast %mul3A_1247 : f32 to vector<16xf32>
      %mul3A_1249 = arith.mulf %gather3A_1246, %mul3A_1248 : vector<16xf32>
      %sub3A_1250 = vector.broadcast %squeeze3A_1237 : f32 to vector<16xf32>
      %sub3A_1251 = arith.subf %mul3A_1249, %sub3A_1250 : vector<16xf32>
      %swap3A_1252 = arith.constant 2 : i32
      %swap3A_1253 = arith.index_cast %swap3A_1252 : i32 to index
      %swap3A_1254 = arith.constant 32 : index
      %swap3A_1255 = tpu.vector_load %arg22[%swap3A_1253, %swap3A_1254] {strides = array<i32>} : memref<16x128xf32, #tpu.memory_space<vmem>>, vector<16xf32>,
      tpu.vector_store %arg22[%swap3A_1253, %swap3A_1254], %sub3A_1251 {strides = array<i32>} : memref<16x128xf32, #tpu.memory_space<vmem>>, vector<16xf32>,
      %slice3A_1256 = vector.extract_strided_slice %get3A_870 {offsets = [2], sizes = [1], strides = [1]} : vector<16xf32> to vector<1xf32>
      %squeeze3A_1257 = vector.extract %slice3A_1256[0] : f32 from vector<1xf32>
      %get3A_1258 = arith.constant 48 : index
      %get3A_1259 = tpu.vector_load %arg9[%get3A_1258] {strides = array<i32>} : memref<128xi32, #tpu.memory_space<vmem>>, vector<16xi32>,
      %mul3A_1260 = arith.constant 4 : i32
      %mul3A_1261 = vector.broadcast %mul3A_1260 : i32 to vector<16xi32>
      %mul3A_1262 = arith.muli %get3A_1259, %mul3A_1261 : vector<16xi32>
      %add3A_1263 = arith.constant 2 : i32
      %add3A_1264 = vector.broadcast %add3A_1263 : i32 to vector<16xi32>
      %add3A_1265 = arith.addi %mul3A_1262, %add3A_1264 : vector<16xi32>
      %gather3A_1266 = tpu.vector_load_idx %arg17[%add3A_1265] : memref<32768xf32, #tpu.memory_space<vmem>>[vector<16xi32>], vector<16xf32>,
      %mul3A_1267 = arith.constant 2.500000e+00 : f32
      %mul3A_1268 = vector.broadcast %mul3A_1267 : f32 to vector<16xf32>
      %mul3A_1269 = arith.mulf %gather3A_1266, %mul3A_1268 : vector<16xf32>
      %sub3A_1270 = vector.broadcast %squeeze3A_1257 : f32 to vector<16xf32>
      %sub3A_1271 = arith.subf %mul3A_1269, %sub3A_1270 : vector<16xf32>
      %swap3A_1272 = arith.constant 2 : i32
      %swap3A_1273 = arith.index_cast %swap3A_1272 : i32 to index
      %swap3A_1274 = arith.constant 48 : index
      %swap3A_1275 = tpu.vector_load %arg22[%swap3A_1273, %swap3A_1274] {strides = array<i32>} : memref<16x128xf32, #tpu.memory_space<vmem>>, vector<16xf32>,
      tpu.vector_store %arg22[%swap3A_1273, %swap3A_1274], %sub3A_1271 {strides = array<i32>} : memref<16x128xf32, #tpu.memory_space<vmem>>, vector<16xf32>,
      %slice3A_1276 = vector.extract_strided_slice %get3A_876 {offsets = [2], sizes = [1], strides = [1]} : vector<16xf32> to vector<1xf32>
      %squeeze3A_1277 = vector.extract %slice3A_1276[0] : f32 from vector<1xf32>
      %get3A_1278 = arith.constant 64 : index
      %get3A_1279 = tpu.vector_load %arg9[%get3A_1278] {strides = array<i32>} : memref<128xi32, #tpu.memory_space<vmem>>, vector<16xi32>,
      %mul3A_1280 = arith.constant 4 : i32
      %mul3A_1281 = vector.broadcast %mul3A_1280 : i32 to vector<16xi32>
      %mul3A_1282 = arith.muli %get3A_1279, %mul3A_1281 : vector<16xi32>
      %add3A_1283 = arith.constant 2 : i32
      %add3A_1284 = vector.broadcast %add3A_1283 : i32 to vector<16xi32>
      %add3A_1285 = arith.addi %mul3A_1282, %add3A_1284 : vector<16xi32>
      %gather3A_1286 = tpu.vector_load_idx %arg17[%add3A_1285] : memref<32768xf32, #tpu.memory_space<vmem>>[vector<16xi32>], vector<16xf32>,
      %mul3A_1287 = arith.constant 2.500000e+00 : f32
      %mul3A_1288 = vector.broadcast %mul3A_1287 : f32 to vector<16xf32>
      %mul3A_1289 = arith.mulf %gather3A_1286, %mul3A_1288 : vector<16xf32>
      %sub3A_1290 = vector.broadcast %squeeze3A_1277 : f32 to vector<16xf32>
      %sub3A_1291 = arith.subf %mul3A_1289, %sub3A_1290 : vector<16xf32>
      %swap3A_1292 = arith.constant 2 : i32
      %swap3A_1293 = arith.index_cast %swap3A_1292 : i32 to index
      %swap3A_1294 = arith.constant 64 : index
      %swap3A_1295 = tpu.vector_load %arg22[%swap3A_1293, %swap3A_1294] {strides = array<i32>} : memref<16x128xf32, #tpu.memory_space<vmem>>, vector<16xf32>,
      tpu.vector_store %arg22[%swap3A_1293, %swap3A_1294], %sub3A_1291 {strides = array<i32>} : memref<16x128xf32, #tpu.memory_space<vmem>>, vector<16xf32>,
      %slice3A_1296 = vector.extract_strided_slice %get3A_876 {offsets = [2], sizes = [1], strides = [1]} : vector<16xf32> to vector<1xf32>
      %squeeze3A_1297 = vector.extract %slice3A_1296[0] : f32 from vector<1xf32>
      %get3A_1298 = arith.constant 80 : index
      %get3A_1299 = tpu.vector_load %arg9[%get3A_1298] {strides = array<i32>} : memref<128xi32, #tpu.memory_space<vmem>>, vector<16xi32>,
      %mul3A_1300 = arith.constant 4 : i32
      %mul3A_1301 = vector.broadcast %mul3A_1300 : i32 to vector<16xi32>
      %mul3A_1302 = arith.muli %get3A_1299, %mul3A_1301 : vector<16xi32>
      %add3A_1303 = arith.constant 2 : i32
      %add3A_1304 = vector.broadcast %add3A_1303 : i32 to vector<16xi32>
      %add3A_1305 = arith.addi %mul3A_1302, %add3A_1304 : vector<16xi32>
      %gather3A_1306 = tpu.vector_load_idx %arg17[%add3A_1305] : memref<32768xf32, #tpu.memory_space<vmem>>[vector<16xi32>], vector<16xf32>,
      %mul3A_1307 = arith.constant 2.500000e+00 : f32
      %mul3A_1308 = vector.broadcast %mul3A_1307 : f32 to vector<16xf32>
      %mul3A_1309 = arith.mulf %gather3A_1306, %mul3A_1308 : vector<16xf32>
      %sub3A_1310 = vector.broadcast %squeeze3A_1297 : f32 to vector<16xf32>
      %sub3A_1311 = arith.subf %mul3A_1309, %sub3A_1310 : vector<16xf32>
      %swap3A_1312 = arith.constant 2 : i32
      %swap3A_1313 = arith.index_cast %swap3A_1312 : i32 to index
      %swap3A_1314 = arith.constant 80 : index
      %swap3A_1315 = tpu.vector_load %arg22[%swap3A_1313, %swap3A_1314] {strides = array<i32>} : memref<16x128xf32, #tpu.memory_space<vmem>>, vector<16xf32>,
      tpu.vector_store %arg22[%swap3A_1313, %swap3A_1314], %sub3A_1311 {strides = array<i32>} : memref<16x128xf32, #tpu.memory_space<vmem>>, vector<16xf32>,
      %slice3A_1316 = vector.extract_strided_slice %get3A_876 {offsets = [2], sizes = [1], strides = [1]} : vector<16xf32> to vector<1xf32>
      %squeeze3A_1317 = vector.extract %slice3A_1316[0] : f32 from vector<1xf32>
      %get3A_1318 = arith.constant 96 : index
      %get3A_1319 = tpu.vector_load %arg9[%get3A_1318] {strides = array<i32>} : memref<128xi32, #tpu.memory_space<vmem>>, vector<16xi32>,
      %mul3A_1320 = arith.constant 4 : i32
      %mul3A_1321 = vector.broadcast %mul3A_1320 : i32 to vector<16xi32>
      %mul3A_1322 = arith.muli %get3A_1319, %mul3A_1321 : vector<16xi32>
      %add3A_1323 = arith.constant 2 : i32
      %add3A_1324 = vector.broadcast %add3A_1323 : i32 to vector<16xi32>
      %add3A_1325 = arith.addi %mul3A_1322, %add3A_1324 : vector<16xi32>
      %gather3A_1326 = tpu.vector_load_idx %arg17[%add3A_1325] : memref<32768xf32, #tpu.memory_space<vmem>>[vector<16xi32>], vector<16xf32>,
      %mul3A_1327 = arith.constant 2.500000e+00 : f32
      %mul3A_1328 = vector.broadcast %mul3A_1327 : f32 to vector<16xf32>
      %mul3A_1329 = arith.mulf %gather3A_1326, %mul3A_1328 : vector<16xf32>
      %sub3A_1330 = vector.broadcast %squeeze3A_1317 : f32 to vector<16xf32>
      %sub3A_1331 = arith.subf %mul3A_1329, %sub3A_1330 : vector<16xf32>
      %swap3A_1332 = arith.constant 2 : i32
      %swap3A_1333 = arith.index_cast %swap3A_1332 : i32 to index
      %swap3A_1334 = arith.constant 96 : index
      %swap3A_1335 = tpu.vector_load %arg22[%swap3A_1333, %swap3A_1334] {strides = array<i32>} : memref<16x128xf32, #tpu.memory_space<vmem>>, vector<16xf32>,
      tpu.vector_store %arg22[%swap3A_1333, %swap3A_1334], %sub3A_1331 {strides = array<i32>} : memref<16x128xf32, #tpu.memory_space<vmem>>, vector<16xf32>,
      %slice3A_1336 = vector.extract_strided_slice %get3A_876 {offsets = [2], sizes = [1], strides = [1]} : vector<16xf32> to vector<1xf32>
      %squeeze3A_1337 = vector.extract %slice3A_1336[0] : f32 from vector<1xf32>
      %get3A_1338 = arith.constant 112 : index
      %get3A_1339 = tpu.vector_load %arg9[%get3A_1338] {strides = array<i32>} : memref<128xi32, #tpu.memory_space<vmem>>, vector<16xi32>,
      %mul3A_1340 = arith.constant 4 : i32
      %mul3A_1341 = vector.broadcast %mul3A_1340 : i32 to vector<16xi32>
      %mul3A_1342 = arith.muli %get3A_1339, %mul3A_1341 : vector<16xi32>
      %add3A_1343 = arith.constant 2 : i32
      %add3A_1344 = vector.broadcast %add3A_1343 : i32 to vector<16xi32>
      %add3A_1345 = arith.addi %mul3A_1342, %add3A_1344 : vector<16xi32>
      %gather3A_1346 = tpu.vector_load_idx %arg17[%add3A_1345] : memref<32768xf32, #tpu.memory_space<vmem>>[vector<16xi32>], vector<16xf32>,
      %mul3A_1347 = arith.constant 2.500000e+00 : f32
      %mul3A_1348 = vector.broadcast %mul3A_1347 : f32 to vector<16xf32>
      %mul3A_1349 = arith.mulf %gather3A_1346, %mul3A_1348 : vector<16xf32>
      %sub3A_1350 = vector.broadcast %squeeze3A_1337 : f32 to vector<16xf32>
      %sub3A_1351 = arith.subf %mul3A_1349, %sub3A_1350 : vector<16xf32>
      %swap3A_1352 = arith.constant 2 : i32
      %swap3A_1353 = arith.index_cast %swap3A_1352 : i32 to index
      %swap3A_1354 = arith.constant 112 : index
      %swap3A_1355 = tpu.vector_load %arg22[%swap3A_1353, %swap3A_1354] {strides = array<i32>} : memref<16x128xf32, #tpu.memory_space<vmem>>, vector<16xf32>,
      tpu.vector_store %arg22[%swap3A_1353, %swap3A_1354], %sub3A_1351 {strides = array<i32>} : memref<16x128xf32, #tpu.memory_space<vmem>>, vector<16xf32>,
      %dma_start3A_1356 = arith.constant 0 : i32
      %dma_start3A_1357 = arith.constant 0 : i32
      %dma_start3A_1358 = tpu.memref_slice %arg6[%dma_start3A_1356, %dma_start3A_1357] : memref<268304x128xf32, #tpu.memory_space<hbm>> -> memref<268304x128xf32, #tpu.memory_space<hbm>>
      tpu.enqueue_indirect_dma source(%arg22 : memref<16x128xf32, #tpu.memory_space<vmem>>) target(%dma_start3A_1358 : memref<268304x128xf32, #tpu.memory_space<hbm>>) offsets(%arg27 : memref<16xi32, #tpu.memory_space<vmem>>) semaphore(%arg35 : memref<!tpu.dma_semaphore, #tpu.memory_space<semaphore_mem>>)
      %mul3A_1359 = arith.constant 64 : i32
      %mul3A_1360 = arith.muli %add3A, %mul3A_1359 : i32
      %mul3A_1361 = arith.constant 4 : i32
      %mul3A_1362 = arith.muli %mul3A_1361, %scan3A_41 : i32
      %add3A_1363 = arith.addi %mul3A_1360, %mul3A_1362 : i32
      %add3A_1364 = arith.constant 1 : i32
      %add3A_1365 = arith.addi %add3A_1363, %add3A_1364 : i32
      %mul3A_1366 = arith.constant 4 : i32
      %mul3A_1367 = arith.muli %mul3A_1366, %scan3A_41 : i32
      %add3A_1368 = arith.constant 1 : i32
      %add3A_1369 = arith.addi %mul3A_1367, %add3A_1368 : i32
      %mul3A_1370 = arith.constant 2 : i32
      %mul3A_1371 = arith.muli %add3A_1369, %mul3A_1370 : i32
      %mul3A_1372 = arith.constant 3 : i32
      %mul3A_1373 = arith.muli %select_n3A, %mul3A_1372 : i32
      %mul3A_1374 = arith.constant 512 : i32
      %mul3A_1375 = arith.muli %mul3A_1373, %mul3A_1374 : i32
      %add3A_1376 = arith.constant 262144 : i32
      %add3A_1377 = arith.addi %add3A_1376, %mul3A_1375 : i32
      %jit3A_1378 = arith.constant 512 : i32
      %eq3A_1379 = arith.constant 0 : i32
      %eq3A_1380 = arith.cmpi eq, %jit3A_1378, %eq3A_1379 : i32
      %jit3A_1381 = arith.constant 1 : i32
      %select_n3A_1382 = arith.select %eq3A_1380, %jit3A_1381, %jit3A_1378 : i32
      %rem3A_1383 = arith.remsi %add3A_1365, %select_n3A_1382 : i32
      %ne3A_1384 = arith.constant 0 : i32
      %ne3A_1385 = arith.cmpi ne, %rem3A_1383, %ne3A_1384 : i32
      %lt3A_1386 = arith.constant 0 : i32
      %lt3A_1387 = arith.cmpi slt, %rem3A_1383, %lt3A_1386 : i32
      %lt3A_1388 = arith.constant 0 : i32
      %lt3A_1389 = arith.cmpi slt, %select_n3A_1382, %lt3A_1388 : i32
      %ne3A_1390 = arith.xori %lt3A_1387, %lt3A_1389 : i1
      %and3A_1391 = arith.andi %ne3A_1390, %ne3A_1385 : i1
      %add3A_1392 = arith.addi %rem3A_1383, %select_n3A_1382 : i32
      %select_n3A_1393 = arith.select %and3A_1391, %add3A_1392, %rem3A_1383 : i32
      %add3A_1394 = arith.addi %add3A_1377, %select_n3A_1393 : i32
      %lt3A_1395 = arith.constant 3 : i32
      %lt3A_1396 = vector.broadcast %lt3A_1395 : i32 to vector<16xi32>
      %lt3A_1397 = arith.cmpi slt, %iota3A, %lt3A_1396 : vector<16xi32>
      %mul3A_1398 = arith.constant 512 : i32
      %mul3A_1399 = vector.broadcast %mul3A_1398 : i32 to vector<16xi32>
      %mul3A_1400 = arith.muli %iota3A, %mul3A_1399 : vector<16xi32>
      %add3A_1401 = vector.broadcast %add3A_1394 : i32 to vector<16xi32>
      %add3A_1402 = arith.addi %add3A_1401, %mul3A_1400 : vector<16xi32>
      %sub3A_1403 = arith.constant 3 : i32
      %sub3A_1404 = vector.broadcast %sub3A_1403 : i32 to vector<16xi32>
      %sub3A_1405 = arith.subi %iota3A, %sub3A_1404 : vector<16xi32>
      %add3A_1406 = arith.constant 268288 : i32
      %add3A_1407 = vector.broadcast %add3A_1406 : i32 to vector<16xi32>
      %add3A_1408 = arith.addi %add3A_1407, %sub3A_1405 : vector<16xi32>
      %select_n3A_1409 = arith.select %lt3A_1397, %add3A_1402, %add3A_1408 : vector<16xi1>, vector<16xi32>
      %swap3A_1410 = arith.constant 0 : index
      %swap3A_1411 = tpu.vector_load %arg28[%swap3A_1410] {strides = array<i32>} : memref<16xi32, #tpu.memory_space<vmem>>, vector<16xi32>,
      tpu.vector_store %arg28[%swap3A_1410], %select_n3A_1409 {strides = array<i32>} : memref<16xi32, #tpu.memory_space<vmem>>, vector<16xi32>,
      %mul3A_1412 = arith.constant 16 : i32
      %mul3A_1413 = arith.muli %mul3A_1371, %mul3A_1412 : i32
      %get3A_1414 = arith.index_cast %mul3A_1413 : i32 to index
      %get3A_1415 = tpu.vector_load %arg26[%get3A_1414] {strides = array<i32>} : memref<2048xf32, #tpu.memory_space<vmem>>, vector<16xf32>,
      %mul3A_1416 = arith.constant 16 : i32
      %mul3A_1417 = arith.muli %mul3A_1371, %mul3A_1416 : i32
      %add3A_1418 = arith.constant 16 : i32
      %add3A_1419 = arith.addi %mul3A_1417, %add3A_1418 : i32
      %get3A_1420 = arith.index_cast %add3A_1419 : i32 to index
      %get3A_1421 = tpu.vector_load %arg26[%get3A_1420] {strides = array<i32>} : memref<2048xf32, #tpu.memory_space<vmem>>, vector<16xf32>,
      %slice3A_1422 = vector.extract_strided_slice %get3A_1415 {offsets = [0], sizes = [1], strides = [1]} : vector<16xf32> to vector<1xf32>
      %squeeze3A_1423 = vector.extract %slice3A_1422[0] : f32 from vector<1xf32>
      %get3A_1424 = arith.constant 0 : index
      %get3A_1425 = tpu.vector_load %arg10[%get3A_1424] {strides = array<i32>} : memref<128xi32, #tpu.memory_space<vmem>>, vector<16xi32>,
      %mul3A_1426 = arith.constant 4 : i32
      %mul3A_1427 = vector.broadcast %mul3A_1426 : i32 to vector<16xi32>
      %mul3A_1428 = arith.muli %get3A_1425, %mul3A_1427 : vector<16xi32>
      %add3A_1429 = arith.constant 0 : i32
      %add3A_1430 = vector.broadcast %add3A_1429 : i32 to vector<16xi32>
      %add3A_1431 = arith.addi %mul3A_1428, %add3A_1430 : vector<16xi32>
      %gather3A_1432 = tpu.vector_load_idx %arg17[%add3A_1431] : memref<32768xf32, #tpu.memory_space<vmem>>[vector<16xi32>], vector<16xf32>,
      %mul3A_1433 = arith.constant 2.500000e+00 : f32
      %mul3A_1434 = vector.broadcast %mul3A_1433 : f32 to vector<16xf32>
      %mul3A_1435 = arith.mulf %gather3A_1432, %mul3A_1434 : vector<16xf32>
      %sub3A_1436 = vector.broadcast %squeeze3A_1423 : f32 to vector<16xf32>
      %sub3A_1437 = arith.subf %mul3A_1435, %sub3A_1436 : vector<16xf32>
      %swap3A_1438 = arith.constant 0 : i32
      %swap3A_1439 = arith.index_cast %swap3A_1438 : i32 to index
      %swap3A_1440 = arith.constant 0 : index
      %swap3A_1441 = tpu.vector_load %arg23[%swap3A_1439, %swap3A_1440] {strides = array<i32>} : memref<16x128xf32, #tpu.memory_space<vmem>>, vector<16xf32>,
      tpu.vector_store %arg23[%swap3A_1439, %swap3A_1440], %sub3A_1437 {strides = array<i32>} : memref<16x128xf32, #tpu.memory_space<vmem>>, vector<16xf32>,
      %slice3A_1442 = vector.extract_strided_slice %get3A_1415 {offsets = [0], sizes = [1], strides = [1]} : vector<16xf32> to vector<1xf32>
      %squeeze3A_1443 = vector.extract %slice3A_1442[0] : f32 from vector<1xf32>
      %get3A_1444 = arith.constant 16 : index
      %get3A_1445 = tpu.vector_load %arg10[%get3A_1444] {strides = array<i32>} : memref<128xi32, #tpu.memory_space<vmem>>, vector<16xi32>,
      %mul3A_1446 = arith.constant 4 : i32
      %mul3A_1447 = vector.broadcast %mul3A_1446 : i32 to vector<16xi32>
      %mul3A_1448 = arith.muli %get3A_1445, %mul3A_1447 : vector<16xi32>
      %add3A_1449 = arith.constant 0 : i32
      %add3A_1450 = vector.broadcast %add3A_1449 : i32 to vector<16xi32>
      %add3A_1451 = arith.addi %mul3A_1448, %add3A_1450 : vector<16xi32>
      %gather3A_1452 = tpu.vector_load_idx %arg17[%add3A_1451] : memref<32768xf32, #tpu.memory_space<vmem>>[vector<16xi32>], vector<16xf32>,
      %mul3A_1453 = arith.constant 2.500000e+00 : f32
      %mul3A_1454 = vector.broadcast %mul3A_1453 : f32 to vector<16xf32>
      %mul3A_1455 = arith.mulf %gather3A_1452, %mul3A_1454 : vector<16xf32>
      %sub3A_1456 = vector.broadcast %squeeze3A_1443 : f32 to vector<16xf32>
      %sub3A_1457 = arith.subf %mul3A_1455, %sub3A_1456 : vector<16xf32>
      %swap3A_1458 = arith.constant 0 : i32
      %swap3A_1459 = arith.index_cast %swap3A_1458 : i32 to index
      %swap3A_1460 = arith.constant 16 : index
      %swap3A_1461 = tpu.vector_load %arg23[%swap3A_1459, %swap3A_1460] {strides = array<i32>} : memref<16x128xf32, #tpu.memory_space<vmem>>, vector<16xf32>,
      tpu.vector_store %arg23[%swap3A_1459, %swap3A_1460], %sub3A_1457 {strides = array<i32>} : memref<16x128xf32, #tpu.memory_space<vmem>>, vector<16xf32>,
      %slice3A_1462 = vector.extract_strided_slice %get3A_1415 {offsets = [0], sizes = [1], strides = [1]} : vector<16xf32> to vector<1xf32>
      %squeeze3A_1463 = vector.extract %slice3A_1462[0] : f32 from vector<1xf32>
      %get3A_1464 = arith.constant 32 : index
      %get3A_1465 = tpu.vector_load %arg10[%get3A_1464] {strides = array<i32>} : memref<128xi32, #tpu.memory_space<vmem>>, vector<16xi32>,
      %mul3A_1466 = arith.constant 4 : i32
      %mul3A_1467 = vector.broadcast %mul3A_1466 : i32 to vector<16xi32>
      %mul3A_1468 = arith.muli %get3A_1465, %mul3A_1467 : vector<16xi32>
      %add3A_1469 = arith.constant 0 : i32
      %add3A_1470 = vector.broadcast %add3A_1469 : i32 to vector<16xi32>
      %add3A_1471 = arith.addi %mul3A_1468, %add3A_1470 : vector<16xi32>
      %gather3A_1472 = tpu.vector_load_idx %arg17[%add3A_1471] : memref<32768xf32, #tpu.memory_space<vmem>>[vector<16xi32>], vector<16xf32>,
      %mul3A_1473 = arith.constant 2.500000e+00 : f32
      %mul3A_1474 = vector.broadcast %mul3A_1473 : f32 to vector<16xf32>
      %mul3A_1475 = arith.mulf %gather3A_1472, %mul3A_1474 : vector<16xf32>
      %sub3A_1476 = vector.broadcast %squeeze3A_1463 : f32 to vector<16xf32>
      %sub3A_1477 = arith.subf %mul3A_1475, %sub3A_1476 : vector<16xf32>
      %swap3A_1478 = arith.constant 0 : i32
      %swap3A_1479 = arith.index_cast %swap3A_1478 : i32 to index
      %swap3A_1480 = arith.constant 32 : index
      %swap3A_1481 = tpu.vector_load %arg23[%swap3A_1479, %swap3A_1480] {strides = array<i32>} : memref<16x128xf32, #tpu.memory_space<vmem>>, vector<16xf32>,
      tpu.vector_store %arg23[%swap3A_1479, %swap3A_1480], %sub3A_1477 {strides = array<i32>} : memref<16x128xf32, #tpu.memory_space<vmem>>, vector<16xf32>,
      %slice3A_1482 = vector.extract_strided_slice %get3A_1415 {offsets = [0], sizes = [1], strides = [1]} : vector<16xf32> to vector<1xf32>
      %squeeze3A_1483 = vector.extract %slice3A_1482[0] : f32 from vector<1xf32>
      %get3A_1484 = arith.constant 48 : index
      %get3A_1485 = tpu.vector_load %arg10[%get3A_1484] {strides = array<i32>} : memref<128xi32, #tpu.memory_space<vmem>>, vector<16xi32>,
      %mul3A_1486 = arith.constant 4 : i32
      %mul3A_1487 = vector.broadcast %mul3A_1486 : i32 to vector<16xi32>
      %mul3A_1488 = arith.muli %get3A_1485, %mul3A_1487 : vector<16xi32>
      %add3A_1489 = arith.constant 0 : i32
      %add3A_1490 = vector.broadcast %add3A_1489 : i32 to vector<16xi32>
      %add3A_1491 = arith.addi %mul3A_1488, %add3A_1490 : vector<16xi32>
      %gather3A_1492 = tpu.vector_load_idx %arg17[%add3A_1491] : memref<32768xf32, #tpu.memory_space<vmem>>[vector<16xi32>], vector<16xf32>,
      %mul3A_1493 = arith.constant 2.500000e+00 : f32
      %mul3A_1494 = vector.broadcast %mul3A_1493 : f32 to vector<16xf32>
      %mul3A_1495 = arith.mulf %gather3A_1492, %mul3A_1494 : vector<16xf32>
      %sub3A_1496 = vector.broadcast %squeeze3A_1483 : f32 to vector<16xf32>
      %sub3A_1497 = arith.subf %mul3A_1495, %sub3A_1496 : vector<16xf32>
      %swap3A_1498 = arith.constant 0 : i32
      %swap3A_1499 = arith.index_cast %swap3A_1498 : i32 to index
      %swap3A_1500 = arith.constant 48 : index
      %swap3A_1501 = tpu.vector_load %arg23[%swap3A_1499, %swap3A_1500] {strides = array<i32>} : memref<16x128xf32, #tpu.memory_space<vmem>>, vector<16xf32>,
      tpu.vector_store %arg23[%swap3A_1499, %swap3A_1500], %sub3A_1497 {strides = array<i32>} : memref<16x128xf32, #tpu.memory_space<vmem>>, vector<16xf32>,
      %slice3A_1502 = vector.extract_strided_slice %get3A_1421 {offsets = [0], sizes = [1], strides = [1]} : vector<16xf32> to vector<1xf32>
      %squeeze3A_1503 = vector.extract %slice3A_1502[0] : f32 from vector<1xf32>
      %get3A_1504 = arith.constant 64 : index
      %get3A_1505 = tpu.vector_load %arg10[%get3A_1504] {strides = array<i32>} : memref<128xi32, #tpu.memory_space<vmem>>, vector<16xi32>,
      %mul3A_1506 = arith.constant 4 : i32
      %mul3A_1507 = vector.broadcast %mul3A_1506 : i32 to vector<16xi32>
      %mul3A_1508 = arith.muli %get3A_1505, %mul3A_1507 : vector<16xi32>
      %add3A_1509 = arith.constant 0 : i32
      %add3A_1510 = vector.broadcast %add3A_1509 : i32 to vector<16xi32>
      %add3A_1511 = arith.addi %mul3A_1508, %add3A_1510 : vector<16xi32>
      %gather3A_1512 = tpu.vector_load_idx %arg17[%add3A_1511] : memref<32768xf32, #tpu.memory_space<vmem>>[vector<16xi32>], vector<16xf32>,
      %mul3A_1513 = arith.constant 2.500000e+00 : f32
      %mul3A_1514 = vector.broadcast %mul3A_1513 : f32 to vector<16xf32>
      %mul3A_1515 = arith.mulf %gather3A_1512, %mul3A_1514 : vector<16xf32>
      %sub3A_1516 = vector.broadcast %squeeze3A_1503 : f32 to vector<16xf32>
      %sub3A_1517 = arith.subf %mul3A_1515, %sub3A_1516 : vector<16xf32>
      %swap3A_1518 = arith.constant 0 : i32
      %swap3A_1519 = arith.index_cast %swap3A_1518 : i32 to index
      %swap3A_1520 = arith.constant 64 : index
      %swap3A_1521 = tpu.vector_load %arg23[%swap3A_1519, %swap3A_1520] {strides = array<i32>} : memref<16x128xf32, #tpu.memory_space<vmem>>, vector<16xf32>,
      tpu.vector_store %arg23[%swap3A_1519, %swap3A_1520], %sub3A_1517 {strides = array<i32>} : memref<16x128xf32, #tpu.memory_space<vmem>>, vector<16xf32>,
      %slice3A_1522 = vector.extract_strided_slice %get3A_1421 {offsets = [0], sizes = [1], strides = [1]} : vector<16xf32> to vector<1xf32>
      %squeeze3A_1523 = vector.extract %slice3A_1522[0] : f32 from vector<1xf32>
      %get3A_1524 = arith.constant 80 : index
      %get3A_1525 = tpu.vector_load %arg10[%get3A_1524] {strides = array<i32>} : memref<128xi32, #tpu.memory_space<vmem>>, vector<16xi32>,
      %mul3A_1526 = arith.constant 4 : i32
      %mul3A_1527 = vector.broadcast %mul3A_1526 : i32 to vector<16xi32>
      %mul3A_1528 = arith.muli %get3A_1525, %mul3A_1527 : vector<16xi32>
      %add3A_1529 = arith.constant 0 : i32
      %add3A_1530 = vector.broadcast %add3A_1529 : i32 to vector<16xi32>
      %add3A_1531 = arith.addi %mul3A_1528, %add3A_1530 : vector<16xi32>
      %gather3A_1532 = tpu.vector_load_idx %arg17[%add3A_1531] : memref<32768xf32, #tpu.memory_space<vmem>>[vector<16xi32>], vector<16xf32>,
      %mul3A_1533 = arith.constant 2.500000e+00 : f32
      %mul3A_1534 = vector.broadcast %mul3A_1533 : f32 to vector<16xf32>
      %mul3A_1535 = arith.mulf %gather3A_1532, %mul3A_1534 : vector<16xf32>
      %sub3A_1536 = vector.broadcast %squeeze3A_1523 : f32 to vector<16xf32>
      %sub3A_1537 = arith.subf %mul3A_1535, %sub3A_1536 : vector<16xf32>
      %swap3A_1538 = arith.constant 0 : i32
      %swap3A_1539 = arith.index_cast %swap3A_1538 : i32 to index
      %swap3A_1540 = arith.constant 80 : index
      %swap3A_1541 = tpu.vector_load %arg23[%swap3A_1539, %swap3A_1540] {strides = array<i32>} : memref<16x128xf32, #tpu.memory_space<vmem>>, vector<16xf32>,
      tpu.vector_store %arg23[%swap3A_1539, %swap3A_1540], %sub3A_1537 {strides = array<i32>} : memref<16x128xf32, #tpu.memory_space<vmem>>, vector<16xf32>,
      %slice3A_1542 = vector.extract_strided_slice %get3A_1421 {offsets = [0], sizes = [1], strides = [1]} : vector<16xf32> to vector<1xf32>
      %squeeze3A_1543 = vector.extract %slice3A_1542[0] : f32 from vector<1xf32>
      %get3A_1544 = arith.constant 96 : index
      %get3A_1545 = tpu.vector_load %arg10[%get3A_1544] {strides = array<i32>} : memref<128xi32, #tpu.memory_space<vmem>>, vector<16xi32>,
      %mul3A_1546 = arith.constant 4 : i32
      %mul3A_1547 = vector.broadcast %mul3A_1546 : i32 to vector<16xi32>
      %mul3A_1548 = arith.muli %get3A_1545, %mul3A_1547 : vector<16xi32>
      %add3A_1549 = arith.constant 0 : i32
      %add3A_1550 = vector.broadcast %add3A_1549 : i32 to vector<16xi32>
      %add3A_1551 = arith.addi %mul3A_1548, %add3A_1550 : vector<16xi32>
      %gather3A_1552 = tpu.vector_load_idx %arg17[%add3A_1551] : memref<32768xf32, #tpu.memory_space<vmem>>[vector<16xi32>], vector<16xf32>,
      %mul3A_1553 = arith.constant 2.500000e+00 : f32
      %mul3A_1554 = vector.broadcast %mul3A_1553 : f32 to vector<16xf32>
      %mul3A_1555 = arith.mulf %gather3A_1552, %mul3A_1554 : vector<16xf32>
      %sub3A_1556 = vector.broadcast %squeeze3A_1543 : f32 to vector<16xf32>
      %sub3A_1557 = arith.subf %mul3A_1555, %sub3A_1556 : vector<16xf32>
      %swap3A_1558 = arith.constant 0 : i32
      %swap3A_1559 = arith.index_cast %swap3A_1558 : i32 to index
      %swap3A_1560 = arith.constant 96 : index
      %swap3A_1561 = tpu.vector_load %arg23[%swap3A_1559, %swap3A_1560] {strides = array<i32>} : memref<16x128xf32, #tpu.memory_space<vmem>>, vector<16xf32>,
      tpu.vector_store %arg23[%swap3A_1559, %swap3A_1560], %sub3A_1557 {strides = array<i32>} : memref<16x128xf32, #tpu.memory_space<vmem>>, vector<16xf32>,
      %slice3A_1562 = vector.extract_strided_slice %get3A_1421 {offsets = [0], sizes = [1], strides = [1]} : vector<16xf32> to vector<1xf32>
      %squeeze3A_1563 = vector.extract %slice3A_1562[0] : f32 from vector<1xf32>
      %get3A_1564 = arith.constant 112 : index
      %get3A_1565 = tpu.vector_load %arg10[%get3A_1564] {strides = array<i32>} : memref<128xi32, #tpu.memory_space<vmem>>, vector<16xi32>,
      %mul3A_1566 = arith.constant 4 : i32
      %mul3A_1567 = vector.broadcast %mul3A_1566 : i32 to vector<16xi32>
      %mul3A_1568 = arith.muli %get3A_1565, %mul3A_1567 : vector<16xi32>
      %add3A_1569 = arith.constant 0 : i32
      %add3A_1570 = vector.broadcast %add3A_1569 : i32 to vector<16xi32>
      %add3A_1571 = arith.addi %mul3A_1568, %add3A_1570 : vector<16xi32>
      %gather3A_1572 = tpu.vector_load_idx %arg17[%add3A_1571] : memref<32768xf32, #tpu.memory_space<vmem>>[vector<16xi32>], vector<16xf32>,
      %mul3A_1573 = arith.constant 2.500000e+00 : f32
      %mul3A_1574 = vector.broadcast %mul3A_1573 : f32 to vector<16xf32>
      %mul3A_1575 = arith.mulf %gather3A_1572, %mul3A_1574 : vector<16xf32>
      %sub3A_1576 = vector.broadcast %squeeze3A_1563 : f32 to vector<16xf32>
      %sub3A_1577 = arith.subf %mul3A_1575, %sub3A_1576 : vector<16xf32>
      %swap3A_1578 = arith.constant 0 : i32
      %swap3A_1579 = arith.index_cast %swap3A_1578 : i32 to index
      %swap3A_1580 = arith.constant 112 : index
      %swap3A_1581 = tpu.vector_load %arg23[%swap3A_1579, %swap3A_1580] {strides = array<i32>} : memref<16x128xf32, #tpu.memory_space<vmem>>, vector<16xf32>,
      tpu.vector_store %arg23[%swap3A_1579, %swap3A_1580], %sub3A_1577 {strides = array<i32>} : memref<16x128xf32, #tpu.memory_space<vmem>>, vector<16xf32>,
      %slice3A_1582 = vector.extract_strided_slice %get3A_1415 {offsets = [1], sizes = [1], strides = [1]} : vector<16xf32> to vector<1xf32>
      %squeeze3A_1583 = vector.extract %slice3A_1582[0] : f32 from vector<1xf32>
      %get3A_1584 = arith.constant 0 : index
      %get3A_1585 = tpu.vector_load %arg10[%get3A_1584] {strides = array<i32>} : memref<128xi32, #tpu.memory_space<vmem>>, vector<16xi32>,
      %mul3A_1586 = arith.constant 4 : i32
      %mul3A_1587 = vector.broadcast %mul3A_1586 : i32 to vector<16xi32>
      %mul3A_1588 = arith.muli %get3A_1585, %mul3A_1587 : vector<16xi32>
      %add3A_1589 = arith.constant 1 : i32
      %add3A_1590 = vector.broadcast %add3A_1589 : i32 to vector<16xi32>
      %add3A_1591 = arith.addi %mul3A_1588, %add3A_1590 : vector<16xi32>
      %gather3A_1592 = tpu.vector_load_idx %arg17[%add3A_1591] : memref<32768xf32, #tpu.memory_space<vmem>>[vector<16xi32>], vector<16xf32>,
      %mul3A_1593 = arith.constant 2.500000e+00 : f32
      %mul3A_1594 = vector.broadcast %mul3A_1593 : f32 to vector<16xf32>
      %mul3A_1595 = arith.mulf %gather3A_1592, %mul3A_1594 : vector<16xf32>
      %sub3A_1596 = vector.broadcast %squeeze3A_1583 : f32 to vector<16xf32>
      %sub3A_1597 = arith.subf %mul3A_1595, %sub3A_1596 : vector<16xf32>
      %swap3A_1598 = arith.constant 1 : i32
      %swap3A_1599 = arith.index_cast %swap3A_1598 : i32 to index
      %swap3A_1600 = arith.constant 0 : index
      %swap3A_1601 = tpu.vector_load %arg23[%swap3A_1599, %swap3A_1600] {strides = array<i32>} : memref<16x128xf32, #tpu.memory_space<vmem>>, vector<16xf32>,
      tpu.vector_store %arg23[%swap3A_1599, %swap3A_1600], %sub3A_1597 {strides = array<i32>} : memref<16x128xf32, #tpu.memory_space<vmem>>, vector<16xf32>,
      %slice3A_1602 = vector.extract_strided_slice %get3A_1415 {offsets = [1], sizes = [1], strides = [1]} : vector<16xf32> to vector<1xf32>
      %squeeze3A_1603 = vector.extract %slice3A_1602[0] : f32 from vector<1xf32>
      %get3A_1604 = arith.constant 16 : index
      %get3A_1605 = tpu.vector_load %arg10[%get3A_1604] {strides = array<i32>} : memref<128xi32, #tpu.memory_space<vmem>>, vector<16xi32>,
      %mul3A_1606 = arith.constant 4 : i32
      %mul3A_1607 = vector.broadcast %mul3A_1606 : i32 to vector<16xi32>
      %mul3A_1608 = arith.muli %get3A_1605, %mul3A_1607 : vector<16xi32>
      %add3A_1609 = arith.constant 1 : i32
      %add3A_1610 = vector.broadcast %add3A_1609 : i32 to vector<16xi32>
      %add3A_1611 = arith.addi %mul3A_1608, %add3A_1610 : vector<16xi32>
      %gather3A_1612 = tpu.vector_load_idx %arg17[%add3A_1611] : memref<32768xf32, #tpu.memory_space<vmem>>[vector<16xi32>], vector<16xf32>,
      %mul3A_1613 = arith.constant 2.500000e+00 : f32
      %mul3A_1614 = vector.broadcast %mul3A_1613 : f32 to vector<16xf32>
      %mul3A_1615 = arith.mulf %gather3A_1612, %mul3A_1614 : vector<16xf32>
      %sub3A_1616 = vector.broadcast %squeeze3A_1603 : f32 to vector<16xf32>
      %sub3A_1617 = arith.subf %mul3A_1615, %sub3A_1616 : vector<16xf32>
      %swap3A_1618 = arith.constant 1 : i32
      %swap3A_1619 = arith.index_cast %swap3A_1618 : i32 to index
      %swap3A_1620 = arith.constant 16 : index
      %swap3A_1621 = tpu.vector_load %arg23[%swap3A_1619, %swap3A_1620] {strides = array<i32>} : memref<16x128xf32, #tpu.memory_space<vmem>>, vector<16xf32>,
      tpu.vector_store %arg23[%swap3A_1619, %swap3A_1620], %sub3A_1617 {strides = array<i32>} : memref<16x128xf32, #tpu.memory_space<vmem>>, vector<16xf32>,
      %slice3A_1622 = vector.extract_strided_slice %get3A_1415 {offsets = [1], sizes = [1], strides = [1]} : vector<16xf32> to vector<1xf32>
      %squeeze3A_1623 = vector.extract %slice3A_1622[0] : f32 from vector<1xf32>
      %get3A_1624 = arith.constant 32 : index
      %get3A_1625 = tpu.vector_load %arg10[%get3A_1624] {strides = array<i32>} : memref<128xi32, #tpu.memory_space<vmem>>, vector<16xi32>,
      %mul3A_1626 = arith.constant 4 : i32
      %mul3A_1627 = vector.broadcast %mul3A_1626 : i32 to vector<16xi32>
      %mul3A_1628 = arith.muli %get3A_1625, %mul3A_1627 : vector<16xi32>
      %add3A_1629 = arith.constant 1 : i32
      %add3A_1630 = vector.broadcast %add3A_1629 : i32 to vector<16xi32>
      %add3A_1631 = arith.addi %mul3A_1628, %add3A_1630 : vector<16xi32>
      %gather3A_1632 = tpu.vector_load_idx %arg17[%add3A_1631] : memref<32768xf32, #tpu.memory_space<vmem>>[vector<16xi32>], vector<16xf32>,
      %mul3A_1633 = arith.constant 2.500000e+00 : f32
      %mul3A_1634 = vector.broadcast %mul3A_1633 : f32 to vector<16xf32>
      %mul3A_1635 = arith.mulf %gather3A_1632, %mul3A_1634 : vector<16xf32>
      %sub3A_1636 = vector.broadcast %squeeze3A_1623 : f32 to vector<16xf32>
      %sub3A_1637 = arith.subf %mul3A_1635, %sub3A_1636 : vector<16xf32>
      %swap3A_1638 = arith.constant 1 : i32
      %swap3A_1639 = arith.index_cast %swap3A_1638 : i32 to index
      %swap3A_1640 = arith.constant 32 : index
      %swap3A_1641 = tpu.vector_load %arg23[%swap3A_1639, %swap3A_1640] {strides = array<i32>} : memref<16x128xf32, #tpu.memory_space<vmem>>, vector<16xf32>,
      tpu.vector_store %arg23[%swap3A_1639, %swap3A_1640], %sub3A_1637 {strides = array<i32>} : memref<16x128xf32, #tpu.memory_space<vmem>>, vector<16xf32>,
      %slice3A_1642 = vector.extract_strided_slice %get3A_1415 {offsets = [1], sizes = [1], strides = [1]} : vector<16xf32> to vector<1xf32>
      %squeeze3A_1643 = vector.extract %slice3A_1642[0] : f32 from vector<1xf32>
      %get3A_1644 = arith.constant 48 : index
      %get3A_1645 = tpu.vector_load %arg10[%get3A_1644] {strides = array<i32>} : memref<128xi32, #tpu.memory_space<vmem>>, vector<16xi32>,
      %mul3A_1646 = arith.constant 4 : i32
      %mul3A_1647 = vector.broadcast %mul3A_1646 : i32 to vector<16xi32>
      %mul3A_1648 = arith.muli %get3A_1645, %mul3A_1647 : vector<16xi32>
      %add3A_1649 = arith.constant 1 : i32
      %add3A_1650 = vector.broadcast %add3A_1649 : i32 to vector<16xi32>
      %add3A_1651 = arith.addi %mul3A_1648, %add3A_1650 : vector<16xi32>
      %gather3A_1652 = tpu.vector_load_idx %arg17[%add3A_1651] : memref<32768xf32, #tpu.memory_space<vmem>>[vector<16xi32>], vector<16xf32>,
      %mul3A_1653 = arith.constant 2.500000e+00 : f32
      %mul3A_1654 = vector.broadcast %mul3A_1653 : f32 to vector<16xf32>
      %mul3A_1655 = arith.mulf %gather3A_1652, %mul3A_1654 : vector<16xf32>
      %sub3A_1656 = vector.broadcast %squeeze3A_1643 : f32 to vector<16xf32>
      %sub3A_1657 = arith.subf %mul3A_1655, %sub3A_1656 : vector<16xf32>
      %swap3A_1658 = arith.constant 1 : i32
      %swap3A_1659 = arith.index_cast %swap3A_1658 : i32 to index
      %swap3A_1660 = arith.constant 48 : index
      %swap3A_1661 = tpu.vector_load %arg23[%swap3A_1659, %swap3A_1660] {strides = array<i32>} : memref<16x128xf32, #tpu.memory_space<vmem>>, vector<16xf32>,
      tpu.vector_store %arg23[%swap3A_1659, %swap3A_1660], %sub3A_1657 {strides = array<i32>} : memref<16x128xf32, #tpu.memory_space<vmem>>, vector<16xf32>,
      %slice3A_1662 = vector.extract_strided_slice %get3A_1421 {offsets = [1], sizes = [1], strides = [1]} : vector<16xf32> to vector<1xf32>
      %squeeze3A_1663 = vector.extract %slice3A_1662[0] : f32 from vector<1xf32>
      %get3A_1664 = arith.constant 64 : index
      %get3A_1665 = tpu.vector_load %arg10[%get3A_1664] {strides = array<i32>} : memref<128xi32, #tpu.memory_space<vmem>>, vector<16xi32>,
      %mul3A_1666 = arith.constant 4 : i32
      %mul3A_1667 = vector.broadcast %mul3A_1666 : i32 to vector<16xi32>
      %mul3A_1668 = arith.muli %get3A_1665, %mul3A_1667 : vector<16xi32>
      %add3A_1669 = arith.constant 1 : i32
      %add3A_1670 = vector.broadcast %add3A_1669 : i32 to vector<16xi32>
      %add3A_1671 = arith.addi %mul3A_1668, %add3A_1670 : vector<16xi32>
      %gather3A_1672 = tpu.vector_load_idx %arg17[%add3A_1671] : memref<32768xf32, #tpu.memory_space<vmem>>[vector<16xi32>], vector<16xf32>,
      %mul3A_1673 = arith.constant 2.500000e+00 : f32
      %mul3A_1674 = vector.broadcast %mul3A_1673 : f32 to vector<16xf32>
      %mul3A_1675 = arith.mulf %gather3A_1672, %mul3A_1674 : vector<16xf32>
      %sub3A_1676 = vector.broadcast %squeeze3A_1663 : f32 to vector<16xf32>
      %sub3A_1677 = arith.subf %mul3A_1675, %sub3A_1676 : vector<16xf32>
      %swap3A_1678 = arith.constant 1 : i32
      %swap3A_1679 = arith.index_cast %swap3A_1678 : i32 to index
      %swap3A_1680 = arith.constant 64 : index
      %swap3A_1681 = tpu.vector_load %arg23[%swap3A_1679, %swap3A_1680] {strides = array<i32>} : memref<16x128xf32, #tpu.memory_space<vmem>>, vector<16xf32>,
      tpu.vector_store %arg23[%swap3A_1679, %swap3A_1680], %sub3A_1677 {strides = array<i32>} : memref<16x128xf32, #tpu.memory_space<vmem>>, vector<16xf32>,
      %slice3A_1682 = vector.extract_strided_slice %get3A_1421 {offsets = [1], sizes = [1], strides = [1]} : vector<16xf32> to vector<1xf32>
      %squeeze3A_1683 = vector.extract %slice3A_1682[0] : f32 from vector<1xf32>
      %get3A_1684 = arith.constant 80 : index
      %get3A_1685 = tpu.vector_load %arg10[%get3A_1684] {strides = array<i32>} : memref<128xi32, #tpu.memory_space<vmem>>, vector<16xi32>,
      %mul3A_1686 = arith.constant 4 : i32
      %mul3A_1687 = vector.broadcast %mul3A_1686 : i32 to vector<16xi32>
      %mul3A_1688 = arith.muli %get3A_1685, %mul3A_1687 : vector<16xi32>
      %add3A_1689 = arith.constant 1 : i32
      %add3A_1690 = vector.broadcast %add3A_1689 : i32 to vector<16xi32>
      %add3A_1691 = arith.addi %mul3A_1688, %add3A_1690 : vector<16xi32>
      %gather3A_1692 = tpu.vector_load_idx %arg17[%add3A_1691] : memref<32768xf32, #tpu.memory_space<vmem>>[vector<16xi32>], vector<16xf32>,
      %mul3A_1693 = arith.constant 2.500000e+00 : f32
      %mul3A_1694 = vector.broadcast %mul3A_1693 : f32 to vector<16xf32>
      %mul3A_1695 = arith.mulf %gather3A_1692, %mul3A_1694 : vector<16xf32>
      %sub3A_1696 = vector.broadcast %squeeze3A_1683 : f32 to vector<16xf32>
      %sub3A_1697 = arith.subf %mul3A_1695, %sub3A_1696 : vector<16xf32>
      %swap3A_1698 = arith.constant 1 : i32
      %swap3A_1699 = arith.index_cast %swap3A_1698 : i32 to index
      %swap3A_1700 = arith.constant 80 : index
      %swap3A_1701 = tpu.vector_load %arg23[%swap3A_1699, %swap3A_1700] {strides = array<i32>} : memref<16x128xf32, #tpu.memory_space<vmem>>, vector<16xf32>,
      tpu.vector_store %arg23[%swap3A_1699, %swap3A_1700], %sub3A_1697 {strides = array<i32>} : memref<16x128xf32, #tpu.memory_space<vmem>>, vector<16xf32>,
      %slice3A_1702 = vector.extract_strided_slice %get3A_1421 {offsets = [1], sizes = [1], strides = [1]} : vector<16xf32> to vector<1xf32>
      %squeeze3A_1703 = vector.extract %slice3A_1702[0] : f32 from vector<1xf32>
      %get3A_1704 = arith.constant 96 : index
      %get3A_1705 = tpu.vector_load %arg10[%get3A_1704] {strides = array<i32>} : memref<128xi32, #tpu.memory_space<vmem>>, vector<16xi32>,
      %mul3A_1706 = arith.constant 4 : i32
      %mul3A_1707 = vector.broadcast %mul3A_1706 : i32 to vector<16xi32>
      %mul3A_1708 = arith.muli %get3A_1705, %mul3A_1707 : vector<16xi32>
      %add3A_1709 = arith.constant 1 : i32
      %add3A_1710 = vector.broadcast %add3A_1709 : i32 to vector<16xi32>
      %add3A_1711 = arith.addi %mul3A_1708, %add3A_1710 : vector<16xi32>
      %gather3A_1712 = tpu.vector_load_idx %arg17[%add3A_1711] : memref<32768xf32, #tpu.memory_space<vmem>>[vector<16xi32>], vector<16xf32>,
      %mul3A_1713 = arith.constant 2.500000e+00 : f32
      %mul3A_1714 = vector.broadcast %mul3A_1713 : f32 to vector<16xf32>
      %mul3A_1715 = arith.mulf %gather3A_1712, %mul3A_1714 : vector<16xf32>
      %sub3A_1716 = vector.broadcast %squeeze3A_1703 : f32 to vector<16xf32>
      %sub3A_1717 = arith.subf %mul3A_1715, %sub3A_1716 : vector<16xf32>
      %swap3A_1718 = arith.constant 1 : i32
      %swap3A_1719 = arith.index_cast %swap3A_1718 : i32 to index
      %swap3A_1720 = arith.constant 96 : index
      %swap3A_1721 = tpu.vector_load %arg23[%swap3A_1719, %swap3A_1720] {strides = array<i32>} : memref<16x128xf32, #tpu.memory_space<vmem>>, vector<16xf32>,
      tpu.vector_store %arg23[%swap3A_1719, %swap3A_1720], %sub3A_1717 {strides = array<i32>} : memref<16x128xf32, #tpu.memory_space<vmem>>, vector<16xf32>,
      %slice3A_1722 = vector.extract_strided_slice %get3A_1421 {offsets = [1], sizes = [1], strides = [1]} : vector<16xf32> to vector<1xf32>
      %squeeze3A_1723 = vector.extract %slice3A_1722[0] : f32 from vector<1xf32>
      %get3A_1724 = arith.constant 112 : index
      %get3A_1725 = tpu.vector_load %arg10[%get3A_1724] {strides = array<i32>} : memref<128xi32, #tpu.memory_space<vmem>>, vector<16xi32>,
      %mul3A_1726 = arith.constant 4 : i32
      %mul3A_1727 = vector.broadcast %mul3A_1726 : i32 to vector<16xi32>
      %mul3A_1728 = arith.muli %get3A_1725, %mul3A_1727 : vector<16xi32>
      %add3A_1729 = arith.constant 1 : i32
      %add3A_1730 = vector.broadcast %add3A_1729 : i32 to vector<16xi32>
      %add3A_1731 = arith.addi %mul3A_1728, %add3A_1730 : vector<16xi32>
      %gather3A_1732 = tpu.vector_load_idx %arg17[%add3A_1731] : memref<32768xf32, #tpu.memory_space<vmem>>[vector<16xi32>], vector<16xf32>,
      %mul3A_1733 = arith.constant 2.500000e+00 : f32
      %mul3A_1734 = vector.broadcast %mul3A_1733 : f32 to vector<16xf32>
      %mul3A_1735 = arith.mulf %gather3A_1732, %mul3A_1734 : vector<16xf32>
      %sub3A_1736 = vector.broadcast %squeeze3A_1723 : f32 to vector<16xf32>
      %sub3A_1737 = arith.subf %mul3A_1735, %sub3A_1736 : vector<16xf32>
      %swap3A_1738 = arith.constant 1 : i32
      %swap3A_1739 = arith.index_cast %swap3A_1738 : i32 to index
      %swap3A_1740 = arith.constant 112 : index
      %swap3A_1741 = tpu.vector_load %arg23[%swap3A_1739, %swap3A_1740] {strides = array<i32>} : memref<16x128xf32, #tpu.memory_space<vmem>>, vector<16xf32>,
      tpu.vector_store %arg23[%swap3A_1739, %swap3A_1740], %sub3A_1737 {strides = array<i32>} : memref<16x128xf32, #tpu.memory_space<vmem>>, vector<16xf32>,
      %slice3A_1742 = vector.extract_strided_slice %get3A_1415 {offsets = [2], sizes = [1], strides = [1]} : vector<16xf32> to vector<1xf32>
      %squeeze3A_1743 = vector.extract %slice3A_1742[0] : f32 from vector<1xf32>
      %get3A_1744 = arith.constant 0 : index
      %get3A_1745 = tpu.vector_load %arg10[%get3A_1744] {strides = array<i32>} : memref<128xi32, #tpu.memory_space<vmem>>, vector<16xi32>,
      %mul3A_1746 = arith.constant 4 : i32
      %mul3A_1747 = vector.broadcast %mul3A_1746 : i32 to vector<16xi32>
      %mul3A_1748 = arith.muli %get3A_1745, %mul3A_1747 : vector<16xi32>
      %add3A_1749 = arith.constant 2 : i32
      %add3A_1750 = vector.broadcast %add3A_1749 : i32 to vector<16xi32>
      %add3A_1751 = arith.addi %mul3A_1748, %add3A_1750 : vector<16xi32>
      %gather3A_1752 = tpu.vector_load_idx %arg17[%add3A_1751] : memref<32768xf32, #tpu.memory_space<vmem>>[vector<16xi32>], vector<16xf32>,
      %mul3A_1753 = arith.constant 2.500000e+00 : f32
      %mul3A_1754 = vector.broadcast %mul3A_1753 : f32 to vector<16xf32>
      %mul3A_1755 = arith.mulf %gather3A_1752, %mul3A_1754 : vector<16xf32>
      %sub3A_1756 = vector.broadcast %squeeze3A_1743 : f32 to vector<16xf32>
      %sub3A_1757 = arith.subf %mul3A_1755, %sub3A_1756 : vector<16xf32>
      %swap3A_1758 = arith.constant 2 : i32
      %swap3A_1759 = arith.index_cast %swap3A_1758 : i32 to index
      %swap3A_1760 = arith.constant 0 : index
      %swap3A_1761 = tpu.vector_load %arg23[%swap3A_1759, %swap3A_1760] {strides = array<i32>} : memref<16x128xf32, #tpu.memory_space<vmem>>, vector<16xf32>,
      tpu.vector_store %arg23[%swap3A_1759, %swap3A_1760], %sub3A_1757 {strides = array<i32>} : memref<16x128xf32, #tpu.memory_space<vmem>>, vector<16xf32>,
      %slice3A_1762 = vector.extract_strided_slice %get3A_1415 {offsets = [2], sizes = [1], strides = [1]} : vector<16xf32> to vector<1xf32>
      %squeeze3A_1763 = vector.extract %slice3A_1762[0] : f32 from vector<1xf32>
      %get3A_1764 = arith.constant 16 : index
      %get3A_1765 = tpu.vector_load %arg10[%get3A_1764] {strides = array<i32>} : memref<128xi32, #tpu.memory_space<vmem>>, vector<16xi32>,
      %mul3A_1766 = arith.constant 4 : i32
      %mul3A_1767 = vector.broadcast %mul3A_1766 : i32 to vector<16xi32>
      %mul3A_1768 = arith.muli %get3A_1765, %mul3A_1767 : vector<16xi32>
      %add3A_1769 = arith.constant 2 : i32
      %add3A_1770 = vector.broadcast %add3A_1769 : i32 to vector<16xi32>
      %add3A_1771 = arith.addi %mul3A_1768, %add3A_1770 : vector<16xi32>
      %gather3A_1772 = tpu.vector_load_idx %arg17[%add3A_1771] : memref<32768xf32, #tpu.memory_space<vmem>>[vector<16xi32>], vector<16xf32>,
      %mul3A_1773 = arith.constant 2.500000e+00 : f32
      %mul3A_1774 = vector.broadcast %mul3A_1773 : f32 to vector<16xf32>
      %mul3A_1775 = arith.mulf %gather3A_1772, %mul3A_1774 : vector<16xf32>
      %sub3A_1776 = vector.broadcast %squeeze3A_1763 : f32 to vector<16xf32>
      %sub3A_1777 = arith.subf %mul3A_1775, %sub3A_1776 : vector<16xf32>
      %swap3A_1778 = arith.constant 2 : i32
      %swap3A_1779 = arith.index_cast %swap3A_1778 : i32 to index
      %swap3A_1780 = arith.constant 16 : index
      %swap3A_1781 = tpu.vector_load %arg23[%swap3A_1779, %swap3A_1780] {strides = array<i32>} : memref<16x128xf32, #tpu.memory_space<vmem>>, vector<16xf32>,
      tpu.vector_store %arg23[%swap3A_1779, %swap3A_1780], %sub3A_1777 {strides = array<i32>} : memref<16x128xf32, #tpu.memory_space<vmem>>, vector<16xf32>,
      %slice3A_1782 = vector.extract_strided_slice %get3A_1415 {offsets = [2], sizes = [1], strides = [1]} : vector<16xf32> to vector<1xf32>
      %squeeze3A_1783 = vector.extract %slice3A_1782[0] : f32 from vector<1xf32>
      %get3A_1784 = arith.constant 32 : index
      %get3A_1785 = tpu.vector_load %arg10[%get3A_1784] {strides = array<i32>} : memref<128xi32, #tpu.memory_space<vmem>>, vector<16xi32>,
      %mul3A_1786 = arith.constant 4 : i32
      %mul3A_1787 = vector.broadcast %mul3A_1786 : i32 to vector<16xi32>
      %mul3A_1788 = arith.muli %get3A_1785, %mul3A_1787 : vector<16xi32>
      %add3A_1789 = arith.constant 2 : i32
      %add3A_1790 = vector.broadcast %add3A_1789 : i32 to vector<16xi32>
      %add3A_1791 = arith.addi %mul3A_1788, %add3A_1790 : vector<16xi32>
      %gather3A_1792 = tpu.vector_load_idx %arg17[%add3A_1791] : memref<32768xf32, #tpu.memory_space<vmem>>[vector<16xi32>], vector<16xf32>,
      %mul3A_1793 = arith.constant 2.500000e+00 : f32
      %mul3A_1794 = vector.broadcast %mul3A_1793 : f32 to vector<16xf32>
      %mul3A_1795 = arith.mulf %gather3A_1792, %mul3A_1794 : vector<16xf32>
      %sub3A_1796 = vector.broadcast %squeeze3A_1783 : f32 to vector<16xf32>
      %sub3A_1797 = arith.subf %mul3A_1795, %sub3A_1796 : vector<16xf32>
      %swap3A_1798 = arith.constant 2 : i32
      %swap3A_1799 = arith.index_cast %swap3A_1798 : i32 to index
      %swap3A_1800 = arith.constant 32 : index
      %swap3A_1801 = tpu.vector_load %arg23[%swap3A_1799, %swap3A_1800] {strides = array<i32>} : memref<16x128xf32, #tpu.memory_space<vmem>>, vector<16xf32>,
      tpu.vector_store %arg23[%swap3A_1799, %swap3A_1800], %sub3A_1797 {strides = array<i32>} : memref<16x128xf32, #tpu.memory_space<vmem>>, vector<16xf32>,
      %slice3A_1802 = vector.extract_strided_slice %get3A_1415 {offsets = [2], sizes = [1], strides = [1]} : vector<16xf32> to vector<1xf32>
      %squeeze3A_1803 = vector.extract %slice3A_1802[0] : f32 from vector<1xf32>
      %get3A_1804 = arith.constant 48 : index
      %get3A_1805 = tpu.vector_load %arg10[%get3A_1804] {strides = array<i32>} : memref<128xi32, #tpu.memory_space<vmem>>, vector<16xi32>,
      %mul3A_1806 = arith.constant 4 : i32
      %mul3A_1807 = vector.broadcast %mul3A_1806 : i32 to vector<16xi32>
      %mul3A_1808 = arith.muli %get3A_1805, %mul3A_1807 : vector<16xi32>
      %add3A_1809 = arith.constant 2 : i32
      %add3A_1810 = vector.broadcast %add3A_1809 : i32 to vector<16xi32>
      %add3A_1811 = arith.addi %mul3A_1808, %add3A_1810 : vector<16xi32>
      %gather3A_1812 = tpu.vector_load_idx %arg17[%add3A_1811] : memref<32768xf32, #tpu.memory_space<vmem>>[vector<16xi32>], vector<16xf32>,
      %mul3A_1813 = arith.constant 2.500000e+00 : f32
      %mul3A_1814 = vector.broadcast %mul3A_1813 : f32 to vector<16xf32>
      %mul3A_1815 = arith.mulf %gather3A_1812, %mul3A_1814 : vector<16xf32>
      %sub3A_1816 = vector.broadcast %squeeze3A_1803 : f32 to vector<16xf32>
      %sub3A_1817 = arith.subf %mul3A_1815, %sub3A_1816 : vector<16xf32>
      %swap3A_1818 = arith.constant 2 : i32
      %swap3A_1819 = arith.index_cast %swap3A_1818 : i32 to index
      %swap3A_1820 = arith.constant 48 : index
      %swap3A_1821 = tpu.vector_load %arg23[%swap3A_1819, %swap3A_1820] {strides = array<i32>} : memref<16x128xf32, #tpu.memory_space<vmem>>, vector<16xf32>,
      tpu.vector_store %arg23[%swap3A_1819, %swap3A_1820], %sub3A_1817 {strides = array<i32>} : memref<16x128xf32, #tpu.memory_space<vmem>>, vector<16xf32>,
      %slice3A_1822 = vector.extract_strided_slice %get3A_1421 {offsets = [2], sizes = [1], strides = [1]} : vector<16xf32> to vector<1xf32>
      %squeeze3A_1823 = vector.extract %slice3A_1822[0] : f32 from vector<1xf32>
      %get3A_1824 = arith.constant 64 : index
      %get3A_1825 = tpu.vector_load %arg10[%get3A_1824] {strides = array<i32>} : memref<128xi32, #tpu.memory_space<vmem>>, vector<16xi32>,
      %mul3A_1826 = arith.constant 4 : i32
      %mul3A_1827 = vector.broadcast %mul3A_1826 : i32 to vector<16xi32>
      %mul3A_1828 = arith.muli %get3A_1825, %mul3A_1827 : vector<16xi32>
      %add3A_1829 = arith.constant 2 : i32
      %add3A_1830 = vector.broadcast %add3A_1829 : i32 to vector<16xi32>
      %add3A_1831 = arith.addi %mul3A_1828, %add3A_1830 : vector<16xi32>
      %gather3A_1832 = tpu.vector_load_idx %arg17[%add3A_1831] : memref<32768xf32, #tpu.memory_space<vmem>>[vector<16xi32>], vector<16xf32>,
      %mul3A_1833 = arith.constant 2.500000e+00 : f32
      %mul3A_1834 = vector.broadcast %mul3A_1833 : f32 to vector<16xf32>
      %mul3A_1835 = arith.mulf %gather3A_1832, %mul3A_1834 : vector<16xf32>
      %sub3A_1836 = vector.broadcast %squeeze3A_1823 : f32 to vector<16xf32>
      %sub3A_1837 = arith.subf %mul3A_1835, %sub3A_1836 : vector<16xf32>
      %swap3A_1838 = arith.constant 2 : i32
      %swap3A_1839 = arith.index_cast %swap3A_1838 : i32 to index
      %swap3A_1840 = arith.constant 64 : index
      %swap3A_1841 = tpu.vector_load %arg23[%swap3A_1839, %swap3A_1840] {strides = array<i32>} : memref<16x128xf32, #tpu.memory_space<vmem>>, vector<16xf32>,
      tpu.vector_store %arg23[%swap3A_1839, %swap3A_1840], %sub3A_1837 {strides = array<i32>} : memref<16x128xf32, #tpu.memory_space<vmem>>, vector<16xf32>,
      %slice3A_1842 = vector.extract_strided_slice %get3A_1421 {offsets = [2], sizes = [1], strides = [1]} : vector<16xf32> to vector<1xf32>
      %squeeze3A_1843 = vector.extract %slice3A_1842[0] : f32 from vector<1xf32>
      %get3A_1844 = arith.constant 80 : index
      %get3A_1845 = tpu.vector_load %arg10[%get3A_1844] {strides = array<i32>} : memref<128xi32, #tpu.memory_space<vmem>>, vector<16xi32>,
      %mul3A_1846 = arith.constant 4 : i32
      %mul3A_1847 = vector.broadcast %mul3A_1846 : i32 to vector<16xi32>
      %mul3A_1848 = arith.muli %get3A_1845, %mul3A_1847 : vector<16xi32>
      %add3A_1849 = arith.constant 2 : i32
      %add3A_1850 = vector.broadcast %add3A_1849 : i32 to vector<16xi32>
      %add3A_1851 = arith.addi %mul3A_1848, %add3A_1850 : vector<16xi32>
      %gather3A_1852 = tpu.vector_load_idx %arg17[%add3A_1851] : memref<32768xf32, #tpu.memory_space<vmem>>[vector<16xi32>], vector<16xf32>,
      %mul3A_1853 = arith.constant 2.500000e+00 : f32
      %mul3A_1854 = vector.broadcast %mul3A_1853 : f32 to vector<16xf32>
      %mul3A_1855 = arith.mulf %gather3A_1852, %mul3A_1854 : vector<16xf32>
      %sub3A_1856 = vector.broadcast %squeeze3A_1843 : f32 to vector<16xf32>
      %sub3A_1857 = arith.subf %mul3A_1855, %sub3A_1856 : vector<16xf32>
      %swap3A_1858 = arith.constant 2 : i32
      %swap3A_1859 = arith.index_cast %swap3A_1858 : i32 to index
      %swap3A_1860 = arith.constant 80 : index
      %swap3A_1861 = tpu.vector_load %arg23[%swap3A_1859, %swap3A_1860] {strides = array<i32>} : memref<16x128xf32, #tpu.memory_space<vmem>>, vector<16xf32>,
      tpu.vector_store %arg23[%swap3A_1859, %swap3A_1860], %sub3A_1857 {strides = array<i32>} : memref<16x128xf32, #tpu.memory_space<vmem>>, vector<16xf32>,
      %slice3A_1862 = vector.extract_strided_slice %get3A_1421 {offsets = [2], sizes = [1], strides = [1]} : vector<16xf32> to vector<1xf32>
      %squeeze3A_1863 = vector.extract %slice3A_1862[0] : f32 from vector<1xf32>
      %get3A_1864 = arith.constant 96 : index
      %get3A_1865 = tpu.vector_load %arg10[%get3A_1864] {strides = array<i32>} : memref<128xi32, #tpu.memory_space<vmem>>, vector<16xi32>,
      %mul3A_1866 = arith.constant 4 : i32
      %mul3A_1867 = vector.broadcast %mul3A_1866 : i32 to vector<16xi32>
      %mul3A_1868 = arith.muli %get3A_1865, %mul3A_1867 : vector<16xi32>
      %add3A_1869 = arith.constant 2 : i32
      %add3A_1870 = vector.broadcast %add3A_1869 : i32 to vector<16xi32>
      %add3A_1871 = arith.addi %mul3A_1868, %add3A_1870 : vector<16xi32>
      %gather3A_1872 = tpu.vector_load_idx %arg17[%add3A_1871] : memref<32768xf32, #tpu.memory_space<vmem>>[vector<16xi32>], vector<16xf32>,
      %mul3A_1873 = arith.constant 2.500000e+00 : f32
      %mul3A_1874 = vector.broadcast %mul3A_1873 : f32 to vector<16xf32>
      %mul3A_1875 = arith.mulf %gather3A_1872, %mul3A_1874 : vector<16xf32>
      %sub3A_1876 = vector.broadcast %squeeze3A_1863 : f32 to vector<16xf32>
      %sub3A_1877 = arith.subf %mul3A_1875, %sub3A_1876 : vector<16xf32>
      %swap3A_1878 = arith.constant 2 : i32
      %swap3A_1879 = arith.index_cast %swap3A_1878 : i32 to index
      %swap3A_1880 = arith.constant 96 : index
      %swap3A_1881 = tpu.vector_load %arg23[%swap3A_1879, %swap3A_1880] {strides = array<i32>} : memref<16x128xf32, #tpu.memory_space<vmem>>, vector<16xf32>,
      tpu.vector_store %arg23[%swap3A_1879, %swap3A_1880], %sub3A_1877 {strides = array<i32>} : memref<16x128xf32, #tpu.memory_space<vmem>>, vector<16xf32>,
      %slice3A_1882 = vector.extract_strided_slice %get3A_1421 {offsets = [2], sizes = [1], strides = [1]} : vector<16xf32> to vector<1xf32>
      %squeeze3A_1883 = vector.extract %slice3A_1882[0] : f32 from vector<1xf32>
      %get3A_1884 = arith.constant 112 : index
      %get3A_1885 = tpu.vector_load %arg10[%get3A_1884] {strides = array<i32>} : memref<128xi32, #tpu.memory_space<vmem>>, vector<16xi32>,
      %mul3A_1886 = arith.constant 4 : i32
      %mul3A_1887 = vector.broadcast %mul3A_1886 : i32 to vector<16xi32>
      %mul3A_1888 = arith.muli %get3A_1885, %mul3A_1887 : vector<16xi32>
      %add3A_1889 = arith.constant 2 : i32
      %add3A_1890 = vector.broadcast %add3A_1889 : i32 to vector<16xi32>
      %add3A_1891 = arith.addi %mul3A_1888, %add3A_1890 : vector<16xi32>
      %gather3A_1892 = tpu.vector_load_idx %arg17[%add3A_1891] : memref<32768xf32, #tpu.memory_space<vmem>>[vector<16xi32>], vector<16xf32>,
      %mul3A_1893 = arith.constant 2.500000e+00 : f32
      %mul3A_1894 = vector.broadcast %mul3A_1893 : f32 to vector<16xf32>
      %mul3A_1895 = arith.mulf %gather3A_1892, %mul3A_1894 : vector<16xf32>
      %sub3A_1896 = vector.broadcast %squeeze3A_1883 : f32 to vector<16xf32>
      %sub3A_1897 = arith.subf %mul3A_1895, %sub3A_1896 : vector<16xf32>
      %swap3A_1898 = arith.constant 2 : i32
      %swap3A_1899 = arith.index_cast %swap3A_1898 : i32 to index
      %swap3A_1900 = arith.constant 112 : index
      %swap3A_1901 = tpu.vector_load %arg23[%swap3A_1899, %swap3A_1900] {strides = array<i32>} : memref<16x128xf32, #tpu.memory_space<vmem>>, vector<16xf32>,
      tpu.vector_store %arg23[%swap3A_1899, %swap3A_1900], %sub3A_1897 {strides = array<i32>} : memref<16x128xf32, #tpu.memory_space<vmem>>, vector<16xf32>,
      %dma_start3A_1902 = arith.constant 0 : i32
      %dma_start3A_1903 = arith.constant 0 : i32
      %dma_start3A_1904 = tpu.memref_slice %arg6[%dma_start3A_1902, %dma_start3A_1903] : memref<268304x128xf32, #tpu.memory_space<hbm>> -> memref<268304x128xf32, #tpu.memory_space<hbm>>
      tpu.enqueue_indirect_dma source(%arg23 : memref<16x128xf32, #tpu.memory_space<vmem>>) target(%dma_start3A_1904 : memref<268304x128xf32, #tpu.memory_space<hbm>>) offsets(%arg28 : memref<16xi32, #tpu.memory_space<vmem>>) semaphore(%arg35 : memref<!tpu.dma_semaphore, #tpu.memory_space<semaphore_mem>>)
      %mul3A_1905 = arith.constant 64 : i32
      %mul3A_1906 = arith.muli %add3A, %mul3A_1905 : i32
      %mul3A_1907 = arith.constant 4 : i32
      %mul3A_1908 = arith.muli %mul3A_1907, %scan3A_41 : i32
      %add3A_1909 = arith.addi %mul3A_1906, %mul3A_1908 : i32
      %add3A_1910 = arith.constant 2 : i32
      %add3A_1911 = arith.addi %add3A_1909, %add3A_1910 : i32
      %mul3A_1912 = arith.constant 4 : i32
      %mul3A_1913 = arith.muli %mul3A_1912, %scan3A_41 : i32
      %add3A_1914 = arith.constant 2 : i32
      %add3A_1915 = arith.addi %mul3A_1913, %add3A_1914 : i32
      %mul3A_1916 = arith.constant 2 : i32
      %mul3A_1917 = arith.muli %add3A_1915, %mul3A_1916 : i32
      %mul3A_1918 = arith.constant 3 : i32
      %mul3A_1919 = arith.muli %select_n3A, %mul3A_1918 : i32
      %mul3A_1920 = arith.constant 512 : i32
      %mul3A_1921 = arith.muli %mul3A_1919, %mul3A_1920 : i32
      %add3A_1922 = arith.constant 262144 : i32
      %add3A_1923 = arith.addi %add3A_1922, %mul3A_1921 : i32
      %jit3A_1924 = arith.constant 512 : i32
      %eq3A_1925 = arith.constant 0 : i32
      %eq3A_1926 = arith.cmpi eq, %jit3A_1924, %eq3A_1925 : i32
      %jit3A_1927 = arith.constant 1 : i32
      %select_n3A_1928 = arith.select %eq3A_1926, %jit3A_1927, %jit3A_1924 : i32
      %rem3A_1929 = arith.remsi %add3A_1911, %select_n3A_1928 : i32
      %ne3A_1930 = arith.constant 0 : i32
      %ne3A_1931 = arith.cmpi ne, %rem3A_1929, %ne3A_1930 : i32
      %lt3A_1932 = arith.constant 0 : i32
      %lt3A_1933 = arith.cmpi slt, %rem3A_1929, %lt3A_1932 : i32
      %lt3A_1934 = arith.constant 0 : i32
      %lt3A_1935 = arith.cmpi slt, %select_n3A_1928, %lt3A_1934 : i32
      %ne3A_1936 = arith.xori %lt3A_1933, %lt3A_1935 : i1
      %and3A_1937 = arith.andi %ne3A_1936, %ne3A_1931 : i1
      %add3A_1938 = arith.addi %rem3A_1929, %select_n3A_1928 : i32
      %select_n3A_1939 = arith.select %and3A_1937, %add3A_1938, %rem3A_1929 : i32
      %add3A_1940 = arith.addi %add3A_1923, %select_n3A_1939 : i32
      %lt3A_1941 = arith.constant 3 : i32
      %lt3A_1942 = vector.broadcast %lt3A_1941 : i32 to vector<16xi32>
      %lt3A_1943 = arith.cmpi slt, %iota3A, %lt3A_1942 : vector<16xi32>
      %mul3A_1944 = arith.constant 512 : i32
      %mul3A_1945 = vector.broadcast %mul3A_1944 : i32 to vector<16xi32>
      %mul3A_1946 = arith.muli %iota3A, %mul3A_1945 : vector<16xi32>
      %add3A_1947 = vector.broadcast %add3A_1940 : i32 to vector<16xi32>
      %add3A_1948 = arith.addi %add3A_1947, %mul3A_1946 : vector<16xi32>
      %sub3A_1949 = arith.constant 3 : i32
      %sub3A_1950 = vector.broadcast %sub3A_1949 : i32 to vector<16xi32>
      %sub3A_1951 = arith.subi %iota3A, %sub3A_1950 : vector<16xi32>
      %add3A_1952 = arith.constant 268288 : i32
      %add3A_1953 = vector.broadcast %add3A_1952 : i32 to vector<16xi32>
      %add3A_1954 = arith.addi %add3A_1953, %sub3A_1951 : vector<16xi32>
      %select_n3A_1955 = arith.select %lt3A_1943, %add3A_1948, %add3A_1954 : vector<16xi1>, vector<16xi32>
      %swap3A_1956 = arith.constant 0 : index
      %swap3A_1957 = tpu.vector_load %arg29[%swap3A_1956] {strides = array<i32>} : memref<16xi32, #tpu.memory_space<vmem>>, vector<16xi32>,
      tpu.vector_store %arg29[%swap3A_1956], %select_n3A_1955 {strides = array<i32>} : memref<16xi32, #tpu.memory_space<vmem>>, vector<16xi32>,
      %mul3A_1958 = arith.constant 16 : i32
      %mul3A_1959 = arith.muli %mul3A_1917, %mul3A_1958 : i32
      %get3A_1960 = arith.index_cast %mul3A_1959 : i32 to index
      %get3A_1961 = tpu.vector_load %arg26[%get3A_1960] {strides = array<i32>} : memref<2048xf32, #tpu.memory_space<vmem>>, vector<16xf32>,
      %mul3A_1962 = arith.constant 16 : i32
      %mul3A_1963 = arith.muli %mul3A_1917, %mul3A_1962 : i32
      %add3A_1964 = arith.constant 16 : i32
      %add3A_1965 = arith.addi %mul3A_1963, %add3A_1964 : i32
      %get3A_1966 = arith.index_cast %add3A_1965 : i32 to index
      %get3A_1967 = tpu.vector_load %arg26[%get3A_1966] {strides = array<i32>} : memref<2048xf32, #tpu.memory_space<vmem>>, vector<16xf32>,
      %slice3A_1968 = vector.extract_strided_slice %get3A_1961 {offsets = [0], sizes = [1], strides = [1]} : vector<16xf32> to vector<1xf32>
      %squeeze3A_1969 = vector.extract %slice3A_1968[0] : f32 from vector<1xf32>
      %get3A_1970 = arith.constant 0 : index
      %get3A_1971 = tpu.vector_load %arg11[%get3A_1970] {strides = array<i32>} : memref<128xi32, #tpu.memory_space<vmem>>, vector<16xi32>,
      %mul3A_1972 = arith.constant 4 : i32
      %mul3A_1973 = vector.broadcast %mul3A_1972 : i32 to vector<16xi32>
      %mul3A_1974 = arith.muli %get3A_1971, %mul3A_1973 : vector<16xi32>
      %add3A_1975 = arith.constant 0 : i32
      %add3A_1976 = vector.broadcast %add3A_1975 : i32 to vector<16xi32>
      %add3A_1977 = arith.addi %mul3A_1974, %add3A_1976 : vector<16xi32>
      %gather3A_1978 = tpu.vector_load_idx %arg17[%add3A_1977] : memref<32768xf32, #tpu.memory_space<vmem>>[vector<16xi32>], vector<16xf32>,
      %mul3A_1979 = arith.constant 2.500000e+00 : f32
      %mul3A_1980 = vector.broadcast %mul3A_1979 : f32 to vector<16xf32>
      %mul3A_1981 = arith.mulf %gather3A_1978, %mul3A_1980 : vector<16xf32>
      %sub3A_1982 = vector.broadcast %squeeze3A_1969 : f32 to vector<16xf32>
      %sub3A_1983 = arith.subf %mul3A_1981, %sub3A_1982 : vector<16xf32>
      %swap3A_1984 = arith.constant 0 : i32
      %swap3A_1985 = arith.index_cast %swap3A_1984 : i32 to index
      %swap3A_1986 = arith.constant 0 : index
      %swap3A_1987 = tpu.vector_load %arg24[%swap3A_1985, %swap3A_1986] {strides = array<i32>} : memref<16x128xf32, #tpu.memory_space<vmem>>, vector<16xf32>,
      tpu.vector_store %arg24[%swap3A_1985, %swap3A_1986], %sub3A_1983 {strides = array<i32>} : memref<16x128xf32, #tpu.memory_space<vmem>>, vector<16xf32>,
      %slice3A_1988 = vector.extract_strided_slice %get3A_1961 {offsets = [0], sizes = [1], strides = [1]} : vector<16xf32> to vector<1xf32>
      %squeeze3A_1989 = vector.extract %slice3A_1988[0] : f32 from vector<1xf32>
      %get3A_1990 = arith.constant 16 : index
      %get3A_1991 = tpu.vector_load %arg11[%get3A_1990] {strides = array<i32>} : memref<128xi32, #tpu.memory_space<vmem>>, vector<16xi32>,
      %mul3A_1992 = arith.constant 4 : i32
      %mul3A_1993 = vector.broadcast %mul3A_1992 : i32 to vector<16xi32>
      %mul3A_1994 = arith.muli %get3A_1991, %mul3A_1993 : vector<16xi32>
      %add3A_1995 = arith.constant 0 : i32
      %add3A_1996 = vector.broadcast %add3A_1995 : i32 to vector<16xi32>
      %add3A_1997 = arith.addi %mul3A_1994, %add3A_1996 : vector<16xi32>
      %gather3A_1998 = tpu.vector_load_idx %arg17[%add3A_1997] : memref<32768xf32, #tpu.memory_space<vmem>>[vector<16xi32>], vector<16xf32>,
      %mul3A_1999 = arith.constant 2.500000e+00 : f32
      %mul3A_2000 = vector.broadcast %mul3A_1999 : f32 to vector<16xf32>
      %mul3A_2001 = arith.mulf %gather3A_1998, %mul3A_2000 : vector<16xf32>
      %sub3A_2002 = vector.broadcast %squeeze3A_1989 : f32 to vector<16xf32>
      %sub3A_2003 = arith.subf %mul3A_2001, %sub3A_2002 : vector<16xf32>
      %swap3A_2004 = arith.constant 0 : i32
      %swap3A_2005 = arith.index_cast %swap3A_2004 : i32 to index
      %swap3A_2006 = arith.constant 16 : index
      %swap3A_2007 = tpu.vector_load %arg24[%swap3A_2005, %swap3A_2006] {strides = array<i32>} : memref<16x128xf32, #tpu.memory_space<vmem>>, vector<16xf32>,
      tpu.vector_store %arg24[%swap3A_2005, %swap3A_2006], %sub3A_2003 {strides = array<i32>} : memref<16x128xf32, #tpu.memory_space<vmem>>, vector<16xf32>,
      %slice3A_2008 = vector.extract_strided_slice %get3A_1961 {offsets = [0], sizes = [1], strides = [1]} : vector<16xf32> to vector<1xf32>
      %squeeze3A_2009 = vector.extract %slice3A_2008[0] : f32 from vector<1xf32>
      %get3A_2010 = arith.constant 32 : index
      %get3A_2011 = tpu.vector_load %arg11[%get3A_2010] {strides = array<i32>} : memref<128xi32, #tpu.memory_space<vmem>>, vector<16xi32>,
      %mul3A_2012 = arith.constant 4 : i32
      %mul3A_2013 = vector.broadcast %mul3A_2012 : i32 to vector<16xi32>
      %mul3A_2014 = arith.muli %get3A_2011, %mul3A_2013 : vector<16xi32>
      %add3A_2015 = arith.constant 0 : i32
      %add3A_2016 = vector.broadcast %add3A_2015 : i32 to vector<16xi32>
      %add3A_2017 = arith.addi %mul3A_2014, %add3A_2016 : vector<16xi32>
      %gather3A_2018 = tpu.vector_load_idx %arg17[%add3A_2017] : memref<32768xf32, #tpu.memory_space<vmem>>[vector<16xi32>], vector<16xf32>,
      %mul3A_2019 = arith.constant 2.500000e+00 : f32
      %mul3A_2020 = vector.broadcast %mul3A_2019 : f32 to vector<16xf32>
      %mul3A_2021 = arith.mulf %gather3A_2018, %mul3A_2020 : vector<16xf32>
      %sub3A_2022 = vector.broadcast %squeeze3A_2009 : f32 to vector<16xf32>
      %sub3A_2023 = arith.subf %mul3A_2021, %sub3A_2022 : vector<16xf32>
      %swap3A_2024 = arith.constant 0 : i32
      %swap3A_2025 = arith.index_cast %swap3A_2024 : i32 to index
      %swap3A_2026 = arith.constant 32 : index
      %swap3A_2027 = tpu.vector_load %arg24[%swap3A_2025, %swap3A_2026] {strides = array<i32>} : memref<16x128xf32, #tpu.memory_space<vmem>>, vector<16xf32>,
      tpu.vector_store %arg24[%swap3A_2025, %swap3A_2026], %sub3A_2023 {strides = array<i32>} : memref<16x128xf32, #tpu.memory_space<vmem>>, vector<16xf32>,
      %slice3A_2028 = vector.extract_strided_slice %get3A_1961 {offsets = [0], sizes = [1], strides = [1]} : vector<16xf32> to vector<1xf32>
      %squeeze3A_2029 = vector.extract %slice3A_2028[0] : f32 from vector<1xf32>
      %get3A_2030 = arith.constant 48 : index
      %get3A_2031 = tpu.vector_load %arg11[%get3A_2030] {strides = array<i32>} : memref<128xi32, #tpu.memory_space<vmem>>, vector<16xi32>,
      %mul3A_2032 = arith.constant 4 : i32
      %mul3A_2033 = vector.broadcast %mul3A_2032 : i32 to vector<16xi32>
      %mul3A_2034 = arith.muli %get3A_2031, %mul3A_2033 : vector<16xi32>
      %add3A_2035 = arith.constant 0 : i32
      %add3A_2036 = vector.broadcast %add3A_2035 : i32 to vector<16xi32>
      %add3A_2037 = arith.addi %mul3A_2034, %add3A_2036 : vector<16xi32>
      %gather3A_2038 = tpu.vector_load_idx %arg17[%add3A_2037] : memref<32768xf32, #tpu.memory_space<vmem>>[vector<16xi32>], vector<16xf32>,
      %mul3A_2039 = arith.constant 2.500000e+00 : f32
      %mul3A_2040 = vector.broadcast %mul3A_2039 : f32 to vector<16xf32>
      %mul3A_2041 = arith.mulf %gather3A_2038, %mul3A_2040 : vector<16xf32>
      %sub3A_2042 = vector.broadcast %squeeze3A_2029 : f32 to vector<16xf32>
      %sub3A_2043 = arith.subf %mul3A_2041, %sub3A_2042 : vector<16xf32>
      %swap3A_2044 = arith.constant 0 : i32
      %swap3A_2045 = arith.index_cast %swap3A_2044 : i32 to index
      %swap3A_2046 = arith.constant 48 : index
      %swap3A_2047 = tpu.vector_load %arg24[%swap3A_2045, %swap3A_2046] {strides = array<i32>} : memref<16x128xf32, #tpu.memory_space<vmem>>, vector<16xf32>,
      tpu.vector_store %arg24[%swap3A_2045, %swap3A_2046], %sub3A_2043 {strides = array<i32>} : memref<16x128xf32, #tpu.memory_space<vmem>>, vector<16xf32>,
      %slice3A_2048 = vector.extract_strided_slice %get3A_1967 {offsets = [0], sizes = [1], strides = [1]} : vector<16xf32> to vector<1xf32>
      %squeeze3A_2049 = vector.extract %slice3A_2048[0] : f32 from vector<1xf32>
      %get3A_2050 = arith.constant 64 : index
      %get3A_2051 = tpu.vector_load %arg11[%get3A_2050] {strides = array<i32>} : memref<128xi32, #tpu.memory_space<vmem>>, vector<16xi32>,
      %mul3A_2052 = arith.constant 4 : i32
      %mul3A_2053 = vector.broadcast %mul3A_2052 : i32 to vector<16xi32>
      %mul3A_2054 = arith.muli %get3A_2051, %mul3A_2053 : vector<16xi32>
      %add3A_2055 = arith.constant 0 : i32
      %add3A_2056 = vector.broadcast %add3A_2055 : i32 to vector<16xi32>
      %add3A_2057 = arith.addi %mul3A_2054, %add3A_2056 : vector<16xi32>
      %gather3A_2058 = tpu.vector_load_idx %arg17[%add3A_2057] : memref<32768xf32, #tpu.memory_space<vmem>>[vector<16xi32>], vector<16xf32>,
      %mul3A_2059 = arith.constant 2.500000e+00 : f32
      %mul3A_2060 = vector.broadcast %mul3A_2059 : f32 to vector<16xf32>
      %mul3A_2061 = arith.mulf %gather3A_2058, %mul3A_2060 : vector<16xf32>
      %sub3A_2062 = vector.broadcast %squeeze3A_2049 : f32 to vector<16xf32>
      %sub3A_2063 = arith.subf %mul3A_2061, %sub3A_2062 : vector<16xf32>
      %swap3A_2064 = arith.constant 0 : i32
      %swap3A_2065 = arith.index_cast %swap3A_2064 : i32 to index
      %swap3A_2066 = arith.constant 64 : index
      %swap3A_2067 = tpu.vector_load %arg24[%swap3A_2065, %swap3A_2066] {strides = array<i32>} : memref<16x128xf32, #tpu.memory_space<vmem>>, vector<16xf32>,
      tpu.vector_store %arg24[%swap3A_2065, %swap3A_2066], %sub3A_2063 {strides = array<i32>} : memref<16x128xf32, #tpu.memory_space<vmem>>, vector<16xf32>,
      %slice3A_2068 = vector.extract_strided_slice %get3A_1967 {offsets = [0], sizes = [1], strides = [1]} : vector<16xf32> to vector<1xf32>
      %squeeze3A_2069 = vector.extract %slice3A_2068[0] : f32 from vector<1xf32>
      %get3A_2070 = arith.constant 80 : index
      %get3A_2071 = tpu.vector_load %arg11[%get3A_2070] {strides = array<i32>} : memref<128xi32, #tpu.memory_space<vmem>>, vector<16xi32>,
      %mul3A_2072 = arith.constant 4 : i32
      %mul3A_2073 = vector.broadcast %mul3A_2072 : i32 to vector<16xi32>
      %mul3A_2074 = arith.muli %get3A_2071, %mul3A_2073 : vector<16xi32>
      %add3A_2075 = arith.constant 0 : i32
      %add3A_2076 = vector.broadcast %add3A_2075 : i32 to vector<16xi32>
      %add3A_2077 = arith.addi %mul3A_2074, %add3A_2076 : vector<16xi32>
      %gather3A_2078 = tpu.vector_load_idx %arg17[%add3A_2077] : memref<32768xf32, #tpu.memory_space<vmem>>[vector<16xi32>], vector<16xf32>,
      %mul3A_2079 = arith.constant 2.500000e+00 : f32
      %mul3A_2080 = vector.broadcast %mul3A_2079 : f32 to vector<16xf32>
      %mul3A_2081 = arith.mulf %gather3A_2078, %mul3A_2080 : vector<16xf32>
      %sub3A_2082 = vector.broadcast %squeeze3A_2069 : f32 to vector<16xf32>
      %sub3A_2083 = arith.subf %mul3A_2081, %sub3A_2082 : vector<16xf32>
      %swap3A_2084 = arith.constant 0 : i32
      %swap3A_2085 = arith.index_cast %swap3A_2084 : i32 to index
      %swap3A_2086 = arith.constant 80 : index
      %swap3A_2087 = tpu.vector_load %arg24[%swap3A_2085, %swap3A_2086] {strides = array<i32>} : memref<16x128xf32, #tpu.memory_space<vmem>>, vector<16xf32>,
      tpu.vector_store %arg24[%swap3A_2085, %swap3A_2086], %sub3A_2083 {strides = array<i32>} : memref<16x128xf32, #tpu.memory_space<vmem>>, vector<16xf32>,
      %slice3A_2088 = vector.extract_strided_slice %get3A_1967 {offsets = [0], sizes = [1], strides = [1]} : vector<16xf32> to vector<1xf32>
      %squeeze3A_2089 = vector.extract %slice3A_2088[0] : f32 from vector<1xf32>
      %get3A_2090 = arith.constant 96 : index
      %get3A_2091 = tpu.vector_load %arg11[%get3A_2090] {strides = array<i32>} : memref<128xi32, #tpu.memory_space<vmem>>, vector<16xi32>,
      %mul3A_2092 = arith.constant 4 : i32
      %mul3A_2093 = vector.broadcast %mul3A_2092 : i32 to vector<16xi32>
      %mul3A_2094 = arith.muli %get3A_2091, %mul3A_2093 : vector<16xi32>
      %add3A_2095 = arith.constant 0 : i32
      %add3A_2096 = vector.broadcast %add3A_2095 : i32 to vector<16xi32>
      %add3A_2097 = arith.addi %mul3A_2094, %add3A_2096 : vector<16xi32>
      %gather3A_2098 = tpu.vector_load_idx %arg17[%add3A_2097] : memref<32768xf32, #tpu.memory_space<vmem>>[vector<16xi32>], vector<16xf32>,
      %mul3A_2099 = arith.constant 2.500000e+00 : f32
      %mul3A_2100 = vector.broadcast %mul3A_2099 : f32 to vector<16xf32>
      %mul3A_2101 = arith.mulf %gather3A_2098, %mul3A_2100 : vector<16xf32>
      %sub3A_2102 = vector.broadcast %squeeze3A_2089 : f32 to vector<16xf32>
      %sub3A_2103 = arith.subf %mul3A_2101, %sub3A_2102 : vector<16xf32>
      %swap3A_2104 = arith.constant 0 : i32
      %swap3A_2105 = arith.index_cast %swap3A_2104 : i32 to index
      %swap3A_2106 = arith.constant 96 : index
      %swap3A_2107 = tpu.vector_load %arg24[%swap3A_2105, %swap3A_2106] {strides = array<i32>} : memref<16x128xf32, #tpu.memory_space<vmem>>, vector<16xf32>,
      tpu.vector_store %arg24[%swap3A_2105, %swap3A_2106], %sub3A_2103 {strides = array<i32>} : memref<16x128xf32, #tpu.memory_space<vmem>>, vector<16xf32>,
      %slice3A_2108 = vector.extract_strided_slice %get3A_1967 {offsets = [0], sizes = [1], strides = [1]} : vector<16xf32> to vector<1xf32>
      %squeeze3A_2109 = vector.extract %slice3A_2108[0] : f32 from vector<1xf32>
      %get3A_2110 = arith.constant 112 : index
      %get3A_2111 = tpu.vector_load %arg11[%get3A_2110] {strides = array<i32>} : memref<128xi32, #tpu.memory_space<vmem>>, vector<16xi32>,
      %mul3A_2112 = arith.constant 4 : i32
      %mul3A_2113 = vector.broadcast %mul3A_2112 : i32 to vector<16xi32>
      %mul3A_2114 = arith.muli %get3A_2111, %mul3A_2113 : vector<16xi32>
      %add3A_2115 = arith.constant 0 : i32
      %add3A_2116 = vector.broadcast %add3A_2115 : i32 to vector<16xi32>
      %add3A_2117 = arith.addi %mul3A_2114, %add3A_2116 : vector<16xi32>
      %gather3A_2118 = tpu.vector_load_idx %arg17[%add3A_2117] : memref<32768xf32, #tpu.memory_space<vmem>>[vector<16xi32>], vector<16xf32>,
      %mul3A_2119 = arith.constant 2.500000e+00 : f32
      %mul3A_2120 = vector.broadcast %mul3A_2119 : f32 to vector<16xf32>
      %mul3A_2121 = arith.mulf %gather3A_2118, %mul3A_2120 : vector<16xf32>
      %sub3A_2122 = vector.broadcast %squeeze3A_2109 : f32 to vector<16xf32>
      %sub3A_2123 = arith.subf %mul3A_2121, %sub3A_2122 : vector<16xf32>
      %swap3A_2124 = arith.constant 0 : i32
      %swap3A_2125 = arith.index_cast %swap3A_2124 : i32 to index
      %swap3A_2126 = arith.constant 112 : index
      %swap3A_2127 = tpu.vector_load %arg24[%swap3A_2125, %swap3A_2126] {strides = array<i32>} : memref<16x128xf32, #tpu.memory_space<vmem>>, vector<16xf32>,
      tpu.vector_store %arg24[%swap3A_2125, %swap3A_2126], %sub3A_2123 {strides = array<i32>} : memref<16x128xf32, #tpu.memory_space<vmem>>, vector<16xf32>,
      %slice3A_2128 = vector.extract_strided_slice %get3A_1961 {offsets = [1], sizes = [1], strides = [1]} : vector<16xf32> to vector<1xf32>
      %squeeze3A_2129 = vector.extract %slice3A_2128[0] : f32 from vector<1xf32>
      %get3A_2130 = arith.constant 0 : index
      %get3A_2131 = tpu.vector_load %arg11[%get3A_2130] {strides = array<i32>} : memref<128xi32, #tpu.memory_space<vmem>>, vector<16xi32>,
      %mul3A_2132 = arith.constant 4 : i32
      %mul3A_2133 = vector.broadcast %mul3A_2132 : i32 to vector<16xi32>
      %mul3A_2134 = arith.muli %get3A_2131, %mul3A_2133 : vector<16xi32>
      %add3A_2135 = arith.constant 1 : i32
      %add3A_2136 = vector.broadcast %add3A_2135 : i32 to vector<16xi32>
      %add3A_2137 = arith.addi %mul3A_2134, %add3A_2136 : vector<16xi32>
      %gather3A_2138 = tpu.vector_load_idx %arg17[%add3A_2137] : memref<32768xf32, #tpu.memory_space<vmem>>[vector<16xi32>], vector<16xf32>,
      %mul3A_2139 = arith.constant 2.500000e+00 : f32
      %mul3A_2140 = vector.broadcast %mul3A_2139 : f32 to vector<16xf32>
      %mul3A_2141 = arith.mulf %gather3A_2138, %mul3A_2140 : vector<16xf32>
      %sub3A_2142 = vector.broadcast %squeeze3A_2129 : f32 to vector<16xf32>
      %sub3A_2143 = arith.subf %mul3A_2141, %sub3A_2142 : vector<16xf32>
      %swap3A_2144 = arith.constant 1 : i32
      %swap3A_2145 = arith.index_cast %swap3A_2144 : i32 to index
      %swap3A_2146 = arith.constant 0 : index
      %swap3A_2147 = tpu.vector_load %arg24[%swap3A_2145, %swap3A_2146] {strides = array<i32>} : memref<16x128xf32, #tpu.memory_space<vmem>>, vector<16xf32>,
      tpu.vector_store %arg24[%swap3A_2145, %swap3A_2146], %sub3A_2143 {strides = array<i32>} : memref<16x128xf32, #tpu.memory_space<vmem>>, vector<16xf32>,
      %slice3A_2148 = vector.extract_strided_slice %get3A_1961 {offsets = [1], sizes = [1], strides = [1]} : vector<16xf32> to vector<1xf32>
      %squeeze3A_2149 = vector.extract %slice3A_2148[0] : f32 from vector<1xf32>
      %get3A_2150 = arith.constant 16 : index
      %get3A_2151 = tpu.vector_load %arg11[%get3A_2150] {strides = array<i32>} : memref<128xi32, #tpu.memory_space<vmem>>, vector<16xi32>,
      %mul3A_2152 = arith.constant 4 : i32
      %mul3A_2153 = vector.broadcast %mul3A_2152 : i32 to vector<16xi32>
      %mul3A_2154 = arith.muli %get3A_2151, %mul3A_2153 : vector<16xi32>
      %add3A_2155 = arith.constant 1 : i32
      %add3A_2156 = vector.broadcast %add3A_2155 : i32 to vector<16xi32>
      %add3A_2157 = arith.addi %mul3A_2154, %add3A_2156 : vector<16xi32>
      %gather3A_2158 = tpu.vector_load_idx %arg17[%add3A_2157] : memref<32768xf32, #tpu.memory_space<vmem>>[vector<16xi32>], vector<16xf32>,
      %mul3A_2159 = arith.constant 2.500000e+00 : f32
      %mul3A_2160 = vector.broadcast %mul3A_2159 : f32 to vector<16xf32>
      %mul3A_2161 = arith.mulf %gather3A_2158, %mul3A_2160 : vector<16xf32>
      %sub3A_2162 = vector.broadcast %squeeze3A_2149 : f32 to vector<16xf32>
      %sub3A_2163 = arith.subf %mul3A_2161, %sub3A_2162 : vector<16xf32>
      %swap3A_2164 = arith.constant 1 : i32
      %swap3A_2165 = arith.index_cast %swap3A_2164 : i32 to index
      %swap3A_2166 = arith.constant 16 : index
      %swap3A_2167 = tpu.vector_load %arg24[%swap3A_2165, %swap3A_2166] {strides = array<i32>} : memref<16x128xf32, #tpu.memory_space<vmem>>, vector<16xf32>,
      tpu.vector_store %arg24[%swap3A_2165, %swap3A_2166], %sub3A_2163 {strides = array<i32>} : memref<16x128xf32, #tpu.memory_space<vmem>>, vector<16xf32>,
      %slice3A_2168 = vector.extract_strided_slice %get3A_1961 {offsets = [1], sizes = [1], strides = [1]} : vector<16xf32> to vector<1xf32>
      %squeeze3A_2169 = vector.extract %slice3A_2168[0] : f32 from vector<1xf32>
      %get3A_2170 = arith.constant 32 : index
      %get3A_2171 = tpu.vector_load %arg11[%get3A_2170] {strides = array<i32>} : memref<128xi32, #tpu.memory_space<vmem>>, vector<16xi32>,
      %mul3A_2172 = arith.constant 4 : i32
      %mul3A_2173 = vector.broadcast %mul3A_2172 : i32 to vector<16xi32>
      %mul3A_2174 = arith.muli %get3A_2171, %mul3A_2173 : vector<16xi32>
      %add3A_2175 = arith.constant 1 : i32
      %add3A_2176 = vector.broadcast %add3A_2175 : i32 to vector<16xi32>
      %add3A_2177 = arith.addi %mul3A_2174, %add3A_2176 : vector<16xi32>
      %gather3A_2178 = tpu.vector_load_idx %arg17[%add3A_2177] : memref<32768xf32, #tpu.memory_space<vmem>>[vector<16xi32>], vector<16xf32>,
      %mul3A_2179 = arith.constant 2.500000e+00 : f32
      %mul3A_2180 = vector.broadcast %mul3A_2179 : f32 to vector<16xf32>
      %mul3A_2181 = arith.mulf %gather3A_2178, %mul3A_2180 : vector<16xf32>
      %sub3A_2182 = vector.broadcast %squeeze3A_2169 : f32 to vector<16xf32>
      %sub3A_2183 = arith.subf %mul3A_2181, %sub3A_2182 : vector<16xf32>
      %swap3A_2184 = arith.constant 1 : i32
      %swap3A_2185 = arith.index_cast %swap3A_2184 : i32 to index
      %swap3A_2186 = arith.constant 32 : index
      %swap3A_2187 = tpu.vector_load %arg24[%swap3A_2185, %swap3A_2186] {strides = array<i32>} : memref<16x128xf32, #tpu.memory_space<vmem>>, vector<16xf32>,
      tpu.vector_store %arg24[%swap3A_2185, %swap3A_2186], %sub3A_2183 {strides = array<i32>} : memref<16x128xf32, #tpu.memory_space<vmem>>, vector<16xf32>,
      %slice3A_2188 = vector.extract_strided_slice %get3A_1961 {offsets = [1], sizes = [1], strides = [1]} : vector<16xf32> to vector<1xf32>
      %squeeze3A_2189 = vector.extract %slice3A_2188[0] : f32 from vector<1xf32>
      %get3A_2190 = arith.constant 48 : index
      %get3A_2191 = tpu.vector_load %arg11[%get3A_2190] {strides = array<i32>} : memref<128xi32, #tpu.memory_space<vmem>>, vector<16xi32>,
      %mul3A_2192 = arith.constant 4 : i32
      %mul3A_2193 = vector.broadcast %mul3A_2192 : i32 to vector<16xi32>
      %mul3A_2194 = arith.muli %get3A_2191, %mul3A_2193 : vector<16xi32>
      %add3A_2195 = arith.constant 1 : i32
      %add3A_2196 = vector.broadcast %add3A_2195 : i32 to vector<16xi32>
      %add3A_2197 = arith.addi %mul3A_2194, %add3A_2196 : vector<16xi32>
      %gather3A_2198 = tpu.vector_load_idx %arg17[%add3A_2197] : memref<32768xf32, #tpu.memory_space<vmem>>[vector<16xi32>], vector<16xf32>,
      %mul3A_2199 = arith.constant 2.500000e+00 : f32
      %mul3A_2200 = vector.broadcast %mul3A_2199 : f32 to vector<16xf32>
      %mul3A_2201 = arith.mulf %gather3A_2198, %mul3A_2200 : vector<16xf32>
      %sub3A_2202 = vector.broadcast %squeeze3A_2189 : f32 to vector<16xf32>
      %sub3A_2203 = arith.subf %mul3A_2201, %sub3A_2202 : vector<16xf32>
      %swap3A_2204 = arith.constant 1 : i32
      %swap3A_2205 = arith.index_cast %swap3A_2204 : i32 to index
      %swap3A_2206 = arith.constant 48 : index
      %swap3A_2207 = tpu.vector_load %arg24[%swap3A_2205, %swap3A_2206] {strides = array<i32>} : memref<16x128xf32, #tpu.memory_space<vmem>>, vector<16xf32>,
      tpu.vector_store %arg24[%swap3A_2205, %swap3A_2206], %sub3A_2203 {strides = array<i32>} : memref<16x128xf32, #tpu.memory_space<vmem>>, vector<16xf32>,
      %slice3A_2208 = vector.extract_strided_slice %get3A_1967 {offsets = [1], sizes = [1], strides = [1]} : vector<16xf32> to vector<1xf32>
      %squeeze3A_2209 = vector.extract %slice3A_2208[0] : f32 from vector<1xf32>
      %get3A_2210 = arith.constant 64 : index
      %get3A_2211 = tpu.vector_load %arg11[%get3A_2210] {strides = array<i32>} : memref<128xi32, #tpu.memory_space<vmem>>, vector<16xi32>,
      %mul3A_2212 = arith.constant 4 : i32
      %mul3A_2213 = vector.broadcast %mul3A_2212 : i32 to vector<16xi32>
      %mul3A_2214 = arith.muli %get3A_2211, %mul3A_2213 : vector<16xi32>
      %add3A_2215 = arith.constant 1 : i32
      %add3A_2216 = vector.broadcast %add3A_2215 : i32 to vector<16xi32>
      %add3A_2217 = arith.addi %mul3A_2214, %add3A_2216 : vector<16xi32>
      %gather3A_2218 = tpu.vector_load_idx %arg17[%add3A_2217] : memref<32768xf32, #tpu.memory_space<vmem>>[vector<16xi32>], vector<16xf32>,
      %mul3A_2219 = arith.constant 2.500000e+00 : f32
      %mul3A_2220 = vector.broadcast %mul3A_2219 : f32 to vector<16xf32>
      %mul3A_2221 = arith.mulf %gather3A_2218, %mul3A_2220 : vector<16xf32>
      %sub3A_2222 = vector.broadcast %squeeze3A_2209 : f32 to vector<16xf32>
      %sub3A_2223 = arith.subf %mul3A_2221, %sub3A_2222 : vector<16xf32>
      %swap3A_2224 = arith.constant 1 : i32
      %swap3A_2225 = arith.index_cast %swap3A_2224 : i32 to index
      %swap3A_2226 = arith.constant 64 : index
      %swap3A_2227 = tpu.vector_load %arg24[%swap3A_2225, %swap3A_2226] {strides = array<i32>} : memref<16x128xf32, #tpu.memory_space<vmem>>, vector<16xf32>,
      tpu.vector_store %arg24[%swap3A_2225, %swap3A_2226], %sub3A_2223 {strides = array<i32>} : memref<16x128xf32, #tpu.memory_space<vmem>>, vector<16xf32>,
      %slice3A_2228 = vector.extract_strided_slice %get3A_1967 {offsets = [1], sizes = [1], strides = [1]} : vector<16xf32> to vector<1xf32>
      %squeeze3A_2229 = vector.extract %slice3A_2228[0] : f32 from vector<1xf32>
      %get3A_2230 = arith.constant 80 : index
      %get3A_2231 = tpu.vector_load %arg11[%get3A_2230] {strides = array<i32>} : memref<128xi32, #tpu.memory_space<vmem>>, vector<16xi32>,
      %mul3A_2232 = arith.constant 4 : i32
      %mul3A_2233 = vector.broadcast %mul3A_2232 : i32 to vector<16xi32>
      %mul3A_2234 = arith.muli %get3A_2231, %mul3A_2233 : vector<16xi32>
      %add3A_2235 = arith.constant 1 : i32
      %add3A_2236 = vector.broadcast %add3A_2235 : i32 to vector<16xi32>
      %add3A_2237 = arith.addi %mul3A_2234, %add3A_2236 : vector<16xi32>
      %gather3A_2238 = tpu.vector_load_idx %arg17[%add3A_2237] : memref<32768xf32, #tpu.memory_space<vmem>>[vector<16xi32>], vector<16xf32>,
      %mul3A_2239 = arith.constant 2.500000e+00 : f32
      %mul3A_2240 = vector.broadcast %mul3A_2239 : f32 to vector<16xf32>
      %mul3A_2241 = arith.mulf %gather3A_2238, %mul3A_2240 : vector<16xf32>
      %sub3A_2242 = vector.broadcast %squeeze3A_2229 : f32 to vector<16xf32>
      %sub3A_2243 = arith.subf %mul3A_2241, %sub3A_2242 : vector<16xf32>
      %swap3A_2244 = arith.constant 1 : i32
      %swap3A_2245 = arith.index_cast %swap3A_2244 : i32 to index
      %swap3A_2246 = arith.constant 80 : index
      %swap3A_2247 = tpu.vector_load %arg24[%swap3A_2245, %swap3A_2246] {strides = array<i32>} : memref<16x128xf32, #tpu.memory_space<vmem>>, vector<16xf32>,
      tpu.vector_store %arg24[%swap3A_2245, %swap3A_2246], %sub3A_2243 {strides = array<i32>} : memref<16x128xf32, #tpu.memory_space<vmem>>, vector<16xf32>,
      %slice3A_2248 = vector.extract_strided_slice %get3A_1967 {offsets = [1], sizes = [1], strides = [1]} : vector<16xf32> to vector<1xf32>
      %squeeze3A_2249 = vector.extract %slice3A_2248[0] : f32 from vector<1xf32>
      %get3A_2250 = arith.constant 96 : index
      %get3A_2251 = tpu.vector_load %arg11[%get3A_2250] {strides = array<i32>} : memref<128xi32, #tpu.memory_space<vmem>>, vector<16xi32>,
      %mul3A_2252 = arith.constant 4 : i32
      %mul3A_2253 = vector.broadcast %mul3A_2252 : i32 to vector<16xi32>
      %mul3A_2254 = arith.muli %get3A_2251, %mul3A_2253 : vector<16xi32>
      %add3A_2255 = arith.constant 1 : i32
      %add3A_2256 = vector.broadcast %add3A_2255 : i32 to vector<16xi32>
      %add3A_2257 = arith.addi %mul3A_2254, %add3A_2256 : vector<16xi32>
      %gather3A_2258 = tpu.vector_load_idx %arg17[%add3A_2257] : memref<32768xf32, #tpu.memory_space<vmem>>[vector<16xi32>], vector<16xf32>,
      %mul3A_2259 = arith.constant 2.500000e+00 : f32
      %mul3A_2260 = vector.broadcast %mul3A_2259 : f32 to vector<16xf32>
      %mul3A_2261 = arith.mulf %gather3A_2258, %mul3A_2260 : vector<16xf32>
      %sub3A_2262 = vector.broadcast %squeeze3A_2249 : f32 to vector<16xf32>
      %sub3A_2263 = arith.subf %mul3A_2261, %sub3A_2262 : vector<16xf32>
      %swap3A_2264 = arith.constant 1 : i32
      %swap3A_2265 = arith.index_cast %swap3A_2264 : i32 to index
      %swap3A_2266 = arith.constant 96 : index
      %swap3A_2267 = tpu.vector_load %arg24[%swap3A_2265, %swap3A_2266] {strides = array<i32>} : memref<16x128xf32, #tpu.memory_space<vmem>>, vector<16xf32>,
      tpu.vector_store %arg24[%swap3A_2265, %swap3A_2266], %sub3A_2263 {strides = array<i32>} : memref<16x128xf32, #tpu.memory_space<vmem>>, vector<16xf32>,
      %slice3A_2268 = vector.extract_strided_slice %get3A_1967 {offsets = [1], sizes = [1], strides = [1]} : vector<16xf32> to vector<1xf32>
      %squeeze3A_2269 = vector.extract %slice3A_2268[0] : f32 from vector<1xf32>
      %get3A_2270 = arith.constant 112 : index
      %get3A_2271 = tpu.vector_load %arg11[%get3A_2270] {strides = array<i32>} : memref<128xi32, #tpu.memory_space<vmem>>, vector<16xi32>,
      %mul3A_2272 = arith.constant 4 : i32
      %mul3A_2273 = vector.broadcast %mul3A_2272 : i32 to vector<16xi32>
      %mul3A_2274 = arith.muli %get3A_2271, %mul3A_2273 : vector<16xi32>
      %add3A_2275 = arith.constant 1 : i32
      %add3A_2276 = vector.broadcast %add3A_2275 : i32 to vector<16xi32>
      %add3A_2277 = arith.addi %mul3A_2274, %add3A_2276 : vector<16xi32>
      %gather3A_2278 = tpu.vector_load_idx %arg17[%add3A_2277] : memref<32768xf32, #tpu.memory_space<vmem>>[vector<16xi32>], vector<16xf32>,
      %mul3A_2279 = arith.constant 2.500000e+00 : f32
      %mul3A_2280 = vector.broadcast %mul3A_2279 : f32 to vector<16xf32>
      %mul3A_2281 = arith.mulf %gather3A_2278, %mul3A_2280 : vector<16xf32>
      %sub3A_2282 = vector.broadcast %squeeze3A_2269 : f32 to vector<16xf32>
      %sub3A_2283 = arith.subf %mul3A_2281, %sub3A_2282 : vector<16xf32>
      %swap3A_2284 = arith.constant 1 : i32
      %swap3A_2285 = arith.index_cast %swap3A_2284 : i32 to index
      %swap3A_2286 = arith.constant 112 : index
      %swap3A_2287 = tpu.vector_load %arg24[%swap3A_2285, %swap3A_2286] {strides = array<i32>} : memref<16x128xf32, #tpu.memory_space<vmem>>, vector<16xf32>,
      tpu.vector_store %arg24[%swap3A_2285, %swap3A_2286], %sub3A_2283 {strides = array<i32>} : memref<16x128xf32, #tpu.memory_space<vmem>>, vector<16xf32>,
      %slice3A_2288 = vector.extract_strided_slice %get3A_1961 {offsets = [2], sizes = [1], strides = [1]} : vector<16xf32> to vector<1xf32>
      %squeeze3A_2289 = vector.extract %slice3A_2288[0] : f32 from vector<1xf32>
      %get3A_2290 = arith.constant 0 : index
      %get3A_2291 = tpu.vector_load %arg11[%get3A_2290] {strides = array<i32>} : memref<128xi32, #tpu.memory_space<vmem>>, vector<16xi32>,
      %mul3A_2292 = arith.constant 4 : i32
      %mul3A_2293 = vector.broadcast %mul3A_2292 : i32 to vector<16xi32>
      %mul3A_2294 = arith.muli %get3A_2291, %mul3A_2293 : vector<16xi32>
      %add3A_2295 = arith.constant 2 : i32
      %add3A_2296 = vector.broadcast %add3A_2295 : i32 to vector<16xi32>
      %add3A_2297 = arith.addi %mul3A_2294, %add3A_2296 : vector<16xi32>
      %gather3A_2298 = tpu.vector_load_idx %arg17[%add3A_2297] : memref<32768xf32, #tpu.memory_space<vmem>>[vector<16xi32>], vector<16xf32>,
      %mul3A_2299 = arith.constant 2.500000e+00 : f32
      %mul3A_2300 = vector.broadcast %mul3A_2299 : f32 to vector<16xf32>
      %mul3A_2301 = arith.mulf %gather3A_2298, %mul3A_2300 : vector<16xf32>
      %sub3A_2302 = vector.broadcast %squeeze3A_2289 : f32 to vector<16xf32>
      %sub3A_2303 = arith.subf %mul3A_2301, %sub3A_2302 : vector<16xf32>
      %swap3A_2304 = arith.constant 2 : i32
      %swap3A_2305 = arith.index_cast %swap3A_2304 : i32 to index
      %swap3A_2306 = arith.constant 0 : index
      %swap3A_2307 = tpu.vector_load %arg24[%swap3A_2305, %swap3A_2306] {strides = array<i32>} : memref<16x128xf32, #tpu.memory_space<vmem>>, vector<16xf32>,
      tpu.vector_store %arg24[%swap3A_2305, %swap3A_2306], %sub3A_2303 {strides = array<i32>} : memref<16x128xf32, #tpu.memory_space<vmem>>, vector<16xf32>,
      %slice3A_2308 = vector.extract_strided_slice %get3A_1961 {offsets = [2], sizes = [1], strides = [1]} : vector<16xf32> to vector<1xf32>
      %squeeze3A_2309 = vector.extract %slice3A_2308[0] : f32 from vector<1xf32>
      %get3A_2310 = arith.constant 16 : index
      %get3A_2311 = tpu.vector_load %arg11[%get3A_2310] {strides = array<i32>} : memref<128xi32, #tpu.memory_space<vmem>>, vector<16xi32>,
      %mul3A_2312 = arith.constant 4 : i32
      %mul3A_2313 = vector.broadcast %mul3A_2312 : i32 to vector<16xi32>
      %mul3A_2314 = arith.muli %get3A_2311, %mul3A_2313 : vector<16xi32>
      %add3A_2315 = arith.constant 2 : i32
      %add3A_2316 = vector.broadcast %add3A_2315 : i32 to vector<16xi32>
      %add3A_2317 = arith.addi %mul3A_2314, %add3A_2316 : vector<16xi32>
      %gather3A_2318 = tpu.vector_load_idx %arg17[%add3A_2317] : memref<32768xf32, #tpu.memory_space<vmem>>[vector<16xi32>], vector<16xf32>,
      %mul3A_2319 = arith.constant 2.500000e+00 : f32
      %mul3A_2320 = vector.broadcast %mul3A_2319 : f32 to vector<16xf32>
      %mul3A_2321 = arith.mulf %gather3A_2318, %mul3A_2320 : vector<16xf32>
      %sub3A_2322 = vector.broadcast %squeeze3A_2309 : f32 to vector<16xf32>
      %sub3A_2323 = arith.subf %mul3A_2321, %sub3A_2322 : vector<16xf32>
      %swap3A_2324 = arith.constant 2 : i32
      %swap3A_2325 = arith.index_cast %swap3A_2324 : i32 to index
      %swap3A_2326 = arith.constant 16 : index
      %swap3A_2327 = tpu.vector_load %arg24[%swap3A_2325, %swap3A_2326] {strides = array<i32>} : memref<16x128xf32, #tpu.memory_space<vmem>>, vector<16xf32>,
      tpu.vector_store %arg24[%swap3A_2325, %swap3A_2326], %sub3A_2323 {strides = array<i32>} : memref<16x128xf32, #tpu.memory_space<vmem>>, vector<16xf32>,
      %slice3A_2328 = vector.extract_strided_slice %get3A_1961 {offsets = [2], sizes = [1], strides = [1]} : vector<16xf32> to vector<1xf32>
      %squeeze3A_2329 = vector.extract %slice3A_2328[0] : f32 from vector<1xf32>
      %get3A_2330 = arith.constant 32 : index
      %get3A_2331 = tpu.vector_load %arg11[%get3A_2330] {strides = array<i32>} : memref<128xi32, #tpu.memory_space<vmem>>, vector<16xi32>,
      %mul3A_2332 = arith.constant 4 : i32
      %mul3A_2333 = vector.broadcast %mul3A_2332 : i32 to vector<16xi32>
      %mul3A_2334 = arith.muli %get3A_2331, %mul3A_2333 : vector<16xi32>
      %add3A_2335 = arith.constant 2 : i32
      %add3A_2336 = vector.broadcast %add3A_2335 : i32 to vector<16xi32>
      %add3A_2337 = arith.addi %mul3A_2334, %add3A_2336 : vector<16xi32>
      %gather3A_2338 = tpu.vector_load_idx %arg17[%add3A_2337] : memref<32768xf32, #tpu.memory_space<vmem>>[vector<16xi32>], vector<16xf32>,
      %mul3A_2339 = arith.constant 2.500000e+00 : f32
      %mul3A_2340 = vector.broadcast %mul3A_2339 : f32 to vector<16xf32>
      %mul3A_2341 = arith.mulf %gather3A_2338, %mul3A_2340 : vector<16xf32>
      %sub3A_2342 = vector.broadcast %squeeze3A_2329 : f32 to vector<16xf32>
      %sub3A_2343 = arith.subf %mul3A_2341, %sub3A_2342 : vector<16xf32>
      %swap3A_2344 = arith.constant 2 : i32
      %swap3A_2345 = arith.index_cast %swap3A_2344 : i32 to index
      %swap3A_2346 = arith.constant 32 : index
      %swap3A_2347 = tpu.vector_load %arg24[%swap3A_2345, %swap3A_2346] {strides = array<i32>} : memref<16x128xf32, #tpu.memory_space<vmem>>, vector<16xf32>,
      tpu.vector_store %arg24[%swap3A_2345, %swap3A_2346], %sub3A_2343 {strides = array<i32>} : memref<16x128xf32, #tpu.memory_space<vmem>>, vector<16xf32>,
      %slice3A_2348 = vector.extract_strided_slice %get3A_1961 {offsets = [2], sizes = [1], strides = [1]} : vector<16xf32> to vector<1xf32>
      %squeeze3A_2349 = vector.extract %slice3A_2348[0] : f32 from vector<1xf32>
      %get3A_2350 = arith.constant 48 : index
      %get3A_2351 = tpu.vector_load %arg11[%get3A_2350] {strides = array<i32>} : memref<128xi32, #tpu.memory_space<vmem>>, vector<16xi32>,
      %mul3A_2352 = arith.constant 4 : i32
      %mul3A_2353 = vector.broadcast %mul3A_2352 : i32 to vector<16xi32>
      %mul3A_2354 = arith.muli %get3A_2351, %mul3A_2353 : vector<16xi32>
      %add3A_2355 = arith.constant 2 : i32
      %add3A_2356 = vector.broadcast %add3A_2355 : i32 to vector<16xi32>
      %add3A_2357 = arith.addi %mul3A_2354, %add3A_2356 : vector<16xi32>
      %gather3A_2358 = tpu.vector_load_idx %arg17[%add3A_2357] : memref<32768xf32, #tpu.memory_space<vmem>>[vector<16xi32>], vector<16xf32>,
      %mul3A_2359 = arith.constant 2.500000e+00 : f32
      %mul3A_2360 = vector.broadcast %mul3A_2359 : f32 to vector<16xf32>
      %mul3A_2361 = arith.mulf %gather3A_2358, %mul3A_2360 : vector<16xf32>
      %sub3A_2362 = vector.broadcast %squeeze3A_2349 : f32 to vector<16xf32>
      %sub3A_2363 = arith.subf %mul3A_2361, %sub3A_2362 : vector<16xf32>
      %swap3A_2364 = arith.constant 2 : i32
      %swap3A_2365 = arith.index_cast %swap3A_2364 : i32 to index
      %swap3A_2366 = arith.constant 48 : index
      %swap3A_2367 = tpu.vector_load %arg24[%swap3A_2365, %swap3A_2366] {strides = array<i32>} : memref<16x128xf32, #tpu.memory_space<vmem>>, vector<16xf32>,
      tpu.vector_store %arg24[%swap3A_2365, %swap3A_2366], %sub3A_2363 {strides = array<i32>} : memref<16x128xf32, #tpu.memory_space<vmem>>, vector<16xf32>,
      %slice3A_2368 = vector.extract_strided_slice %get3A_1967 {offsets = [2], sizes = [1], strides = [1]} : vector<16xf32> to vector<1xf32>
      %squeeze3A_2369 = vector.extract %slice3A_2368[0] : f32 from vector<1xf32>
      %get3A_2370 = arith.constant 64 : index
      %get3A_2371 = tpu.vector_load %arg11[%get3A_2370] {strides = array<i32>} : memref<128xi32, #tpu.memory_space<vmem>>, vector<16xi32>,
      %mul3A_2372 = arith.constant 4 : i32
      %mul3A_2373 = vector.broadcast %mul3A_2372 : i32 to vector<16xi32>
      %mul3A_2374 = arith.muli %get3A_2371, %mul3A_2373 : vector<16xi32>
      %add3A_2375 = arith.constant 2 : i32
      %add3A_2376 = vector.broadcast %add3A_2375 : i32 to vector<16xi32>
      %add3A_2377 = arith.addi %mul3A_2374, %add3A_2376 : vector<16xi32>
      %gather3A_2378 = tpu.vector_load_idx %arg17[%add3A_2377] : memref<32768xf32, #tpu.memory_space<vmem>>[vector<16xi32>], vector<16xf32>,
      %mul3A_2379 = arith.constant 2.500000e+00 : f32
      %mul3A_2380 = vector.broadcast %mul3A_2379 : f32 to vector<16xf32>
      %mul3A_2381 = arith.mulf %gather3A_2378, %mul3A_2380 : vector<16xf32>
      %sub3A_2382 = vector.broadcast %squeeze3A_2369 : f32 to vector<16xf32>
      %sub3A_2383 = arith.subf %mul3A_2381, %sub3A_2382 : vector<16xf32>
      %swap3A_2384 = arith.constant 2 : i32
      %swap3A_2385 = arith.index_cast %swap3A_2384 : i32 to index
      %swap3A_2386 = arith.constant 64 : index
      %swap3A_2387 = tpu.vector_load %arg24[%swap3A_2385, %swap3A_2386] {strides = array<i32>} : memref<16x128xf32, #tpu.memory_space<vmem>>, vector<16xf32>,
      tpu.vector_store %arg24[%swap3A_2385, %swap3A_2386], %sub3A_2383 {strides = array<i32>} : memref<16x128xf32, #tpu.memory_space<vmem>>, vector<16xf32>,
      %slice3A_2388 = vector.extract_strided_slice %get3A_1967 {offsets = [2], sizes = [1], strides = [1]} : vector<16xf32> to vector<1xf32>
      %squeeze3A_2389 = vector.extract %slice3A_2388[0] : f32 from vector<1xf32>
      %get3A_2390 = arith.constant 80 : index
      %get3A_2391 = tpu.vector_load %arg11[%get3A_2390] {strides = array<i32>} : memref<128xi32, #tpu.memory_space<vmem>>, vector<16xi32>,
      %mul3A_2392 = arith.constant 4 : i32
      %mul3A_2393 = vector.broadcast %mul3A_2392 : i32 to vector<16xi32>
      %mul3A_2394 = arith.muli %get3A_2391, %mul3A_2393 : vector<16xi32>
      %add3A_2395 = arith.constant 2 : i32
      %add3A_2396 = vector.broadcast %add3A_2395 : i32 to vector<16xi32>
      %add3A_2397 = arith.addi %mul3A_2394, %add3A_2396 : vector<16xi32>
      %gather3A_2398 = tpu.vector_load_idx %arg17[%add3A_2397] : memref<32768xf32, #tpu.memory_space<vmem>>[vector<16xi32>], vector<16xf32>,
      %mul3A_2399 = arith.constant 2.500000e+00 : f32
      %mul3A_2400 = vector.broadcast %mul3A_2399 : f32 to vector<16xf32>
      %mul3A_2401 = arith.mulf %gather3A_2398, %mul3A_2400 : vector<16xf32>
      %sub3A_2402 = vector.broadcast %squeeze3A_2389 : f32 to vector<16xf32>
      %sub3A_2403 = arith.subf %mul3A_2401, %sub3A_2402 : vector<16xf32>
      %swap3A_2404 = arith.constant 2 : i32
      %swap3A_2405 = arith.index_cast %swap3A_2404 : i32 to index
      %swap3A_2406 = arith.constant 80 : index
      %swap3A_2407 = tpu.vector_load %arg24[%swap3A_2405, %swap3A_2406] {strides = array<i32>} : memref<16x128xf32, #tpu.memory_space<vmem>>, vector<16xf32>,
      tpu.vector_store %arg24[%swap3A_2405, %swap3A_2406], %sub3A_2403 {strides = array<i32>} : memref<16x128xf32, #tpu.memory_space<vmem>>, vector<16xf32>,
      %slice3A_2408 = vector.extract_strided_slice %get3A_1967 {offsets = [2], sizes = [1], strides = [1]} : vector<16xf32> to vector<1xf32>
      %squeeze3A_2409 = vector.extract %slice3A_2408[0] : f32 from vector<1xf32>
      %get3A_2410 = arith.constant 96 : index
      %get3A_2411 = tpu.vector_load %arg11[%get3A_2410] {strides = array<i32>} : memref<128xi32, #tpu.memory_space<vmem>>, vector<16xi32>,
      %mul3A_2412 = arith.constant 4 : i32
      %mul3A_2413 = vector.broadcast %mul3A_2412 : i32 to vector<16xi32>
      %mul3A_2414 = arith.muli %get3A_2411, %mul3A_2413 : vector<16xi32>
      %add3A_2415 = arith.constant 2 : i32
      %add3A_2416 = vector.broadcast %add3A_2415 : i32 to vector<16xi32>
      %add3A_2417 = arith.addi %mul3A_2414, %add3A_2416 : vector<16xi32>
      %gather3A_2418 = tpu.vector_load_idx %arg17[%add3A_2417] : memref<32768xf32, #tpu.memory_space<vmem>>[vector<16xi32>], vector<16xf32>,
      %mul3A_2419 = arith.constant 2.500000e+00 : f32
      %mul3A_2420 = vector.broadcast %mul3A_2419 : f32 to vector<16xf32>
      %mul3A_2421 = arith.mulf %gather3A_2418, %mul3A_2420 : vector<16xf32>
      %sub3A_2422 = vector.broadcast %squeeze3A_2409 : f32 to vector<16xf32>
      %sub3A_2423 = arith.subf %mul3A_2421, %sub3A_2422 : vector<16xf32>
      %swap3A_2424 = arith.constant 2 : i32
      %swap3A_2425 = arith.index_cast %swap3A_2424 : i32 to index
      %swap3A_2426 = arith.constant 96 : index
      %swap3A_2427 = tpu.vector_load %arg24[%swap3A_2425, %swap3A_2426] {strides = array<i32>} : memref<16x128xf32, #tpu.memory_space<vmem>>, vector<16xf32>,
      tpu.vector_store %arg24[%swap3A_2425, %swap3A_2426], %sub3A_2423 {strides = array<i32>} : memref<16x128xf32, #tpu.memory_space<vmem>>, vector<16xf32>,
      %slice3A_2428 = vector.extract_strided_slice %get3A_1967 {offsets = [2], sizes = [1], strides = [1]} : vector<16xf32> to vector<1xf32>
      %squeeze3A_2429 = vector.extract %slice3A_2428[0] : f32 from vector<1xf32>
      %get3A_2430 = arith.constant 112 : index
      %get3A_2431 = tpu.vector_load %arg11[%get3A_2430] {strides = array<i32>} : memref<128xi32, #tpu.memory_space<vmem>>, vector<16xi32>,
      %mul3A_2432 = arith.constant 4 : i32
      %mul3A_2433 = vector.broadcast %mul3A_2432 : i32 to vector<16xi32>
      %mul3A_2434 = arith.muli %get3A_2431, %mul3A_2433 : vector<16xi32>
      %add3A_2435 = arith.constant 2 : i32
      %add3A_2436 = vector.broadcast %add3A_2435 : i32 to vector<16xi32>
      %add3A_2437 = arith.addi %mul3A_2434, %add3A_2436 : vector<16xi32>
      %gather3A_2438 = tpu.vector_load_idx %arg17[%add3A_2437] : memref<32768xf32, #tpu.memory_space<vmem>>[vector<16xi32>], vector<16xf32>,
      %mul3A_2439 = arith.constant 2.500000e+00 : f32
      %mul3A_2440 = vector.broadcast %mul3A_2439 : f32 to vector<16xf32>
      %mul3A_2441 = arith.mulf %gather3A_2438, %mul3A_2440 : vector<16xf32>
      %sub3A_2442 = vector.broadcast %squeeze3A_2429 : f32 to vector<16xf32>
      %sub3A_2443 = arith.subf %mul3A_2441, %sub3A_2442 : vector<16xf32>
      %swap3A_2444 = arith.constant 2 : i32
      %swap3A_2445 = arith.index_cast %swap3A_2444 : i32 to index
      %swap3A_2446 = arith.constant 112 : index
      %swap3A_2447 = tpu.vector_load %arg24[%swap3A_2445, %swap3A_2446] {strides = array<i32>} : memref<16x128xf32, #tpu.memory_space<vmem>>, vector<16xf32>,
      tpu.vector_store %arg24[%swap3A_2445, %swap3A_2446], %sub3A_2443 {strides = array<i32>} : memref<16x128xf32, #tpu.memory_space<vmem>>, vector<16xf32>,
      %dma_start3A_2448 = arith.constant 0 : i32
      %dma_start3A_2449 = arith.constant 0 : i32
      %dma_start3A_2450 = tpu.memref_slice %arg6[%dma_start3A_2448, %dma_start3A_2449] : memref<268304x128xf32, #tpu.memory_space<hbm>> -> memref<268304x128xf32, #tpu.memory_space<hbm>>
      tpu.enqueue_indirect_dma source(%arg24 : memref<16x128xf32, #tpu.memory_space<vmem>>) target(%dma_start3A_2450 : memref<268304x128xf32, #tpu.memory_space<hbm>>) offsets(%arg29 : memref<16xi32, #tpu.memory_space<vmem>>) semaphore(%arg35 : memref<!tpu.dma_semaphore, #tpu.memory_space<semaphore_mem>>)
      %mul3A_2451 = arith.constant 64 : i32
      %mul3A_2452 = arith.muli %add3A, %mul3A_2451 : i32
      %mul3A_2453 = arith.constant 4 : i32
      %mul3A_2454 = arith.muli %mul3A_2453, %scan3A_41 : i32
      %add3A_2455 = arith.addi %mul3A_2452, %mul3A_2454 : i32
      %add3A_2456 = arith.constant 3 : i32
      %add3A_2457 = arith.addi %add3A_2455, %add3A_2456 : i32
      %mul3A_2458 = arith.constant 4 : i32
      %mul3A_2459 = arith.muli %mul3A_2458, %scan3A_41 : i32
      %add3A_2460 = arith.constant 3 : i32
      %add3A_2461 = arith.addi %mul3A_2459, %add3A_2460 : i32
      %mul3A_2462 = arith.constant 2 : i32
      %mul3A_2463 = arith.muli %add3A_2461, %mul3A_2462 : i32
      %mul3A_2464 = arith.constant 3 : i32
      %mul3A_2465 = arith.muli %select_n3A, %mul3A_2464 : i32
      %mul3A_2466 = arith.constant 512 : i32
      %mul3A_2467 = arith.muli %mul3A_2465, %mul3A_2466 : i32
      %add3A_2468 = arith.constant 262144 : i32
      %add3A_2469 = arith.addi %add3A_2468, %mul3A_2467 : i32
      %jit3A_2470 = arith.constant 512 : i32
      %eq3A_2471 = arith.constant 0 : i32
      %eq3A_2472 = arith.cmpi eq, %jit3A_2470, %eq3A_2471 : i32
      %jit3A_2473 = arith.constant 1 : i32
      %select_n3A_2474 = arith.select %eq3A_2472, %jit3A_2473, %jit3A_2470 : i32
      %rem3A_2475 = arith.remsi %add3A_2457, %select_n3A_2474 : i32
      %ne3A_2476 = arith.constant 0 : i32
      %ne3A_2477 = arith.cmpi ne, %rem3A_2475, %ne3A_2476 : i32
      %lt3A_2478 = arith.constant 0 : i32
      %lt3A_2479 = arith.cmpi slt, %rem3A_2475, %lt3A_2478 : i32
      %lt3A_2480 = arith.constant 0 : i32
      %lt3A_2481 = arith.cmpi slt, %select_n3A_2474, %lt3A_2480 : i32
      %ne3A_2482 = arith.xori %lt3A_2479, %lt3A_2481 : i1
      %and3A_2483 = arith.andi %ne3A_2482, %ne3A_2477 : i1
      %add3A_2484 = arith.addi %rem3A_2475, %select_n3A_2474 : i32
      %select_n3A_2485 = arith.select %and3A_2483, %add3A_2484, %rem3A_2475 : i32
      %add3A_2486 = arith.addi %add3A_2469, %select_n3A_2485 : i32
      %lt3A_2487 = arith.constant 3 : i32
      %lt3A_2488 = vector.broadcast %lt3A_2487 : i32 to vector<16xi32>
      %lt3A_2489 = arith.cmpi slt, %iota3A, %lt3A_2488 : vector<16xi32>
      %mul3A_2490 = arith.constant 512 : i32
      %mul3A_2491 = vector.broadcast %mul3A_2490 : i32 to vector<16xi32>
      %mul3A_2492 = arith.muli %iota3A, %mul3A_2491 : vector<16xi32>
      %add3A_2493 = vector.broadcast %add3A_2486 : i32 to vector<16xi32>
      %add3A_2494 = arith.addi %add3A_2493, %mul3A_2492 : vector<16xi32>
      %sub3A_2495 = arith.constant 3 : i32
      %sub3A_2496 = vector.broadcast %sub3A_2495 : i32 to vector<16xi32>
      %sub3A_2497 = arith.subi %iota3A, %sub3A_2496 : vector<16xi32>
      %add3A_2498 = arith.constant 268288 : i32
      %add3A_2499 = vector.broadcast %add3A_2498 : i32 to vector<16xi32>
      %add3A_2500 = arith.addi %add3A_2499, %sub3A_2497 : vector<16xi32>
      %select_n3A_2501 = arith.select %lt3A_2489, %add3A_2494, %add3A_2500 : vector<16xi1>, vector<16xi32>
      %swap3A_2502 = arith.constant 0 : index
      %swap3A_2503 = tpu.vector_load %arg30[%swap3A_2502] {strides = array<i32>} : memref<16xi32, #tpu.memory_space<vmem>>, vector<16xi32>,
      tpu.vector_store %arg30[%swap3A_2502], %select_n3A_2501 {strides = array<i32>} : memref<16xi32, #tpu.memory_space<vmem>>, vector<16xi32>,
      %mul3A_2504 = arith.constant 16 : i32
      %mul3A_2505 = arith.muli %mul3A_2463, %mul3A_2504 : i32
      %get3A_2506 = arith.index_cast %mul3A_2505 : i32 to index
      %get3A_2507 = tpu.vector_load %arg26[%get3A_2506] {strides = array<i32>} : memref<2048xf32, #tpu.memory_space<vmem>>, vector<16xf32>,
      %mul3A_2508 = arith.constant 16 : i32
      %mul3A_2509 = arith.muli %mul3A_2463, %mul3A_2508 : i32
      %add3A_2510 = arith.constant 16 : i32
      %add3A_2511 = arith.addi %mul3A_2509, %add3A_2510 : i32
      %get3A_2512 = arith.index_cast %add3A_2511 : i32 to index
      %get3A_2513 = tpu.vector_load %arg26[%get3A_2512] {strides = array<i32>} : memref<2048xf32, #tpu.memory_space<vmem>>, vector<16xf32>,
      %slice3A_2514 = vector.extract_strided_slice %get3A_2507 {offsets = [0], sizes = [1], strides = [1]} : vector<16xf32> to vector<1xf32>
      %squeeze3A_2515 = vector.extract %slice3A_2514[0] : f32 from vector<1xf32>
      %get3A_2516 = arith.constant 0 : index
      %get3A_2517 = tpu.vector_load %arg12[%get3A_2516] {strides = array<i32>} : memref<128xi32, #tpu.memory_space<vmem>>, vector<16xi32>,
      %mul3A_2518 = arith.constant 4 : i32
      %mul3A_2519 = vector.broadcast %mul3A_2518 : i32 to vector<16xi32>
      %mul3A_2520 = arith.muli %get3A_2517, %mul3A_2519 : vector<16xi32>
      %add3A_2521 = arith.constant 0 : i32
      %add3A_2522 = vector.broadcast %add3A_2521 : i32 to vector<16xi32>
      %add3A_2523 = arith.addi %mul3A_2520, %add3A_2522 : vector<16xi32>
      %gather3A_2524 = tpu.vector_load_idx %arg17[%add3A_2523] : memref<32768xf32, #tpu.memory_space<vmem>>[vector<16xi32>], vector<16xf32>,
      %mul3A_2525 = arith.constant 2.500000e+00 : f32
      %mul3A_2526 = vector.broadcast %mul3A_2525 : f32 to vector<16xf32>
      %mul3A_2527 = arith.mulf %gather3A_2524, %mul3A_2526 : vector<16xf32>
      %sub3A_2528 = vector.broadcast %squeeze3A_2515 : f32 to vector<16xf32>
      %sub3A_2529 = arith.subf %mul3A_2527, %sub3A_2528 : vector<16xf32>
      %swap3A_2530 = arith.constant 0 : i32
      %swap3A_2531 = arith.index_cast %swap3A_2530 : i32 to index
      %swap3A_2532 = arith.constant 0 : index
      %swap3A_2533 = tpu.vector_load %arg25[%swap3A_2531, %swap3A_2532] {strides = array<i32>} : memref<16x128xf32, #tpu.memory_space<vmem>>, vector<16xf32>,
      tpu.vector_store %arg25[%swap3A_2531, %swap3A_2532], %sub3A_2529 {strides = array<i32>} : memref<16x128xf32, #tpu.memory_space<vmem>>, vector<16xf32>,
      %slice3A_2534 = vector.extract_strided_slice %get3A_2507 {offsets = [0], sizes = [1], strides = [1]} : vector<16xf32> to vector<1xf32>
      %squeeze3A_2535 = vector.extract %slice3A_2534[0] : f32 from vector<1xf32>
      %get3A_2536 = arith.constant 16 : index
      %get3A_2537 = tpu.vector_load %arg12[%get3A_2536] {strides = array<i32>} : memref<128xi32, #tpu.memory_space<vmem>>, vector<16xi32>,
      %mul3A_2538 = arith.constant 4 : i32
      %mul3A_2539 = vector.broadcast %mul3A_2538 : i32 to vector<16xi32>
      %mul3A_2540 = arith.muli %get3A_2537, %mul3A_2539 : vector<16xi32>
      %add3A_2541 = arith.constant 0 : i32
      %add3A_2542 = vector.broadcast %add3A_2541 : i32 to vector<16xi32>
      %add3A_2543 = arith.addi %mul3A_2540, %add3A_2542 : vector<16xi32>
      %gather3A_2544 = tpu.vector_load_idx %arg17[%add3A_2543] : memref<32768xf32, #tpu.memory_space<vmem>>[vector<16xi32>], vector<16xf32>,
      %mul3A_2545 = arith.constant 2.500000e+00 : f32
      %mul3A_2546 = vector.broadcast %mul3A_2545 : f32 to vector<16xf32>
      %mul3A_2547 = arith.mulf %gather3A_2544, %mul3A_2546 : vector<16xf32>
      %sub3A_2548 = vector.broadcast %squeeze3A_2535 : f32 to vector<16xf32>
      %sub3A_2549 = arith.subf %mul3A_2547, %sub3A_2548 : vector<16xf32>
      %swap3A_2550 = arith.constant 0 : i32
      %swap3A_2551 = arith.index_cast %swap3A_2550 : i32 to index
      %swap3A_2552 = arith.constant 16 : index
      %swap3A_2553 = tpu.vector_load %arg25[%swap3A_2551, %swap3A_2552] {strides = array<i32>} : memref<16x128xf32, #tpu.memory_space<vmem>>, vector<16xf32>,
      tpu.vector_store %arg25[%swap3A_2551, %swap3A_2552], %sub3A_2549 {strides = array<i32>} : memref<16x128xf32, #tpu.memory_space<vmem>>, vector<16xf32>,
      %slice3A_2554 = vector.extract_strided_slice %get3A_2507 {offsets = [0], sizes = [1], strides = [1]} : vector<16xf32> to vector<1xf32>
      %squeeze3A_2555 = vector.extract %slice3A_2554[0] : f32 from vector<1xf32>
      %get3A_2556 = arith.constant 32 : index
      %get3A_2557 = tpu.vector_load %arg12[%get3A_2556] {strides = array<i32>} : memref<128xi32, #tpu.memory_space<vmem>>, vector<16xi32>,
      %mul3A_2558 = arith.constant 4 : i32
      %mul3A_2559 = vector.broadcast %mul3A_2558 : i32 to vector<16xi32>
      %mul3A_2560 = arith.muli %get3A_2557, %mul3A_2559 : vector<16xi32>
      %add3A_2561 = arith.constant 0 : i32
      %add3A_2562 = vector.broadcast %add3A_2561 : i32 to vector<16xi32>
      %add3A_2563 = arith.addi %mul3A_2560, %add3A_2562 : vector<16xi32>
      %gather3A_2564 = tpu.vector_load_idx %arg17[%add3A_2563] : memref<32768xf32, #tpu.memory_space<vmem>>[vector<16xi32>], vector<16xf32>,
      %mul3A_2565 = arith.constant 2.500000e+00 : f32
      %mul3A_2566 = vector.broadcast %mul3A_2565 : f32 to vector<16xf32>
      %mul3A_2567 = arith.mulf %gather3A_2564, %mul3A_2566 : vector<16xf32>
      %sub3A_2568 = vector.broadcast %squeeze3A_2555 : f32 to vector<16xf32>
      %sub3A_2569 = arith.subf %mul3A_2567, %sub3A_2568 : vector<16xf32>
      %swap3A_2570 = arith.constant 0 : i32
      %swap3A_2571 = arith.index_cast %swap3A_2570 : i32 to index
      %swap3A_2572 = arith.constant 32 : index
      %swap3A_2573 = tpu.vector_load %arg25[%swap3A_2571, %swap3A_2572] {strides = array<i32>} : memref<16x128xf32, #tpu.memory_space<vmem>>, vector<16xf32>,
      tpu.vector_store %arg25[%swap3A_2571, %swap3A_2572], %sub3A_2569 {strides = array<i32>} : memref<16x128xf32, #tpu.memory_space<vmem>>, vector<16xf32>,
      %slice3A_2574 = vector.extract_strided_slice %get3A_2507 {offsets = [0], sizes = [1], strides = [1]} : vector<16xf32> to vector<1xf32>
      %squeeze3A_2575 = vector.extract %slice3A_2574[0] : f32 from vector<1xf32>
      %get3A_2576 = arith.constant 48 : index
      %get3A_2577 = tpu.vector_load %arg12[%get3A_2576] {strides = array<i32>} : memref<128xi32, #tpu.memory_space<vmem>>, vector<16xi32>,
      %mul3A_2578 = arith.constant 4 : i32
      %mul3A_2579 = vector.broadcast %mul3A_2578 : i32 to vector<16xi32>
      %mul3A_2580 = arith.muli %get3A_2577, %mul3A_2579 : vector<16xi32>
      %add3A_2581 = arith.constant 0 : i32
      %add3A_2582 = vector.broadcast %add3A_2581 : i32 to vector<16xi32>
      %add3A_2583 = arith.addi %mul3A_2580, %add3A_2582 : vector<16xi32>
      %gather3A_2584 = tpu.vector_load_idx %arg17[%add3A_2583] : memref<32768xf32, #tpu.memory_space<vmem>>[vector<16xi32>], vector<16xf32>,
      %mul3A_2585 = arith.constant 2.500000e+00 : f32
      %mul3A_2586 = vector.broadcast %mul3A_2585 : f32 to vector<16xf32>
      %mul3A_2587 = arith.mulf %gather3A_2584, %mul3A_2586 : vector<16xf32>
      %sub3A_2588 = vector.broadcast %squeeze3A_2575 : f32 to vector<16xf32>
      %sub3A_2589 = arith.subf %mul3A_2587, %sub3A_2588 : vector<16xf32>
      %swap3A_2590 = arith.constant 0 : i32
      %swap3A_2591 = arith.index_cast %swap3A_2590 : i32 to index
      %swap3A_2592 = arith.constant 48 : index
      %swap3A_2593 = tpu.vector_load %arg25[%swap3A_2591, %swap3A_2592] {strides = array<i32>} : memref<16x128xf32, #tpu.memory_space<vmem>>, vector<16xf32>,
      tpu.vector_store %arg25[%swap3A_2591, %swap3A_2592], %sub3A_2589 {strides = array<i32>} : memref<16x128xf32, #tpu.memory_space<vmem>>, vector<16xf32>,
      %slice3A_2594 = vector.extract_strided_slice %get3A_2513 {offsets = [0], sizes = [1], strides = [1]} : vector<16xf32> to vector<1xf32>
      %squeeze3A_2595 = vector.extract %slice3A_2594[0] : f32 from vector<1xf32>
      %get3A_2596 = arith.constant 64 : index
      %get3A_2597 = tpu.vector_load %arg12[%get3A_2596] {strides = array<i32>} : memref<128xi32, #tpu.memory_space<vmem>>, vector<16xi32>,
      %mul3A_2598 = arith.constant 4 : i32
      %mul3A_2599 = vector.broadcast %mul3A_2598 : i32 to vector<16xi32>
      %mul3A_2600 = arith.muli %get3A_2597, %mul3A_2599 : vector<16xi32>
      %add3A_2601 = arith.constant 0 : i32
      %add3A_2602 = vector.broadcast %add3A_2601 : i32 to vector<16xi32>
      %add3A_2603 = arith.addi %mul3A_2600, %add3A_2602 : vector<16xi32>
      %gather3A_2604 = tpu.vector_load_idx %arg17[%add3A_2603] : memref<32768xf32, #tpu.memory_space<vmem>>[vector<16xi32>], vector<16xf32>,
      %mul3A_2605 = arith.constant 2.500000e+00 : f32
      %mul3A_2606 = vector.broadcast %mul3A_2605 : f32 to vector<16xf32>
      %mul3A_2607 = arith.mulf %gather3A_2604, %mul3A_2606 : vector<16xf32>
      %sub3A_2608 = vector.broadcast %squeeze3A_2595 : f32 to vector<16xf32>
      %sub3A_2609 = arith.subf %mul3A_2607, %sub3A_2608 : vector<16xf32>
      %swap3A_2610 = arith.constant 0 : i32
      %swap3A_2611 = arith.index_cast %swap3A_2610 : i32 to index
      %swap3A_2612 = arith.constant 64 : index
      %swap3A_2613 = tpu.vector_load %arg25[%swap3A_2611, %swap3A_2612] {strides = array<i32>} : memref<16x128xf32, #tpu.memory_space<vmem>>, vector<16xf32>,
      tpu.vector_store %arg25[%swap3A_2611, %swap3A_2612], %sub3A_2609 {strides = array<i32>} : memref<16x128xf32, #tpu.memory_space<vmem>>, vector<16xf32>,
      %slice3A_2614 = vector.extract_strided_slice %get3A_2513 {offsets = [0], sizes = [1], strides = [1]} : vector<16xf32> to vector<1xf32>
      %squeeze3A_2615 = vector.extract %slice3A_2614[0] : f32 from vector<1xf32>
      %get3A_2616 = arith.constant 80 : index
      %get3A_2617 = tpu.vector_load %arg12[%get3A_2616] {strides = array<i32>} : memref<128xi32, #tpu.memory_space<vmem>>, vector<16xi32>,
      %mul3A_2618 = arith.constant 4 : i32
      %mul3A_2619 = vector.broadcast %mul3A_2618 : i32 to vector<16xi32>
      %mul3A_2620 = arith.muli %get3A_2617, %mul3A_2619 : vector<16xi32>
      %add3A_2621 = arith.constant 0 : i32
      %add3A_2622 = vector.broadcast %add3A_2621 : i32 to vector<16xi32>
      %add3A_2623 = arith.addi %mul3A_2620, %add3A_2622 : vector<16xi32>
      %gather3A_2624 = tpu.vector_load_idx %arg17[%add3A_2623] : memref<32768xf32, #tpu.memory_space<vmem>>[vector<16xi32>], vector<16xf32>,
      %mul3A_2625 = arith.constant 2.500000e+00 : f32
      %mul3A_2626 = vector.broadcast %mul3A_2625 : f32 to vector<16xf32>
      %mul3A_2627 = arith.mulf %gather3A_2624, %mul3A_2626 : vector<16xf32>
      %sub3A_2628 = vector.broadcast %squeeze3A_2615 : f32 to vector<16xf32>
      %sub3A_2629 = arith.subf %mul3A_2627, %sub3A_2628 : vector<16xf32>
      %swap3A_2630 = arith.constant 0 : i32
      %swap3A_2631 = arith.index_cast %swap3A_2630 : i32 to index
      %swap3A_2632 = arith.constant 80 : index
      %swap3A_2633 = tpu.vector_load %arg25[%swap3A_2631, %swap3A_2632] {strides = array<i32>} : memref<16x128xf32, #tpu.memory_space<vmem>>, vector<16xf32>,
      tpu.vector_store %arg25[%swap3A_2631, %swap3A_2632], %sub3A_2629 {strides = array<i32>} : memref<16x128xf32, #tpu.memory_space<vmem>>, vector<16xf32>,
      %slice3A_2634 = vector.extract_strided_slice %get3A_2513 {offsets = [0], sizes = [1], strides = [1]} : vector<16xf32> to vector<1xf32>
      %squeeze3A_2635 = vector.extract %slice3A_2634[0] : f32 from vector<1xf32>
      %get3A_2636 = arith.constant 96 : index
      %get3A_2637 = tpu.vector_load %arg12[%get3A_2636] {strides = array<i32>} : memref<128xi32, #tpu.memory_space<vmem>>, vector<16xi32>,
      %mul3A_2638 = arith.constant 4 : i32
      %mul3A_2639 = vector.broadcast %mul3A_2638 : i32 to vector<16xi32>
      %mul3A_2640 = arith.muli %get3A_2637, %mul3A_2639 : vector<16xi32>
      %add3A_2641 = arith.constant 0 : i32
      %add3A_2642 = vector.broadcast %add3A_2641 : i32 to vector<16xi32>
      %add3A_2643 = arith.addi %mul3A_2640, %add3A_2642 : vector<16xi32>
      %gather3A_2644 = tpu.vector_load_idx %arg17[%add3A_2643] : memref<32768xf32, #tpu.memory_space<vmem>>[vector<16xi32>], vector<16xf32>,
      %mul3A_2645 = arith.constant 2.500000e+00 : f32
      %mul3A_2646 = vector.broadcast %mul3A_2645 : f32 to vector<16xf32>
      %mul3A_2647 = arith.mulf %gather3A_2644, %mul3A_2646 : vector<16xf32>
      %sub3A_2648 = vector.broadcast %squeeze3A_2635 : f32 to vector<16xf32>
      %sub3A_2649 = arith.subf %mul3A_2647, %sub3A_2648 : vector<16xf32>
      %swap3A_2650 = arith.constant 0 : i32
      %swap3A_2651 = arith.index_cast %swap3A_2650 : i32 to index
      %swap3A_2652 = arith.constant 96 : index
      %swap3A_2653 = tpu.vector_load %arg25[%swap3A_2651, %swap3A_2652] {strides = array<i32>} : memref<16x128xf32, #tpu.memory_space<vmem>>, vector<16xf32>,
      tpu.vector_store %arg25[%swap3A_2651, %swap3A_2652], %sub3A_2649 {strides = array<i32>} : memref<16x128xf32, #tpu.memory_space<vmem>>, vector<16xf32>,
      %slice3A_2654 = vector.extract_strided_slice %get3A_2513 {offsets = [0], sizes = [1], strides = [1]} : vector<16xf32> to vector<1xf32>
      %squeeze3A_2655 = vector.extract %slice3A_2654[0] : f32 from vector<1xf32>
      %get3A_2656 = arith.constant 112 : index
      %get3A_2657 = tpu.vector_load %arg12[%get3A_2656] {strides = array<i32>} : memref<128xi32, #tpu.memory_space<vmem>>, vector<16xi32>,
      %mul3A_2658 = arith.constant 4 : i32
      %mul3A_2659 = vector.broadcast %mul3A_2658 : i32 to vector<16xi32>
      %mul3A_2660 = arith.muli %get3A_2657, %mul3A_2659 : vector<16xi32>
      %add3A_2661 = arith.constant 0 : i32
      %add3A_2662 = vector.broadcast %add3A_2661 : i32 to vector<16xi32>
      %add3A_2663 = arith.addi %mul3A_2660, %add3A_2662 : vector<16xi32>
      %gather3A_2664 = tpu.vector_load_idx %arg17[%add3A_2663] : memref<32768xf32, #tpu.memory_space<vmem>>[vector<16xi32>], vector<16xf32>,
      %mul3A_2665 = arith.constant 2.500000e+00 : f32
      %mul3A_2666 = vector.broadcast %mul3A_2665 : f32 to vector<16xf32>
      %mul3A_2667 = arith.mulf %gather3A_2664, %mul3A_2666 : vector<16xf32>
      %sub3A_2668 = vector.broadcast %squeeze3A_2655 : f32 to vector<16xf32>
      %sub3A_2669 = arith.subf %mul3A_2667, %sub3A_2668 : vector<16xf32>
      %swap3A_2670 = arith.constant 0 : i32
      %swap3A_2671 = arith.index_cast %swap3A_2670 : i32 to index
      %swap3A_2672 = arith.constant 112 : index
      %swap3A_2673 = tpu.vector_load %arg25[%swap3A_2671, %swap3A_2672] {strides = array<i32>} : memref<16x128xf32, #tpu.memory_space<vmem>>, vector<16xf32>,
      tpu.vector_store %arg25[%swap3A_2671, %swap3A_2672], %sub3A_2669 {strides = array<i32>} : memref<16x128xf32, #tpu.memory_space<vmem>>, vector<16xf32>,
      %slice3A_2674 = vector.extract_strided_slice %get3A_2507 {offsets = [1], sizes = [1], strides = [1]} : vector<16xf32> to vector<1xf32>
      %squeeze3A_2675 = vector.extract %slice3A_2674[0] : f32 from vector<1xf32>
      %get3A_2676 = arith.constant 0 : index
      %get3A_2677 = tpu.vector_load %arg12[%get3A_2676] {strides = array<i32>} : memref<128xi32, #tpu.memory_space<vmem>>, vector<16xi32>,
      %mul3A_2678 = arith.constant 4 : i32
      %mul3A_2679 = vector.broadcast %mul3A_2678 : i32 to vector<16xi32>
      %mul3A_2680 = arith.muli %get3A_2677, %mul3A_2679 : vector<16xi32>
      %add3A_2681 = arith.constant 1 : i32
      %add3A_2682 = vector.broadcast %add3A_2681 : i32 to vector<16xi32>
      %add3A_2683 = arith.addi %mul3A_2680, %add3A_2682 : vector<16xi32>
      %gather3A_2684 = tpu.vector_load_idx %arg17[%add3A_2683] : memref<32768xf32, #tpu.memory_space<vmem>>[vector<16xi32>], vector<16xf32>,
      %mul3A_2685 = arith.constant 2.500000e+00 : f32
      %mul3A_2686 = vector.broadcast %mul3A_2685 : f32 to vector<16xf32>
      %mul3A_2687 = arith.mulf %gather3A_2684, %mul3A_2686 : vector<16xf32>
      %sub3A_2688 = vector.broadcast %squeeze3A_2675 : f32 to vector<16xf32>
      %sub3A_2689 = arith.subf %mul3A_2687, %sub3A_2688 : vector<16xf32>
      %swap3A_2690 = arith.constant 1 : i32
      %swap3A_2691 = arith.index_cast %swap3A_2690 : i32 to index
      %swap3A_2692 = arith.constant 0 : index
      %swap3A_2693 = tpu.vector_load %arg25[%swap3A_2691, %swap3A_2692] {strides = array<i32>} : memref<16x128xf32, #tpu.memory_space<vmem>>, vector<16xf32>,
      tpu.vector_store %arg25[%swap3A_2691, %swap3A_2692], %sub3A_2689 {strides = array<i32>} : memref<16x128xf32, #tpu.memory_space<vmem>>, vector<16xf32>,
      %slice3A_2694 = vector.extract_strided_slice %get3A_2507 {offsets = [1], sizes = [1], strides = [1]} : vector<16xf32> to vector<1xf32>
      %squeeze3A_2695 = vector.extract %slice3A_2694[0] : f32 from vector<1xf32>
      %get3A_2696 = arith.constant 16 : index
      %get3A_2697 = tpu.vector_load %arg12[%get3A_2696] {strides = array<i32>} : memref<128xi32, #tpu.memory_space<vmem>>, vector<16xi32>,
      %mul3A_2698 = arith.constant 4 : i32
      %mul3A_2699 = vector.broadcast %mul3A_2698 : i32 to vector<16xi32>
      %mul3A_2700 = arith.muli %get3A_2697, %mul3A_2699 : vector<16xi32>
      %add3A_2701 = arith.constant 1 : i32
      %add3A_2702 = vector.broadcast %add3A_2701 : i32 to vector<16xi32>
      %add3A_2703 = arith.addi %mul3A_2700, %add3A_2702 : vector<16xi32>
      %gather3A_2704 = tpu.vector_load_idx %arg17[%add3A_2703] : memref<32768xf32, #tpu.memory_space<vmem>>[vector<16xi32>], vector<16xf32>,
      %mul3A_2705 = arith.constant 2.500000e+00 : f32
      %mul3A_2706 = vector.broadcast %mul3A_2705 : f32 to vector<16xf32>
      %mul3A_2707 = arith.mulf %gather3A_2704, %mul3A_2706 : vector<16xf32>
      %sub3A_2708 = vector.broadcast %squeeze3A_2695 : f32 to vector<16xf32>
      %sub3A_2709 = arith.subf %mul3A_2707, %sub3A_2708 : vector<16xf32>
      %swap3A_2710 = arith.constant 1 : i32
      %swap3A_2711 = arith.index_cast %swap3A_2710 : i32 to index
      %swap3A_2712 = arith.constant 16 : index
      %swap3A_2713 = tpu.vector_load %arg25[%swap3A_2711, %swap3A_2712] {strides = array<i32>} : memref<16x128xf32, #tpu.memory_space<vmem>>, vector<16xf32>,
      tpu.vector_store %arg25[%swap3A_2711, %swap3A_2712], %sub3A_2709 {strides = array<i32>} : memref<16x128xf32, #tpu.memory_space<vmem>>, vector<16xf32>,
      %slice3A_2714 = vector.extract_strided_slice %get3A_2507 {offsets = [1], sizes = [1], strides = [1]} : vector<16xf32> to vector<1xf32>
      %squeeze3A_2715 = vector.extract %slice3A_2714[0] : f32 from vector<1xf32>
      %get3A_2716 = arith.constant 32 : index
      %get3A_2717 = tpu.vector_load %arg12[%get3A_2716] {strides = array<i32>} : memref<128xi32, #tpu.memory_space<vmem>>, vector<16xi32>,
      %mul3A_2718 = arith.constant 4 : i32
      %mul3A_2719 = vector.broadcast %mul3A_2718 : i32 to vector<16xi32>
      %mul3A_2720 = arith.muli %get3A_2717, %mul3A_2719 : vector<16xi32>
      %add3A_2721 = arith.constant 1 : i32
      %add3A_2722 = vector.broadcast %add3A_2721 : i32 to vector<16xi32>
      %add3A_2723 = arith.addi %mul3A_2720, %add3A_2722 : vector<16xi32>
      %gather3A_2724 = tpu.vector_load_idx %arg17[%add3A_2723] : memref<32768xf32, #tpu.memory_space<vmem>>[vector<16xi32>], vector<16xf32>,
      %mul3A_2725 = arith.constant 2.500000e+00 : f32
      %mul3A_2726 = vector.broadcast %mul3A_2725 : f32 to vector<16xf32>
      %mul3A_2727 = arith.mulf %gather3A_2724, %mul3A_2726 : vector<16xf32>
      %sub3A_2728 = vector.broadcast %squeeze3A_2715 : f32 to vector<16xf32>
      %sub3A_2729 = arith.subf %mul3A_2727, %sub3A_2728 : vector<16xf32>
      %swap3A_2730 = arith.constant 1 : i32
      %swap3A_2731 = arith.index_cast %swap3A_2730 : i32 to index
      %swap3A_2732 = arith.constant 32 : index
      %swap3A_2733 = tpu.vector_load %arg25[%swap3A_2731, %swap3A_2732] {strides = array<i32>} : memref<16x128xf32, #tpu.memory_space<vmem>>, vector<16xf32>,
      tpu.vector_store %arg25[%swap3A_2731, %swap3A_2732], %sub3A_2729 {strides = array<i32>} : memref<16x128xf32, #tpu.memory_space<vmem>>, vector<16xf32>,
      %slice3A_2734 = vector.extract_strided_slice %get3A_2507 {offsets = [1], sizes = [1], strides = [1]} : vector<16xf32> to vector<1xf32>
      %squeeze3A_2735 = vector.extract %slice3A_2734[0] : f32 from vector<1xf32>
      %get3A_2736 = arith.constant 48 : index
      %get3A_2737 = tpu.vector_load %arg12[%get3A_2736] {strides = array<i32>} : memref<128xi32, #tpu.memory_space<vmem>>, vector<16xi32>,
      %mul3A_2738 = arith.constant 4 : i32
      %mul3A_2739 = vector.broadcast %mul3A_2738 : i32 to vector<16xi32>
      %mul3A_2740 = arith.muli %get3A_2737, %mul3A_2739 : vector<16xi32>
      %add3A_2741 = arith.constant 1 : i32
      %add3A_2742 = vector.broadcast %add3A_2741 : i32 to vector<16xi32>
      %add3A_2743 = arith.addi %mul3A_2740, %add3A_2742 : vector<16xi32>
      %gather3A_2744 = tpu.vector_load_idx %arg17[%add3A_2743] : memref<32768xf32, #tpu.memory_space<vmem>>[vector<16xi32>], vector<16xf32>,
      %mul3A_2745 = arith.constant 2.500000e+00 : f32
      %mul3A_2746 = vector.broadcast %mul3A_2745 : f32 to vector<16xf32>
      %mul3A_2747 = arith.mulf %gather3A_2744, %mul3A_2746 : vector<16xf32>
      %sub3A_2748 = vector.broadcast %squeeze3A_2735 : f32 to vector<16xf32>
      %sub3A_2749 = arith.subf %mul3A_2747, %sub3A_2748 : vector<16xf32>
      %swap3A_2750 = arith.constant 1 : i32
      %swap3A_2751 = arith.index_cast %swap3A_2750 : i32 to index
      %swap3A_2752 = arith.constant 48 : index
      %swap3A_2753 = tpu.vector_load %arg25[%swap3A_2751, %swap3A_2752] {strides = array<i32>} : memref<16x128xf32, #tpu.memory_space<vmem>>, vector<16xf32>,
      tpu.vector_store %arg25[%swap3A_2751, %swap3A_2752], %sub3A_2749 {strides = array<i32>} : memref<16x128xf32, #tpu.memory_space<vmem>>, vector<16xf32>,
      %slice3A_2754 = vector.extract_strided_slice %get3A_2513 {offsets = [1], sizes = [1], strides = [1]} : vector<16xf32> to vector<1xf32>
      %squeeze3A_2755 = vector.extract %slice3A_2754[0] : f32 from vector<1xf32>
      %get3A_2756 = arith.constant 64 : index
      %get3A_2757 = tpu.vector_load %arg12[%get3A_2756] {strides = array<i32>} : memref<128xi32, #tpu.memory_space<vmem>>, vector<16xi32>,
      %mul3A_2758 = arith.constant 4 : i32
      %mul3A_2759 = vector.broadcast %mul3A_2758 : i32 to vector<16xi32>
      %mul3A_2760 = arith.muli %get3A_2757, %mul3A_2759 : vector<16xi32>
      %add3A_2761 = arith.constant 1 : i32
      %add3A_2762 = vector.broadcast %add3A_2761 : i32 to vector<16xi32>
      %add3A_2763 = arith.addi %mul3A_2760, %add3A_2762 : vector<16xi32>
      %gather3A_2764 = tpu.vector_load_idx %arg17[%add3A_2763] : memref<32768xf32, #tpu.memory_space<vmem>>[vector<16xi32>], vector<16xf32>,
      %mul3A_2765 = arith.constant 2.500000e+00 : f32
      %mul3A_2766 = vector.broadcast %mul3A_2765 : f32 to vector<16xf32>
      %mul3A_2767 = arith.mulf %gather3A_2764, %mul3A_2766 : vector<16xf32>
      %sub3A_2768 = vector.broadcast %squeeze3A_2755 : f32 to vector<16xf32>
      %sub3A_2769 = arith.subf %mul3A_2767, %sub3A_2768 : vector<16xf32>
      %swap3A_2770 = arith.constant 1 : i32
      %swap3A_2771 = arith.index_cast %swap3A_2770 : i32 to index
      %swap3A_2772 = arith.constant 64 : index
      %swap3A_2773 = tpu.vector_load %arg25[%swap3A_2771, %swap3A_2772] {strides = array<i32>} : memref<16x128xf32, #tpu.memory_space<vmem>>, vector<16xf32>,
      tpu.vector_store %arg25[%swap3A_2771, %swap3A_2772], %sub3A_2769 {strides = array<i32>} : memref<16x128xf32, #tpu.memory_space<vmem>>, vector<16xf32>,
      %slice3A_2774 = vector.extract_strided_slice %get3A_2513 {offsets = [1], sizes = [1], strides = [1]} : vector<16xf32> to vector<1xf32>
      %squeeze3A_2775 = vector.extract %slice3A_2774[0] : f32 from vector<1xf32>
      %get3A_2776 = arith.constant 80 : index
      %get3A_2777 = tpu.vector_load %arg12[%get3A_2776] {strides = array<i32>} : memref<128xi32, #tpu.memory_space<vmem>>, vector<16xi32>,
      %mul3A_2778 = arith.constant 4 : i32
      %mul3A_2779 = vector.broadcast %mul3A_2778 : i32 to vector<16xi32>
      %mul3A_2780 = arith.muli %get3A_2777, %mul3A_2779 : vector<16xi32>
      %add3A_2781 = arith.constant 1 : i32
      %add3A_2782 = vector.broadcast %add3A_2781 : i32 to vector<16xi32>
      %add3A_2783 = arith.addi %mul3A_2780, %add3A_2782 : vector<16xi32>
      %gather3A_2784 = tpu.vector_load_idx %arg17[%add3A_2783] : memref<32768xf32, #tpu.memory_space<vmem>>[vector<16xi32>], vector<16xf32>,
      %mul3A_2785 = arith.constant 2.500000e+00 : f32
      %mul3A_2786 = vector.broadcast %mul3A_2785 : f32 to vector<16xf32>
      %mul3A_2787 = arith.mulf %gather3A_2784, %mul3A_2786 : vector<16xf32>
      %sub3A_2788 = vector.broadcast %squeeze3A_2775 : f32 to vector<16xf32>
      %sub3A_2789 = arith.subf %mul3A_2787, %sub3A_2788 : vector<16xf32>
      %swap3A_2790 = arith.constant 1 : i32
      %swap3A_2791 = arith.index_cast %swap3A_2790 : i32 to index
      %swap3A_2792 = arith.constant 80 : index
      %swap3A_2793 = tpu.vector_load %arg25[%swap3A_2791, %swap3A_2792] {strides = array<i32>} : memref<16x128xf32, #tpu.memory_space<vmem>>, vector<16xf32>,
      tpu.vector_store %arg25[%swap3A_2791, %swap3A_2792], %sub3A_2789 {strides = array<i32>} : memref<16x128xf32, #tpu.memory_space<vmem>>, vector<16xf32>,
      %slice3A_2794 = vector.extract_strided_slice %get3A_2513 {offsets = [1], sizes = [1], strides = [1]} : vector<16xf32> to vector<1xf32>
      %squeeze3A_2795 = vector.extract %slice3A_2794[0] : f32 from vector<1xf32>
      %get3A_2796 = arith.constant 96 : index
      %get3A_2797 = tpu.vector_load %arg12[%get3A_2796] {strides = array<i32>} : memref<128xi32, #tpu.memory_space<vmem>>, vector<16xi32>,
      %mul3A_2798 = arith.constant 4 : i32
      %mul3A_2799 = vector.broadcast %mul3A_2798 : i32 to vector<16xi32>
      %mul3A_2800 = arith.muli %get3A_2797, %mul3A_2799 : vector<16xi32>
      %add3A_2801 = arith.constant 1 : i32
      %add3A_2802 = vector.broadcast %add3A_2801 : i32 to vector<16xi32>
      %add3A_2803 = arith.addi %mul3A_2800, %add3A_2802 : vector<16xi32>
      %gather3A_2804 = tpu.vector_load_idx %arg17[%add3A_2803] : memref<32768xf32, #tpu.memory_space<vmem>>[vector<16xi32>], vector<16xf32>,
      %mul3A_2805 = arith.constant 2.500000e+00 : f32
      %mul3A_2806 = vector.broadcast %mul3A_2805 : f32 to vector<16xf32>
      %mul3A_2807 = arith.mulf %gather3A_2804, %mul3A_2806 : vector<16xf32>
      %sub3A_2808 = vector.broadcast %squeeze3A_2795 : f32 to vector<16xf32>
      %sub3A_2809 = arith.subf %mul3A_2807, %sub3A_2808 : vector<16xf32>
      %swap3A_2810 = arith.constant 1 : i32
      %swap3A_2811 = arith.index_cast %swap3A_2810 : i32 to index
      %swap3A_2812 = arith.constant 96 : index
      %swap3A_2813 = tpu.vector_load %arg25[%swap3A_2811, %swap3A_2812] {strides = array<i32>} : memref<16x128xf32, #tpu.memory_space<vmem>>, vector<16xf32>,
      tpu.vector_store %arg25[%swap3A_2811, %swap3A_2812], %sub3A_2809 {strides = array<i32>} : memref<16x128xf32, #tpu.memory_space<vmem>>, vector<16xf32>,
      %slice3A_2814 = vector.extract_strided_slice %get3A_2513 {offsets = [1], sizes = [1], strides = [1]} : vector<16xf32> to vector<1xf32>
      %squeeze3A_2815 = vector.extract %slice3A_2814[0] : f32 from vector<1xf32>
      %get3A_2816 = arith.constant 112 : index
      %get3A_2817 = tpu.vector_load %arg12[%get3A_2816] {strides = array<i32>} : memref<128xi32, #tpu.memory_space<vmem>>, vector<16xi32>,
      %mul3A_2818 = arith.constant 4 : i32
      %mul3A_2819 = vector.broadcast %mul3A_2818 : i32 to vector<16xi32>
      %mul3A_2820 = arith.muli %get3A_2817, %mul3A_2819 : vector<16xi32>
      %add3A_2821 = arith.constant 1 : i32
      %add3A_2822 = vector.broadcast %add3A_2821 : i32 to vector<16xi32>
      %add3A_2823 = arith.addi %mul3A_2820, %add3A_2822 : vector<16xi32>
      %gather3A_2824 = tpu.vector_load_idx %arg17[%add3A_2823] : memref<32768xf32, #tpu.memory_space<vmem>>[vector<16xi32>], vector<16xf32>,
      %mul3A_2825 = arith.constant 2.500000e+00 : f32
      %mul3A_2826 = vector.broadcast %mul3A_2825 : f32 to vector<16xf32>
      %mul3A_2827 = arith.mulf %gather3A_2824, %mul3A_2826 : vector<16xf32>
      %sub3A_2828 = vector.broadcast %squeeze3A_2815 : f32 to vector<16xf32>
      %sub3A_2829 = arith.subf %mul3A_2827, %sub3A_2828 : vector<16xf32>
      %swap3A_2830 = arith.constant 1 : i32
      %swap3A_2831 = arith.index_cast %swap3A_2830 : i32 to index
      %swap3A_2832 = arith.constant 112 : index
      %swap3A_2833 = tpu.vector_load %arg25[%swap3A_2831, %swap3A_2832] {strides = array<i32>} : memref<16x128xf32, #tpu.memory_space<vmem>>, vector<16xf32>,
      tpu.vector_store %arg25[%swap3A_2831, %swap3A_2832], %sub3A_2829 {strides = array<i32>} : memref<16x128xf32, #tpu.memory_space<vmem>>, vector<16xf32>,
      %slice3A_2834 = vector.extract_strided_slice %get3A_2507 {offsets = [2], sizes = [1], strides = [1]} : vector<16xf32> to vector<1xf32>
      %squeeze3A_2835 = vector.extract %slice3A_2834[0] : f32 from vector<1xf32>
      %get3A_2836 = arith.constant 0 : index
      %get3A_2837 = tpu.vector_load %arg12[%get3A_2836] {strides = array<i32>} : memref<128xi32, #tpu.memory_space<vmem>>, vector<16xi32>,
      %mul3A_2838 = arith.constant 4 : i32
      %mul3A_2839 = vector.broadcast %mul3A_2838 : i32 to vector<16xi32>
      %mul3A_2840 = arith.muli %get3A_2837, %mul3A_2839 : vector<16xi32>
      %add3A_2841 = arith.constant 2 : i32
      %add3A_2842 = vector.broadcast %add3A_2841 : i32 to vector<16xi32>
      %add3A_2843 = arith.addi %mul3A_2840, %add3A_2842 : vector<16xi32>
      %gather3A_2844 = tpu.vector_load_idx %arg17[%add3A_2843] : memref<32768xf32, #tpu.memory_space<vmem>>[vector<16xi32>], vector<16xf32>,
      %mul3A_2845 = arith.constant 2.500000e+00 : f32
      %mul3A_2846 = vector.broadcast %mul3A_2845 : f32 to vector<16xf32>
      %mul3A_2847 = arith.mulf %gather3A_2844, %mul3A_2846 : vector<16xf32>
      %sub3A_2848 = vector.broadcast %squeeze3A_2835 : f32 to vector<16xf32>
      %sub3A_2849 = arith.subf %mul3A_2847, %sub3A_2848 : vector<16xf32>
      %swap3A_2850 = arith.constant 2 : i32
      %swap3A_2851 = arith.index_cast %swap3A_2850 : i32 to index
      %swap3A_2852 = arith.constant 0 : index
      %swap3A_2853 = tpu.vector_load %arg25[%swap3A_2851, %swap3A_2852] {strides = array<i32>} : memref<16x128xf32, #tpu.memory_space<vmem>>, vector<16xf32>,
      tpu.vector_store %arg25[%swap3A_2851, %swap3A_2852], %sub3A_2849 {strides = array<i32>} : memref<16x128xf32, #tpu.memory_space<vmem>>, vector<16xf32>,
      %slice3A_2854 = vector.extract_strided_slice %get3A_2507 {offsets = [2], sizes = [1], strides = [1]} : vector<16xf32> to vector<1xf32>
      %squeeze3A_2855 = vector.extract %slice3A_2854[0] : f32 from vector<1xf32>
      %get3A_2856 = arith.constant 16 : index
      %get3A_2857 = tpu.vector_load %arg12[%get3A_2856] {strides = array<i32>} : memref<128xi32, #tpu.memory_space<vmem>>, vector<16xi32>,
      %mul3A_2858 = arith.constant 4 : i32
      %mul3A_2859 = vector.broadcast %mul3A_2858 : i32 to vector<16xi32>
      %mul3A_2860 = arith.muli %get3A_2857, %mul3A_2859 : vector<16xi32>
      %add3A_2861 = arith.constant 2 : i32
      %add3A_2862 = vector.broadcast %add3A_2861 : i32 to vector<16xi32>
      %add3A_2863 = arith.addi %mul3A_2860, %add3A_2862 : vector<16xi32>
      %gather3A_2864 = tpu.vector_load_idx %arg17[%add3A_2863] : memref<32768xf32, #tpu.memory_space<vmem>>[vector<16xi32>], vector<16xf32>,
      %mul3A_2865 = arith.constant 2.500000e+00 : f32
      %mul3A_2866 = vector.broadcast %mul3A_2865 : f32 to vector<16xf32>
      %mul3A_2867 = arith.mulf %gather3A_2864, %mul3A_2866 : vector<16xf32>
      %sub3A_2868 = vector.broadcast %squeeze3A_2855 : f32 to vector<16xf32>
      %sub3A_2869 = arith.subf %mul3A_2867, %sub3A_2868 : vector<16xf32>
      %swap3A_2870 = arith.constant 2 : i32
      %swap3A_2871 = arith.index_cast %swap3A_2870 : i32 to index
      %swap3A_2872 = arith.constant 16 : index
      %swap3A_2873 = tpu.vector_load %arg25[%swap3A_2871, %swap3A_2872] {strides = array<i32>} : memref<16x128xf32, #tpu.memory_space<vmem>>, vector<16xf32>,
      tpu.vector_store %arg25[%swap3A_2871, %swap3A_2872], %sub3A_2869 {strides = array<i32>} : memref<16x128xf32, #tpu.memory_space<vmem>>, vector<16xf32>,
      %slice3A_2874 = vector.extract_strided_slice %get3A_2507 {offsets = [2], sizes = [1], strides = [1]} : vector<16xf32> to vector<1xf32>
      %squeeze3A_2875 = vector.extract %slice3A_2874[0] : f32 from vector<1xf32>
      %get3A_2876 = arith.constant 32 : index
      %get3A_2877 = tpu.vector_load %arg12[%get3A_2876] {strides = array<i32>} : memref<128xi32, #tpu.memory_space<vmem>>, vector<16xi32>,
      %mul3A_2878 = arith.constant 4 : i32
      %mul3A_2879 = vector.broadcast %mul3A_2878 : i32 to vector<16xi32>
      %mul3A_2880 = arith.muli %get3A_2877, %mul3A_2879 : vector<16xi32>
      %add3A_2881 = arith.constant 2 : i32
      %add3A_2882 = vector.broadcast %add3A_2881 : i32 to vector<16xi32>
      %add3A_2883 = arith.addi %mul3A_2880, %add3A_2882 : vector<16xi32>
      %gather3A_2884 = tpu.vector_load_idx %arg17[%add3A_2883] : memref<32768xf32, #tpu.memory_space<vmem>>[vector<16xi32>], vector<16xf32>,
      %mul3A_2885 = arith.constant 2.500000e+00 : f32
      %mul3A_2886 = vector.broadcast %mul3A_2885 : f32 to vector<16xf32>
      %mul3A_2887 = arith.mulf %gather3A_2884, %mul3A_2886 : vector<16xf32>
      %sub3A_2888 = vector.broadcast %squeeze3A_2875 : f32 to vector<16xf32>
      %sub3A_2889 = arith.subf %mul3A_2887, %sub3A_2888 : vector<16xf32>
      %swap3A_2890 = arith.constant 2 : i32
      %swap3A_2891 = arith.index_cast %swap3A_2890 : i32 to index
      %swap3A_2892 = arith.constant 32 : index
      %swap3A_2893 = tpu.vector_load %arg25[%swap3A_2891, %swap3A_2892] {strides = array<i32>} : memref<16x128xf32, #tpu.memory_space<vmem>>, vector<16xf32>,
      tpu.vector_store %arg25[%swap3A_2891, %swap3A_2892], %sub3A_2889 {strides = array<i32>} : memref<16x128xf32, #tpu.memory_space<vmem>>, vector<16xf32>,
      %slice3A_2894 = vector.extract_strided_slice %get3A_2507 {offsets = [2], sizes = [1], strides = [1]} : vector<16xf32> to vector<1xf32>
      %squeeze3A_2895 = vector.extract %slice3A_2894[0] : f32 from vector<1xf32>
      %get3A_2896 = arith.constant 48 : index
      %get3A_2897 = tpu.vector_load %arg12[%get3A_2896] {strides = array<i32>} : memref<128xi32, #tpu.memory_space<vmem>>, vector<16xi32>,
      %mul3A_2898 = arith.constant 4 : i32
      %mul3A_2899 = vector.broadcast %mul3A_2898 : i32 to vector<16xi32>
      %mul3A_2900 = arith.muli %get3A_2897, %mul3A_2899 : vector<16xi32>
      %add3A_2901 = arith.constant 2 : i32
      %add3A_2902 = vector.broadcast %add3A_2901 : i32 to vector<16xi32>
      %add3A_2903 = arith.addi %mul3A_2900, %add3A_2902 : vector<16xi32>
      %gather3A_2904 = tpu.vector_load_idx %arg17[%add3A_2903] : memref<32768xf32, #tpu.memory_space<vmem>>[vector<16xi32>], vector<16xf32>,
      %mul3A_2905 = arith.constant 2.500000e+00 : f32
      %mul3A_2906 = vector.broadcast %mul3A_2905 : f32 to vector<16xf32>
      %mul3A_2907 = arith.mulf %gather3A_2904, %mul3A_2906 : vector<16xf32>
      %sub3A_2908 = vector.broadcast %squeeze3A_2895 : f32 to vector<16xf32>
      %sub3A_2909 = arith.subf %mul3A_2907, %sub3A_2908 : vector<16xf32>
      %swap3A_2910 = arith.constant 2 : i32
      %swap3A_2911 = arith.index_cast %swap3A_2910 : i32 to index
      %swap3A_2912 = arith.constant 48 : index
      %swap3A_2913 = tpu.vector_load %arg25[%swap3A_2911, %swap3A_2912] {strides = array<i32>} : memref<16x128xf32, #tpu.memory_space<vmem>>, vector<16xf32>,
      tpu.vector_store %arg25[%swap3A_2911, %swap3A_2912], %sub3A_2909 {strides = array<i32>} : memref<16x128xf32, #tpu.memory_space<vmem>>, vector<16xf32>,
      %slice3A_2914 = vector.extract_strided_slice %get3A_2513 {offsets = [2], sizes = [1], strides = [1]} : vector<16xf32> to vector<1xf32>
      %squeeze3A_2915 = vector.extract %slice3A_2914[0] : f32 from vector<1xf32>
      %get3A_2916 = arith.constant 64 : index
      %get3A_2917 = tpu.vector_load %arg12[%get3A_2916] {strides = array<i32>} : memref<128xi32, #tpu.memory_space<vmem>>, vector<16xi32>,
      %mul3A_2918 = arith.constant 4 : i32
      %mul3A_2919 = vector.broadcast %mul3A_2918 : i32 to vector<16xi32>
      %mul3A_2920 = arith.muli %get3A_2917, %mul3A_2919 : vector<16xi32>
      %add3A_2921 = arith.constant 2 : i32
      %add3A_2922 = vector.broadcast %add3A_2921 : i32 to vector<16xi32>
      %add3A_2923 = arith.addi %mul3A_2920, %add3A_2922 : vector<16xi32>
      %gather3A_2924 = tpu.vector_load_idx %arg17[%add3A_2923] : memref<32768xf32, #tpu.memory_space<vmem>>[vector<16xi32>], vector<16xf32>,
      %mul3A_2925 = arith.constant 2.500000e+00 : f32
      %mul3A_2926 = vector.broadcast %mul3A_2925 : f32 to vector<16xf32>
      %mul3A_2927 = arith.mulf %gather3A_2924, %mul3A_2926 : vector<16xf32>
      %sub3A_2928 = vector.broadcast %squeeze3A_2915 : f32 to vector<16xf32>
      %sub3A_2929 = arith.subf %mul3A_2927, %sub3A_2928 : vector<16xf32>
      %swap3A_2930 = arith.constant 2 : i32
      %swap3A_2931 = arith.index_cast %swap3A_2930 : i32 to index
      %swap3A_2932 = arith.constant 64 : index
      %swap3A_2933 = tpu.vector_load %arg25[%swap3A_2931, %swap3A_2932] {strides = array<i32>} : memref<16x128xf32, #tpu.memory_space<vmem>>, vector<16xf32>,
      tpu.vector_store %arg25[%swap3A_2931, %swap3A_2932], %sub3A_2929 {strides = array<i32>} : memref<16x128xf32, #tpu.memory_space<vmem>>, vector<16xf32>,
      %slice3A_2934 = vector.extract_strided_slice %get3A_2513 {offsets = [2], sizes = [1], strides = [1]} : vector<16xf32> to vector<1xf32>
      %squeeze3A_2935 = vector.extract %slice3A_2934[0] : f32 from vector<1xf32>
      %get3A_2936 = arith.constant 80 : index
      %get3A_2937 = tpu.vector_load %arg12[%get3A_2936] {strides = array<i32>} : memref<128xi32, #tpu.memory_space<vmem>>, vector<16xi32>,
      %mul3A_2938 = arith.constant 4 : i32
      %mul3A_2939 = vector.broadcast %mul3A_2938 : i32 to vector<16xi32>
      %mul3A_2940 = arith.muli %get3A_2937, %mul3A_2939 : vector<16xi32>
      %add3A_2941 = arith.constant 2 : i32
      %add3A_2942 = vector.broadcast %add3A_2941 : i32 to vector<16xi32>
      %add3A_2943 = arith.addi %mul3A_2940, %add3A_2942 : vector<16xi32>
      %gather3A_2944 = tpu.vector_load_idx %arg17[%add3A_2943] : memref<32768xf32, #tpu.memory_space<vmem>>[vector<16xi32>], vector<16xf32>,
      %mul3A_2945 = arith.constant 2.500000e+00 : f32
      %mul3A_2946 = vector.broadcast %mul3A_2945 : f32 to vector<16xf32>
      %mul3A_2947 = arith.mulf %gather3A_2944, %mul3A_2946 : vector<16xf32>
      %sub3A_2948 = vector.broadcast %squeeze3A_2935 : f32 to vector<16xf32>
      %sub3A_2949 = arith.subf %mul3A_2947, %sub3A_2948 : vector<16xf32>
      %swap3A_2950 = arith.constant 2 : i32
      %swap3A_2951 = arith.index_cast %swap3A_2950 : i32 to index
      %swap3A_2952 = arith.constant 80 : index
      %swap3A_2953 = tpu.vector_load %arg25[%swap3A_2951, %swap3A_2952] {strides = array<i32>} : memref<16x128xf32, #tpu.memory_space<vmem>>, vector<16xf32>,
      tpu.vector_store %arg25[%swap3A_2951, %swap3A_2952], %sub3A_2949 {strides = array<i32>} : memref<16x128xf32, #tpu.memory_space<vmem>>, vector<16xf32>,
      %slice3A_2954 = vector.extract_strided_slice %get3A_2513 {offsets = [2], sizes = [1], strides = [1]} : vector<16xf32> to vector<1xf32>
      %squeeze3A_2955 = vector.extract %slice3A_2954[0] : f32 from vector<1xf32>
      %get3A_2956 = arith.constant 96 : index
      %get3A_2957 = tpu.vector_load %arg12[%get3A_2956] {strides = array<i32>} : memref<128xi32, #tpu.memory_space<vmem>>, vector<16xi32>,
      %mul3A_2958 = arith.constant 4 : i32
      %mul3A_2959 = vector.broadcast %mul3A_2958 : i32 to vector<16xi32>
      %mul3A_2960 = arith.muli %get3A_2957, %mul3A_2959 : vector<16xi32>
      %add3A_2961 = arith.constant 2 : i32
      %add3A_2962 = vector.broadcast %add3A_2961 : i32 to vector<16xi32>
      %add3A_2963 = arith.addi %mul3A_2960, %add3A_2962 : vector<16xi32>
      %gather3A_2964 = tpu.vector_load_idx %arg17[%add3A_2963] : memref<32768xf32, #tpu.memory_space<vmem>>[vector<16xi32>], vector<16xf32>,
      %mul3A_2965 = arith.constant 2.500000e+00 : f32
      %mul3A_2966 = vector.broadcast %mul3A_2965 : f32 to vector<16xf32>
      %mul3A_2967 = arith.mulf %gather3A_2964, %mul3A_2966 : vector<16xf32>
      %sub3A_2968 = vector.broadcast %squeeze3A_2955 : f32 to vector<16xf32>
      %sub3A_2969 = arith.subf %mul3A_2967, %sub3A_2968 : vector<16xf32>
      %swap3A_2970 = arith.constant 2 : i32
      %swap3A_2971 = arith.index_cast %swap3A_2970 : i32 to index
      %swap3A_2972 = arith.constant 96 : index
      %swap3A_2973 = tpu.vector_load %arg25[%swap3A_2971, %swap3A_2972] {strides = array<i32>} : memref<16x128xf32, #tpu.memory_space<vmem>>, vector<16xf32>,
      tpu.vector_store %arg25[%swap3A_2971, %swap3A_2972], %sub3A_2969 {strides = array<i32>} : memref<16x128xf32, #tpu.memory_space<vmem>>, vector<16xf32>,
      %slice3A_2974 = vector.extract_strided_slice %get3A_2513 {offsets = [2], sizes = [1], strides = [1]} : vector<16xf32> to vector<1xf32>
      %squeeze3A_2975 = vector.extract %slice3A_2974[0] : f32 from vector<1xf32>
      %get3A_2976 = arith.constant 112 : index
      %get3A_2977 = tpu.vector_load %arg12[%get3A_2976] {strides = array<i32>} : memref<128xi32, #tpu.memory_space<vmem>>, vector<16xi32>,
      %mul3A_2978 = arith.constant 4 : i32
      %mul3A_2979 = vector.broadcast %mul3A_2978 : i32 to vector<16xi32>
      %mul3A_2980 = arith.muli %get3A_2977, %mul3A_2979 : vector<16xi32>
      %add3A_2981 = arith.constant 2 : i32
      %add3A_2982 = vector.broadcast %add3A_2981 : i32 to vector<16xi32>
      %add3A_2983 = arith.addi %mul3A_2980, %add3A_2982 : vector<16xi32>
      %gather3A_2984 = tpu.vector_load_idx %arg17[%add3A_2983] : memref<32768xf32, #tpu.memory_space<vmem>>[vector<16xi32>], vector<16xf32>,
      %mul3A_2985 = arith.constant 2.500000e+00 : f32
      %mul3A_2986 = vector.broadcast %mul3A_2985 : f32 to vector<16xf32>
      %mul3A_2987 = arith.mulf %gather3A_2984, %mul3A_2986 : vector<16xf32>
      %sub3A_2988 = vector.broadcast %squeeze3A_2975 : f32 to vector<16xf32>
      %sub3A_2989 = arith.subf %mul3A_2987, %sub3A_2988 : vector<16xf32>
      %swap3A_2990 = arith.constant 2 : i32
      %swap3A_2991 = arith.index_cast %swap3A_2990 : i32 to index
      %swap3A_2992 = arith.constant 112 : index
      %swap3A_2993 = tpu.vector_load %arg25[%swap3A_2991, %swap3A_2992] {strides = array<i32>} : memref<16x128xf32, #tpu.memory_space<vmem>>, vector<16xf32>,
      tpu.vector_store %arg25[%swap3A_2991, %swap3A_2992], %sub3A_2989 {strides = array<i32>} : memref<16x128xf32, #tpu.memory_space<vmem>>, vector<16xf32>,
      %dma_start3A_2994 = arith.constant 0 : i32
      %dma_start3A_2995 = arith.constant 0 : i32
      %dma_start3A_2996 = tpu.memref_slice %arg6[%dma_start3A_2994, %dma_start3A_2995] : memref<268304x128xf32, #tpu.memory_space<hbm>> -> memref<268304x128xf32, #tpu.memory_space<hbm>>
      tpu.enqueue_indirect_dma source(%arg25 : memref<16x128xf32, #tpu.memory_space<vmem>>) target(%dma_start3A_2996 : memref<268304x128xf32, #tpu.memory_space<hbm>>) offsets(%arg30 : memref<16xi32, #tpu.memory_space<vmem>>) semaphore(%arg35 : memref<!tpu.dma_semaphore, #tpu.memory_space<semaphore_mem>>)
      %dma_wait3A_2997 = arith.constant 0 : i32
      %dma_wait3A_2998 = arith.constant 0 : i32
      %dma_wait3A_2999 = tpu.memref_slice %arg5[%dma_wait3A_2997, %dma_wait3A_2998] : memref<32768x128xf32, #tpu.memory_space<hbm>> -> memref<32768x128xf32, #tpu.memory_space<hbm>>
      tpu.wait_indirect_dma semaphore(%arg31 : memref<!tpu.dma_semaphore, #tpu.memory_space<semaphore_mem>>) src(%dma_wait3A_2999 : memref<32768x128xf32, #tpu.memory_space<hbm>>) dst(%arg18 : memref<128x128xf32, #tpu.memory_space<vmem>>)
      %add3A_3000 = arith.constant 0 : i32
      %add3A_3001 = arith.addi %add3A_47, %add3A_3000 : i32
      %mul3A_3002 = arith.constant 128 : i32
      %mul3A_3003 = arith.muli %add3A_3001, %mul3A_3002 : i32
      %dma_start3A_3004 = arith.constant 0 : i32
      %dma_start3A_3005 = tpu.memref_slice %arg6[%mul3A_3003, %dma_start3A_3004] : memref<268304x128xf32, #tpu.memory_space<hbm>> -> memref<128x128xf32, #tpu.memory_space<hbm>>
      %dma_start3A_3006 = arith.constant 0 : i32
      %dma_start3A_3007 = tpu.memref_slice %arg6[%mul3A_3003, %dma_start3A_3006] : memref<268304x128xf32, #tpu.memory_space<hbm>> -> memref<128x128xf32, #tpu.memory_space<hbm>>
      tpu.enqueue_dma source(%arg18 : memref<128x128xf32, #tpu.memory_space<vmem>>) target(%dma_start3A_3007 : memref<128x128xf32, #tpu.memory_space<hbm>>) target_semaphore(%arg35 : memref<!tpu.dma_semaphore, #tpu.memory_space<semaphore_mem>>)
      %dma_wait3A_3008 = arith.constant 0 : i32
      %dma_wait3A_3009 = arith.constant 0 : i32
      %dma_wait3A_3010 = tpu.memref_slice %arg5[%dma_wait3A_3008, %dma_wait3A_3009] : memref<32768x128xf32, #tpu.memory_space<hbm>> -> memref<32768x128xf32, #tpu.memory_space<hbm>>
      tpu.wait_indirect_dma semaphore(%arg32 : memref<!tpu.dma_semaphore, #tpu.memory_space<semaphore_mem>>) src(%dma_wait3A_3010 : memref<32768x128xf32, #tpu.memory_space<hbm>>) dst(%arg19 : memref<128x128xf32, #tpu.memory_space<vmem>>)
      %add3A_3011 = arith.constant 1 : i32
      %add3A_3012 = arith.addi %add3A_47, %add3A_3011 : i32
      %mul3A_3013 = arith.constant 128 : i32
      %mul3A_3014 = arith.muli %add3A_3012, %mul3A_3013 : i32
      %dma_start3A_3015 = arith.constant 0 : i32
      %dma_start3A_3016 = tpu.memref_slice %arg6[%mul3A_3014, %dma_start3A_3015] : memref<268304x128xf32, #tpu.memory_space<hbm>> -> memref<128x128xf32, #tpu.memory_space<hbm>>
      %dma_start3A_3017 = arith.constant 0 : i32
      %dma_start3A_3018 = tpu.memref_slice %arg6[%mul3A_3014, %dma_start3A_3017] : memref<268304x128xf32, #tpu.memory_space<hbm>> -> memref<128x128xf32, #tpu.memory_space<hbm>>
      tpu.enqueue_dma source(%arg19 : memref<128x128xf32, #tpu.memory_space<vmem>>) target(%dma_start3A_3018 : memref<128x128xf32, #tpu.memory_space<hbm>>) target_semaphore(%arg35 : memref<!tpu.dma_semaphore, #tpu.memory_space<semaphore_mem>>)
      %dma_wait3A_3019 = arith.constant 0 : i32
      %dma_wait3A_3020 = arith.constant 0 : i32
      %dma_wait3A_3021 = tpu.memref_slice %arg5[%dma_wait3A_3019, %dma_wait3A_3020] : memref<32768x128xf32, #tpu.memory_space<hbm>> -> memref<32768x128xf32, #tpu.memory_space<hbm>>
      tpu.wait_indirect_dma semaphore(%arg33 : memref<!tpu.dma_semaphore, #tpu.memory_space<semaphore_mem>>) src(%dma_wait3A_3021 : memref<32768x128xf32, #tpu.memory_space<hbm>>) dst(%arg20 : memref<128x128xf32, #tpu.memory_space<vmem>>)
      %add3A_3022 = arith.constant 2 : i32
      %add3A_3023 = arith.addi %add3A_47, %add3A_3022 : i32
      %mul3A_3024 = arith.constant 128 : i32
      %mul3A_3025 = arith.muli %add3A_3023, %mul3A_3024 : i32
      %dma_start3A_3026 = arith.constant 0 : i32
      %dma_start3A_3027 = tpu.memref_slice %arg6[%mul3A_3025, %dma_start3A_3026] : memref<268304x128xf32, #tpu.memory_space<hbm>> -> memref<128x128xf32, #tpu.memory_space<hbm>>
      %dma_start3A_3028 = arith.constant 0 : i32
      %dma_start3A_3029 = tpu.memref_slice %arg6[%mul3A_3025, %dma_start3A_3028] : memref<268304x128xf32, #tpu.memory_space<hbm>> -> memref<128x128xf32, #tpu.memory_space<hbm>>
      tpu.enqueue_dma source(%arg20 : memref<128x128xf32, #tpu.memory_space<vmem>>) target(%dma_start3A_3029 : memref<128x128xf32, #tpu.memory_space<hbm>>) target_semaphore(%arg35 : memref<!tpu.dma_semaphore, #tpu.memory_space<semaphore_mem>>)
      %dma_wait3A_3030 = arith.constant 0 : i32
      %dma_wait3A_3031 = arith.constant 0 : i32
      %dma_wait3A_3032 = tpu.memref_slice %arg5[%dma_wait3A_3030, %dma_wait3A_3031] : memref<32768x128xf32, #tpu.memory_space<hbm>> -> memref<32768x128xf32, #tpu.memory_space<hbm>>
      tpu.wait_indirect_dma semaphore(%arg34 : memref<!tpu.dma_semaphore, #tpu.memory_space<semaphore_mem>>) src(%dma_wait3A_3032 : memref<32768x128xf32, #tpu.memory_space<hbm>>) dst(%arg21 : memref<128x128xf32, #tpu.memory_space<vmem>>)
      %add3A_3033 = arith.constant 3 : i32
      %add3A_3034 = arith.addi %add3A_47, %add3A_3033 : i32
      %mul3A_3035 = arith.constant 128 : i32
      %mul3A_3036 = arith.muli %add3A_3034, %mul3A_3035 : i32
      %dma_start3A_3037 = arith.constant 0 : i32
      %dma_start3A_3038 = tpu.memref_slice %arg6[%mul3A_3036, %dma_start3A_3037] : memref<268304x128xf32, #tpu.memory_space<hbm>> -> memref<128x128xf32, #tpu.memory_space<hbm>>
      %dma_start3A_3039 = arith.constant 0 : i32
      %dma_start3A_3040 = tpu.memref_slice %arg6[%mul3A_3036, %dma_start3A_3039] : memref<268304x128xf32, #tpu.memory_space<hbm>> -> memref<128x128xf32, #tpu.memory_space<hbm>>
      tpu.enqueue_dma source(%arg21 : memref<128x128xf32, #tpu.memory_space<vmem>>) target(%dma_start3A_3040 : memref<128x128xf32, #tpu.memory_space<hbm>>) target_semaphore(%arg35 : memref<!tpu.dma_semaphore, #tpu.memory_space<semaphore_mem>>)
      %dma_wait3A_3041 = arith.constant 0 : i32
      %dma_wait3A_3042 = arith.constant 0 : i32
      %dma_wait3A_3043 = tpu.memref_slice %arg6[%dma_wait3A_3041, %dma_wait3A_3042] : memref<268304x128xf32, #tpu.memory_space<hbm>> -> memref<268304x128xf32, #tpu.memory_space<hbm>>
      tpu.wait_indirect_dma semaphore(%arg35 : memref<!tpu.dma_semaphore, #tpu.memory_space<semaphore_mem>>) src(%arg22 : memref<16x128xf32, #tpu.memory_space<vmem>>) dst(%dma_wait3A_3043 : memref<268304x128xf32, #tpu.memory_space<hbm>>)
      %dma_wait3A_3044 = arith.constant 0 : i32
      %dma_wait3A_3045 = arith.constant 0 : i32
      %dma_wait3A_3046 = tpu.memref_slice %arg6[%dma_wait3A_3044, %dma_wait3A_3045] : memref<268304x128xf32, #tpu.memory_space<hbm>> -> memref<268304x128xf32, #tpu.memory_space<hbm>>
      tpu.wait_indirect_dma semaphore(%arg35 : memref<!tpu.dma_semaphore, #tpu.memory_space<semaphore_mem>>) src(%arg23 : memref<16x128xf32, #tpu.memory_space<vmem>>) dst(%dma_wait3A_3046 : memref<268304x128xf32, #tpu.memory_space<hbm>>)
      %dma_wait3A_3047 = arith.constant 0 : i32
      %dma_wait3A_3048 = arith.constant 0 : i32
      %dma_wait3A_3049 = tpu.memref_slice %arg6[%dma_wait3A_3047, %dma_wait3A_3048] : memref<268304x128xf32, #tpu.memory_space<hbm>> -> memref<268304x128xf32, #tpu.memory_space<hbm>>
      tpu.wait_indirect_dma semaphore(%arg35 : memref<!tpu.dma_semaphore, #tpu.memory_space<semaphore_mem>>) src(%arg24 : memref<16x128xf32, #tpu.memory_space<vmem>>) dst(%dma_wait3A_3049 : memref<268304x128xf32, #tpu.memory_space<hbm>>)
      %dma_wait3A_3050 = arith.constant 0 : i32
      %dma_wait3A_3051 = arith.constant 0 : i32
      %dma_wait3A_3052 = tpu.memref_slice %arg6[%dma_wait3A_3050, %dma_wait3A_3051] : memref<268304x128xf32, #tpu.memory_space<hbm>> -> memref<268304x128xf32, #tpu.memory_space<hbm>>
      tpu.wait_indirect_dma semaphore(%arg35 : memref<!tpu.dma_semaphore, #tpu.memory_space<semaphore_mem>>) src(%arg25 : memref<16x128xf32, #tpu.memory_space<vmem>>) dst(%dma_wait3A_3052 : memref<268304x128xf32, #tpu.memory_space<hbm>>)
      %dma_wait3A_3053 = arith.constant 0 : i32
      %dma_wait3A_3054 = tpu.memref_slice %arg6[%mul3A_3003, %dma_wait3A_3053] : memref<268304x128xf32, #tpu.memory_space<hbm>> -> memref<128x128xf32, #tpu.memory_space<hbm>>
      %dma_wait3A_3055 = arith.constant 0 : i32
      %dma_wait3A_3056 = tpu.memref_slice %arg6[%mul3A_3003, %dma_wait3A_3055] : memref<268304x128xf32, #tpu.memory_space<hbm>> -> memref<128x128xf32, #tpu.memory_space<hbm>>
      tpu.wait_dma2 semaphore(%arg35 : memref<!tpu.dma_semaphore, #tpu.memory_space<semaphore_mem>>) src(%arg18 : memref<128x128xf32, #tpu.memory_space<vmem>>) dst(%dma_wait3A_3056 : memref<128x128xf32, #tpu.memory_space<hbm>>)
      %dma_wait3A_3057 = arith.constant 0 : i32
      %dma_wait3A_3058 = tpu.memref_slice %arg6[%mul3A_3014, %dma_wait3A_3057] : memref<268304x128xf32, #tpu.memory_space<hbm>> -> memref<128x128xf32, #tpu.memory_space<hbm>>
      %dma_wait3A_3059 = arith.constant 0 : i32
      %dma_wait3A_3060 = tpu.memref_slice %arg6[%mul3A_3014, %dma_wait3A_3059] : memref<268304x128xf32, #tpu.memory_space<hbm>> -> memref<128x128xf32, #tpu.memory_space<hbm>>
      tpu.wait_dma2 semaphore(%arg35 : memref<!tpu.dma_semaphore, #tpu.memory_space<semaphore_mem>>) src(%arg19 : memref<128x128xf32, #tpu.memory_space<vmem>>) dst(%dma_wait3A_3060 : memref<128x128xf32, #tpu.memory_space<hbm>>)
      %dma_wait3A_3061 = arith.constant 0 : i32
      %dma_wait3A_3062 = tpu.memref_slice %arg6[%mul3A_3025, %dma_wait3A_3061] : memref<268304x128xf32, #tpu.memory_space<hbm>> -> memref<128x128xf32, #tpu.memory_space<hbm>>
      %dma_wait3A_3063 = arith.constant 0 : i32
      %dma_wait3A_3064 = tpu.memref_slice %arg6[%mul3A_3025, %dma_wait3A_3063] : memref<268304x128xf32, #tpu.memory_space<hbm>> -> memref<128x128xf32, #tpu.memory_space<hbm>>
      tpu.wait_dma2 semaphore(%arg35 : memref<!tpu.dma_semaphore, #tpu.memory_space<semaphore_mem>>) src(%arg20 : memref<128x128xf32, #tpu.memory_space<vmem>>) dst(%dma_wait3A_3064 : memref<128x128xf32, #tpu.memory_space<hbm>>)
      %dma_wait3A_3065 = arith.constant 0 : i32
      %dma_wait3A_3066 = tpu.memref_slice %arg6[%mul3A_3036, %dma_wait3A_3065] : memref<268304x128xf32, #tpu.memory_space<hbm>> -> memref<128x128xf32, #tpu.memory_space<hbm>>
      %dma_wait3A_3067 = arith.constant 0 : i32
      %dma_wait3A_3068 = tpu.memref_slice %arg6[%mul3A_3036, %dma_wait3A_3067] : memref<268304x128xf32, #tpu.memory_space<hbm>> -> memref<128x128xf32, #tpu.memory_space<hbm>>
      tpu.wait_dma2 semaphore(%arg35 : memref<!tpu.dma_semaphore, #tpu.memory_space<semaphore_mem>>) src(%arg21 : memref<128x128xf32, #tpu.memory_space<vmem>>) dst(%dma_wait3A_3068 : memref<128x128xf32, #tpu.memory_space<hbm>>)
      %scan3A_3069 = arith.constant 0 : i32
      scf.yield %scan3A_3069 : i32
    }
    %scan3A_40 = arith.constant 16 : i32
    return
  }
}

module attributes {stable_mosaic.version = 14 : i64} {
  func.func @_pack_body(%arg0: i32, %arg1: i32, %arg2: memref<1x128x3xf32, #tpu.memory_space<vmem>>, %arg3: memref<1x3x8192xf32, #tpu.memory_space<vmem>>, %arg4: memref<8192x512xbf16, #tpu.memory_space<vmem>>, %arg5: memref<128x512xi32, #tpu.memory_space<vmem>>) attributes {dimension_semantics = [#tpu.dimension_semantics<arbitrary>, #tpu.dimension_semantics<arbitrary>], iteration_bounds = array<i64: 4, 8>, scalar_prefetch = 0 : i64, scratch_operands = 0 : i64, tpu.core_type = #tpu.core_type<tc>, window_params = [{transform_indices = @transform_0, window_bounds = array<i64: 1, 128, 3>}, {transform_indices = @transform_1, window_bounds = array<i64: 1, 3, 8192>}, {pipeline_mode = #tpu.pipeline_mode<synchronous>, transform_indices = @transform_2, window_bounds = array<i64: 8192, 512>}, {transform_indices = @transform_3, window_bounds = array<i64: 128, 512>}]} {
    %get3A = arith.constant 0 : index
    %get3A_0 = arith.constant 0 : index
    %get3A_1 = arith.constant 0 : index
    %get3A_2 = vector.load %arg2[%get3A, %get3A_0, %get3A_1] : memref<1x128x3xf32, #tpu.memory_space<vmem>>, vector<1x128x3xf32>
    %get3A_3 = vector.shape_cast %get3A_2 : vector<1x128x3xf32> to vector<128x3xf32>
    %get3A_4 = arith.constant 0 : index
    %get3A_5 = arith.constant 0 : index
    %get3A_6 = arith.constant 0 : index
    %get3A_7 = vector.load %arg3[%get3A_4, %get3A_5, %get3A_6] : memref<1x3x8192xf32, #tpu.memory_space<vmem>>, vector<1x3x8192xf32>
    %get3A_8 = vector.shape_cast %get3A_7 : vector<1x3x8192xf32> to vector<3x8192xf32>
    %slice3A = vector.extract_strided_slice %get3A_3 {offsets = [0, 0], sizes = [128, 1], strides = [1, 1]} : vector<128x3xf32> to vector<128x1xf32>
    %slice3A_9 = vector.extract_strided_slice %get3A_8 {offsets = [0, 0], sizes = [1, 8192], strides = [1, 1]} : vector<3x8192xf32> to vector<1x8192xf32>
    %sub3A = vector.broadcast %slice3A : vector<128x1xf32> to vector<128x8192xf32>
    %sub3A_10 = vector.broadcast %slice3A_9 : vector<1x8192xf32> to vector<128x8192xf32>
    %sub3A_11 = arith.subf %sub3A, %sub3A_10 : vector<128x8192xf32>
    %mul3A = arith.mulf %sub3A_11, %sub3A_11 : vector<128x8192xf32>
    %slice3A_12 = vector.extract_strided_slice %get3A_3 {offsets = [0, 1], sizes = [128, 1], strides = [1, 1]} : vector<128x3xf32> to vector<128x1xf32>
    %slice3A_13 = vector.extract_strided_slice %get3A_8 {offsets = [1, 0], sizes = [1, 8192], strides = [1, 1]} : vector<3x8192xf32> to vector<1x8192xf32>
    %sub3A_14 = vector.broadcast %slice3A_12 : vector<128x1xf32> to vector<128x8192xf32>
    %sub3A_15 = vector.broadcast %slice3A_13 : vector<1x8192xf32> to vector<128x8192xf32>
    %sub3A_16 = arith.subf %sub3A_14, %sub3A_15 : vector<128x8192xf32>
    %mul3A_17 = arith.mulf %sub3A_16, %sub3A_16 : vector<128x8192xf32>
    %add3A = arith.addf %mul3A, %mul3A_17 : vector<128x8192xf32>
    %slice3A_18 = vector.extract_strided_slice %get3A_3 {offsets = [0, 2], sizes = [128, 1], strides = [1, 1]} : vector<128x3xf32> to vector<128x1xf32>
    %slice3A_19 = vector.extract_strided_slice %get3A_8 {offsets = [2, 0], sizes = [1, 8192], strides = [1, 1]} : vector<3x8192xf32> to vector<1x8192xf32>
    %sub3A_20 = vector.broadcast %slice3A_18 : vector<128x1xf32> to vector<128x8192xf32>
    %sub3A_21 = vector.broadcast %slice3A_19 : vector<1x8192xf32> to vector<128x8192xf32>
    %sub3A_22 = arith.subf %sub3A_20, %sub3A_21 : vector<128x8192xf32>
    %mul3A_23 = arith.mulf %sub3A_22, %sub3A_22 : vector<128x8192xf32>
    %add3A_24 = arith.addf %add3A, %mul3A_23 : vector<128x8192xf32>
    %lt3A = arith.constant 1.600000e-01 : f32
    %lt3A_25 = vector.broadcast %lt3A : f32 to vector<128x8192xf32>
    %lt3A_26 = arith.cmpf olt, %add3A_24, %lt3A_25 : vector<128x8192xf32>
    %convert_element_type3A = arith.extui %lt3A_26 : vector<128x8192xi1> to vector<128x8192xi32>
    %convert_element_type3A_27 = arith.sitofp %convert_element_type3A : vector<128x8192xi32> to vector<128x8192xf32>
    %convert_element_type3A_28 = arith.truncf %convert_element_type3A_27 : vector<128x8192xf32> to vector<128x8192xbf16>
    %get3A_29 = arith.constant 0 : index
    %get3A_30 = arith.constant 0 : index
    %get3A_31 = vector.load %arg4[%get3A_29, %get3A_30] : memref<8192x512xbf16, #tpu.memory_space<vmem>>, vector<8192x512xbf16>
    %dot_general3A = arith.constant dense<0.000000e+00> : vector<128x512xf32>
    %dot_general3A_32 = tpu.matmul %convert_element_type3A_28, %get3A_31, %dot_general3A {dimension_numbers = #tpu.dot_dimension_numbers<[1], [0], [0], [1], [0, 0, 1, 1], [], []>, transpose_lhs_hint = false} : vector<128x8192xbf16>, vector<8192x512xbf16>, vector<128x512xf32> -> vector<128x512xf32>
    %convert_element_type3A_33 = arith.fptosi %dot_general3A_32 : vector<128x512xf32> to vector<128x512xi32>
    %swap3A = arith.constant 0 : index
    %swap3A_34 = arith.constant 0 : index
    %swap3A_35 = vector.load %arg5[%swap3A, %swap3A_34] : memref<128x512xi32, #tpu.memory_space<vmem>>, vector<128x512xi32>
    tpu.vector_store %arg5[%swap3A, %swap3A_34], %convert_element_type3A_33 {strides = array<i32>} : memref<128x512xi32, #tpu.memory_space<vmem>>, vector<128x512xi32>,
    return
  }
  func.func @transform_0(%arg0: i32, %arg1: i32) -> (i32, i32, i32) {
    %c0_i32 = arith.constant 0 : i32
    %c0_i32_0 = arith.constant 0 : i32
    return %arg0, %arg1, %c0_i32 : i32, i32, i32
  }
  func.func @transform_1(%arg0: i32, %arg1: i32) -> (i32, i32, i32) {
    %c0_i32 = arith.constant 0 : i32
    %c0_i32_0 = arith.constant 0 : i32
    %c0_i32_1 = arith.constant 0 : i32
    return %arg0, %c0_i32, %c0_i32_0 : i32, i32, i32
  }
  func.func @transform_2(%arg0: i32, %arg1: i32) -> (i32, i32) {
    %c0_i32 = arith.constant 0 : i32
    %c0_i32_0 = arith.constant 0 : i32
    %c0_i32_1 = arith.constant 0 : i32
    return %c0_i32, %c0_i32_0 : i32, i32
  }
  func.func @transform_3(%arg0: i32, %arg1: i32) -> (i32, i32) {
    %mul3A = arith.constant 8 : i32
    %mul3A_0 = arith.muli %arg0, %mul3A : i32
    %add3A = arith.addi %mul3A_0, %arg1 : i32
    %c0_i32 = arith.constant 0 : i32
    %c0_i32_1 = arith.constant 0 : i32
    return %add3A, %c0_i32 : i32, i32
  }
}

</mosaic_0001>

<sc_bundles>
// kernel: _pipeline.4.cloned.1.call-start
scs
__scs_entry_jumppad:
0x0: {  	(pc) =	sbr.rel $0x88, $3  }
0x1: {  	(tag) =	ssettag $0x0;
	lr =	simm.s32 $0x1  }
0x2: {  	[smem:$0x3F9E] =	sst lr;
	_ =	strace $0xD0000000  }
0x3: {  	_ = 	snop  }
0x4: {  	_ = 	snop  }
0x5: {  	_ = 	snop  }
0x6: {  	_ = 	snop  }
0x7: {  	_ = 	snop  }
__scs_overlays_trampoline_lowered:
0x8: {  	[smem:$0x3FAD] =	sst s0  }
0x9: {  	[smem:$0x3FAE] =	sst s1  }
0xa: {  	[smem:$0x3FAF] =	sst s2  }
0xb: {  	[smem:$0x3FB0] =	sst s3  }
0xc: {  	[smem:$0x3FB1] =	sst s4  }
0xd: {  	[smem:$0x3FB2] =	sst s5  }
0xe: {  	[smem:$0x3FB3] =	sst s6  }
0xf: {  	[smem:$0x3FB4] =	sst s7  }
0x10: {  	[smem:$0x3FB5] =	sst s8  }
0x11: {  	[smem:$0x3FB6] =	sst s9;
	s0 =	simm.s32 @!p0 $0x0  }
0x12: {  	s1 =	sld [smem:$0x3F9C];
	s0 =	simm.s32 @p0 $0x1  }
0x13: {  	[smem:$0x3FB7] =	sst s0;
	s0 =	simm.s32 @!p1 $0x0  }
0x14: {  	s2 =	sld [smem:$0x3F9B];
	s0 =	simm.s32 @p1 $0x1  }
0x15: {  	[smem:$0x3FB8] =	sst s0;
	s0 =	simm.s32 @!p2 $0x0  }
0x16: {  	s3 =	sld [smem:$0x3FDB];
	s0 =	simm.s32 @p2 $0x1  }
0x17: {  	s4 =	simm.s32 $0x1BF5;
	[smem:$0x3FBA] =	sst s0  }
0x18: {  	s0 =	sld [smem:$0x3F9D];
	_ =	swait.ge [sflag:s4], $0x0  }
0x19: {  	s7 =	sld [smem:$0x3F9E]  }
0x1a: {  	s8 =	sadd.s32 $0xFFFFE003, lr  }
0x1b: {  	s9 =	sadd.s32 $0xFFFFFEF7, lr;
	s5 =	simm.s32 $0xFFFFFFFF;
	p2 =	slt.u32 s8, $0xFFFFF086  }
0x1c: {  	p1 =	slt.u32 s9, $0xF7A;
	s5 =	simm.s32 @!p2 $0x0  }
0x1d: {  	s5 =	simm.s32 @p1 $0x1;
	p0 =	seq.s32 s7, s2  }
0x1e: {  	s7 =	smul.u32 @!p0 $0xF7A, s2;
	p2 =	seq.s32 @!p0 s5, $0x0  }
0x1f: {  	s9 =	smul.u32 $0xF7A, s1;
	s8 =	simm.s32 @!p0 $0x1BF5;
	p2 =	por !p2, p0  }
0x20: {  	[sflag:s8] =	ssyncset.s32 @!p0 $0xFFFFF086;
	s6 =	sadd.s32 @!p0 s3, s7;
	s7 =	simm.s32 @!p0 $0x108  }
0x21: {  	s3 =	sadd.s32 s3, s9;
	s6 =	sadd.s32 @!p0 $0x88, s6;
	s7 =	simm.s32 @p2 $0x1082  }
0x22: {  	[simem:s7], [sflag:s8] =	dma.local @!p0 [hbm:s6], $0xF7A  }
0x23: {  	s9 =	sor.u32 $0xD0000000, s2;
	s6 =	simm.s32 $0x108;
	_ =	swait.ge @!p0 [sflag:s8], $0x0  }
0x24: {  	s3 =	sadd.s32 $0x88, s3;
	s6 =	simm.s32 @!p1 $0x1082;
	[sflag:s4] =	ssyncset.s32 $0xFFFFF086  }
0x25: {  	[simem:s6], [sflag:s4] =	dma.local [hbm:s3], $0xF7A  }
0x26: {  	[smem:$0x3F9E] =	sst s1;
	(tag) =	ssettag s2;
	_ =	strace s9  }
0x27: {  	s1 =	sld [smem:$0x3FAE]  }
0x28: {  	s2 =	sld [smem:$0x3FAF]  }
0x29: {  	s4 =	sld [smem:$0x3FB1]  }
0x2a: {  	p0 =	seq.s32 s5, $0x0;
	s5 =	sld [smem:$0x3FB2]  }
0x2b: {  	s6 =	sld [smem:$0x3FB3]  }
0x2c: {  	s7 =	sld [smem:$0x3FB4]  }
0x2d: {  	s3 =	simm.s32 $0x108;
	s8 =	sld [smem:$0x3FB5]  }
0x2e: {  	s3 =	simm.s32 @!p0 $0x1082;
	s9 =	sld [smem:$0x3FB6]  }
0x2f: {  	lr =	sadd.s32 s0, s3;
	s0 =	sld [smem:$0x3FAD]  }
0x30: {  	s3 =	sld [smem:$0x3FB0]  }
0x31: {  	[smem:$0x3FB9] =	sst s10  }
0x32: {  	s10 =	sld [smem:$0x3FB7];
	_ =	sdelay $0x3  }
0x33: {  	p0 =	seq.s32 s10, $0x1;
	s10 =	sld [smem:$0x3FB9];
	_ =	sdelay $0x3  }
0x34: {  	[smem:$0x3FB9] =	sst s10  }
0x35: {  	s10 =	sld [smem:$0x3FB8];
	_ =	sdelay $0x3  }
0x36: {  	p1 =	seq.s32 s10, $0x1;
	s10 =	sld [smem:$0x3FB9];
	_ =	sdelay $0x3  }
0x37: {  	[smem:$0x3FB9] =	sst s10  }
0x38: {  	s10 =	sld [smem:$0x3FBA]  }
0x39: {  	_ = 	snop;
	(pc) =	sbr.ind lr, $3  }
0x3a: {  	_ = 	snop  }
0x3b: {  	_ = 	snop  }
0x3c: {  	p2 =	seq.s32 s10, $0x1;
	s10 =	sld [smem:$0x3FB9]  }
0x3d: {  	_ =	shalt  }
0x3e: {  	_ =	shalt  }
0x3f: {  	_ =	shalt  }
0x40: {  	_ =	shalt  }
0x41: {  	_ =	shalt  }
0x42: {  	_ =	shalt  }
0x43: {  	_ =	shalt  }
0x44: {  	_ =	shalt  }
0x45: {  	_ =	shalt  }
0x46: {  	_ =	shalt  }
0x47: {  	_ =	shalt  }
0x48: {  	_ =	shalt  }
0x49: {  	_ =	shalt  }
0x4a: {  	_ =	shalt  }
0x4b: {  	_ =	shalt  }
0x4c: {  	_ =	shalt  }
0x4d: {  	_ =	shalt  }
0x4e: {  	_ =	shalt  }
0x4f: {  	_ =	shalt  }
0x50: {  	_ =	shalt  }
0x51: {  	_ =	shalt  }
0x52: {  	_ =	shalt  }
0x53: {  	_ =	shalt  }
0x54: {  	_ =	shalt  }
0x55: {  	_ =	shalt  }
0x56: {  	_ =	shalt  }
0x57: {  	_ =	shalt  }
0x58: {  	_ =	shalt  }
0x59: {  	_ =	shalt  }
0x5a: {  	_ =	shalt  }
0x5b: {  	_ =	shalt  }
0x5c: {  	_ =	shalt  }
0x5d: {  	_ =	shalt  }
0x5e: {  	_ =	shalt  }
0x5f: {  	_ =	shalt  }
0x60: {  	_ =	shalt  }
0x61: {  	_ =	shalt  }
0x62: {  	_ =	shalt  }
0x63: {  	_ =	shalt  }
0x64: {  	_ =	shalt  }
0x65: {  	_ =	shalt  }
0x66: {  	_ =	shalt  }
0x67: {  	_ =	shalt  }
0x68: {  	_ =	shalt  }
0x69: {  	_ =	shalt  }
0x6a: {  	_ =	shalt  }
0x6b: {  	_ =	shalt  }
0x6c: {  	_ =	shalt  }
0x6d: {  	_ =	shalt  }
0x6e: {  	_ =	shalt  }
0x6f: {  	_ =	shalt  }
0x70: {  	_ =	shalt  }
0x71: {  	_ =	shalt  }
0x72: {  	_ =	shalt  }
0x73: {  	_ =	shalt  }
0x74: {  	_ =	shalt  }
0x75: {  	_ =	shalt  }
0x76: {  	_ =	shalt  }
0x77: {  	_ =	shalt  }
0x78: {  	_ =	shalt  }
0x79: {  	_ =	shalt  }
0x7a: {  	_ =	shalt  }
0x7b: {  	_ =	shalt  }
0x7c: {  	_ =	shalt  }
0x7d: {  	_ =	shalt  }
0x7e: {  	_ =	shalt  }
0x7f: {  	_ =	shalt  }
0x80: {  	_ =	shalt  }
0x81: {  	_ =	shalt  }
0x82: {  	_ =	shalt  }
0x83: {  	_ =	shalt  }
0x84: {  	_ =	shalt  }
0x85: {  	_ =	shalt  }
0x86: {  	_ =	shalt  }
0x87: {  	_ =	shalt  }
.Lfunc_end0:
.L_simem_size_0:
called_computation.1_lowered:
.L_overlay_start_0:
0x88: {  	s2 =	sld [smem:$0x3FD9]  }
0x89: {  	s3 =	sld [smem:$0x3FFE];
	_ =	sdelay $0x1  }
0x8a: {  	s1 =	srdreg.scid  }
0x8b: {  	s0 =	sand.u32 $0x1, s1  }
0x8c: {  	s17 =	sshll.u32 s0, $0xA;
	s2 =	sadd.s32 s3, s2  }
0x8d: {  	s2 =	sadd.s32 s2, s17  }
0x8e: {  	[smem:$0x3FC5] =	sst s2  }
0x8f: {  	_ = 	snop  }
0x90: {  	s2 =	sld [smem:$0x3FD0];
	(tm) =	ssettm $0x1  }
0x91: {  	s18 =	sld [smem:$0x3FFB];
	_ =	sdelay $0x3  }
0x92: {  	_ =	strace s18  }
0x93: {  	s3 =	sld [smem:$0x3FFC];
	_ =	sdelay $0x3  }
0x94: {  	_ =	strace s3  }
0x95: {  	s3 =	sld [smem:$0x3FFD];
	_ =	sdelay $0x3  }
0x96: {  	_ =	strace s3  }
0x97: {  	_ =	strace $0x8FFFFFFF  }
0x98: {  	s19 =	sld [smem:$0x3FDB];
	_ =	sdelay $0x1  }
0x99: {  	s4 =	simm.s32 $_scs_section_size  }
0x9a: {  	s5 =	simm.s32 $_size__tile_overlayer_lowered;
	s6 =	simm.s32 $_tile_overlayer_lowered  }
0x9b: {  	s22 =	simm.s32 $0x1BFF;
	s21 =	sshll.u32 s6, $0x1;
	s3 =	sadd.s32 s4, s19  }
0x9c: {  	s7 =	simm.s32 $0x0;
	s20 =	sshll.u32 s5, $0x1;
	s5 =	sadd.s32 s21, s3  }
0x9d: {  	[timem:s7], [sflag:s22] =	dma.local [hbm:s5], s20  }
0x9e: {  	_ =	swait.ge [sflag:s22], s20  }
0x9f: {  	s4 =	ssub.s32 $0x0, s20;
	[sflag:s22] =	ssyncset.done $0x0  }
0xa0: {  	[sflag:s22] =	ssyncadd.s32 s4;
	_ =	sdelay $0x1  }
0xa1: {  	s23 =	simm.s32 $0x1B8B  }
0xa2: {  	_ =	swait.ge [sflag:s23], $0x1  }
0xa3: {  	[sflag:s23] =	ssyncset.done $0x0  }
0xa4: {  	s25 =	simm.s32 $0x1B8E;
	s24 =	sld [smem:$0x3FFE];
	[sflag:s23] =	ssyncadd.s32 $0xFFFFFFFF  }
0xa5: {  	s26 =	simm.s32 $execute0_lowered;
	[smem:$0x3FD2] =	sst s25  }
0xa6: {  	s5 =	sshll.u32 s26, $0x1;
	_ =	strace $0x80000046;
	[dreg:$0x1] =	wrdreg $0xFFFFFFFF  }
0xa7: {  	s28 =	simm.s32 $_size_execute0_lowered;
	s3 =	sadd.s32 s3, s5;
	[dreg:$0x0] =	wrdreg $0x0  }
0xa8: {  	s5 =	sshll.u32 s28, $0x1;
	[dreg:$0x2] =	wrdreg s3  }
0xa9: {  	[dreg:$0x3] =	wrdreg s5  }
0xaa: {  	[dreg:$0x4] =	wrdreg $0xC0  }
0xab: {  	_ =	task [dreg:s7], $0x5FFFF  }
0xac: {  	[dreg:$0x1] =	wrdreg $0xFFFFFFFF  }
0xad: {  	[dreg:$0x0] =	wrdreg $0x60  }
0xae: {  	[dreg:$0x2] =	wrdreg s2  }
0xaf: {  	[dreg:$0x3] =	wrdreg s24  }
0xb0: {  	[dreg:$0x4] =	wrdreg $0x9  }
0xb1: {  	_ =	task.clear_ibuf [dreg:s7], $0x5FFFF;
	_ =	strace $0x90000046  }
0xb2: {  	s29 =	simm.s32 $0x9;
	_ =	strace $0x80000048  }
0xb3: {  	_ =	swait.ge [sflag:s29], $0x1  }
0xb4: {  	[sflag:s29] =	ssyncadd.s32 $0xFFFFFFFF  }
0xb5: {  	_ =	strace $0x90000048  }
0xb6: {  	_ =	sfence  }
0xb7: {  	s30 =	sld [smem:$0x0];
	_ =	sdelay $0x2  }
0xb8: {  	s31 =	sshll.u32 s1, $0xD;
	s1 =	sshrl.u32 s1, $0x2  }
0xb9: {  	s3 =	sand.u32 $0x4000, s31;
	s1 =	sadd.s32 s1, s30  }
0xba: {  	s0 =	sor.u32 s3, s0;
	s1 =	sshll.u32 s1, $0x11  }
0xbb: {  	s0 =	sor.u32 s1, s0  }
0xbc: {  	s0 =	sadd.s32 $0x8F2B, s0  }
0xbd: {  	[sflag:s0] =	ssyncadd.remote.s32 $0x1  }
0xbe: {  	_ =	sfence.sel $0xFFFF  }
0xbf: {  	[dreg:$0x0] =	wrdreg $0xFFFFFFFF;
	(pc) =	sbr.abs _section_cstart, $3  }
0xc0: {  	[dreg:$0x1] =	wrdreg $0xFFFFFFFF  }
0xc1: {  	_ =	task.clear_ibuf [dreg:s7], $0x2FFFF;
	_ =	strace $0x9FFFFFFF  }
0xc2: {  	(tm) =	ssettm $0x7FFFFFFF  }
0xc3: {  	_ =	shalt  }
tec
execute0_lowered:
.L_overlay_start_1:
0x0: {  	(tag) =	ssettag $0x1  }
0x1: {  	s0 =	rddreg [dreg:$0x1];
	v0 =	vimm.s32 $0x8040201;
	v1 =	vimm.s32 $0x80402010  }
0x2: {  	s1 =	srdreg.scid;
	s4 =	stileid.u32;
	s3 =	simm.s32 $0x0;
	v0 =	vunpack.c.0.s8.s32 v0;
	v1 =	vunpack.c.0.s8.s32 v1  }
0x3: {  	vm0 =	vcmask $0xF00;
	vm1 =	vcmask $0xF0C;
	vm2 =	vcmask $0x2724;
	s11 =	simm.s32 $0x1800;
	s13 =	simm.s32 $0x1;
	s14 =	simm.s32 $0x2  }
0x4: {  	s15 =	simm.s32 $0x6;
	s16 =	simm.s32 $0x80;
	s18 =	simm.s32 $0x9800;
	v2 =	vnsel vm0, $0x8000, v0;
	v1 =	vand.u32 $0xFF, v1;
	vm0 =	vcmask $0x1F10  }
0x5: {  	vm3 =	vcmask $0x2B28;
	s20 =	simm.s32 $0xD800;
	s22 =	simm.s32 $0x11800;
	s29 =	simm.s32 $0x1C080;
	v1 =	vsel vm0, v1, v2;
	v2 =	vimm.s32 $0x4180C  }
0x6: {  	vm4 =	vcmask $0x2F2C;
	s30 =	simm.s32 $0x1A000;
	s31 =	simm.s32 $0x1C100;
	s12 =	simm.s32 $0x1B000;
	v2 =	vsel vm1, $0x41800, v2;
	vm1 =	vcmask $0x1310  }
0x7: {  	s10 =	simm.s32 $0x5;
	s17 =	simm.s32 $0x0;
	s1 =	sand.u32 $0x1, s1;
	vm0 =	vcmask $0x2320;
	v2 =	vsel vm1, $0x41801, v2;
	vm1 =	vcmask $0x1714  }
0x8: {  	s2 =	sshll.u32 s4, $0x1;
	s6 =	sshrl.u32 s4, $0x2;
	[smem:$0x7FF] =	sst s3;
	v1 =	vsel vm0, $0x100, v1;
	v2 =	vsel vm1, $0x41802, v2;
	vm1 =	vcmask $0x1B18  }
0x9: {  	s4 =	sadd.s32 $0x2A00, s0;
	s2 =	sor.u32 s1, s2;
	s5 =	sshll.u32 s6, $0xD;
	v1 =	vsel vm2, $0x200, v1;
	v2 =	vsel vm1, $0x41803, v2;
	vm1 =	vcmask $0x1F1C  }
0xa: {  	vm5 =	vcmask $0x3734;
	_ =	strace $0x80000047;
	s24 =	sshll.u32 s6, $0xC;
	s1 =	ssub.s32 $0x2, s1;
	v1 =	vsel vm3, $0x400, v1;
	v2 =	vsel vm1, $0x41804, v2  }
0xb: {  	s6 =	smul.u32 $0x600, s6;
	s23 =	sshll.u32 s2, $0x8;
	s8 =	sadd.s32 s24, s0;
	v1 =	vsel vm4, $0x800, v1;
	vm1 =	vcmask $0x3330;
	v2 =	vsel vm0, $0x41805, v2  }
0xc: {  	v0 =	vmov s5;
	s5 =	sadd.s32 $0x86A00, s0;
	s25 =	sshrl.u32 s1, $0x1;
	s24 =	simm.s32 $0x15800;
	v1 =	vsel vm1, $0x1000, v1;
	v2 =	vsel vm2, $0x41806, v2  }
0xd: {  	s7 =	sadd.s32 s23, s0;
	s0 =	ssub.s32 s1, s25;
	s26 =	sadd.s32 $0x82A00, s8;
	vm0 =	vmxor vm0, vm0;
	v3 =	vsel vm5, $0x2000, v1;
	v4 =	vsel vm3, $0x41807, v2  }
0xe: {  	s8 =	sshll.u32 s2, $0x6;
	s9 =	sor.u32 $0x40000, s6;
	s25 =	simm.s32 $0x10;
	vm2 =	vcmask $0x3B38;
	v1 =	vimm.s32 $0x0;
	v4 =	vsel vm4, $0x41808, v4  }
0xf: {  	s1 =	simm.s32 $0x1A800;
	[dreg:$0x3] =	wrdreg s26;
	s28 =	sadd.s32 $0xA00, s7;
	v2 =	vsel vm2, $0x4000, v3;
	v3 =	vlaneseq.u32;
	v6 =	vsel vm1, $0x41809, v4  }
0x10: {  	s6 =	simm.s32 $0x3;
	s0 =	smax.u32 s0, $0x1;
	[dreg:$0x4] =	wrdreg s28;
	v5 =	vor.u32 $0x20, v3;
	v4 =	vor.u32 $0x10, v3;
	v7 =	vsel vm5, $0x4180A, v6  }
0x11: {  	s7 =	simm.s32 $0x4;
	[dreg:$0x5] =	wrdreg s0;
	s0 =	simm.s32 $0x1C180;
	vm1 =	vmmov $0x7;
	v6 =	vor.u32 $0x30, v3;
	v7 =	vsel vm2, $0x4180B, v7  }
.LBB2_1:
0x12: {  	[dreg:$0x6] =	wrdreg s17  }
0x13: {  	s2 =	rddreg [dreg:$0x3]  }
0x14: {  	[tilespmem:s11], [sflag:$0x1] =	stream.linear.gather [hbm4b:s2+s3], $0x8000, $0x38;
	[tilespmem:$0x1C200] =	vst v63  }
0x15: {  	s26 =	rddreg [dreg:$0x4];
	s28 =	simm.s32 $0x1B800  }
0x16: {  	[tilespmem:s28], [sflag:$0x2] =	stream.linear.gather [hbm4b:s26+s3], $0x800, $0x38;
	[tilespmem:$0x1C200] =	vst v63  }
0x17: {  	_ =	swait.ge [sflag:s13], $0x8000  }
0x18: {  	[sflag:s13] =	ssyncset.done $0x0  }
0x19: {  	[sflag:s13] =	ssyncadd.s32 $0xFFFF8000  }
0x1a: {  	_ =	swait.ge [sflag:s14], $0x800  }
0x1b: {  	[sflag:s14] =	ssyncset.done $0x0  }
0x1c: {  	s2 =	simm.s32 $0x0;
	[sflag:s14] =	ssyncadd.s32 $0xFFFFF800  }
.LBB2_2:
0x1d: {  	s17 =	sshll.u32 s2, $0x2  }
0x1e: {  	s17 =	sadd.s32 s8, s17  }
0x1f: {  	s21 =	rddreg [dreg:$0x0];
	s19 =	sshll.u32 s17, $0x7  }
0x20: {  	s21 =	sadd.s32 s21, s19;
	s19 =	simm.s32 $0x0  }
0x21: {  	[tilespmem:s19], [sflag:$0x6] =	stream.linear.gather [hbm4b:s21+s19], $0x1000, $0x38;
	[tilespmem:$0x1C200] =	vst v63  }
0x22: {  	_ =	swait.ge [sflag:s15], $0x1000  }
0x23: {  	[sflag:s15] =	ssyncset.done $0x0  }
0x24: {  	[sflag:s15] =	ssyncadd.s32 $0xFFFFF000  }
0x25: {  	v8 =	vld [tilespmem:$0x0];
	_ =	sdelay $0x3  }
0x26: {  	s21 =	simm.s32 $0x0;
	[tilespmem:$0x1000] =	vst v1  }
.LBB2_3:
0x27: {  	vm2 =	vne.s32 v8, $0x0  }
0x28: {  	v9 =	vmpcnt.ones.xlane vm2  }
0x29: {  	v10 =	vmctz.xlane vm2  }
0x2a: {  	(v2sf) =	vpush v9, $0x0  }
0x2b: {  	vm2 =	vlt.s32 v10, $0xF  }
0x2c: {  	s23 =	sshll.u32 s21, $0x4;
	v9 =	vnsel vm2, $0xF, v10  }
0x2d: {  	v9 =	vadd.s32 s23, v9  }
0x2e: {  	v11 =	vshll.u32 v9, $0x3  }
0x2f: {  	v9 =	vand.u32 $0x7F, v9;
	v11 =	vand.u32 $0xFFFFFC00, v11  }
0x30: {  	v9 =	vor.u32 v9, v11;
	_ =	sdelay $0x4  }
0x31: {  	v9 =	vld.idx.msk [tilespmem:v9+s3+$0x0], $0xffff;
	_ =	sdelay $0x3  }
0x32: {  	s26 =	spop (v2sf)  }
0x33: {  	vm2 =	vmmov vm0;
	v9 =	vand.u32 v2, v9;
	p0 =	sgt.s32 s26, $0x0  }
0x34: {  	vm4 =	veq.s32 v10, v3;
	vm3 =	vne.s32 v9, $0x0;
	vm2 =	vmneg @p0 vm2  }
0x35: {  	v8 =	vsel vm4, $0x0, v8;
	vm2 =	vmand vm3, vm2  }
0x36: {  	vm3 =	vne.s32 v8, $0x0;
	v9 =	vmpcnt.ones.xlane vm2  }
0x37: {  	v11 =	vmpcnt.ones.xlane vm3  }
0x38: {  	(v2sf) =	vpush v9, $0x0  }
0x39: {  	(v2sf) =	vpush v11, $0x0;
	_ =	sdelay $0xd  }
0x3a: {  	s26 =	spop (v2sf)  }
0x3b: {  	s28 =	spop (v2sf)  }
0x3c: {  	p0 =	seq.s32 s28, $0x0;
	s28 =	simm.s32 $0x1  }
0x3d: {  	s28 =	simm.s32 @!p0 $0x0  }
0x3e: {  	v9 =	vadd.s32 s23, v10;
	s21 =	sadd.s32 s28, s21  }
0x3f: {  	v9 =	vshll.u32 v9, $0x4;
	s23 =	smin.u32 s21, $0x1F  }
0x40: {  	v9 =	vor.u32 v3, v9;
	s28 =	sshll.u32 s23, $0x4;
	s23 =	sshll.u32 s23, $0x7  }
0x41: {  	[tilespmem:s19+$0x1000] =	vst.msk vm2, v9;
	s19 =	sadd.s32 s19, s26;
	p1 =	sgt.u32 s21, $0x1F;
	s23 =	sor.u32 s28, s23  }
0x42: {  	p2 =	slt.s32 @!p1 s19, $0x40;
	s23 =	sand.u32 $0xC70, s23  }
0x43: {  	p1 =	por p1, !p2;
	v9 =	vld [tilespmem:s23+$0x0]  }
.Ltmp0:
0x44: {  	_ = 	snop;
	(pc) =	sbr.rel @!p1 .LBB2_3-.Ltmp0, $2  }
0x45: {  	_ =	sdelay $0x2  }
0x46: {  	v8 =	vpsel p0, v9, v8  }
0x47: {  	v8 =	vld [tilespmem:$0x1000];
	_ =	sdelay $0x2  }
0x48: {  	v9 =	vld [tilespmem:$0x1010]  }
0x49: {  	v10 =	vld [tilespmem:$0x1020]  }
0x4a: {  	v11 =	vmov s19;
	v13 =	vld [tilespmem:$0x1030];
	v12 =	vbroadcast v8, $0x0  }
0x4b: {  	vm2 =	vgt.s32 v11, v3  }
0x4c: {  	v8 =	vsel vm2, v8, v12;
	vm2 =	vgt.s32 v11, v4  }
0x4d: {  	[tilespmem:$0x1400] =	vst v8;
	v8 =	vsel vm2, v9, v12;
	vm2 =	vgt.s32 v11, v5  }
0x4e: {  	[tilespmem:$0x1410] =	vst v8;
	v8 =	vsel vm2, v10, v12;
	vm2 =	vgt.s32 v11, v6  }
0x4f: {  	[tilespmem:$0x1420] =	vst v8;
	v8 =	vsel vm2, v13, v12  }
0x50: {  	[tilespmem:$0x1430] =	vst v8;
	v8 =	vld [tilespmem:$0x80];
	_ =	sdelay $0x3  }
0x51: {  	[tilespmem:$0x1080] =	vst v1;
	s19 =	simm.s32 $0x0;
	s21 =	simm.s32 $0x0  }
.LBB2_5:
0x52: {  	vm2 =	vne.s32 v8, $0x0  }
0x53: {  	v9 =	vmpcnt.ones.xlane vm2;
	v10 =	vmctz.xlane vm2;
	_ =	sdelay $0x1  }
0x54: {  	(v2sf) =	vpush v9, $0x0;
	vm2 =	vlt.s32 v10, $0xF  }
0x55: {  	s23 =	sshll.u32 s21, $0x4;
	v9 =	vnsel vm2, $0xF, v10  }
0x56: {  	v9 =	vadd.s32 s23, v9  }
0x57: {  	v11 =	vshll.u32 v9, $0x3  }
0x58: {  	v9 =	vand.u32 $0x7F, v9;
	v11 =	vand.u32 $0xFFFFFC00, v11  }
0x59: {  	v9 =	vor.u32 v11, v9  }
0x5a: {  	v9 =	vor.u32 $0x80, v9;
	_ =	sdelay $0x4  }
0x5b: {  	v9 =	vld.idx.msk [tilespmem:v9+s3+$0x0], $0xffff;
	_ =	sdelay $0x3  }
0x5c: {  	s26 =	spop (v2sf)  }
0x5d: {  	vm2 =	vmmov vm0;
	v9 =	vand.u32 v2, v9;
	p0 =	sgt.s32 s26, $0x0  }
0x5e: {  	vm4 =	veq.s32 v10, v3;
	vm3 =	vne.s32 v9, $0x0;
	vm2 =	vmneg @p0 vm2  }
0x5f: {  	v8 =	vsel vm4, $0x0, v8;
	vm2 =	vmand vm3, vm2  }
0x60: {  	vm3 =	vne.s32 v8, $0x0;
	v9 =	vmpcnt.ones.xlane vm2  }
0x61: {  	v11 =	vmpcnt.ones.xlane vm3  }
0x62: {  	(v2sf) =	vpush v9, $0x0  }
0x63: {  	(v2sf) =	vpush v11, $0x0;
	_ =	sdelay $0xd  }
0x64: {  	s26 =	spop (v2sf)  }
0x65: {  	s28 =	spop (v2sf)  }
0x66: {  	p0 =	seq.s32 s28, $0x0;
	s28 =	simm.s32 $0x1  }
0x67: {  	s28 =	simm.s32 @!p0 $0x0  }
0x68: {  	v9 =	vadd.s32 s23, v10;
	s21 =	sadd.s32 s28, s21  }
0x69: {  	v9 =	vshll.u32 v9, $0x4;
	s23 =	smin.u32 s21, $0x1F  }
0x6a: {  	v9 =	vor.u32 v3, v9;
	s28 =	sshll.u32 s23, $0x4;
	s23 =	sshll.u32 s23, $0x7  }
0x6b: {  	[tilespmem:s19+$0x1080] =	vst.msk vm2, v9;
	s19 =	sadd.s32 s19, s26;
	p1 =	sgt.u32 s21, $0x1F;
	s23 =	sor.u32 s28, s23  }
0x6c: {  	p2 =	slt.s32 @!p1 s19, $0x40;
	s23 =	sand.u32 $0xC70, s23  }
0x6d: {  	p1 =	por p1, !p2;
	v9 =	vld [tilespmem:s23+$0x80]  }
.Ltmp1:
0x6e: {  	_ = 	snop;
	(pc) =	sbr.rel @!p1 .LBB2_5-.Ltmp1, $2  }
0x6f: {  	_ =	sdelay $0x2  }
0x70: {  	v8 =	vpsel p0, v9, v8  }
0x71: {  	v8 =	vld [tilespmem:$0x1080];
	_ =	sdelay $0x2  }
0x72: {  	v9 =	vld [tilespmem:$0x1090]  }
0x73: {  	v10 =	vld [tilespmem:$0x10A0]  }
0x74: {  	v11 =	vmov s19;
	v13 =	vld [tilespmem:$0x10B0];
	v12 =	vbroadcast v8, $0x0  }
0x75: {  	v14 =	vld [tilespmem:$0x1400];
	vm2 =	vgt.s32 v11, v3  }
0x76: {  	v15 =	vld [tilespmem:$0x1410];
	v8 =	vsel vm2, v8, v12;
	vm2 =	vgt.s32 v11, v4  }
0x77: {  	[tilespmem:$0x1440] =	vst v8;
	v8 =	vsel vm2, v9, v12;
	vm2 =	vgt.s32 v11, v5;
	v9 =	vld [tilespmem:$0x1420]  }
0x78: {  	[tilespmem:$0x1450] =	vst v8;
	v8 =	vsel vm2, v10, v12;
	vm2 =	vgt.s32 v11, v6;
	v10 =	vld [tilespmem:$0x1430]  }
0x79: {  	v11 =	vsel vm2, v13, v12;
	[tilespmem:$0x1460] =	vst v8;
	v8 =	vld [tilespmem:$0x1440]  }
0x7a: {  	v62 =	vld [tilespmem:$0x1450];
	[tilespmem:$0x1470] =	vst v11;
	v11 =	vadd.s32 v0, v14  }
0x7b: {  	v63 =	vld [tilespmem:$0x1460];
	[tilespmem:$0x1600] =	vst v11;
	v11 =	vadd.s32 v0, v15  }
0x7c: {  	[tilespmem:$0x1610] =	vst v11;
	v9 =	vadd.s32 v0, v9;
	v11 =	vld [tilespmem:$0x1470]  }
0x7d: {  	[tilespmem:$0x1620] =	vst v9;
	v9 =	vadd.s32 v0, v10  }
0x7e: {  	[tilespmem:$0x1630] =	vst v9;
	v8 =	vadd.s32 v0, v8  }
0x7f: {  	[tilespmem:$0x1640] =	vst v8;
	v8 =	vadd.s32 v0, v62  }
0x80: {  	[tilespmem:$0x1650] =	vst v8;
	v8 =	vadd.s32 v0, v63  }
0x81: {  	[tilespmem:$0x1660] =	vst v8;
	v8 =	vadd.s32 v0, v11  }
0x82: {  	s28 =	simm.s32 $0x1600;
	[tilespmem:$0x1670] =	vst v8  }
0x83: {  	[tilespmem:s18], [sflag:$0x1] =	stream.indirect.gather [hbm4b:s4+s16], $0x80, s28, s16, $0xb8;
	[tilespmem:$0x1C200] =	vst v63  }
0x84: {  	v8 =	vld [tilespmem:$0x100];
	_ =	sdelay $0x3  }
0x85: {  	s19 =	simm.s32 $0x0;
	s21 =	simm.s32 $0x0;
	[tilespmem:$0x1100] =	vst v1  }
.LBB2_7:
0x86: {  	vm2 =	vne.s32 v8, $0x0  }
0x87: {  	v9 =	vmpcnt.ones.xlane vm2;
	v10 =	vmctz.xlane vm2;
	_ =	sdelay $0x1  }
0x88: {  	(v2sf) =	vpush v9, $0x0;
	vm2 =	vlt.s32 v10, $0xF  }
0x89: {  	s23 =	sshll.u32 s21, $0x4;
	v9 =	vnsel vm2, $0xF, v10  }
0x8a: {  	v9 =	vadd.s32 s23, v9  }
0x8b: {  	v11 =	vshll.u32 v9, $0x3  }
0x8c: {  	v9 =	vand.u32 $0x7F, v9;
	v11 =	vand.u32 $0xFFFFFC00, v11  }
0x8d: {  	v9 =	vor.u32 v11, v9  }
0x8e: {  	v9 =	vor.u32 $0x100, v9;
	_ =	sdelay $0x4  }
0x8f: {  	v9 =	vld.idx.msk [tilespmem:v9+s3+$0x0], $0xffff;
	_ =	sdelay $0x3  }
0x90: {  	s26 =	spop (v2sf)  }
0x91: {  	vm2 =	vmmov vm0;
	v9 =	vand.u32 v2, v9;
	p0 =	sgt.s32 s26, $0x0  }
0x92: {  	vm4 =	veq.s32 v10, v3;
	vm3 =	vne.s32 v9, $0x0;
	vm2 =	vmneg @p0 vm2  }
0x93: {  	v8 =	vsel vm4, $0x0, v8;
	vm2 =	vmand vm3, vm2  }
0x94: {  	vm3 =	vne.s32 v8, $0x0;
	v9 =	vmpcnt.ones.xlane vm2  }
0x95: {  	v11 =	vmpcnt.ones.xlane vm3  }
0x96: {  	(v2sf) =	vpush v9, $0x0  }
0x97: {  	(v2sf) =	vpush v11, $0x0;
	_ =	sdelay $0xd  }
0x98: {  	s26 =	spop (v2sf)  }
0x99: {  	s28 =	spop (v2sf)  }
0x9a: {  	p0 =	seq.s32 s28, $0x0;
	s28 =	simm.s32 $0x1  }
0x9b: {  	s28 =	simm.s32 @!p0 $0x0  }
0x9c: {  	v9 =	vadd.s32 s23, v10;
	s21 =	sadd.s32 s28, s21  }
0x9d: {  	v9 =	vshll.u32 v9, $0x4;
	s23 =	smin.u32 s21, $0x1F  }
0x9e: {  	v9 =	vor.u32 v3, v9;
	s28 =	sshll.u32 s23, $0x4;
	s23 =	sshll.u32 s23, $0x7  }
0x9f: {  	[tilespmem:s19+$0x1100] =	vst.msk vm2, v9;
	s19 =	sadd.s32 s19, s26;
	p1 =	sgt.u32 s21, $0x1F;
	s23 =	sor.u32 s28, s23  }
0xa0: {  	p2 =	slt.s32 @!p1 s19, $0x40;
	s23 =	sand.u32 $0xC70, s23  }
0xa1: {  	p1 =	por p1, !p2;
	v9 =	vld [tilespmem:s23+$0x100]  }
.Ltmp2:
0xa2: {  	_ = 	snop;
	(pc) =	sbr.rel @!p1 .LBB2_7-.Ltmp2, $2  }
0xa3: {  	_ =	sdelay $0x2  }
0xa4: {  	v8 =	vpsel p0, v9, v8  }
0xa5: {  	v8 =	vld [tilespmem:$0x1100];
	_ =	sdelay $0x2  }
0xa6: {  	v9 =	vld [tilespmem:$0x1110]  }
0xa7: {  	v10 =	vld [tilespmem:$0x1120]  }
0xa8: {  	v11 =	vmov s19;
	v13 =	vld [tilespmem:$0x1130];
	v12 =	vbroadcast v8, $0x0  }
0xa9: {  	vm2 =	vgt.s32 v11, v3  }
0xaa: {  	v8 =	vsel vm2, v8, v12;
	vm2 =	vgt.s32 v11, v4  }
0xab: {  	[tilespmem:$0x1480] =	vst v8;
	v8 =	vsel vm2, v9, v12;
	vm2 =	vgt.s32 v11, v5  }
0xac: {  	[tilespmem:$0x1490] =	vst v8;
	v8 =	vsel vm2, v10, v12;
	vm2 =	vgt.s32 v11, v6  }
0xad: {  	[tilespmem:$0x14A0] =	vst v8;
	v8 =	vsel vm2, v13, v12  }
0xae: {  	[tilespmem:$0x14B0] =	vst v8;
	v8 =	vld [tilespmem:$0x180];
	_ =	sdelay $0x3  }
0xaf: {  	[tilespmem:$0x1180] =	vst v1;
	s19 =	simm.s32 $0x0;
	s21 =	simm.s32 $0x0  }
.LBB2_9:
0xb0: {  	vm2 =	vne.s32 v8, $0x0  }
0xb1: {  	v9 =	vmpcnt.ones.xlane vm2;
	v10 =	vmctz.xlane vm2;
	_ =	sdelay $0x1  }
0xb2: {  	(v2sf) =	vpush v9, $0x0;
	vm2 =	vlt.s32 v10, $0xF  }
0xb3: {  	s23 =	sshll.u32 s21, $0x4;
	v9 =	vnsel vm2, $0xF, v10  }
0xb4: {  	v9 =	vadd.s32 s23, v9  }
0xb5: {  	v11 =	vshll.u32 v9, $0x3  }
0xb6: {  	v9 =	vand.u32 $0x7F, v9;
	v11 =	vand.u32 $0xFFFFFC00, v11  }
0xb7: {  	v9 =	vor.u32 v11, v9  }
0xb8: {  	v9 =	vor.u32 $0x180, v9;
	_ =	sdelay $0x4  }
0xb9: {  	v9 =	vld.idx.msk [tilespmem:v9+s3+$0x0], $0xffff;
	_ =	sdelay $0x3  }
0xba: {  	s26 =	spop (v2sf)  }
0xbb: {  	vm2 =	vmmov vm0;
	v9 =	vand.u32 v2, v9;
	p0 =	sgt.s32 s26, $0x0  }
0xbc: {  	vm4 =	veq.s32 v10, v3;
	vm3 =	vne.s32 v9, $0x0;
	vm2 =	vmneg @p0 vm2  }
0xbd: {  	v8 =	vsel vm4, $0x0, v8;
	vm2 =	vmand vm3, vm2  }
0xbe: {  	vm3 =	vne.s32 v8, $0x0;
	v9 =	vmpcnt.ones.xlane vm2  }
0xbf: {  	v11 =	vmpcnt.ones.xlane vm3  }
0xc0: {  	(v2sf) =	vpush v9, $0x0  }
0xc1: {  	(v2sf) =	vpush v11, $0x0;
	_ =	sdelay $0xd  }
0xc2: {  	s26 =	spop (v2sf)  }
0xc3: {  	s28 =	spop (v2sf)  }
0xc4: {  	p0 =	seq.s32 s28, $0x0;
	s28 =	simm.s32 $0x1  }
0xc5: {  	s28 =	simm.s32 @!p0 $0x0  }
0xc6: {  	v9 =	vadd.s32 s23, v10;
	s21 =	sadd.s32 s28, s21  }
0xc7: {  	v9 =	vshll.u32 v9, $0x4;
	s23 =	smin.u32 s21, $0x1F  }
0xc8: {  	v9 =	vor.u32 v3, v9;
	s28 =	sshll.u32 s23, $0x4;
	s23 =	sshll.u32 s23, $0x7  }
0xc9: {  	[tilespmem:s19+$0x1180] =	vst.msk vm2, v9;
	s19 =	sadd.s32 s19, s26;
	p1 =	sgt.u32 s21, $0x1F;
	s23 =	sor.u32 s28, s23  }
0xca: {  	p2 =	slt.s32 @!p1 s19, $0x40;
	s23 =	sand.u32 $0xC70, s23  }
0xcb: {  	p1 =	por p1, !p2;
	v9 =	vld [tilespmem:s23+$0x180]  }
.Ltmp3:
0xcc: {  	_ = 	snop;
	(pc) =	sbr.rel @!p1 .LBB2_9-.Ltmp3, $2  }
0xcd: {  	_ =	sdelay $0x2  }
0xce: {  	v8 =	vpsel p0, v9, v8  }
0xcf: {  	v8 =	vld [tilespmem:$0x1180];
	_ =	sdelay $0x2  }
0xd0: {  	v9 =	vld [tilespmem:$0x1190]  }
0xd1: {  	v10 =	vld [tilespmem:$0x11A0]  }
0xd2: {  	v11 =	vmov s19;
	v13 =	vld [tilespmem:$0x11B0];
	v12 =	vbroadcast v8, $0x0  }
0xd3: {  	v14 =	vld [tilespmem:$0x1480];
	vm2 =	vgt.s32 v11, v3  }
0xd4: {  	v15 =	vld [tilespmem:$0x1490];
	v8 =	vsel vm2, v8, v12;
	vm2 =	vgt.s32 v11, v4  }
0xd5: {  	[tilespmem:$0x14C0] =	vst v8;
	v8 =	vsel vm2, v9, v12;
	vm2 =	vgt.s32 v11, v5;
	v9 =	vld [tilespmem:$0x14A0]  }
0xd6: {  	[tilespmem:$0x14D0] =	vst v8;
	v8 =	vsel vm2, v10, v12;
	vm2 =	vgt.s32 v11, v6;
	v10 =	vld [tilespmem:$0x14B0]  }
0xd7: {  	v11 =	vsel vm2, v13, v12;
	[tilespmem:$0x14E0] =	vst v8;
	v8 =	vld [tilespmem:$0x14C0]  }
0xd8: {  	v62 =	vld [tilespmem:$0x14D0];
	[tilespmem:$0x14F0] =	vst v11;
	v11 =	vadd.s32 v0, v14  }
0xd9: {  	v63 =	vld [tilespmem:$0x14E0];
	[tilespmem:$0x1680] =	vst v11;
	v11 =	vadd.s32 v0, v15  }
0xda: {  	[tilespmem:$0x1690] =	vst v11;
	v9 =	vadd.s32 v0, v9;
	v11 =	vld [tilespmem:$0x14F0]  }
0xdb: {  	[tilespmem:$0x16A0] =	vst v9;
	v9 =	vadd.s32 v0, v10  }
0xdc: {  	[tilespmem:$0x16B0] =	vst v9;
	v8 =	vadd.s32 v0, v8  }
0xdd: {  	[tilespmem:$0x16C0] =	vst v8;
	v8 =	vadd.s32 v0, v62  }
0xde: {  	[tilespmem:$0x16D0] =	vst v8;
	v8 =	vadd.s32 v0, v63  }
0xdf: {  	[tilespmem:$0x16E0] =	vst v8;
	v8 =	vadd.s32 v0, v11  }
0xe0: {  	s28 =	simm.s32 $0x1680;
	[tilespmem:$0x16F0] =	vst v8  }
0xe1: {  	[tilespmem:s20], [sflag:$0x2] =	stream.indirect.gather [hbm4b:s4+s16], $0x80, s28, s16, $0xb8;
	[tilespmem:$0x1C200] =	vst v63  }
0xe2: {  	v8 =	vld [tilespmem:$0x200];
	_ =	sdelay $0x3  }
0xe3: {  	s19 =	simm.s32 $0x0;
	s21 =	simm.s32 $0x0;
	[tilespmem:$0x1200] =	vst v1  }
.LBB2_11:
0xe4: {  	vm2 =	vne.s32 v8, $0x0  }
0xe5: {  	v9 =	vmpcnt.ones.xlane vm2;
	v10 =	vmctz.xlane vm2;
	_ =	sdelay $0x1  }
0xe6: {  	(v2sf) =	vpush v9, $0x0;
	vm2 =	vlt.s32 v10, $0xF  }
0xe7: {  	s23 =	sshll.u32 s21, $0x4;
	v9 =	vnsel vm2, $0xF, v10  }
0xe8: {  	v9 =	vadd.s32 s23, v9  }
0xe9: {  	v11 =	vshll.u32 v9, $0x3  }
0xea: {  	v9 =	vand.u32 $0x7F, v9;
	v11 =	vand.u32 $0xFFFFFC00, v11  }
0xeb: {  	v9 =	vor.u32 v11, v9  }
0xec: {  	v9 =	vor.u32 $0x200, v9;
	_ =	sdelay $0x4  }
0xed: {  	v9 =	vld.idx.msk [tilespmem:v9+s3+$0x0], $0xffff;
	_ =	sdelay $0x3  }
0xee: {  	s26 =	spop (v2sf)  }
0xef: {  	vm2 =	vmmov vm0;
	v9 =	vand.u32 v2, v9;
	p0 =	sgt.s32 s26, $0x0  }
0xf0: {  	vm4 =	veq.s32 v10, v3;
	vm3 =	vne.s32 v9, $0x0;
	vm2 =	vmneg @p0 vm2  }
0xf1: {  	v8 =	vsel vm4, $0x0, v8;
	vm2 =	vmand vm3, vm2  }
0xf2: {  	vm3 =	vne.s32 v8, $0x0;
	v9 =	vmpcnt.ones.xlane vm2  }
0xf3: {  	v11 =	vmpcnt.ones.xlane vm3  }
0xf4: {  	(v2sf) =	vpush v9, $0x0  }
0xf5: {  	(v2sf) =	vpush v11, $0x0;
	_ =	sdelay $0xd  }
0xf6: {  	s26 =	spop (v2sf)  }
0xf7: {  	s28 =	spop (v2sf)  }
0xf8: {  	p0 =	seq.s32 s28, $0x0;
	s28 =	simm.s32 $0x1  }
0xf9: {  	s28 =	simm.s32 @!p0 $0x0  }
0xfa: {  	v9 =	vadd.s32 s23, v10;
	s21 =	sadd.s32 s28, s21  }
0xfb: {  	v9 =	vshll.u32 v9, $0x4;
	s23 =	smin.u32 s21, $0x1F  }
0xfc: {  	v9 =	vor.u32 v3, v9;
	s28 =	sshll.u32 s23, $0x4;
	s23 =	sshll.u32 s23, $0x7  }
0xfd: {  	[tilespmem:s19+$0x1200] =	vst.msk vm2, v9;
	s19 =	sadd.s32 s19, s26;
	p1 =	sgt.u32 s21, $0x1F;
	s23 =	sor.u32 s28, s23  }
0xfe: {  	p2 =	slt.s32 @!p1 s19, $0x40;
	s23 =	sand.u32 $0xC70, s23  }
0xff: {  	p1 =	por p1, !p2;
	v9 =	vld [tilespmem:s23+$0x200]  }
.Ltmp4:
0x100: {  	_ = 	snop;
	(pc) =	sbr.rel @!p1 .LBB2_11-.Ltmp4, $2  }
0x101: {  	_ =	sdelay $0x2  }
0x102: {  	v8 =	vpsel p0, v9, v8  }
0x103: {  	v8 =	vld [tilespmem:$0x1200];
	_ =	sdelay $0x2  }
0x104: {  	v9 =	vld [tilespmem:$0x1210]  }
0x105: {  	v10 =	vld [tilespmem:$0x1220]  }
0x106: {  	v11 =	vmov s19;
	v13 =	vld [tilespmem:$0x1230];
	v12 =	vbroadcast v8, $0x0  }
0x107: {  	vm2 =	vgt.s32 v11, v3  }
0x108: {  	v8 =	vsel vm2, v8, v12;
	vm2 =	vgt.s32 v11, v4  }
0x109: {  	[tilespmem:$0x1500] =	vst v8;
	v8 =	vsel vm2, v9, v12;
	vm2 =	vgt.s32 v11, v5  }
0x10a: {  	[tilespmem:$0x1510] =	vst v8;
	v8 =	vsel vm2, v10, v12;
	vm2 =	vgt.s32 v11, v6  }
0x10b: {  	[tilespmem:$0x1520] =	vst v8;
	v8 =	vsel vm2, v13, v12  }
0x10c: {  	[tilespmem:$0x1530] =	vst v8;
	v8 =	vld [tilespmem:$0x280];
	_ =	sdelay $0x3  }
0x10d: {  	[tilespmem:$0x1280] =	vst v1;
	s19 =	simm.s32 $0x0;
	s21 =	simm.s32 $0x0  }
.LBB2_13:
0x10e: {  	vm2 =	vne.s32 v8, $0x0  }
0x10f: {  	v9 =	vmpcnt.ones.xlane vm2;
	v10 =	vmctz.xlane vm2;
	_ =	sdelay $0x1  }
0x110: {  	(v2sf) =	vpush v9, $0x0;
	vm2 =	vlt.s32 v10, $0xF  }
0x111: {  	s23 =	sshll.u32 s21, $0x4;
	v9 =	vnsel vm2, $0xF, v10  }
0x112: {  	v9 =	vadd.s32 s23, v9  }
0x113: {  	v11 =	vshll.u32 v9, $0x3  }
0x114: {  	v9 =	vand.u32 $0x7F, v9;
	v11 =	vand.u32 $0xFFFFFC00, v11  }
0x115: {  	v9 =	vor.u32 v11, v9  }
0x116: {  	v9 =	vor.u32 $0x280, v9;
	_ =	sdelay $0x4  }
0x117: {  	v9 =	vld.idx.msk [tilespmem:v9+s3+$0x0], $0xffff;
	_ =	sdelay $0x3  }
0x118: {  	s26 =	spop (v2sf)  }
0x119: {  	vm2 =	vmmov vm0;
	v9 =	vand.u32 v2, v9;
	p0 =	sgt.s32 s26, $0x0  }
0x11a: {  	vm4 =	veq.s32 v10, v3;
	vm3 =	vne.s32 v9, $0x0;
	vm2 =	vmneg @p0 vm2  }
0x11b: {  	v8 =	vsel vm4, $0x0, v8;
	vm2 =	vmand vm3, vm2  }
0x11c: {  	vm3 =	vne.s32 v8, $0x0;
	v9 =	vmpcnt.ones.xlane vm2  }
0x11d: {  	v11 =	vmpcnt.ones.xlane vm3  }
0x11e: {  	(v2sf) =	vpush v9, $0x0  }
0x11f: {  	(v2sf) =	vpush v11, $0x0;
	_ =	sdelay $0xd  }
0x120: {  	s26 =	spop (v2sf)  }
0x121: {  	s28 =	spop (v2sf)  }
0x122: {  	p0 =	seq.s32 s28, $0x0;
	s28 =	simm.s32 $0x1  }
0x123: {  	s28 =	simm.s32 @!p0 $0x0  }
0x124: {  	v9 =	vadd.s32 s23, v10;
	s21 =	sadd.s32 s28, s21  }
0x125: {  	v9 =	vshll.u32 v9, $0x4;
	s23 =	smin.u32 s21, $0x1F  }
0x126: {  	v9 =	vor.u32 v3, v9;
	s28 =	sshll.u32 s23, $0x4;
	s23 =	sshll.u32 s23, $0x7  }
0x127: {  	[tilespmem:s19+$0x1280] =	vst.msk vm2, v9;
	s19 =	sadd.s32 s19, s26;
	p1 =	sgt.u32 s21, $0x1F;
	s23 =	sor.u32 s28, s23  }
0x128: {  	p2 =	slt.s32 @!p1 s19, $0x40;
	s23 =	sand.u32 $0xC70, s23  }
0x129: {  	p1 =	por p1, !p2;
	v9 =	vld [tilespmem:s23+$0x280]  }
.Ltmp5:
0x12a: {  	_ = 	snop;
	(pc) =	sbr.rel @!p1 .LBB2_13-.Ltmp5, $2  }
0x12b: {  	_ =	sdelay $0x2  }
0x12c: {  	v8 =	vpsel p0, v9, v8  }
0x12d: {  	v8 =	vld [tilespmem:$0x1280];
	_ =	sdelay $0x2  }
0x12e: {  	v9 =	vld [tilespmem:$0x1290]  }
0x12f: {  	v10 =	vld [tilespmem:$0x12A0]  }
0x130: {  	v11 =	vmov s19;
	v13 =	vld [tilespmem:$0x12B0];
	v12 =	vbroadcast v8, $0x0  }
0x131: {  	v14 =	vld [tilespmem:$0x1500];
	vm2 =	vgt.s32 v11, v3  }
0x132: {  	v15 =	vld [tilespmem:$0x1510];
	v8 =	vsel vm2, v8, v12;
	vm2 =	vgt.s32 v11, v4  }
0x133: {  	[tilespmem:$0x1540] =	vst v8;
	v8 =	vsel vm2, v9, v12;
	vm2 =	vgt.s32 v11, v5;
	v9 =	vld [tilespmem:$0x1520]  }
0x134: {  	[tilespmem:$0x1550] =	vst v8;
	v8 =	vsel vm2, v10, v12;
	vm2 =	vgt.s32 v11, v6;
	v10 =	vld [tilespmem:$0x1530]  }
0x135: {  	v11 =	vsel vm2, v13, v12;
	[tilespmem:$0x1560] =	vst v8;
	v8 =	vld [tilespmem:$0x1540]  }
0x136: {  	v62 =	vld [tilespmem:$0x1550];
	[tilespmem:$0x1570] =	vst v11;
	v11 =	vadd.s32 v0, v14  }
0x137: {  	v63 =	vld [tilespmem:$0x1560];
	[tilespmem:$0x1700] =	vst v11;
	v11 =	vadd.s32 v0, v15  }
0x138: {  	[tilespmem:$0x1710] =	vst v11;
	v9 =	vadd.s32 v0, v9;
	v11 =	vld [tilespmem:$0x1570]  }
0x139: {  	[tilespmem:$0x1720] =	vst v9;
	v9 =	vadd.s32 v0, v10  }
0x13a: {  	[tilespmem:$0x1730] =	vst v9;
	v8 =	vadd.s32 v0, v8  }
0x13b: {  	[tilespmem:$0x1740] =	vst v8;
	v8 =	vadd.s32 v0, v62  }
0x13c: {  	[tilespmem:$0x1750] =	vst v8;
	v8 =	vadd.s32 v0, v63  }
0x13d: {  	[tilespmem:$0x1760] =	vst v8;
	v8 =	vadd.s32 v0, v11  }
0x13e: {  	s28 =	simm.s32 $0x1700;
	[tilespmem:$0x1770] =	vst v8  }
0x13f: {  	[tilespmem:s22], [sflag:$0x3] =	stream.indirect.gather [hbm4b:s4+s16], $0x80, s28, s16, $0xb8;
	[tilespmem:$0x1C200] =	vst v63  }
0x140: {  	v8 =	vld [tilespmem:$0x300];
	_ =	sdelay $0x3  }
0x141: {  	s19 =	simm.s32 $0x0;
	s21 =	simm.s32 $0x0;
	[tilespmem:$0x1300] =	vst v1  }
.LBB2_15:
0x142: {  	vm2 =	vne.s32 v8, $0x0  }
0x143: {  	v9 =	vmpcnt.ones.xlane vm2;
	v10 =	vmctz.xlane vm2;
	_ =	sdelay $0x1  }
0x144: {  	(v2sf) =	vpush v9, $0x0;
	vm2 =	vlt.s32 v10, $0xF  }
0x145: {  	s23 =	sshll.u32 s21, $0x4;
	v9 =	vnsel vm2, $0xF, v10  }
0x146: {  	v9 =	vadd.s32 s23, v9  }
0x147: {  	v11 =	vshll.u32 v9, $0x3  }
0x148: {  	v9 =	vand.u32 $0x7F, v9;
	v11 =	vand.u32 $0xFFFFFC00, v11  }
0x149: {  	v9 =	vor.u32 v11, v9  }
0x14a: {  	v9 =	vor.u32 $0x300, v9;
	_ =	sdelay $0x4  }
0x14b: {  	v9 =	vld.idx.msk [tilespmem:v9+s3+$0x0], $0xffff;
	_ =	sdelay $0x3  }
0x14c: {  	s26 =	spop (v2sf)  }
0x14d: {  	vm2 =	vmmov vm0;
	v9 =	vand.u32 v2, v9;
	p0 =	sgt.s32 s26, $0x0  }
0x14e: {  	vm4 =	veq.s32 v10, v3;
	vm3 =	vne.s32 v9, $0x0;
	vm2 =	vmneg @p0 vm2  }
0x14f: {  	v8 =	vsel vm4, $0x0, v8;
	vm2 =	vmand vm3, vm2  }
0x150: {  	vm3 =	vne.s32 v8, $0x0;
	v9 =	vmpcnt.ones.xlane vm2  }
0x151: {  	v11 =	vmpcnt.ones.xlane vm3  }
0x152: {  	(v2sf) =	vpush v9, $0x0  }
0x153: {  	(v2sf) =	vpush v11, $0x0;
	_ =	sdelay $0xd  }
0x154: {  	s26 =	spop (v2sf)  }
0x155: {  	s28 =	spop (v2sf)  }
0x156: {  	p0 =	seq.s32 s28, $0x0;
	s28 =	simm.s32 $0x1  }
0x157: {  	s28 =	simm.s32 @!p0 $0x0  }
0x158: {  	v9 =	vadd.s32 s23, v10;
	s21 =	sadd.s32 s28, s21  }
0x159: {  	v9 =	vshll.u32 v9, $0x4;
	s23 =	smin.u32 s21, $0x1F  }
0x15a: {  	v9 =	vor.u32 v3, v9;
	s28 =	sshll.u32 s23, $0x4;
	s23 =	sshll.u32 s23, $0x7  }
0x15b: {  	[tilespmem:s19+$0x1300] =	vst.msk vm2, v9;
	s19 =	sadd.s32 s19, s26;
	p1 =	sgt.u32 s21, $0x1F;
	s23 =	sor.u32 s28, s23  }
0x15c: {  	p2 =	slt.s32 @!p1 s19, $0x40;
	s23 =	sand.u32 $0xC70, s23  }
0x15d: {  	p1 =	por p1, !p2;
	v9 =	vld [tilespmem:s23+$0x300]  }
.Ltmp6:
0x15e: {  	_ = 	snop;
	(pc) =	sbr.rel @!p1 .LBB2_15-.Ltmp6, $2  }
0x15f: {  	_ =	sdelay $0x2  }
0x160: {  	v8 =	vpsel p0, v9, v8  }
0x161: {  	v8 =	vld [tilespmem:$0x1300];
	_ =	sdelay $0x2  }
0x162: {  	v9 =	vld [tilespmem:$0x1310]  }
0x163: {  	v10 =	vld [tilespmem:$0x1320]  }
0x164: {  	v11 =	vmov s19;
	v13 =	vld [tilespmem:$0x1330];
	v12 =	vbroadcast v8, $0x0  }
0x165: {  	vm2 =	vgt.s32 v11, v3  }
0x166: {  	v8 =	vsel vm2, v8, v12;
	vm2 =	vgt.s32 v11, v4  }
0x167: {  	[tilespmem:$0x1580] =	vst v8;
	v8 =	vsel vm2, v9, v12;
	vm2 =	vgt.s32 v11, v5  }
0x168: {  	[tilespmem:$0x1590] =	vst v8;
	v8 =	vsel vm2, v10, v12;
	vm2 =	vgt.s32 v11, v6  }
0x169: {  	[tilespmem:$0x15A0] =	vst v8;
	v8 =	vsel vm2, v13, v12  }
0x16a: {  	[tilespmem:$0x15B0] =	vst v8;
	v8 =	vld [tilespmem:$0x380];
	_ =	sdelay $0x3  }
0x16b: {  	[tilespmem:$0x1380] =	vst v1;
	s19 =	simm.s32 $0x0;
	s21 =	simm.s32 $0x0  }
.LBB2_17:
0x16c: {  	vm2 =	vne.s32 v8, $0x0  }
0x16d: {  	v9 =	vmpcnt.ones.xlane vm2;
	v10 =	vmctz.xlane vm2;
	_ =	sdelay $0x1  }
0x16e: {  	(v2sf) =	vpush v9, $0x0;
	vm2 =	vlt.s32 v10, $0xF  }
0x16f: {  	s23 =	sshll.u32 s21, $0x4;
	v9 =	vnsel vm2, $0xF, v10  }
0x170: {  	v9 =	vadd.s32 s23, v9  }
0x171: {  	v11 =	vshll.u32 v9, $0x3  }
0x172: {  	v9 =	vand.u32 $0x7F, v9;
	v11 =	vand.u32 $0xFFFFFC00, v11  }
0x173: {  	v9 =	vor.u32 v11, v9  }
0x174: {  	v9 =	vor.u32 $0x380, v9;
	_ =	sdelay $0x4  }
0x175: {  	v9 =	vld.idx.msk [tilespmem:v9+s3+$0x0], $0xffff;
	_ =	sdelay $0x3  }
0x176: {  	s26 =	spop (v2sf)  }
0x177: {  	vm2 =	vmmov vm0;
	v9 =	vand.u32 v2, v9;
	p0 =	sgt.s32 s26, $0x0  }
0x178: {  	vm4 =	veq.s32 v10, v3;
	vm3 =	vne.s32 v9, $0x0;
	vm2 =	vmneg @p0 vm2  }
0x179: {  	v8 =	vsel vm4, $0x0, v8;
	vm2 =	vmand vm3, vm2  }
0x17a: {  	vm3 =	vne.s32 v8, $0x0;
	v9 =	vmpcnt.ones.xlane vm2  }
0x17b: {  	v11 =	vmpcnt.ones.xlane vm3  }
0x17c: {  	(v2sf) =	vpush v9, $0x0  }
0x17d: {  	(v2sf) =	vpush v11, $0x0;
	_ =	sdelay $0xd  }
0x17e: {  	s26 =	spop (v2sf)  }
0x17f: {  	s28 =	spop (v2sf)  }
0x180: {  	p0 =	seq.s32 s28, $0x0;
	s28 =	simm.s32 $0x1  }
0x181: {  	s28 =	simm.s32 @!p0 $0x0  }
0x182: {  	v9 =	vadd.s32 s23, v10;
	s21 =	sadd.s32 s28, s21  }
0x183: {  	v9 =	vshll.u32 v9, $0x4;
	s23 =	smin.u32 s21, $0x1F  }
0x184: {  	v9 =	vor.u32 v3, v9;
	s28 =	sshll.u32 s23, $0x4;
	s23 =	sshll.u32 s23, $0x7  }
0x185: {  	[tilespmem:s19+$0x1380] =	vst.msk vm2, v9;
	s19 =	sadd.s32 s19, s26;
	p1 =	sgt.u32 s21, $0x1F;
	s23 =	sor.u32 s23, s28  }
0x186: {  	p2 =	slt.s32 @!p1 s19, $0x40;
	s23 =	sor.u32 $0x380, s23  }
0x187: {  	p1 =	por p1, !p2;
	v9 =	vld [tilespmem:s23+$0x0]  }
.Ltmp7:
0x188: {  	_ = 	snop;
	(pc) =	sbr.rel @!p1 .LBB2_17-.Ltmp7, $2  }
0x189: {  	_ =	sdelay $0x2  }
0x18a: {  	v8 =	vpsel p0, v9, v8  }
0x18b: {  	v8 =	vld [tilespmem:$0x1380];
	_ =	sdelay $0x2  }
0x18c: {  	v9 =	vld [tilespmem:$0x1390]  }
0x18d: {  	v10 =	vld [tilespmem:$0x13A0]  }
0x18e: {  	v11 =	vmov s19;
	v14 =	vld [tilespmem:$0x1580];
	v12 =	vbroadcast v8, $0x0  }
0x18f: {  	v13 =	vld [tilespmem:$0x13B0];
	vm2 =	vgt.s32 v11, v3  }
0x190: {  	v15 =	vld [tilespmem:$0x1590];
	v8 =	vsel vm2, v8, v12;
	vm2 =	vgt.s32 v11, v4  }
0x191: {  	v30 =	vld [tilespmem:$0x15B0];
	[tilespmem:$0x15C0] =	vst v8;
	v8 =	vsel vm2, v9, v12;
	vm2 =	vgt.s32 v11, v5  }
0x192: {  	v29 =	vld [tilespmem:$0x15A0];
	[tilespmem:$0x15D0] =	vst v8;
	v8 =	vsel vm2, v10, v12  }
0x193: {  	v31 =	vadd.s32 v0, v14;
	vm2 =	vgt.s32 v11, v6;
	[tilespmem:$0x15E0] =	vst v8;
	v8 =	vld [tilespmem:$0x15C0]  }
0x194: {  	[tilespmem:$0x1780] =	vst v31;
	v11 =	vsel vm2, v13, v12;
	v32 =	vld [tilespmem:$0x15D0]  }
0x195: {  	v33 =	vadd.s32 v0, v15;
	[tilespmem:$0x15F0] =	vst v11;
	v34 =	vld [tilespmem:$0x15E0]  }
0x196: {  	v36 =	vadd.s32 v0, v30;
	[tilespmem:$0x1790] =	vst v33;
	v35 =	vld [tilespmem:$0x15F0]  }
0x197: {  	[tilespmem:$0x17B0] =	vst v36;
	v9 =	vadd.s32 v0, v29  }
0x198: {  	[tilespmem:$0x17A0] =	vst v9;
	v8 =	vadd.s32 v0, v8  }
0x199: {  	[tilespmem:$0x17C0] =	vst v8;
	v8 =	vadd.s32 v0, v32  }
0x19a: {  	[tilespmem:$0x17D0] =	vst v8;
	v8 =	vadd.s32 v0, v34  }
0x19b: {  	[tilespmem:$0x17E0] =	vst v8;
	v8 =	vadd.s32 v0, v35  }
0x19c: {  	s21 =	simm.s32 $0x1780;
	[tilespmem:$0x17F0] =	vst v8  }
0x19d: {  	[tilespmem:s24], [sflag:$0x4] =	stream.indirect.gather [hbm4b:s4+s16], $0x80, s21, s16, $0xb8;
	[tilespmem:$0x1C200] =	vst v63  }
0x19e: {  	v37 =	vld [tilespmem:$0x1400];
	_ =	sdelay $0x3  }
0x19f: {  	s23 =	sand.u32 $0x1FC, s17;
	v8 =	vmul.u32 $0x200, v3  }
0x1a0: {  	s19 =	sor.u32 s9, s23;
	v9 =	vshll.u32 v37, $0x2  }
0x1a1: {  	v38 =	vadd.s32 s19, v8  }
0x1a2: {  	s26 =	sshll.u32 s2, $0x7;
	v10 =	vsel vm1, v38, v7  }
0x1a3: {  	s19 =	sand.u32 $0x3FFFFF80, s26;
	v39 =	vld [tilespmem:$0x1410];
	[tilespmem:$0x1C000] =	vst v10  }
0x1a4: {  	v10 =	vld [tilespmem:s19+$0x1B800]  }
0x1a5: {  	v9 =	vld.idx.msk [tilespmem:v9+s11+$0x0], $0xffff;
	_ =	sdelay $0x4  }
0x1a6: {  	v11 =	vshll.u32 v39, $0x2;
	v40 =	vbroadcast v10, $0x0;
	v9 =	vmul.f32 $2.500000000e+00, v9;
	_ =	sdelay $0x1  }
0x1a7: {  	v41 =	vsub.f32 v9, v40  }
0x1a8: {  	v43 =	vld [tilespmem:$0x1420]  }
0x1a9: {  	v42 =	vld [tilespmem:s19+$0x1B810];
	[tilespmem:$0x19800] =	vst v41  }
0x1aa: {  	v11 =	vld.idx.msk [tilespmem:v11+s11+$0x0], $0xffff;
	_ =	sdelay $0x4  }
0x1ab: {  	v13 =	vshll.u32 v43, $0x2;
	v11 =	vmul.f32 $2.500000000e+00, v11;
	_ =	sdelay $0x1  }
0x1ac: {  	v11 =	vsub.f32 v11, v40;
	_ =	sdelay $0x1  }
0x1ad: {  	v44 =	vld [tilespmem:$0x1430];
	[tilespmem:$0x19810] =	vst v11  }
0x1ae: {  	v11 =	vld.idx.msk [tilespmem:v13+s11+$0x0], $0xffff;
	_ =	sdelay $0x4  }
0x1af: {  	v13 =	vshll.u32 v44, $0x2;
	v11 =	vmul.f32 $2.500000000e+00, v11;
	_ =	sdelay $0x1  }
0x1b0: {  	v11 =	vsub.f32 v11, v40;
	_ =	sdelay $0x1  }
0x1b1: {  	v45 =	vld [tilespmem:$0x1440];
	[tilespmem:$0x19820] =	vst v11  }
0x1b2: {  	v11 =	vld.idx.msk [tilespmem:v13+s11+$0x0], $0xffff;
	_ =	sdelay $0x4  }
0x1b3: {  	v13 =	vshll.u32 v45, $0x2;
	v11 =	vmul.f32 $2.500000000e+00, v11;
	_ =	sdelay $0x1  }
0x1b4: {  	v11 =	vsub.f32 v11, v40;
	_ =	sdelay $0x1  }
0x1b5: {  	v46 =	vld [tilespmem:$0x1450];
	[tilespmem:$0x19830] =	vst v11  }
0x1b6: {  	v11 =	vld.idx.msk [tilespmem:v13+s11+$0x0], $0xffff;
	_ =	sdelay $0x4  }
0x1b7: {  	v12 =	vshll.u32 v46, $0x2;
	v47 =	vbroadcast v42, $0x0;
	v11 =	vmul.f32 $2.500000000e+00, v11;
	_ =	sdelay $0x1  }
0x1b8: {  	v11 =	vsub.f32 v11, v47;
	_ =	sdelay $0x1  }
0x1b9: {  	v48 =	vld [tilespmem:$0x1460];
	[tilespmem:$0x19840] =	vst v11  }
0x1ba: {  	v11 =	vld.idx.msk [tilespmem:v12+s11+$0x0], $0xffff;
	_ =	sdelay $0x4  }
0x1bb: {  	v12 =	vshll.u32 v48, $0x2;
	v11 =	vmul.f32 $2.500000000e+00, v11;
	_ =	sdelay $0x1  }
0x1bc: {  	v11 =	vsub.f32 v11, v47;
	_ =	sdelay $0x1  }
0x1bd: {  	v49 =	vld [tilespmem:$0x1470];
	[tilespmem:$0x19850] =	vst v11  }
0x1be: {  	v11 =	vld.idx.msk [tilespmem:v12+s11+$0x0], $0xffff;
	_ =	sdelay $0x4  }
0x1bf: {  	v12 =	vshll.u32 v49, $0x2;
	v11 =	vmul.f32 $2.500000000e+00, v11;
	_ =	sdelay $0x1  }
0x1c0: {  	v11 =	vsub.f32 v11, v47;
	_ =	sdelay $0x1  }
0x1c1: {  	v50 =	vld [tilespmem:$0x1400];
	[tilespmem:$0x19860] =	vst v11  }
0x1c2: {  	v12 =	vld.idx.msk [tilespmem:v12+s11+$0x0], $0xffff;
	_ =	sdelay $0x3  }
0x1c3: {  	v11 =	vshll.u32 v50, $0x2  }
0x1c4: {  	v11 =	vor.u32 $0x1, v11;
	v12 =	vmul.f32 $2.500000000e+00, v12;
	_ =	sdelay $0x1  }
0x1c5: {  	v12 =	vsub.f32 v12, v47;
	_ =	sdelay $0x1  }
0x1c6: {  	v51 =	vld [tilespmem:$0x1410];
	[tilespmem:$0x19870] =	vst v12  }
0x1c7: {  	v11 =	vld.idx.msk [tilespmem:v11+s11+$0x0], $0xffff;
	_ =	sdelay $0x3  }
0x1c8: {  	v12 =	vshll.u32 v51, $0x2  }
0x1c9: {  	v52 =	vbroadcast v10, $0x1;
	v12 =	vor.u32 $0x1, v12;
	v11 =	vmul.f32 $2.500000000e+00, v11;
	_ =	sdelay $0x1  }
0x1ca: {  	v11 =	vsub.f32 v11, v52;
	_ =	sdelay $0x1  }
0x1cb: {  	v53 =	vld [tilespmem:$0x1420];
	[tilespmem:$0x19880] =	vst v11  }
0x1cc: {  	v12 =	vld.idx.msk [tilespmem:v12+s11+$0x0], $0xffff;
	_ =	sdelay $0x3  }
0x1cd: {  	v11 =	vshll.u32 v53, $0x2  }
0x1ce: {  	v11 =	vor.u32 $0x1, v11;
	v12 =	vmul.f32 $2.500000000e+00, v12;
	_ =	sdelay $0x1  }
0x1cf: {  	v12 =	vsub.f32 v12, v52;
	_ =	sdelay $0x1  }
0x1d0: {  	v54 =	vld [tilespmem:$0x1430];
	[tilespmem:$0x19890] =	vst v12  }
0x1d1: {  	v11 =	vld.idx.msk [tilespmem:v11+s11+$0x0], $0xffff;
	_ =	sdelay $0x3  }
0x1d2: {  	v12 =	vshll.u32 v54, $0x2  }
0x1d3: {  	v12 =	vor.u32 $0x1, v12;
	v11 =	vmul.f32 $2.500000000e+00, v11;
	_ =	sdelay $0x1  }
0x1d4: {  	v11 =	vsub.f32 v11, v52;
	_ =	sdelay $0x1  }
0x1d5: {  	v55 =	vld [tilespmem:$0x1440];
	[tilespmem:$0x198A0] =	vst v11  }
0x1d6: {  	v12 =	vld.idx.msk [tilespmem:v12+s11+$0x0], $0xffff;
	_ =	sdelay $0x3  }
0x1d7: {  	v11 =	vshll.u32 v55, $0x2  }
0x1d8: {  	v11 =	vor.u32 $0x1, v11;
	v12 =	vmul.f32 $2.500000000e+00, v12;
	_ =	sdelay $0x1  }
0x1d9: {  	v12 =	vsub.f32 v12, v52;
	_ =	sdelay $0x1  }
0x1da: {  	v56 =	vld [tilespmem:$0x1450];
	[tilespmem:$0x198B0] =	vst v12  }
0x1db: {  	v11 =	vld.idx.msk [tilespmem:v11+s11+$0x0], $0xffff;
	_ =	sdelay $0x3  }
0x1dc: {  	v12 =	vshll.u32 v56, $0x2  }
0x1dd: {  	v57 =	vbroadcast v42, $0x1;
	v12 =	vor.u32 $0x1, v12;
	v11 =	vmul.f32 $2.500000000e+00, v11;
	_ =	sdelay $0x1  }
0x1de: {  	v11 =	vsub.f32 v11, v57;
	_ =	sdelay $0x1  }
0x1df: {  	v58 =	vld [tilespmem:$0x1460];
	[tilespmem:$0x198C0] =	vst v11  }
0x1e0: {  	v12 =	vld.idx.msk [tilespmem:v12+s11+$0x0], $0xffff;
	_ =	sdelay $0x3  }
0x1e1: {  	v11 =	vshll.u32 v58, $0x2  }
0x1e2: {  	v11 =	vor.u32 $0x1, v11;
	v12 =	vmul.f32 $2.500000000e+00, v12;
	_ =	sdelay $0x1  }
0x1e3: {  	v12 =	vsub.f32 v12, v57;
	_ =	sdelay $0x1  }
0x1e4: {  	v59 =	vld [tilespmem:$0x1470];
	[tilespmem:$0x198D0] =	vst v12  }
0x1e5: {  	v11 =	vld.idx.msk [tilespmem:v11+s11+$0x0], $0xffff;
	_ =	sdelay $0x3  }
0x1e6: {  	v12 =	vshll.u32 v59, $0x2  }
0x1e7: {  	v12 =	vor.u32 $0x1, v12;
	v11 =	vmul.f32 $2.500000000e+00, v11;
	_ =	sdelay $0x1  }
0x1e8: {  	v11 =	vsub.f32 v11, v57;
	_ =	sdelay $0x1  }
0x1e9: {  	v60 =	vld [tilespmem:$0x1400];
	[tilespmem:$0x198E0] =	vst v11  }
0x1ea: {  	v12 =	vld.idx.msk [tilespmem:v12+s11+$0x0], $0xffff;
	_ =	sdelay $0x3  }
0x1eb: {  	v11 =	vshll.u32 v60, $0x2  }
0x1ec: {  	v11 =	vor.u32 $0x2, v11;
	v12 =	vmul.f32 $2.500000000e+00, v12;
	_ =	sdelay $0x1  }
0x1ed: {  	v12 =	vsub.f32 v12, v57;
	_ =	sdelay $0x1  }
0x1ee: {  	v61 =	vld [tilespmem:$0x1410];
	[tilespmem:$0x198F0] =	vst v12  }
0x1ef: {  	v11 =	vld.idx.msk [tilespmem:v11+s11+$0x0], $0xffff;
	_ =	sdelay $0x3  }
0x1f0: {  	v12 =	vshll.u32 v61, $0x2  }
0x1f1: {  	v10 =	vbroadcast v10, $0x2;
	v12 =	vor.u32 $0x2, v12;
	v11 =	vmul.f32 $2.500000000e+00, v11;
	_ =	sdelay $0x1  }
0x1f2: {  	v11 =	vsub.f32 v11, v10;
	_ =	sdelay $0x1  }
0x1f3: {  	v62 =	vld [tilespmem:$0x1420];
	[tilespmem:$0x19900] =	vst v11  }
0x1f4: {  	v12 =	vld.idx.msk [tilespmem:v12+s11+$0x0], $0xffff;
	_ =	sdelay $0x3  }
0x1f5: {  	v11 =	vshll.u32 v62, $0x2  }
0x1f6: {  	v11 =	vor.u32 $0x2, v11;
	v12 =	vmul.f32 $2.500000000e+00, v12;
	_ =	sdelay $0x1  }
0x1f7: {  	v12 =	vsub.f32 v12, v10;
	_ =	sdelay $0x1  }
0x1f8: {  	v63 =	vld [tilespmem:$0x1430];
	[tilespmem:$0x19910] =	vst v12  }
0x1f9: {  	v11 =	vld.idx.msk [tilespmem:v11+s11+$0x0], $0xffff;
	_ =	sdelay $0x3  }
0x1fa: {  	v12 =	vshll.u32 v63, $0x2  }
0x1fb: {  	v12 =	vor.u32 $0x2, v12;
	v11 =	vmul.f32 $2.500000000e+00, v11;
	_ =	sdelay $0x1  }
0x1fc: {  	v11 =	vsub.f32 v11, v10;
	_ =	sdelay $0x1  }
0x1fd: {  	v16 =	vld [tilespmem:$0x1440];
	[tilespmem:$0x19920] =	vst v11  }
0x1fe: {  	v12 =	vld.idx.msk [tilespmem:v12+s11+$0x0], $0xffff;
	_ =	sdelay $0x3  }
0x1ff: {  	v11 =	vshll.u32 v16, $0x2  }
0x200: {  	v11 =	vor.u32 $0x2, v11;
	v12 =	vmul.f32 $2.500000000e+00, v12;
	_ =	sdelay $0x1  }
0x201: {  	v10 =	vsub.f32 v12, v10;
	_ =	sdelay $0x1  }
0x202: {  	v17 =	vld [tilespmem:$0x1450];
	[tilespmem:$0x19930] =	vst v10  }
0x203: {  	v11 =	vld.idx.msk [tilespmem:v11+s11+$0x0], $0xffff;
	_ =	sdelay $0x3  }
0x204: {  	v10 =	vshll.u32 v17, $0x2  }
0x205: {  	v9 =	vbroadcast v42, $0x2;
	v10 =	vor.u32 $0x2, v10;
	v11 =	vmul.f32 $2.500000000e+00, v11;
	_ =	sdelay $0x1  }
0x206: {  	v11 =	vsub.f32 v11, v9;
	_ =	sdelay $0x1  }
0x207: {  	v18 =	vld [tilespmem:$0x1460];
	[tilespmem:$0x19940] =	vst v11  }
0x208: {  	v10 =	vld.idx.msk [tilespmem:v10+s11+$0x0], $0xffff;
	_ =	sdelay $0x3  }
0x209: {  	v11 =	vshll.u32 v18, $0x2  }
0x20a: {  	v11 =	vor.u32 $0x2, v11;
	v10 =	vmul.f32 $2.500000000e+00, v10;
	_ =	sdelay $0x1  }
0x20b: {  	v10 =	vsub.f32 v10, v9;
	_ =	sdelay $0x1  }
0x20c: {  	v19 =	vld [tilespmem:$0x1470];
	[tilespmem:$0x19950] =	vst v10  }
0x20d: {  	v11 =	vld.idx.msk [tilespmem:v11+s11+$0x0], $0xffff;
	_ =	sdelay $0x3  }
0x20e: {  	v10 =	vshll.u32 v19, $0x2  }
0x20f: {  	v10 =	vor.u32 $0x2, v10;
	v11 =	vmul.f32 $2.500000000e+00, v11;
	_ =	sdelay $0x1  }
0x210: {  	v11 =	vsub.f32 v11, v9;
	_ =	sdelay $0x1  }
0x211: {  	[tilespmem:$0x19960] =	vst v11  }
0x212: {  	v10 =	vld.idx.msk [tilespmem:v10+s11+$0x0], $0xffff;
	_ =	sdelay $0x4  }
0x213: {  	v10 =	vmul.f32 $2.500000000e+00, v10;
	_ =	sdelay $0x1  }
0x214: {  	v9 =	vsub.f32 v10, v9;
	_ =	sdelay $0x1  }
0x215: {  	s23 =	simm.s32 $0x19800;
	s21 =	simm.s32 $0x1C000;
	[tilespmem:$0x19970] =	vst v9  }
0x216: {  	[hbm4b:s5+s25] =	stream.indirect.scatter [tilespmem:s23], [sflag:$0x5], $0x80, s21, s25, $0xb8;
	[tilespmem:$0x1C200] =	vst v63  }
0x217: {  	v20 =	vld [tilespmem:$0x1480];
	_ =	sdelay $0x2  }
0x218: {  	s21 =	sor.u32 $0x1, s17  }
0x219: {  	s28 =	sand.u32 $0x1FD, s21  }
0x21a: {  	s23 =	sor.u32 s9, s28;
	v9 =	vshll.u32 v20, $0x2  }
0x21b: {  	v21 =	vadd.s32 s23, v8  }
0x21c: {  	v10 =	vsel vm1, v21, v7  }
0x21d: {  	v22 =	vld [tilespmem:$0x1490];
	[tilespmem:$0x1C080] =	vst v10  }
0x21e: {  	v10 =	vld [tilespmem:s19+$0x1B820]  }
0x21f: {  	v9 =	vld.idx.msk [tilespmem:v9+s11+$0x0], $0xffff;
	_ =	sdelay $0x4  }
0x220: {  	v11 =	vshll.u32 v22, $0x2;
	v23 =	vbroadcast v10, $0x0;
	v9 =	vmul.f32 $2.500000000e+00, v9;
	_ =	sdelay $0x1  }
0x221: {  	v24 =	vsub.f32 v9, v23  }
0x222: {  	v26 =	vld [tilespmem:$0x14A0]  }
0x223: {  	v25 =	vld [tilespmem:s19+$0x1B830];
	[tilespmem:$0x1A000] =	vst v24  }
0x224: {  	v11 =	vld.idx.msk [tilespmem:v11+s11+$0x0], $0xffff;
	_ =	sdelay $0x4  }
0x225: {  	v13 =	vshll.u32 v26, $0x2;
	v11 =	vmul.f32 $2.500000000e+00, v11;
	_ =	sdelay $0x1  }
0x226: {  	v11 =	vsub.f32 v11, v23;
	_ =	sdelay $0x1  }
0x227: {  	v27 =	vld [tilespmem:$0x14B0];
	[tilespmem:$0x1A010] =	vst v11  }
0x228: {  	v11 =	vld.idx.msk [tilespmem:v13+s11+$0x0], $0xffff;
	_ =	sdelay $0x4  }
0x229: {  	v13 =	vshll.u32 v27, $0x2;
	v11 =	vmul.f32 $2.500000000e+00, v11;
	_ =	sdelay $0x1  }
0x22a: {  	v11 =	vsub.f32 v11, v23;
	_ =	sdelay $0x1  }
0x22b: {  	v28 =	vld [tilespmem:$0x14C0];
	[tilespmem:$0x1A020] =	vst v11  }
0x22c: {  	v11 =	vld.idx.msk [tilespmem:v13+s11+$0x0], $0xffff;
	_ =	sdelay $0x4  }
0x22d: {  	v13 =	vshll.u32 v28, $0x2;
	v11 =	vmul.f32 $2.500000000e+00, v11;
	_ =	sdelay $0x1  }
0x22e: {  	v11 =	vsub.f32 v11, v23;
	_ =	sdelay $0x1  }
0x22f: {  	v29 =	vld [tilespmem:$0x14D0];
	[tilespmem:$0x1A030] =	vst v11  }
0x230: {  	v11 =	vld.idx.msk [tilespmem:v13+s11+$0x0], $0xffff;
	_ =	sdelay $0x4  }
0x231: {  	v12 =	vshll.u32 v29, $0x2;
	v30 =	vbroadcast v25, $0x0;
	v11 =	vmul.f32 $2.500000000e+00, v11;
	_ =	sdelay $0x1  }
0x232: {  	v11 =	vsub.f32 v11, v30;
	_ =	sdelay $0x1  }
0x233: {  	v31 =	vld [tilespmem:$0x14E0];
	[tilespmem:$0x1A040] =	vst v11  }
0x234: {  	v11 =	vld.idx.msk [tilespmem:v12+s11+$0x0], $0xffff;
	_ =	sdelay $0x4  }
0x235: {  	v12 =	vshll.u32 v31, $0x2;
	v11 =	vmul.f32 $2.500000000e+00, v11;
	_ =	sdelay $0x1  }
0x236: {  	v11 =	vsub.f32 v11, v30;
	_ =	sdelay $0x1  }
0x237: {  	v32 =	vld [tilespmem:$0x14F0];
	[tilespmem:$0x1A050] =	vst v11  }
0x238: {  	v11 =	vld.idx.msk [tilespmem:v12+s11+$0x0], $0xffff;
	_ =	sdelay $0x4  }
0x239: {  	v12 =	vshll.u32 v32, $0x2;
	v11 =	vmul.f32 $2.500000000e+00, v11;
	_ =	sdelay $0x1  }
0x23a: {  	v11 =	vsub.f32 v11, v30;
	_ =	sdelay $0x1  }
0x23b: {  	v33 =	vld [tilespmem:$0x1480];
	[tilespmem:$0x1A060] =	vst v11  }
0x23c: {  	v12 =	vld.idx.msk [tilespmem:v12+s11+$0x0], $0xffff;
	_ =	sdelay $0x3  }
0x23d: {  	v11 =	vshll.u32 v33, $0x2  }
0x23e: {  	v11 =	vor.u32 $0x1, v11;
	v12 =	vmul.f32 $2.500000000e+00, v12;
	_ =	sdelay $0x1  }
0x23f: {  	v12 =	vsub.f32 v12, v30;
	_ =	sdelay $0x1  }
0x240: {  	v34 =	vld [tilespmem:$0x1490];
	[tilespmem:$0x1A070] =	vst v12  }
0x241: {  	v11 =	vld.idx.msk [tilespmem:v11+s11+$0x0], $0xffff;
	_ =	sdelay $0x3  }
0x242: {  	v12 =	vshll.u32 v34, $0x2  }
0x243: {  	v35 =	vbroadcast v10, $0x1;
	v12 =	vor.u32 $0x1, v12;
	v11 =	vmul.f32 $2.500000000e+00, v11;
	_ =	sdelay $0x1  }
0x244: {  	v11 =	vsub.f32 v11, v35;
	_ =	sdelay $0x1  }
0x245: {  	v36 =	vld [tilespmem:$0x14A0];
	[tilespmem:$0x1A080] =	vst v11  }
0x246: {  	v12 =	vld.idx.msk [tilespmem:v12+s11+$0x0], $0xffff;
	_ =	sdelay $0x3  }
0x247: {  	v11 =	vshll.u32 v36, $0x2  }
0x248: {  	v11 =	vor.u32 $0x1, v11;
	v12 =	vmul.f32 $2.500000000e+00, v12;
	_ =	sdelay $0x1  }
0x249: {  	v12 =	vsub.f32 v12, v35;
	_ =	sdelay $0x1  }
0x24a: {  	v37 =	vld [tilespmem:$0x14B0];
	[tilespmem:$0x1A090] =	vst v12  }
0x24b: {  	v11 =	vld.idx.msk [tilespmem:v11+s11+$0x0], $0xffff;
	_ =	sdelay $0x3  }
0x24c: {  	v12 =	vshll.u32 v37, $0x2  }
0x24d: {  	v12 =	vor.u32 $0x1, v12;
	v11 =	vmul.f32 $2.500000000e+00, v11;
	_ =	sdelay $0x1  }
0x24e: {  	v11 =	vsub.f32 v11, v35;
	_ =	sdelay $0x1  }
0x24f: {  	v38 =	vld [tilespmem:$0x14C0];
	[tilespmem:$0x1A0A0] =	vst v11  }
0x250: {  	v12 =	vld.idx.msk [tilespmem:v12+s11+$0x0], $0xffff;
	_ =	sdelay $0x3  }
0x251: {  	v11 =	vshll.u32 v38, $0x2  }
0x252: {  	v11 =	vor.u32 $0x1, v11;
	v12 =	vmul.f32 $2.500000000e+00, v12;
	_ =	sdelay $0x1  }
0x253: {  	v12 =	vsub.f32 v12, v35;
	_ =	sdelay $0x1  }
0x254: {  	v39 =	vld [tilespmem:$0x14D0];
	[tilespmem:$0x1A0B0] =	vst v12  }
0x255: {  	v11 =	vld.idx.msk [tilespmem:v11+s11+$0x0], $0xffff;
	_ =	sdelay $0x3  }
0x256: {  	v12 =	vshll.u32 v39, $0x2  }
0x257: {  	v40 =	vbroadcast v25, $0x1;
	v12 =	vor.u32 $0x1, v12;
	v11 =	vmul.f32 $2.500000000e+00, v11;
	_ =	sdelay $0x1  }
0x258: {  	v11 =	vsub.f32 v11, v40;
	_ =	sdelay $0x1  }
0x259: {  	v41 =	vld [tilespmem:$0x14E0];
	[tilespmem:$0x1A0C0] =	vst v11  }
0x25a: {  	v12 =	vld.idx.msk [tilespmem:v12+s11+$0x0], $0xffff;
	_ =	sdelay $0x3  }
0x25b: {  	v11 =	vshll.u32 v41, $0x2  }
0x25c: {  	v11 =	vor.u32 $0x1, v11;
	v12 =	vmul.f32 $2.500000000e+00, v12;
	_ =	sdelay $0x1  }
0x25d: {  	v12 =	vsub.f32 v12, v40;
	_ =	sdelay $0x1  }
0x25e: {  	v42 =	vld [tilespmem:$0x14F0];
	[tilespmem:$0x1A0D0] =	vst v12  }
0x25f: {  	v11 =	vld.idx.msk [tilespmem:v11+s11+$0x0], $0xffff;
	_ =	sdelay $0x3  }
0x260: {  	v12 =	vshll.u32 v42, $0x2  }
0x261: {  	v12 =	vor.u32 $0x1, v12;
	v11 =	vmul.f32 $2.500000000e+00, v11;
	_ =	sdelay $0x1  }
0x262: {  	v11 =	vsub.f32 v11, v40;
	_ =	sdelay $0x1  }
0x263: {  	v43 =	vld [tilespmem:$0x1480];
	[tilespmem:$0x1A0E0] =	vst v11  }
0x264: {  	v12 =	vld.idx.msk [tilespmem:v12+s11+$0x0], $0xffff;
	_ =	sdelay $0x3  }
0x265: {  	v11 =	vshll.u32 v43, $0x2  }
0x266: {  	v11 =	vor.u32 $0x2, v11;
	v12 =	vmul.f32 $2.500000000e+00, v12;
	_ =	sdelay $0x1  }
0x267: {  	v12 =	vsub.f32 v12, v40;
	_ =	sdelay $0x1  }
0x268: {  	v44 =	vld [tilespmem:$0x1490];
	[tilespmem:$0x1A0F0] =	vst v12  }
0x269: {  	v11 =	vld.idx.msk [tilespmem:v11+s11+$0x0], $0xffff;
	_ =	sdelay $0x3  }
0x26a: {  	v12 =	vshll.u32 v44, $0x2  }
0x26b: {  	v10 =	vbroadcast v10, $0x2;
	v12 =	vor.u32 $0x2, v12;
	v11 =	vmul.f32 $2.500000000e+00, v11;
	_ =	sdelay $0x1  }
0x26c: {  	v11 =	vsub.f32 v11, v10;
	_ =	sdelay $0x1  }
0x26d: {  	v45 =	vld [tilespmem:$0x14A0];
	[tilespmem:$0x1A100] =	vst v11  }
0x26e: {  	v12 =	vld.idx.msk [tilespmem:v12+s11+$0x0], $0xffff;
	_ =	sdelay $0x3  }
0x26f: {  	v11 =	vshll.u32 v45, $0x2  }
0x270: {  	v11 =	vor.u32 $0x2, v11;
	v12 =	vmul.f32 $2.500000000e+00, v12;
	_ =	sdelay $0x1  }
0x271: {  	v12 =	vsub.f32 v12, v10;
	_ =	sdelay $0x1  }
0x272: {  	v46 =	vld [tilespmem:$0x14B0];
	[tilespmem:$0x1A110] =	vst v12  }
0x273: {  	v11 =	vld.idx.msk [tilespmem:v11+s11+$0x0], $0xffff;
	_ =	sdelay $0x3  }
0x274: {  	v12 =	vshll.u32 v46, $0x2  }
0x275: {  	v12 =	vor.u32 $0x2, v12;
	v11 =	vmul.f32 $2.500000000e+00, v11;
	_ =	sdelay $0x1  }
0x276: {  	v11 =	vsub.f32 v11, v10;
	_ =	sdelay $0x1  }
0x277: {  	v47 =	vld [tilespmem:$0x14C0];
	[tilespmem:$0x1A120] =	vst v11  }
0x278: {  	v12 =	vld.idx.msk [tilespmem:v12+s11+$0x0], $0xffff;
	_ =	sdelay $0x3  }
0x279: {  	v11 =	vshll.u32 v47, $0x2  }
0x27a: {  	v11 =	vor.u32 $0x2, v11;
	v12 =	vmul.f32 $2.500000000e+00, v12;
	_ =	sdelay $0x1  }
0x27b: {  	v10 =	vsub.f32 v12, v10;
	_ =	sdelay $0x1  }
0x27c: {  	v48 =	vld [tilespmem:$0x14D0];
	[tilespmem:$0x1A130] =	vst v10  }
0x27d: {  	v11 =	vld.idx.msk [tilespmem:v11+s11+$0x0], $0xffff;
	_ =	sdelay $0x3  }
0x27e: {  	v10 =	vshll.u32 v48, $0x2  }
0x27f: {  	v9 =	vbroadcast v25, $0x2;
	v10 =	vor.u32 $0x2, v10;
	v11 =	vmul.f32 $2.500000000e+00, v11;
	_ =	sdelay $0x1  }
0x280: {  	v11 =	vsub.f32 v11, v9;
	_ =	sdelay $0x1  }
0x281: {  	v49 =	vld [tilespmem:$0x14E0];
	[tilespmem:$0x1A140] =	vst v11  }
0x282: {  	v10 =	vld.idx.msk [tilespmem:v10+s11+$0x0], $0xffff;
	_ =	sdelay $0x3  }
0x283: {  	v11 =	vshll.u32 v49, $0x2  }
0x284: {  	v11 =	vor.u32 $0x2, v11;
	v10 =	vmul.f32 $2.500000000e+00, v10;
	_ =	sdelay $0x1  }
0x285: {  	v10 =	vsub.f32 v10, v9;
	_ =	sdelay $0x1  }
0x286: {  	v50 =	vld [tilespmem:$0x14F0];
	[tilespmem:$0x1A150] =	vst v10  }
0x287: {  	v11 =	vld.idx.msk [tilespmem:v11+s11+$0x0], $0xffff;
	_ =	sdelay $0x3  }
0x288: {  	v10 =	vshll.u32 v50, $0x2  }
0x289: {  	v10 =	vor.u32 $0x2, v10;
	v11 =	vmul.f32 $2.500000000e+00, v11;
	_ =	sdelay $0x1  }
0x28a: {  	v11 =	vsub.f32 v11, v9;
	_ =	sdelay $0x1  }
0x28b: {  	[tilespmem:$0x1A160] =	vst v11  }
0x28c: {  	v10 =	vld.idx.msk [tilespmem:v10+s11+$0x0], $0xffff;
	_ =	sdelay $0x4  }
0x28d: {  	v10 =	vmul.f32 $2.500000000e+00, v10;
	_ =	sdelay $0x1  }
0x28e: {  	v9 =	vsub.f32 v10, v9;
	_ =	sdelay $0x1  }
0x28f: {  	[tilespmem:$0x1A170] =	vst v9  }
0x290: {  	[hbm4b:s5+s25] =	stream.indirect.scatter [tilespmem:s30], [sflag:$0x5], $0x80, s29, s25, $0xb8;
	[tilespmem:$0x1C200] =	vst v63  }
0x291: {  	v51 =	vld [tilespmem:$0x1500];
	_ =	sdelay $0x2  }
0x292: {  	s23 =	sor.u32 $0x2, s17  }
0x293: {  	s26 =	sand.u32 $0x1FE, s23  }
0x294: {  	s26 =	sor.u32 s9, s26;
	v9 =	vshll.u32 v51, $0x2  }
0x295: {  	v52 =	vadd.s32 s26, v8  }
0x296: {  	v10 =	vsel vm1, v52, v7  }
0x297: {  	[tilespmem:$0x1C100] =	vst v10;
	v53 =	vld [tilespmem:$0x1510]  }
0x298: {  	v10 =	vld [tilespmem:s19+$0x1B840]  }
0x299: {  	v9 =	vld.idx.msk [tilespmem:v9+s11+$0x0], $0xffff;
	_ =	sdelay $0x4  }
0x29a: {  	v11 =	vshll.u32 v53, $0x2;
	v54 =	vbroadcast v10, $0x0;
	v9 =	vmul.f32 $2.500000000e+00, v9;
	_ =	sdelay $0x1  }
0x29b: {  	v55 =	vsub.f32 v9, v54  }
0x29c: {  	v57 =	vld [tilespmem:$0x1520]  }
0x29d: {  	v56 =	vld [tilespmem:s19+$0x1B850];
	[tilespmem:$0x1A800] =	vst v55  }
0x29e: {  	v11 =	vld.idx.msk [tilespmem:v11+s11+$0x0], $0xffff;
	_ =	sdelay $0x4  }
0x29f: {  	v13 =	vshll.u32 v57, $0x2;
	v11 =	vmul.f32 $2.500000000e+00, v11;
	_ =	sdelay $0x1  }
0x2a0: {  	v11 =	vsub.f32 v11, v54;
	_ =	sdelay $0x1  }
0x2a1: {  	v58 =	vld [tilespmem:$0x1530];
	[tilespmem:$0x1A810] =	vst v11  }
0x2a2: {  	v11 =	vld.idx.msk [tilespmem:v13+s11+$0x0], $0xffff;
	_ =	sdelay $0x4  }
0x2a3: {  	v13 =	vshll.u32 v58, $0x2;
	v11 =	vmul.f32 $2.500000000e+00, v11;
	_ =	sdelay $0x1  }
0x2a4: {  	v11 =	vsub.f32 v11, v54;
	_ =	sdelay $0x1  }
0x2a5: {  	v59 =	vld [tilespmem:$0x1540];
	[tilespmem:$0x1A820] =	vst v11  }
0x2a6: {  	v11 =	vld.idx.msk [tilespmem:v13+s11+$0x0], $0xffff;
	_ =	sdelay $0x4  }
0x2a7: {  	v13 =	vshll.u32 v59, $0x2;
	v11 =	vmul.f32 $2.500000000e+00, v11;
	_ =	sdelay $0x1  }
0x2a8: {  	v11 =	vsub.f32 v11, v54;
	_ =	sdelay $0x1  }
0x2a9: {  	v60 =	vld [tilespmem:$0x1550];
	[tilespmem:$0x1A830] =	vst v11  }
0x2aa: {  	v11 =	vld.idx.msk [tilespmem:v13+s11+$0x0], $0xffff;
	_ =	sdelay $0x4  }
0x2ab: {  	v12 =	vshll.u32 v60, $0x2;
	v61 =	vbroadcast v56, $0x0;
	v11 =	vmul.f32 $2.500000000e+00, v11;
	_ =	sdelay $0x1  }
0x2ac: {  	v11 =	vsub.f32 v11, v61;
	_ =	sdelay $0x1  }
0x2ad: {  	v62 =	vld [tilespmem:$0x1560];
	[tilespmem:$0x1A840] =	vst v11  }
0x2ae: {  	v11 =	vld.idx.msk [tilespmem:v12+s11+$0x0], $0xffff;
	_ =	sdelay $0x4  }
0x2af: {  	v12 =	vshll.u32 v62, $0x2;
	v11 =	vmul.f32 $2.500000000e+00, v11;
	_ =	sdelay $0x1  }
0x2b0: {  	v11 =	vsub.f32 v11, v61;
	_ =	sdelay $0x1  }
0x2b1: {  	v63 =	vld [tilespmem:$0x1570];
	[tilespmem:$0x1A850] =	vst v11  }
0x2b2: {  	v11 =	vld.idx.msk [tilespmem:v12+s11+$0x0], $0xffff;
	_ =	sdelay $0x4  }
0x2b3: {  	v12 =	vshll.u32 v63, $0x2;
	v11 =	vmul.f32 $2.500000000e+00, v11;
	_ =	sdelay $0x1  }
0x2b4: {  	v11 =	vsub.f32 v11, v61;
	_ =	sdelay $0x1  }
0x2b5: {  	v16 =	vld [tilespmem:$0x1500];
	[tilespmem:$0x1A860] =	vst v11  }
0x2b6: {  	v12 =	vld.idx.msk [tilespmem:v12+s11+$0x0], $0xffff;
	_ =	sdelay $0x3  }
0x2b7: {  	v11 =	vshll.u32 v16, $0x2  }
0x2b8: {  	v11 =	vor.u32 $0x1, v11;
	v12 =	vmul.f32 $2.500000000e+00, v12;
	_ =	sdelay $0x1  }
0x2b9: {  	v12 =	vsub.f32 v12, v61;
	_ =	sdelay $0x1  }
0x2ba: {  	v17 =	vld [tilespmem:$0x1510];
	[tilespmem:$0x1A870] =	vst v12  }
0x2bb: {  	v11 =	vld.idx.msk [tilespmem:v11+s11+$0x0], $0xffff;
	_ =	sdelay $0x3  }
0x2bc: {  	v12 =	vshll.u32 v17, $0x2  }
0x2bd: {  	v18 =	vbroadcast v10, $0x1;
	v12 =	vor.u32 $0x1, v12;
	v11 =	vmul.f32 $2.500000000e+00, v11;
	_ =	sdelay $0x1  }
0x2be: {  	v11 =	vsub.f32 v11, v18;
	_ =	sdelay $0x1  }
0x2bf: {  	v19 =	vld [tilespmem:$0x1520];
	[tilespmem:$0x1A880] =	vst v11  }
0x2c0: {  	v12 =	vld.idx.msk [tilespmem:v12+s11+$0x0], $0xffff;
	_ =	sdelay $0x3  }
0x2c1: {  	v11 =	vshll.u32 v19, $0x2  }
0x2c2: {  	v11 =	vor.u32 $0x1, v11;
	v12 =	vmul.f32 $2.500000000e+00, v12;
	_ =	sdelay $0x1  }
0x2c3: {  	v12 =	vsub.f32 v12, v18;
	_ =	sdelay $0x1  }
0x2c4: {  	v20 =	vld [tilespmem:$0x1530];
	[tilespmem:$0x1A890] =	vst v12  }
0x2c5: {  	v11 =	vld.idx.msk [tilespmem:v11+s11+$0x0], $0xffff;
	_ =	sdelay $0x3  }
0x2c6: {  	v12 =	vshll.u32 v20, $0x2  }
0x2c7: {  	v12 =	vor.u32 $0x1, v12;
	v11 =	vmul.f32 $2.500000000e+00, v11;
	_ =	sdelay $0x1  }
0x2c8: {  	v11 =	vsub.f32 v11, v18;
	_ =	sdelay $0x1  }
0x2c9: {  	v21 =	vld [tilespmem:$0x1540];
	[tilespmem:$0x1A8A0] =	vst v11  }
0x2ca: {  	v12 =	vld.idx.msk [tilespmem:v12+s11+$0x0], $0xffff;
	_ =	sdelay $0x3  }
0x2cb: {  	v11 =	vshll.u32 v21, $0x2  }
0x2cc: {  	v11 =	vor.u32 $0x1, v11;
	v12 =	vmul.f32 $2.500000000e+00, v12;
	_ =	sdelay $0x1  }
0x2cd: {  	v12 =	vsub.f32 v12, v18;
	_ =	sdelay $0x1  }
0x2ce: {  	v22 =	vld [tilespmem:$0x1550];
	[tilespmem:$0x1A8B0] =	vst v12  }
0x2cf: {  	v11 =	vld.idx.msk [tilespmem:v11+s11+$0x0], $0xffff;
	_ =	sdelay $0x3  }
0x2d0: {  	v12 =	vshll.u32 v22, $0x2  }
0x2d1: {  	v23 =	vbroadcast v56, $0x1;
	v12 =	vor.u32 $0x1, v12;
	v11 =	vmul.f32 $2.500000000e+00, v11;
	_ =	sdelay $0x1  }
0x2d2: {  	v11 =	vsub.f32 v11, v23;
	_ =	sdelay $0x1  }
0x2d3: {  	v24 =	vld [tilespmem:$0x1560];
	[tilespmem:$0x1A8C0] =	vst v11  }
0x2d4: {  	v12 =	vld.idx.msk [tilespmem:v12+s11+$0x0], $0xffff;
	_ =	sdelay $0x3  }
0x2d5: {  	v11 =	vshll.u32 v24, $0x2  }
0x2d6: {  	v11 =	vor.u32 $0x1, v11;
	v12 =	vmul.f32 $2.500000000e+00, v12;
	_ =	sdelay $0x1  }
0x2d7: {  	v12 =	vsub.f32 v12, v23;
	_ =	sdelay $0x1  }
0x2d8: {  	v25 =	vld [tilespmem:$0x1570];
	[tilespmem:$0x1A8D0] =	vst v12  }
0x2d9: {  	v11 =	vld.idx.msk [tilespmem:v11+s11+$0x0], $0xffff;
	_ =	sdelay $0x3  }
0x2da: {  	v12 =	vshll.u32 v25, $0x2  }
0x2db: {  	v12 =	vor.u32 $0x1, v12;
	v11 =	vmul.f32 $2.500000000e+00, v11;
	_ =	sdelay $0x1  }
0x2dc: {  	v11 =	vsub.f32 v11, v23;
	_ =	sdelay $0x1  }
0x2dd: {  	v26 =	vld [tilespmem:$0x1500];
	[tilespmem:$0x1A8E0] =	vst v11  }
0x2de: {  	v12 =	vld.idx.msk [tilespmem:v12+s11+$0x0], $0xffff;
	_ =	sdelay $0x3  }
0x2df: {  	v11 =	vshll.u32 v26, $0x2  }
0x2e0: {  	v11 =	vor.u32 $0x2, v11;
	v12 =	vmul.f32 $2.500000000e+00, v12;
	_ =	sdelay $0x1  }
0x2e1: {  	v12 =	vsub.f32 v12, v23;
	_ =	sdelay $0x1  }
0x2e2: {  	v27 =	vld [tilespmem:$0x1510];
	[tilespmem:$0x1A8F0] =	vst v12  }
0x2e3: {  	v11 =	vld.idx.msk [tilespmem:v11+s11+$0x0], $0xffff;
	_ =	sdelay $0x3  }
0x2e4: {  	v12 =	vshll.u32 v27, $0x2  }
0x2e5: {  	v10 =	vbroadcast v10, $0x2;
	v12 =	vor.u32 $0x2, v12;
	v11 =	vmul.f32 $2.500000000e+00, v11;
	_ =	sdelay $0x1  }
0x2e6: {  	v11 =	vsub.f32 v11, v10;
	_ =	sdelay $0x1  }
0x2e7: {  	v28 =	vld [tilespmem:$0x1520];
	[tilespmem:$0x1A900] =	vst v11  }
0x2e8: {  	v12 =	vld.idx.msk [tilespmem:v12+s11+$0x0], $0xffff;
	_ =	sdelay $0x3  }
0x2e9: {  	v11 =	vshll.u32 v28, $0x2  }
0x2ea: {  	v11 =	vor.u32 $0x2, v11;
	v12 =	vmul.f32 $2.500000000e+00, v12;
	_ =	sdelay $0x1  }
0x2eb: {  	v12 =	vsub.f32 v12, v10;
	_ =	sdelay $0x1  }
0x2ec: {  	v29 =	vld [tilespmem:$0x1530];
	[tilespmem:$0x1A910] =	vst v12  }
0x2ed: {  	v11 =	vld.idx.msk [tilespmem:v11+s11+$0x0], $0xffff;
	_ =	sdelay $0x3  }
0x2ee: {  	v12 =	vshll.u32 v29, $0x2  }
0x2ef: {  	v12 =	vor.u32 $0x2, v12;
	v11 =	vmul.f32 $2.500000000e+00, v11;
	_ =	sdelay $0x1  }
0x2f0: {  	v11 =	vsub.f32 v11, v10;
	_ =	sdelay $0x1  }
0x2f1: {  	v30 =	vld [tilespmem:$0x1540];
	[tilespmem:$0x1A920] =	vst v11  }
0x2f2: {  	v12 =	vld.idx.msk [tilespmem:v12+s11+$0x0], $0xffff;
	_ =	sdelay $0x3  }
0x2f3: {  	v11 =	vshll.u32 v30, $0x2  }
0x2f4: {  	v11 =	vor.u32 $0x2, v11;
	v12 =	vmul.f32 $2.500000000e+00, v12;
	_ =	sdelay $0x1  }
0x2f5: {  	v10 =	vsub.f32 v12, v10;
	_ =	sdelay $0x1  }
0x2f6: {  	v31 =	vld [tilespmem:$0x1550];
	[tilespmem:$0x1A930] =	vst v10  }
0x2f7: {  	v11 =	vld.idx.msk [tilespmem:v11+s11+$0x0], $0xffff;
	_ =	sdelay $0x3  }
0x2f8: {  	v10 =	vshll.u32 v31, $0x2  }
0x2f9: {  	v9 =	vbroadcast v56, $0x2;
	v10 =	vor.u32 $0x2, v10;
	v11 =	vmul.f32 $2.500000000e+00, v11;
	_ =	sdelay $0x1  }
0x2fa: {  	v11 =	vsub.f32 v11, v9;
	_ =	sdelay $0x1  }
0x2fb: {  	v32 =	vld [tilespmem:$0x1560];
	[tilespmem:$0x1A940] =	vst v11  }
0x2fc: {  	v10 =	vld.idx.msk [tilespmem:v10+s11+$0x0], $0xffff;
	_ =	sdelay $0x3  }
0x2fd: {  	v11 =	vshll.u32 v32, $0x2  }
0x2fe: {  	v11 =	vor.u32 $0x2, v11;
	v10 =	vmul.f32 $2.500000000e+00, v10;
	_ =	sdelay $0x1  }
0x2ff: {  	v10 =	vsub.f32 v10, v9;
	_ =	sdelay $0x1  }
0x300: {  	v33 =	vld [tilespmem:$0x1570];
	[tilespmem:$0x1A950] =	vst v10  }
0x301: {  	v11 =	vld.idx.msk [tilespmem:v11+s11+$0x0], $0xffff;
	_ =	sdelay $0x3  }
0x302: {  	v10 =	vshll.u32 v33, $0x2  }
0x303: {  	v10 =	vor.u32 $0x2, v10;
	v11 =	vmul.f32 $2.500000000e+00, v11;
	_ =	sdelay $0x1  }
0x304: {  	v11 =	vsub.f32 v11, v9;
	_ =	sdelay $0x1  }
0x305: {  	[tilespmem:$0x1A960] =	vst v11  }
0x306: {  	v10 =	vld.idx.msk [tilespmem:v10+s11+$0x0], $0xffff;
	_ =	sdelay $0x4  }
0x307: {  	v10 =	vmul.f32 $2.500000000e+00, v10;
	_ =	sdelay $0x1  }
0x308: {  	v9 =	vsub.f32 v10, v9;
	_ =	sdelay $0x1  }
0x309: {  	[tilespmem:$0x1A970] =	vst v9  }
0x30a: {  	[hbm4b:s5+s25] =	stream.indirect.scatter [tilespmem:s1], [sflag:$0x5], $0x80, s31, s25, $0xb8;
	[tilespmem:$0x1C200] =	vst v63  }
0x30b: {  	v34 =	vld [tilespmem:$0x1580];
	_ =	sdelay $0x2  }
0x30c: {  	s26 =	sor.u32 $0x3, s17  }
0x30d: {  	s28 =	sand.u32 $0x1FF, s26  }
0x30e: {  	s28 =	sor.u32 s9, s28;
	v9 =	vshll.u32 v34, $0x2  }
0x30f: {  	v8 =	vadd.s32 s28, v8  }
0x310: {  	v8 =	vsel vm1, v8, v7  }
0x311: {  	[tilespmem:$0x1C180] =	vst v8;
	v36 =	vld [tilespmem:$0x1590]  }
0x312: {  	v35 =	vld [tilespmem:s19+$0x1B860]  }
0x313: {  	v8 =	vld.idx.msk [tilespmem:v9+s11+$0x0], $0xffff;
	_ =	sdelay $0x4  }
0x314: {  	v37 =	vbroadcast v35, $0x0;
	v9 =	vshll.u32 v36, $0x2;
	v8 =	vmul.f32 $2.500000000e+00, v8;
	_ =	sdelay $0x1  }
0x315: {  	v38 =	vsub.f32 v8, v37  }
0x316: {  	v39 =	vld [tilespmem:$0x15A0]  }
0x317: {  	v8 =	vld [tilespmem:s19+$0x1B870];
	[tilespmem:$0x1B000] =	vst v38  }
0x318: {  	v9 =	vld.idx.msk [tilespmem:v9+s11+$0x0], $0xffff;
	_ =	sdelay $0x4  }
0x319: {  	v12 =	vshll.u32 v39, $0x2;
	v9 =	vmul.f32 $2.500000000e+00, v9;
	_ =	sdelay $0x1  }
0x31a: {  	v9 =	vsub.f32 v9, v37;
	_ =	sdelay $0x1  }
0x31b: {  	v40 =	vld [tilespmem:$0x15B0];
	[tilespmem:$0x1B010] =	vst v9  }
0x31c: {  	v9 =	vld.idx.msk [tilespmem:v12+s11+$0x0], $0xffff;
	_ =	sdelay $0x4  }
0x31d: {  	v12 =	vshll.u32 v40, $0x2;
	v9 =	vmul.f32 $2.500000000e+00, v9;
	_ =	sdelay $0x1  }
0x31e: {  	v9 =	vsub.f32 v9, v37;
	_ =	sdelay $0x1  }
0x31f: {  	v41 =	vld [tilespmem:$0x15C0];
	[tilespmem:$0x1B020] =	vst v9  }
0x320: {  	v9 =	vld.idx.msk [tilespmem:v12+s11+$0x0], $0xffff;
	_ =	sdelay $0x4  }
0x321: {  	v12 =	vshll.u32 v41, $0x2;
	v9 =	vmul.f32 $2.500000000e+00, v9;
	_ =	sdelay $0x1  }
0x322: {  	v9 =	vsub.f32 v9, v37;
	_ =	sdelay $0x1  }
0x323: {  	v42 =	vld [tilespmem:$0x15D0];
	[tilespmem:$0x1B030] =	vst v9  }
0x324: {  	v9 =	vld.idx.msk [tilespmem:v12+s11+$0x0], $0xffff;
	_ =	sdelay $0x4  }
0x325: {  	v11 =	vshll.u32 v42, $0x2;
	v43 =	vbroadcast v8, $0x0;
	v9 =	vmul.f32 $2.500000000e+00, v9;
	_ =	sdelay $0x1  }
0x326: {  	v9 =	vsub.f32 v9, v43;
	_ =	sdelay $0x1  }
0x327: {  	v44 =	vld [tilespmem:$0x15E0];
	[tilespmem:$0x1B040] =	vst v9  }
0x328: {  	v9 =	vld.idx.msk [tilespmem:v11+s11+$0x0], $0xffff;
	_ =	sdelay $0x4  }
0x329: {  	v11 =	vshll.u32 v44, $0x2;
	v9 =	vmul.f32 $2.500000000e+00, v9;
	_ =	sdelay $0x1  }
0x32a: {  	v9 =	vsub.f32 v9, v43;
	_ =	sdelay $0x1  }
0x32b: {  	v45 =	vld [tilespmem:$0x15F0];
	[tilespmem:$0x1B050] =	vst v9  }
0x32c: {  	v9 =	vld.idx.msk [tilespmem:v11+s11+$0x0], $0xffff;
	_ =	sdelay $0x4  }
0x32d: {  	v11 =	vshll.u32 v45, $0x2;
	v9 =	vmul.f32 $2.500000000e+00, v9;
	_ =	sdelay $0x1  }
0x32e: {  	v9 =	vsub.f32 v9, v43;
	_ =	sdelay $0x1  }
0x32f: {  	v46 =	vld [tilespmem:$0x1580];
	[tilespmem:$0x1B060] =	vst v9  }
0x330: {  	v11 =	vld.idx.msk [tilespmem:v11+s11+$0x0], $0xffff;
	_ =	sdelay $0x3  }
0x331: {  	v9 =	vshll.u32 v46, $0x2  }
0x332: {  	v9 =	vor.u32 $0x1, v9;
	v11 =	vmul.f32 $2.500000000e+00, v11;
	_ =	sdelay $0x1  }
0x333: {  	v11 =	vsub.f32 v11, v43;
	_ =	sdelay $0x1  }
0x334: {  	v47 =	vld [tilespmem:$0x1590];
	[tilespmem:$0x1B070] =	vst v11  }
0x335: {  	v9 =	vld.idx.msk [tilespmem:v9+s11+$0x0], $0xffff;
	_ =	sdelay $0x3  }
0x336: {  	v11 =	vshll.u32 v47, $0x2  }
0x337: {  	v48 =	vbroadcast v35, $0x1;
	v11 =	vor.u32 $0x1, v11;
	v9 =	vmul.f32 $2.500000000e+00, v9;
	_ =	sdelay $0x1  }
0x338: {  	v9 =	vsub.f32 v9, v48;
	_ =	sdelay $0x1  }
0x339: {  	v49 =	vld [tilespmem:$0x15A0];
	[tilespmem:$0x1B080] =	vst v9  }
0x33a: {  	v11 =	vld.idx.msk [tilespmem:v11+s11+$0x0], $0xffff;
	_ =	sdelay $0x3  }
0x33b: {  	v9 =	vshll.u32 v49, $0x2  }
0x33c: {  	v9 =	vor.u32 $0x1, v9;
	v11 =	vmul.f32 $2.500000000e+00, v11;
	_ =	sdelay $0x1  }
0x33d: {  	v11 =	vsub.f32 v11, v48;
	_ =	sdelay $0x1  }
0x33e: {  	v50 =	vld [tilespmem:$0x15B0];
	[tilespmem:$0x1B090] =	vst v11  }
0x33f: {  	v9 =	vld.idx.msk [tilespmem:v9+s11+$0x0], $0xffff;
	_ =	sdelay $0x3  }
0x340: {  	v11 =	vshll.u32 v50, $0x2  }
0x341: {  	v11 =	vor.u32 $0x1, v11;
	v9 =	vmul.f32 $2.500000000e+00, v9;
	_ =	sdelay $0x1  }
0x342: {  	v9 =	vsub.f32 v9, v48;
	_ =	sdelay $0x1  }
0x343: {  	v51 =	vld [tilespmem:$0x15C0];
	[tilespmem:$0x1B0A0] =	vst v9  }
0x344: {  	v11 =	vld.idx.msk [tilespmem:v11+s11+$0x0], $0xffff;
	_ =	sdelay $0x3  }
0x345: {  	v9 =	vshll.u32 v51, $0x2  }
0x346: {  	v9 =	vor.u32 $0x1, v9;
	v11 =	vmul.f32 $2.500000000e+00, v11;
	_ =	sdelay $0x1  }
0x347: {  	v11 =	vsub.f32 v11, v48;
	_ =	sdelay $0x1  }
0x348: {  	v52 =	vld [tilespmem:$0x15D0];
	[tilespmem:$0x1B0B0] =	vst v11  }
0x349: {  	v9 =	vld.idx.msk [tilespmem:v9+s11+$0x0], $0xffff;
	_ =	sdelay $0x3  }
0x34a: {  	v11 =	vshll.u32 v52, $0x2  }
0x34b: {  	v53 =	vbroadcast v8, $0x1;
	v11 =	vor.u32 $0x1, v11;
	v9 =	vmul.f32 $2.500000000e+00, v9;
	_ =	sdelay $0x1  }
0x34c: {  	v9 =	vsub.f32 v9, v53;
	_ =	sdelay $0x1  }
0x34d: {  	v54 =	vld [tilespmem:$0x15E0];
	[tilespmem:$0x1B0C0] =	vst v9  }
0x34e: {  	v11 =	vld.idx.msk [tilespmem:v11+s11+$0x0], $0xffff;
	_ =	sdelay $0x3  }
0x34f: {  	v9 =	vshll.u32 v54, $0x2  }
0x350: {  	v9 =	vor.u32 $0x1, v9;
	v11 =	vmul.f32 $2.500000000e+00, v11;
	_ =	sdelay $0x1  }
0x351: {  	v11 =	vsub.f32 v11, v53;
	_ =	sdelay $0x1  }
0x352: {  	v55 =	vld [tilespmem:$0x15F0];
	[tilespmem:$0x1B0D0] =	vst v11  }
0x353: {  	v9 =	vld.idx.msk [tilespmem:v9+s11+$0x0], $0xffff;
	_ =	sdelay $0x3  }
0x354: {  	v11 =	vshll.u32 v55, $0x2  }
0x355: {  	v11 =	vor.u32 $0x1, v11;
	v9 =	vmul.f32 $2.500000000e+00, v9;
	_ =	sdelay $0x1  }
0x356: {  	v9 =	vsub.f32 v9, v53;
	_ =	sdelay $0x1  }
0x357: {  	v56 =	vld [tilespmem:$0x1580];
	[tilespmem:$0x1B0E0] =	vst v9  }
0x358: {  	v11 =	vld.idx.msk [tilespmem:v11+s11+$0x0], $0xffff;
	_ =	sdelay $0x3  }
0x359: {  	v9 =	vshll.u32 v56, $0x2  }
0x35a: {  	v9 =	vor.u32 $0x2, v9;
	v11 =	vmul.f32 $2.500000000e+00, v11;
	_ =	sdelay $0x1  }
0x35b: {  	v11 =	vsub.f32 v11, v53;
	_ =	sdelay $0x1  }
0x35c: {  	v57 =	vld [tilespmem:$0x1590];
	[tilespmem:$0x1B0F0] =	vst v11  }
0x35d: {  	v9 =	vld.idx.msk [tilespmem:v9+s11+$0x0], $0xffff;
	_ =	sdelay $0x3  }
0x35e: {  	v11 =	vshll.u32 v57, $0x2  }
0x35f: {  	v10 =	vbroadcast v35, $0x2;
	v11 =	vor.u32 $0x2, v11;
	v9 =	vmul.f32 $2.500000000e+00, v9;
	_ =	sdelay $0x1  }
0x360: {  	v9 =	vsub.f32 v9, v10;
	_ =	sdelay $0x1  }
0x361: {  	v58 =	vld [tilespmem:$0x15A0];
	[tilespmem:$0x1B100] =	vst v9  }
0x362: {  	v11 =	vld.idx.msk [tilespmem:v11+s11+$0x0], $0xffff;
	_ =	sdelay $0x3  }
0x363: {  	v9 =	vshll.u32 v58, $0x2  }
0x364: {  	v9 =	vor.u32 $0x2, v9;
	v11 =	vmul.f32 $2.500000000e+00, v11;
	_ =	sdelay $0x1  }
0x365: {  	v11 =	vsub.f32 v11, v10;
	_ =	sdelay $0x1  }
0x366: {  	v59 =	vld [tilespmem:$0x15B0];
	[tilespmem:$0x1B110] =	vst v11  }
0x367: {  	v9 =	vld.idx.msk [tilespmem:v9+s11+$0x0], $0xffff;
	_ =	sdelay $0x3  }
0x368: {  	v11 =	vshll.u32 v59, $0x2  }
0x369: {  	v11 =	vor.u32 $0x2, v11;
	v9 =	vmul.f32 $2.500000000e+00, v9;
	_ =	sdelay $0x1  }
0x36a: {  	v9 =	vsub.f32 v9, v10;
	_ =	sdelay $0x1  }
0x36b: {  	v60 =	vld [tilespmem:$0x15C0];
	[tilespmem:$0x1B120] =	vst v9  }
0x36c: {  	v11 =	vld.idx.msk [tilespmem:v11+s11+$0x0], $0xffff;
	_ =	sdelay $0x3  }
0x36d: {  	v9 =	vshll.u32 v60, $0x2  }
0x36e: {  	v9 =	vor.u32 $0x2, v9;
	v11 =	vmul.f32 $2.500000000e+00, v11;
	_ =	sdelay $0x1  }
0x36f: {  	v10 =	vsub.f32 v11, v10;
	_ =	sdelay $0x1  }
0x370: {  	v61 =	vld [tilespmem:$0x15D0];
	[tilespmem:$0x1B130] =	vst v10  }
0x371: {  	v9 =	vld.idx.msk [tilespmem:v9+s11+$0x0], $0xffff;
	_ =	sdelay $0x3  }
0x372: {  	v10 =	vshll.u32 v61, $0x2  }
0x373: {  	v8 =	vbroadcast v8, $0x2;
	v10 =	vor.u32 $0x2, v10;
	v9 =	vmul.f32 $2.500000000e+00, v9;
	_ =	sdelay $0x1  }
0x374: {  	v9 =	vsub.f32 v9, v8;
	_ =	sdelay $0x1  }
0x375: {  	v62 =	vld [tilespmem:$0x15E0];
	[tilespmem:$0x1B140] =	vst v9  }
0x376: {  	v10 =	vld.idx.msk [tilespmem:v10+s11+$0x0], $0xffff;
	_ =	sdelay $0x3  }
0x377: {  	v9 =	vshll.u32 v62, $0x2  }
0x378: {  	v9 =	vor.u32 $0x2, v9;
	v10 =	vmul.f32 $2.500000000e+00, v10;
	_ =	sdelay $0x1  }
0x379: {  	v10 =	vsub.f32 v10, v8;
	_ =	sdelay $0x1  }
0x37a: {  	v63 =	vld [tilespmem:$0x15F0];
	[tilespmem:$0x1B150] =	vst v10  }
0x37b: {  	v9 =	vld.idx.msk [tilespmem:v9+s11+$0x0], $0xffff;
	_ =	sdelay $0x3  }
0x37c: {  	v10 =	vshll.u32 v63, $0x2  }
0x37d: {  	v10 =	vor.u32 $0x2, v10;
	v9 =	vmul.f32 $2.500000000e+00, v9;
	_ =	sdelay $0x1  }
0x37e: {  	v9 =	vsub.f32 v9, v8;
	_ =	sdelay $0x1  }
0x37f: {  	[tilespmem:$0x1B160] =	vst v9  }
0x380: {  	v9 =	vld.idx.msk [tilespmem:v10+s11+$0x0], $0xffff;
	_ =	sdelay $0x4  }
0x381: {  	v9 =	vmul.f32 $2.500000000e+00, v9;
	_ =	sdelay $0x1  }
0x382: {  	v8 =	vsub.f32 v9, v8;
	_ =	sdelay $0x1  }
0x383: {  	[tilespmem:$0x1B170] =	vst v8  }
0x384: {  	[hbm4b:s5+s25] =	stream.indirect.scatter [tilespmem:s12], [sflag:$0x5], $0x80, s0, s25, $0xb8;
	[tilespmem:$0x1C200] =	vst v63  }
0x385: {  	_ =	swait.ge [sflag:s13], $0x4000  }
0x386: {  	s19 =	sshll.u32 s17, $0xB;
	[sflag:s13] =	ssyncset.done $0x0  }
0x387: {  	s17 =	sadd.s32 s5, s19;
	[sflag:s13] =	ssyncadd.s32 $0xFFFFC000  }
0x388: {  	[hbm4b:s17+s3] =	stream.linear.scatter [tilespmem:s18], [sflag:$0x5], $0x4000, $0x38;
	[tilespmem:$0x1C200] =	vst v63  }
0x389: {  	s21 =	sshll.u32 s21, $0xB;
	_ =	swait.ge [sflag:s14], $0x4000  }
0x38a: {  	s17 =	sand.u32 $0x1FFFE800, s21;
	[sflag:s14] =	ssyncset.done $0x0  }
0x38b: {  	s17 =	sadd.s32 s5, s17;
	[sflag:s14] =	ssyncadd.s32 $0xFFFFC000  }
0x38c: {  	[hbm4b:s17+s3] =	stream.linear.scatter [tilespmem:s20], [sflag:$0x5], $0x4000, $0x38;
	[tilespmem:$0x1C200] =	vst v63  }
0x38d: {  	s23 =	sshll.u32 s23, $0xB;
	_ =	swait.ge [sflag:s6], $0x4000  }
0x38e: {  	s17 =	sand.u32 $0x1FFFF000, s23;
	[sflag:s6] =	ssyncset.done $0x0  }
0x38f: {  	s17 =	sadd.s32 s5, s17;
	[sflag:s6] =	ssyncadd.s32 $0xFFFFC000  }
0x390: {  	[hbm4b:s17+s3] =	stream.linear.scatter [tilespmem:s22], [sflag:$0x5], $0x4000, $0x38;
	[tilespmem:$0x1C200] =	vst v63  }
0x391: {  	s28 =	sshll.u32 s26, $0xB;
	_ =	swait.ge [sflag:s7], $0x4000  }
0x392: {  	s17 =	sand.u32 $0x1FFFF800, s28;
	[sflag:s7] =	ssyncset.done $0x0  }
0x393: {  	s17 =	sadd.s32 s5, s17;
	[sflag:s7] =	ssyncadd.s32 $0xFFFFC000  }
0x394: {  	[hbm4b:s17+s3] =	stream.linear.scatter [tilespmem:s24], [sflag:$0x5], $0x4000, $0x38;
	[tilespmem:$0x1C200] =	vst v63  }
0x395: {  	_ =	swait.ge [sflag:s10], $0x800  }
0x396: {  	[sflag:s10] =	ssyncset.done $0x0  }
0x397: {  	[sflag:s10] =	ssyncadd.s32 $0xFFFFF800  }
0x398: {  	_ =	swait.ge [sflag:s10], $0x800  }
0x399: {  	[sflag:s10] =	ssyncset.done $0x0  }
0x39a: {  	[sflag:s10] =	ssyncadd.s32 $0xFFFFF800  }
0x39b: {  	_ =	swait.ge [sflag:s10], $0x800  }
0x39c: {  	[sflag:s10] =	ssyncset.done $0x0  }
0x39d: {  	[sflag:s10] =	ssyncadd.s32 $0xFFFFF800  }
0x39e: {  	_ =	swait.ge [sflag:s10], $0x800  }
0x39f: {  	[sflag:s10] =	ssyncset.done $0x0  }
0x3a0: {  	[sflag:s10] =	ssyncadd.s32 $0xFFFFF800  }
0x3a1: {  	_ =	swait.ge [sflag:s10], $0x4000  }
0x3a2: {  	[sflag:s10] =	ssyncset.done $0x0  }
0x3a3: {  	[sflag:s10] =	ssyncadd.s32 $0xFFFFC000  }
0x3a4: {  	_ =	swait.ge [sflag:s10], $0x4000  }
0x3a5: {  	[sflag:s10] =	ssyncset.done $0x0  }
0x3a6: {  	s2 =	sadd.s32 $0x1, s2;
	[sflag:s10] =	ssyncadd.s32 $0xFFFFC000  }
0x3a7: {  	p0 =	sne.s32 s2, $0x10;
	_ =	swait.ge [sflag:s10], $0x4000  }
.Ltmp8:
0x3a8: {  	[sflag:s10] =	ssyncset.done $0x0;
	(pc) =	sbr.rel @p0 .LBB2_2-.Ltmp8, $4  }
0x3a9: {  	[sflag:s10] =	ssyncadd.s32 $0xFFFFC000  }
0x3aa: {  	_ =	swait.ge [sflag:s10], $0x4000  }
0x3ab: {  	[sflag:s10] =	ssyncset.done $0x0  }
0x3ac: {  	[sflag:s10] =	ssyncadd.s32 $0xFFFFC000  }
0x3ad: {  	s17 =	rddreg [dreg:$0x6]  }
0x3ae: {  	s2 =	rddreg [dreg:$0x5];
	s17 =	sadd.s32 $0x1, s17  }
0x3af: {  	p0 =	sne.s32 s17, s2  }
.Ltmp9:
0x3b0: {  	_ = 	snop;
	(pc) =	sbr.rel @p0 .LBB2_1-.Ltmp9, $1  }
0x3b1: {  	_ =	sdelay $0x3  }
0x3b2: {  	_ =	sfence.sel $0x180000  }
0x3b3: {  	[bflag:$0x0] =	sbarrier.arrive $0xFFFF  }
0x3b4: {  	_ =	strace $0x90000047  }
0x3b5: {  	s0 =	stileid.u32;
	[bflag:$0x2] =	sbarrier.arrive $0xFFFF  }
0x3b6: {  	p0 =	sne.s32 s0, $0x0;
	s0 =	rddreg [dreg:$0x2]  }
0x3b7: {  	s0 =	sadd.s32 @!p0 $0x100000, s0  }
0x3b8: {  	[sflag:s0] =	ssyncadd.tile.s32 @!p0 $0x1;
	_ =	shalt  }
.Lfunc_end2:
_tile_overlayer_lowered:
.L_overlay_start_2:
0x3b9: {  	(tag) =	ssettag $0x2  }
0x3ba: {  	s0 =	rddreg [dreg:$0x0];
	s2 =	stileid.u32  }
0x3bb: {  	s1 =	rddreg [dreg:$0x1];
	p0 =	sne.s32 s2, $0x0  }
0x3bc: {  	s3 =	rddreg [dreg:$0x2];
	[bflag:$0x3] =	sbarrier.arrive $0xFFFF;
	s2 =	simm.s32 @!p0 $0x1C06  }
0x3bd: {  	[timem:s3], [sflag:s2] =	dma.local @!p0 [hbm:s0], s1  }
0x3be: {  	s0 =	simm.s32 @!p0 $0x6  }
0x3bf: {  	_ =	swait.ge @!p0 [sflag:s0], s1  }
0x3c0: {  	s1 =	ssub.s32 @!p0 $0x0, s1;
	[sflag:s0] =	ssyncset.done @!p0 $0x0  }
0x3c1: {  	[sflag:s0] =	ssyncadd.s32 @!p0 s1  }
0x3c2: {  	[bflag:$0x3] =	sbarrier.arrive $0xFFFF  }
0x3c3: {  	_ =	shalt  }

// kernel: sparse-core-data-format-call.cloned.1.call-start
scs
called_computation_lowered:
.L_overlay_start_0:
0x0: {  	s2 =	sld [smem:$0x3FD9]  }
0x1: {  	s3 =	sld [smem:$0x3FFE];
	_ =	sdelay $0x1  }
0x2: {  	s1 =	srdreg.scid  }
0x3: {  	s0 =	sand.u32 $0x1, s1  }
0x4: {  	s18 =	sshll.u32 s0, $0xA;
	s2 =	sadd.s32 s3, s2  }
0x5: {  	s2 =	sadd.s32 s2, s18  }
0x6: {  	[smem:$0x3FC5] =	sst s2  }
0x7: {  	_ = 	snop  }
0x8: {  	s2 =	sld [smem:$0x3FD0];
	(tm) =	ssettm $0x1  }
0x9: {  	s19 =	sld [smem:$0x3FFB];
	_ =	sdelay $0x3  }
0xa: {  	_ =	strace s19  }
0xb: {  	s3 =	sld [smem:$0x3FFC];
	_ =	sdelay $0x3  }
0xc: {  	_ =	strace s3  }
0xd: {  	s3 =	sld [smem:$0x3FFD];
	_ =	sdelay $0x3  }
0xe: {  	_ =	strace s3  }
0xf: {  	_ =	strace $0x8FFFFFFF  }
0x10: {  	s20 =	sld [smem:$0x3FDB];
	_ =	sdelay $0x1  }
0x11: {  	s4 =	simm.s32 $_scs_section_size  }
0x12: {  	s5 =	simm.s32 $_size__tile_overlayer_lowered;
	s6 =	simm.s32 $_tile_overlayer_lowered  }
0x13: {  	s23 =	simm.s32 $0x1BFF;
	s22 =	sshll.u32 s6, $0x1;
	s3 =	sadd.s32 s4, s20  }
0x14: {  	s7 =	simm.s32 $0x0;
	s21 =	sshll.u32 s5, $0x1;
	s5 =	sadd.s32 s22, s3  }
0x15: {  	[timem:s7], [sflag:s23] =	dma.local [hbm:s5], s21  }
0x16: {  	_ =	swait.ge [sflag:s23], s21  }
0x17: {  	s4 =	ssub.s32 $0x0, s21;
	[sflag:s23] =	ssyncset.done $0x0  }
0x18: {  	[sflag:s23] =	ssyncadd.s32 s4;
	_ =	sdelay $0x1  }
0x19: {  	s24 =	simm.s32 $0x1B8B  }
0x1a: {  	_ =	swait.ge [sflag:s24], $0x1  }
0x1b: {  	[sflag:s24] =	ssyncset.done $0x0  }
0x1c: {  	s26 =	simm.s32 $0x1B8E;
	s25 =	sld [smem:$0x3FFE];
	[sflag:s24] =	ssyncadd.s32 $0xFFFFFFFF  }
0x1d: {  	s27 =	simm.s32 $execute0_lowered;
	[smem:$0x3FD2] =	sst s26  }
0x1e: {  	s5 =	sshll.u32 s27, $0x1;
	_ =	strace $0x80000049;
	[dreg:$0x1] =	wrdreg $0xFFFFFFFF  }
0x1f: {  	s28 =	simm.s32 $_size_execute0_lowered;
	s3 =	sadd.s32 s3, s5;
	[dreg:$0x0] =	wrdreg $0x0  }
0x20: {  	s5 =	sshll.u32 s28, $0x1;
	[dreg:$0x2] =	wrdreg s3  }
0x21: {  	[dreg:$0x3] =	wrdreg s5  }
0x22: {  	[dreg:$0x4] =	wrdreg $0xC0  }
0x23: {  	_ =	task [dreg:s7], $0x5FFFF  }
0x24: {  	[dreg:$0x1] =	wrdreg $0xFFFFFFFF  }
0x25: {  	[dreg:$0x0] =	wrdreg $0x60  }
0x26: {  	[dreg:$0x2] =	wrdreg s2  }
0x27: {  	[dreg:$0x3] =	wrdreg s25  }
0x28: {  	[dreg:$0x4] =	wrdreg $0x9  }
0x29: {  	_ =	task.clear_ibuf [dreg:s7], $0x5FFFF;
	_ =	strace $0x90000049  }
0x2a: {  	s29 =	simm.s32 $0x9;
	_ =	strace $0x8000004B  }
0x2b: {  	_ =	swait.ge [sflag:s29], $0x1  }
0x2c: {  	[sflag:s29] =	ssyncadd.s32 $0xFFFFFFFF  }
0x2d: {  	_ =	strace $0x9000004B  }
0x2e: {  	_ =	sfence  }
0x2f: {  	s30 =	sld [smem:$0x0];
	_ =	sdelay $0x2  }
0x30: {  	s31 =	sshll.u32 s1, $0xD;
	s1 =	sshrl.u32 s1, $0x2  }
0x31: {  	s3 =	sand.u32 $0x4000, s31;
	s1 =	sadd.s32 s1, s30  }
0x32: {  	s0 =	sor.u32 s3, s0;
	s1 =	sshll.u32 s1, $0x11  }
0x33: {  	s0 =	sor.u32 s1, s0  }
0x34: {  	s0 =	sadd.s32 $0x8F2B, s0  }
0x35: {  	[sflag:s0] =	ssyncadd.remote.s32 $0x1  }
0x36: {  	_ =	sfence.sel $0xFFFF  }
0x37: {  	[dreg:$0x0] =	wrdreg $0xFFFFFFFF;
	(pc) =	sbr.abs _section_cstart, $3  }
0x38: {  	[dreg:$0x1] =	wrdreg $0xFFFFFFFF  }
0x39: {  	_ =	task.clear_ibuf [dreg:s7], $0x2FFFF;
	_ =	strace $0x9FFFFFFF  }
0x3a: {  	(tm) =	ssettm $0x7FFFFFFF  }
0x3b: {  	_ =	shalt  }
tec
execute0_lowered:
.L_overlay_start_1:
0x0: {  	(tag) =	ssettag $0x1  }
0x1: {  	s0 =	stileid.u32;
	s1 =	srdreg.scid  }
0x2: {  	s4 =	rddreg [dreg:$0x1];
	s7 =	simm.s32 $0x1;
	s31 =	simm.s32 $0x2  }
0x3: {  	s16 =	simm.s32 $0x0;
	s2 =	sshll.u32 s0, $0x5;
	s1 =	sshll.u32 s1, $0x9  }
0x4: {  	s9 =	simm.s32 $0x10000;
	s14 =	simm.s32 $0x0;
	s1 =	sor.u32 s2, s1  }
0x5: {  	s15 =	simm.s32 $0x0;
	s10 =	simm.s32 $0x0;
	s3 =	sand.u32 $0x380, s1  }
0x6: {  	s13 =	simm.s32 $0x0;
	s2 =	rddreg [dreg:$0x0];
	s5 =	ssub.s32 $0x400, s3  }
0x7: {  	s4 =	sadd.s32 $0x49EC00, s4;
	s1 =	rddreg [dreg:$0x2];
	s6 =	sand.u32 $0x380, s5  }
.Ltmp0:
0x8: {  	_ =	strace $0x8000004A;
	p0 =	sne.s32 s6, $0x0;
	(pc) =	sbr.rel .LBB1_1-.Ltmp0, $4  }
0x9: {  	s11 =	smov.u32 s3;
	s8 =	sshrl.u32 s5, $0xA;
	s7 =	simm.s32 @!p0 $0x0  }
0xa: {  	s5 =	sand.u32 $0x3, s0;
	s6 =	simm.s32 $0x1;
	s7 =	sadd.s32 s7, s8  }
0xb: {  	s12 =	smov.u32 s5;
	[sflag:s6] =	ssyncpa.u1 $0x0;
	s7 =	sshll.u32 s7, $0x6  }
0xc: {  	p0 =	por $0x0, $0x0;
	[sflag:s31] =	ssyncpa.u1 $0x0;
	s8 =	sor.u32 $0x1, s7  }
.LBB1_4:
0xd: {  	v5 =	vld [tilespmem:s20+$0xFFFFFFD0];
	[tilespmem:s19+$0x2040 ss:$0x81] =	vst.msk $0xffff, v1  }
0xe: {  	v58 =	vld [tilespmem:s20+$0xFFFFFFE0];
	[tilespmem:s19+$0x2850 ss:$0x81] =	vst.msk $0xffff, v2  }
0xf: {  	s21 =	sshra.s32 s21, $0x2;
	v59 =	vld [tilespmem:s20+$0xFFFFFFF0];
	[tilespmem:s19+$0x3060 ss:$0x81] =	vst.msk $0xffff, v3  }
0x10: {  	v60 =	vld [tilespmem:s20+$0x0];
	[tilespmem:s19+$0x0 ss:$0x81] =	vst.msk $0xffff, v0;
	s18 =	sadd.s32 s21, s18  }
0x11: {  	v61 =	vld [tilespmem:s20+$0x10];
	[tilespmem:s18+$0x3870 ss:$0x81] =	vst.msk $0xffff, v4  }
0x12: {  	v62 =	vld [tilespmem:s20+$0x20];
	s26 =	sshll.u32 s16, $0xA;
	s27 =	sshll.u32 s14, $0x3;
	[tilespmem:s18+$0x810 ss:$0x81] =	vst.msk $0xffff, v5  }
0x13: {  	v63 =	vld [tilespmem:s20+$0xFFFFFFC0];
	s29 =	sshll.u32 s16, $0x7;
	s30 =	sand.u32 $0x78, s14;
	s15 =	sshll.u32 s15, $0x14;
	[tilespmem:s18+$0x1020 ss:$0x81] =	vst.msk $0xffff, v58  }
0x14: {  	s19 =	sand.u32 $0xE000, s26;
	s28 =	sand.u32 $0xFC00, s27;
	s16 =	sand.u32 $0x380, s29;
	[tilespmem:s18+$0x1830 ss:$0x81] =	vst.msk $0xffff, v59  }
0x15: {  	s31 =	sand.u32 $0x7, s14;
	s19 =	sadd.s32 s28, s19;
	s16 =	sor.u32 s30, s16;
	[tilespmem:s18+$0x2040 ss:$0x81] =	vst.msk $0xffff, v60  }
0x16: {  	s15 =	sadd.s32 s4, s15;
	s19 =	sshrl.u32 s19, $0x3;
	s16 =	sshrl.u32 s16, $0x3;
	[tilespmem:s18+$0x2850 ss:$0x81] =	vst.msk $0xffff, v61  }
0x17: {  	s14 =	sshll.u32 s31, $0x12;
	s19 =	sand.u32 $0x1F80, s19;
	s15 =	sadd.s32 s16, s15;
	[tilespmem:s18+$0x3060 ss:$0x81] =	vst.msk $0xffff, v62  }
0x18: {  	s14 =	sor.u32 $0x80, s14;
	[tilespmem:s18+$0x0 ss:$0x81] =	vst.msk $0xffff, v63;
	s15 =	sadd.s32 s19, s15  }
0x19: {  	[hbm4b:s15+s14] =	stream.strided.scatter [tilespmem:s17], [sflag:$0x2], $0x4000, s9, s14, $0x20;
	[tilespmem:$0x10100] =	vst v63  }
.LBB1_5:
0x1a: {  	s17 =	sadd.s32 $0x1, s10  }
0x1b: {  	s14 =	sadd.s32 $0x400, s11;
	s18 =	smov.u32 s11;
	p2 =	sgt.s32 s17, $0x3F  }
0x1c: {  	s18 =	smov.u32 @p2 s14  }
0x1d: {  	s20 =	smov.u32 s12;
	s14 =	sadd.s32 $0x4, s12;
	p3 =	sgt.s32 s18, $0x3FF  }
0x1e: {  	s20 =	smov.u32 @p3 s14  }
0x1f: {  	s17 =	simm.s32 @p2 $0x0;
	p2 =	sgt.s32 s20, $0x3  }
0x20: {  	p1 =	slt.u32 s13, $0x2;
	s20 =	smov.u32 @p2 s5;
	p2 =	sne.s32 s13, s8  }
.Ltmp1:
0x21: {  	s19 =	simm.s32 @!p1 $0x2;
	(pc) =	sbr.rel @!p2 .LBB1_6-.Ltmp1, $4  }
0x22: {  	s16 =	smov.u32 s10;
	s15 =	smov.u32 s12;
	_ =	swait.ge @!p1 [sflag:s19], $0x4000  }
0x23: {  	p0 =	por !p0, !p0;
	[sflag:s19] =	ssyncset.done @!p1 $0x0;
	s10 =	smov.u32 s17  }
0x24: {  	s18 =	smov.u32 @p3 s3;
	s14 =	smov.u32 s11;
	[sflag:s19] =	ssyncadd.s32 @!p1 $0xFFFFC000  }
0x25: {  	s11 =	smov.u32 s18;
	s13 =	sadd.s32 $0x1, s13;
	s12 =	smov.u32 s20  }
.LBB1_1:
0x26: {  	p1 =	sge.u32 s13, s7;
	s31 =	sadd.s32 $0xFFFFFFFF, s13  }
0x27: {  	s17 =	sxor.u32 @!p1 $0xFFFFFFFF, s13;
	s18 =	sshll.u32 @!p1 s12, $0x14;
	s19 =	sshll.u32 @!p1 s11, $0xA  }
0x28: {  	s20 =	sshll.u32 @!p1 s10, $0x4;
	s17 =	sshll.u32 @!p1 s17, $0xE;
	s18 =	sadd.s32 @!p1 s2, s18  }
0x29: {  	s20 =	sand.u32 @!p1 $0x3F0, s20;
	s17 =	sand.u32 @!p1 $0x4000, s17;
	s18 =	sadd.s32 @!p1 s19, s18  }
0x2a: {  	s19 =	simm.s32 @!p1 $0x80;
	s18 =	sadd.s32 @!p1 s20, s18;
	s20 =	simm.s32 @!p1 $0x2000  }
0x2b: {  	[tilespmem:s17], [sflag:$0x1] =	stream.strided.gather @!p1 [hbm4b:s18+s19], $0x4000, s20, s19, $0x38;
	[tilespmem:$0x10100] =	vst v63  }
0x2c: {  	p1 =	sge.u32 s31, s7  }
.Ltmp2:
0x2d: {  	_ = 	snop;
	(pc) =	sbr.rel @p1 .LBB1_5-.Ltmp2, $1  }
0x2e: {  	_ =	sdelay $0x3  }
0x2f: {  	s17 =	simm.s32 $0x1  }
0x30: {  	_ =	swait.ge [sflag:s6], $0x4000;
	s17 =	simm.s32 @!p0 $0x0  }
0x31: {  	[sflag:s6] =	ssyncset.done $0x0;
	s18 =	sshll.u32 s17, $0xE  }
0x32: {  	[sflag:s6] =	ssyncadd.s32 $0xFFFFC000;
	s20 =	sor.u32 $0x40, s18  }
0x33: {  	s17 =	smul.u32 $0x10200, s17;
	v0 =	vld [tilespmem:s20+$0x30]  }
0x34: {  	v3 =	vld [tilespmem:s20+$0xFFFFFFD0]  }
0x35: {  	s17 =	sshrl.u32 s17, $0x2;
	v4 =	vld [tilespmem:s20+$0xFFFFFFE0]  }
0x36: {  	v5 =	vld [tilespmem:s20+$0xFFFFFFF0];
	s18 =	sor.u32 $0x8000, s17  }
0x37: {  	s31 =	sand.u32 $0x1, s13;
	v1 =	vld [tilespmem:s20+$0x0];
	s19 =	sadd.s32 $0x0, s18  }
0x38: {  	v2 =	vld [tilespmem:s20+$0x10];
	s17 =	smul.u32 $0x10200, s31;
	[tilespmem:s19+$0x3870 ss:$0x81] =	vst.msk $0xffff, v0  }
0x39: {  	[tilespmem:s19+$0x810 ss:$0x81] =	vst.msk $0xffff, v3;
	v3 =	vld [tilespmem:s20+$0x20]  }
0x3a: {  	s17 =	sshrl.u32 s17, $0x2;
	v0 =	vld [tilespmem:s20+$0xFFFFFFC0];
	[tilespmem:s19+$0x1020 ss:$0x81] =	vst.msk $0xffff, v4;
	s20 =	sadd.s32 $0x80, s20  }
0x3b: {  	s21 =	simm.s32 $0x4;
	s22 =	simm.s32 $0x8;
	s17 =	sor.u32 $0x8000, s17;
	[tilespmem:s19+$0x1830 ss:$0x81] =	vst.msk $0xffff, v5;
	v4 =	vld [tilespmem:s20+$0x30]  }
.LBB1_3:
0x3c: {  	p1 =	sne.s32 s22, $0x1FC;
	v5 =	vld [tilespmem:s20+$0xFFFFFFD0];
	[tilespmem:s19+$0x2040 ss:$0x81] =	vst.msk $0xffff, v1  }
0x3d: {  	v6 =	vld [tilespmem:s20+$0xFFFFFFE0];
	[tilespmem:s19+$0x2850 ss:$0x81] =	vst.msk $0xffff, v2  }
0x3e: {  	s23 =	sshra.s32 s21, $0x2;
	s21 =	smov.u32 s22;
	v7 =	vld [tilespmem:s20+$0xFFFFFFF0];
	[tilespmem:s19+$0x3060 ss:$0x81] =	vst.msk $0xffff, v3  }
.Ltmp3:
0x3f: {  	v1 =	vld [tilespmem:s20+$0x0];
	[tilespmem:s19+$0x0 ss:$0x81] =	vst.msk $0xffff, v0;
	s19 =	sadd.s32 s23, s18;
	(pc) =	sbr.rel @p1 .LBB1_3-.Ltmp3, $4  }
0x40: {  	v2 =	vld [tilespmem:s20+$0x10];
	[tilespmem:s19+$0x3870 ss:$0x81] =	vst.msk $0xffff, v4  }
0x41: {  	[tilespmem:s19+$0x810 ss:$0x81] =	vst.msk $0xffff, v5;
	v3 =	vld [tilespmem:s20+$0x20]  }
0x42: {  	v0 =	vld [tilespmem:s20+$0xFFFFFFC0];
	[tilespmem:s19+$0x1020 ss:$0x81] =	vst.msk $0xffff, v6;
	s20 =	sadd.s32 $0x80, s20  }
0x43: {  	s22 =	sadd.s32 $0x4, s22;
	v4 =	vld [tilespmem:s20+$0x30];
	[tilespmem:s19+$0x1830 ss:$0x81] =	vst.msk $0xffff, v7  }
.Ltmp4:
0x44: {  	_ = 	snop;
	(pc) =	sbr.rel .LBB1_4-.Ltmp4, $1  }
0x45: {  	_ =	sdelay $0x3  }
.LBB1_6:
0x46: {  	_ =	sfence.sel $0x180000  }
0x47: {  	s2 =	simm.s32 $0x1;
	[bflag:$0x0] =	sbarrier.arrive $0xFFFF  }
0x48: {  	s31 =	simm.s32 $0x2;
	[sflag:s2] =	ssyncpa.u1 $0x1  }
0x49: {  	[sflag:s31] =	ssyncpa.u1 $0x1  }
0x4a: {  	p0 =	sne.s32 s0, $0x0;
	_ =	strace $0x9000004A  }
0x4b: {  	s0 =	sadd.s32 @!p0 $0x100000, s1;
	[bflag:$0x2] =	sbarrier.arrive $0xFFFF  }
0x4c: {  	[sflag:s0] =	ssyncadd.tile.s32 @!p0 $0x1;
	_ =	shalt  }
.Lfunc_end1:
_tile_overlayer_lowered:
.L_overlay_start_2:
0x4d: {  	(tag) =	ssettag $0x2  }
0x4e: {  	s0 =	rddreg [dreg:$0x0];
	s2 =	stileid.u32  }
0x4f: {  	s1 =	rddreg [dreg:$0x1];
	p0 =	sne.s32 s2, $0x0  }
0x50: {  	s3 =	rddreg [dreg:$0x2];
	[bflag:$0x3] =	sbarrier.arrive $0xFFFF;
	s2 =	simm.s32 @!p0 $0x1C01  }
0x51: {  	[timem:s3], [sflag:s2] =	dma.local @!p0 [hbm:s0], s1  }
0x52: {  	s0 =	simm.s32 @!p0 $0x1  }
0x53: {  	_ =	swait.ge @!p0 [sflag:s0], s1  }
0x54: {  	s1 =	ssub.s32 @!p0 $0x0, s1;
	[sflag:s0] =	ssyncset.done @!p0 $0x0  }
0x55: {  	[sflag:s0] =	ssyncadd.s32 @!p0 s1  }
0x56: {  	[bflag:$0x3] =	sbarrier.arrive $0xFFFF  }
0x57: {  	_ =	shalt  }

</sc_bundles>
